<compile_context>
chip_gen: v7x
topology: tpu7x:2x2x1
jax: 0.10.2.dev20260603
libtpu: 0.0.44.dev20260713+nightly
codegen_flags: <defaults>
</compile_context>

<pallas_src>
import functools

import jax
import jax.numpy as jnp
from jax import lax
from jax.experimental import pallas as pl
from jax.experimental.pallas import tpu as pltpu
from jax.experimental.pallas import tpu_sc as plsc

NBINS = 512
MAX_VAL = 2.0
MIN_VAL = -2.0
EPS = 1e-06
EMP_THRESH = 0.008
BIG = 99999.0
BW = (MAX_VAL - MIN_VAL) / NBINS
INV_BW = 1.0 / BW
S_TH_B = 0.99609375
SENT = 1.0 + EPS - 0.5 * BIG * BIG

TM = 2048
TN = 2048

N_WORKERS = 16
LANES = 16


def _stage1_kernel(a_ref, p_ref, hv_ref, ma_ref, mp128_ref, pos_ref):
    i = pl.program_id(0)
    j = pl.program_id(1)
    ni = pl.num_programs(0)
    nj = pl.num_programs(1)
    a = a_ref[...].astype(jnp.bfloat16)
    p = p_ref[...].astype(jnp.bfloat16)
    s32 = jax.lax.dot_general(
        a, p, (((1,), (1,)), ((), ())),
        preferred_element_type=jnp.float32,
    )
    s = s32.astype(jnp.bfloat16)
    sent = jnp.bfloat16(SENT)
    thr = jnp.where(s >= jnp.bfloat16(S_TH_B), sent, s)

    def _reduce_and_store(m):
        colmax = jnp.max(m, axis=0, keepdims=True)
        rs = m[:, 0:128]
        for k in range(1, TN // 128):
            rs = jnp.maximum(rs, m[:, k * 128:(k + 1) * 128])

        @pl.when(i == 0)
        def _():
            ma_ref[0:1, pl.ds(j * TN, TN)] = colmax

        @pl.when(i > 0)
        def _():
            ma_ref[0:1, pl.ds(j * TN, TN)] = jnp.maximum(
                ma_ref[0:1, pl.ds(j * TN, TN)], colmax)

        @pl.when(j == 0)
        def _():
            mp128_ref[pl.ds(i * TM, TM), :] = rs

        @pl.when(j > 0)
        def _():
            mp128_ref[pl.ds(i * TM, TM), :] = jnp.maximum(
                mp128_ref[pl.ds(i * TM, TM), :], rs)

    @pl.when(i == j)
    def _():
        eq = (jax.lax.broadcasted_iota(jnp.int32, (TM, TN), 0)
              == jax.lax.broadcasted_iota(jnp.int32, (TM, TN), 1))
        d = jnp.sum(jnp.where(eq, s32, 0.0), axis=0, keepdims=True)
        pos_ref[0:1, pl.ds(j * TN, TN)] = d
        _reduce_and_store(jnp.where(eq, sent, thr))

    @pl.when(i != j)
    def _():
        _reduce_and_store(thr)

    @pl.when((i == ni - 1) & (j == nj - 1))
    def _():
        rowmax = jnp.max(mp128_ref[...], axis=1)
        neg_dot = jnp.maximum(ma_ref[...],
                              rowmax.reshape(1, -1)).astype(jnp.float32)
        neg = jnp.sqrt((1.0 - neg_dot + EPS) * 2.0)
        pos = jnp.sqrt((1.0 - pos_ref[...] + EPS) * 2.0)
        hv_ref[...] = pos - neg


def _stage2_sc_kernel(hv_hbm, out_hbm, hv_v, idx_v, val_v, bidx_v,
                      hist_v, cdf_v, acc_v, part_v, out_v,
                      hist_sh, part_sh):
    cid = lax.axis_index("c")
    wid = lax.axis_index("s")
    vpw = hv_v.shape[0]
    nchunk = vpw // LANES

    @pl.when(cid == 0)
    def _():
        pltpu.sync_copy(hv_hbm.at[pl.ds(wid * vpw, vpw)], hv_v)

        @pl.when(wid == 0)
        def _():
            for c in range(NBINS // LANES):
                hist_v[pl.ds(c * LANES, LANES)] = jnp.zeros(
                    (LANES,), jnp.float32)
            pltpu.sync_copy(hist_v, hist_sh)

        plsc.subcore_barrier()

        for c in range(nchunk):
            v = hv_v[pl.ds(c * LANES, LANES)]
            t = (v - MIN_VAL) * INV_BW
            lo = t.astype(jnp.int32)
            lo = jnp.where(lo.astype(jnp.float32) > t, lo - 1, lo)
            lo_f = lo.astype(jnp.float32)
            alpha = 1.0 - (t - lo_f)
            hi = jnp.minimum(jnp.maximum(lo + 1, 0), NBINS - 1)
            in_lo = (lo >= 0) & (lo <= NBINS - 1)
            idx_v[pl.ds(c * LANES, LANES)] = jnp.where(in_lo, lo, 0)
            val_v[pl.ds(c * LANES, LANES)] = jnp.where(in_lo, alpha, 0.0)
            idx_v[pl.ds(vpw + c * LANES, LANES)] = hi
            val_v[pl.ds(vpw + c * LANES, LANES)] = 1.0 - alpha
            bidx_v[pl.ds(c * LANES, LANES)] = jnp.minimum(
                jnp.maximum(lo, 0), NBINS - 1)

        pltpu.sync_copy(val_v, hist_sh.at[idx_v], add=True)
        plsc.subcore_barrier()

        pltpu.sync_copy(hist_sh, hist_v)
        run_vec = jnp.zeros((LANES,), jnp.float32)
        for c in range(NBINS // LANES):
            h16 = hist_v[pl.ds(c * LANES, LANES)]
            cdf_v[pl.ds(c * LANES, LANES)] = plsc.cumsum(h16) + run_vec
            run_vec = run_vec + jnp.broadcast_to(jnp.sum(h16), (LANES,))

        acc = jnp.zeros((LANES,), jnp.float32)
        for c in range(nchunk):
            v = hv_v[pl.ds(c * LANES, LANES)]
            b16 = bidx_v[pl.ds(c * LANES, LANES)]
            w = plsc.load_gather(cdf_v, [b16])
            acc = acc + v * w
        acc_v[...] = acc
        pltpu.sync_copy(acc_v, part_sh.at[pl.ds(wid * LANES, LANES)])
        plsc.subcore_barrier()

        @pl.when(wid == 0)
        def _():
            pltpu.sync_copy(part_sh, part_v)
            tot = jnp.zeros((LANES,), jnp.float32)
            for r in range(N_WORKERS):
                tot = tot + part_v[pl.ds(r * LANES, LANES)]
            t_vec = jnp.broadcast_to(jnp.sum(tot), (LANES,))
            out_v[...] = t_vec / (run_vec * jnp.float32(N_WORKERS * vpw))
            pltpu.sync_copy(out_v, out_hbm)


def kernel(x, histogram):
    n = x.shape[0] // 2
    a = x[:n]
    p = x[n:]
    grid = (n // TM, n // TN)
    hv = pl.pallas_call(
        _stage1_kernel,
        grid=grid,
        in_specs=[
            pl.BlockSpec((TM, x.shape[1]), lambda i, j: (i, 0)),
            pl.BlockSpec((TN, x.shape[1]), lambda i, j: (j, 0)),
        ],
        out_specs=pl.BlockSpec((1, n), lambda i, j: (0, 0)),
        out_shape=jax.ShapeDtypeStruct((1, n), jnp.float32),
        scratch_shapes=[
            pltpu.VMEM((1, n), jnp.bfloat16),
            pltpu.VMEM((n, 128), jnp.bfloat16),
            pltpu.VMEM((1, n), jnp.float32),
        ],
    )(a, p)

    vpw = n // N_WORKERS
    sc_fn = pl.kernel(
        _stage2_sc_kernel,
        out_type=jax.ShapeDtypeStruct((LANES,), jnp.float32),
        mesh=plsc.VectorSubcoreMesh(
            core_axis_name="c", subcore_axis_name="s",
            num_cores=2, num_subcores=N_WORKERS),
        compiler_params=pltpu.CompilerParams(needs_layout_passes=False),
        scratch_types=[
            pltpu.VMEM((vpw,), jnp.float32),
            pltpu.VMEM((2 * vpw,), jnp.int32),
            pltpu.VMEM((2 * vpw,), jnp.float32),
            pltpu.VMEM((vpw,), jnp.int32),
            pltpu.VMEM((NBINS,), jnp.float32),
            pltpu.VMEM((NBINS,), jnp.float32),
            pltpu.VMEM((LANES,), jnp.float32),
            pltpu.VMEM((N_WORKERS * LANES,), jnp.float32),
            pltpu.VMEM((LANES,), jnp.float32),
            pltpu.VMEM_SHARED((NBINS,), jnp.float32),
            pltpu.VMEM_SHARED((N_WORKERS * LANES,), jnp.float32),
        ],
    )
    loss_vec = sc_fn(hv.reshape(n))
    return loss_vec[0]

# --- scband reference (transcript-rebuilt; emitter-appended) ---
"""Pipeline reference for scband-original-implementation-dynamic-soft-margin-loss-27814208209510 (READ-ONLY COPY).

The authoritative reference and input builder live on the scoring server;
editing this copy changes nothing except your own understanding.
"""

import jax, jax.numpy as jnp
import numpy as np

NBINS = 512
MAX_VAL = 2.0
MIN_VAL = -2.0
EPS = 1e-06
EMP_THRESH = 0.008


def setup_inputs(seed: int = 0) -> dict:
    key = jax.random.key(seed)
    x = jax.random.normal(key, (16384, 64), dtype=jnp.float32)
    # module assumes unit-L2-normalized descriptors
    x = x / jnp.linalg.norm(x, axis=1, keepdims=True)
    histogram = jnp.ones((NBINS,), dtype=jnp.float32)  # registered buffer, init ones
    return {"x": x, "histogram": histogram}


def reference(x, histogram):
    cnt = x.shape[0] // 2
    a = x[:cnt, :]
    p = x[cnt:, :]
    # compute_distance_matrix_unit_l2
    dmat = jnp.matmul(a, p.T)
    dmat = ((1.0 - dmat + EPS) * 2.0) ** 0.5
    r = cnt
    c = cnt
    # find_hard_negatives(output_index=False, empirical_thresh=0.008)
    pos = jnp.diagonal(dmat)
    dmat2 = dmat + jnp.eye(r, c, dtype=dmat.dtype) * 99999.0
    dmat2 = jnp.where(dmat2 < EMP_THRESH, 99999.0, dmat2)
    min_a = jnp.min(dmat2, axis=0)
    min_p = jnp.min(dmat2, axis=1)
    neg = jnp.minimum(min_a, min_p)
    hist_var = pos - neg
    # _compute_histogram with momentum=1.0 (first call, stats not initialized)
    num_bins = histogram.shape[0]
    bin_width = (MAX_VAL - MIN_VAL) / num_bins
    xd = jax.lax.stop_gradient(hist_var)  # x.detach()
    lo = jnp.floor((xd - MIN_VAL) / bin_width).astype(jnp.int32)
    hi = jnp.clip(lo + 1, 0, num_bins - 1)
    alpha = 1.0 - (xd - MIN_VAL - lo.astype(jnp.float32) * bin_width) / bin_width
    hist = jnp.zeros((num_bins,), dtype=x.dtype)
    hist = hist.at[lo].add(alpha, mode='drop')
    hist = hist.at[hi].add(1.0 - alpha, mode='drop')
    hist = hist / (jnp.sum(hist) + 1e-06)
    momentum = 1.0
    new_hist = (1.0 - momentum) * histogram + momentum * hist
    PDF = new_hist / jnp.sum(new_hist)
    CDF = jnp.cumsum(PDF)
    bin_idx = jnp.floor((hist_var - MIN_VAL) / bin_width).astype(jnp.int32)
    bin_idx = jnp.clip(bin_idx, 0, num_bins - 1)
    weight = CDF[bin_idx]
    loss = jnp.mean(hist_var * weight)
    return loss

if __name__ == "__main__":
    import jax
    _d = setup_inputs()
    print(jax.jit(kernel)(*tuple(_d.values())))

</pallas_src>

<mosaic_0001>
#map = affine_map<(d0, d1) -> (0)>
module attributes {stable_mosaic.version = 14 : i64} {
  func.func @_stage2_sc_kernel(%arg0: i32, %arg1: i32, %arg2: memref<8192xf32, #tpu.memory_space<hbm>>, %arg3: memref<16xf32, #tpu.memory_space<hbm>>, %arg4: memref<512xf32, #tpu.memory_space<vmem>>, %arg5: memref<1024xi32, #tpu.memory_space<vmem>>, %arg6: memref<1024xf32, #tpu.memory_space<vmem>>, %arg7: memref<512xi32, #tpu.memory_space<vmem>>, %arg8: memref<512xf32, #tpu.memory_space<vmem>>, %arg9: memref<512xf32, #tpu.memory_space<vmem>>, %arg10: memref<16xf32, #tpu.memory_space<vmem>>, %arg11: memref<256xf32, #tpu.memory_space<vmem>>, %arg12: memref<16xf32, #tpu.memory_space<vmem>>, %arg13: memref<512xf32, #tpu.memory_space<vmem_shared>>, %arg14: memref<256xf32, #tpu.memory_space<vmem_shared>>) attributes {dimension_semantics = [#tpu.dimension_semantics<core_parallel>, #tpu.dimension_semantics<subcore_parallel>], iteration_bounds = array<i64: 2, 16>, scalar_prefetch = 0 : i64, scratch_operands = 11 : i64, tpu.core_type = #tpu.core_type<sc_vector_subcore>, window_params = [{transform_indices = #map}, {transform_indices = #map}]} {
    %eq3A = arith.constant 0 : i32
    %eq3A_0 = arith.cmpi eq, %arg0, %eq3A : i32
    %convert_element_type3A = arith.extui %eq3A_0 : i1 to i32
    %cond3A = arith.constant 0 : i32
    %cond3A_1 = arith.cmpi ne, %convert_element_type3A, %cond3A : i32
    scf.if %cond3A_1 {
      %mul3A = arith.constant 512 : i32
      %mul3A_2 = arith.muli %arg1, %mul3A : i32
      "tpu.region"() ({
        %run_scoped3A = tpu.sem_alloc : memref<!tpu.dma_semaphore, #tpu.memory_space<semaphore_mem>>
        %dma_start3A = tpu.memref_slice %arg2[%mul3A_2] : memref<8192xf32, #tpu.memory_space<hbm>> -> memref<512xf32, #tpu.memory_space<hbm>>
        %dma_start3A_2631 = tpu.memref_slice %arg2[%mul3A_2] : memref<8192xf32, #tpu.memory_space<hbm>> -> memref<512xf32, #tpu.memory_space<hbm>>
        tpu.enqueue_dma source(%dma_start3A_2631 : memref<512xf32, #tpu.memory_space<hbm>>) target(%arg4 : memref<512xf32, #tpu.memory_space<vmem>>) target_semaphore(%run_scoped3A : memref<!tpu.dma_semaphore, #tpu.memory_space<semaphore_mem>>)
        %dma_wait3A = tpu.memref_slice %arg2[%mul3A_2] : memref<8192xf32, #tpu.memory_space<hbm>> -> memref<512xf32, #tpu.memory_space<hbm>>
        %dma_wait3A_2632 = tpu.memref_slice %arg2[%mul3A_2] : memref<8192xf32, #tpu.memory_space<hbm>> -> memref<512xf32, #tpu.memory_space<hbm>>
        tpu.wait_dma2 semaphore(%run_scoped3A : memref<!tpu.dma_semaphore, #tpu.memory_space<semaphore_mem>>) src(%dma_wait3A_2632 : memref<512xf32, #tpu.memory_space<hbm>>) dst(%arg4 : memref<512xf32, #tpu.memory_space<vmem>>)
        tpu.yield
      }) : () -> ()
      %eq3A_3 = arith.constant 0 : i32
      %eq3A_4 = arith.cmpi eq, %arg1, %eq3A_3 : i32
      %convert_element_type3A_5 = arith.extui %eq3A_4 : i1 to i32
      %cond3A_6 = arith.constant 0 : i32
      %cond3A_7 = arith.cmpi ne, %convert_element_type3A_5, %cond3A_6 : i32
      scf.if %cond3A_7 {
        %broadcast_in_dim3A_2631 = arith.constant 0.000000e+00 : f32
        %broadcast_in_dim3A_2632 = vector.broadcast %broadcast_in_dim3A_2631 : f32 to vector<16xf32>
        %swap3A_2633 = arith.constant 0 : index
        %swap3A_2634 = tpu.vector_load %arg8[%swap3A_2633] {strides = array<i32>} : memref<512xf32, #tpu.memory_space<vmem>>, vector<16xf32>,
        tpu.vector_store %arg8[%swap3A_2633], %broadcast_in_dim3A_2632 {strides = array<i32>} : memref<512xf32, #tpu.memory_space<vmem>>, vector<16xf32>,
        %broadcast_in_dim3A_2635 = arith.constant 0.000000e+00 : f32
        %broadcast_in_dim3A_2636 = vector.broadcast %broadcast_in_dim3A_2635 : f32 to vector<16xf32>
        %swap3A_2637 = arith.constant 16 : index
        %swap3A_2638 = tpu.vector_load %arg8[%swap3A_2637] {strides = array<i32>} : memref<512xf32, #tpu.memory_space<vmem>>, vector<16xf32>,
        tpu.vector_store %arg8[%swap3A_2637], %broadcast_in_dim3A_2636 {strides = array<i32>} : memref<512xf32, #tpu.memory_space<vmem>>, vector<16xf32>,
        %broadcast_in_dim3A_2639 = arith.constant 0.000000e+00 : f32
        %broadcast_in_dim3A_2640 = vector.broadcast %broadcast_in_dim3A_2639 : f32 to vector<16xf32>
        %swap3A_2641 = arith.constant 32 : index
        %swap3A_2642 = tpu.vector_load %arg8[%swap3A_2641] {strides = array<i32>} : memref<512xf32, #tpu.memory_space<vmem>>, vector<16xf32>,
        tpu.vector_store %arg8[%swap3A_2641], %broadcast_in_dim3A_2640 {strides = array<i32>} : memref<512xf32, #tpu.memory_space<vmem>>, vector<16xf32>,
        %broadcast_in_dim3A_2643 = arith.constant 0.000000e+00 : f32
        %broadcast_in_dim3A_2644 = vector.broadcast %broadcast_in_dim3A_2643 : f32 to vector<16xf32>
        %swap3A_2645 = arith.constant 48 : index
        %swap3A_2646 = tpu.vector_load %arg8[%swap3A_2645] {strides = array<i32>} : memref<512xf32, #tpu.memory_space<vmem>>, vector<16xf32>,
        tpu.vector_store %arg8[%swap3A_2645], %broadcast_in_dim3A_2644 {strides = array<i32>} : memref<512xf32, #tpu.memory_space<vmem>>, vector<16xf32>,
        %broadcast_in_dim3A_2647 = arith.constant 0.000000e+00 : f32
        %broadcast_in_dim3A_2648 = vector.broadcast %broadcast_in_dim3A_2647 : f32 to vector<16xf32>
        %swap3A_2649 = arith.constant 64 : index
        %swap3A_2650 = tpu.vector_load %arg8[%swap3A_2649] {strides = array<i32>} : memref<512xf32, #tpu.memory_space<vmem>>, vector<16xf32>,
        tpu.vector_store %arg8[%swap3A_2649], %broadcast_in_dim3A_2648 {strides = array<i32>} : memref<512xf32, #tpu.memory_space<vmem>>, vector<16xf32>,
        %broadcast_in_dim3A_2651 = arith.constant 0.000000e+00 : f32
        %broadcast_in_dim3A_2652 = vector.broadcast %broadcast_in_dim3A_2651 : f32 to vector<16xf32>
        %swap3A_2653 = arith.constant 80 : index
        %swap3A_2654 = tpu.vector_load %arg8[%swap3A_2653] {strides = array<i32>} : memref<512xf32, #tpu.memory_space<vmem>>, vector<16xf32>,
        tpu.vector_store %arg8[%swap3A_2653], %broadcast_in_dim3A_2652 {strides = array<i32>} : memref<512xf32, #tpu.memory_space<vmem>>, vector<16xf32>,
        %broadcast_in_dim3A_2655 = arith.constant 0.000000e+00 : f32
        %broadcast_in_dim3A_2656 = vector.broadcast %broadcast_in_dim3A_2655 : f32 to vector<16xf32>
        %swap3A_2657 = arith.constant 96 : index
        %swap3A_2658 = tpu.vector_load %arg8[%swap3A_2657] {strides = array<i32>} : memref<512xf32, #tpu.memory_space<vmem>>, vector<16xf32>,
        tpu.vector_store %arg8[%swap3A_2657], %broadcast_in_dim3A_2656 {strides = array<i32>} : memref<512xf32, #tpu.memory_space<vmem>>, vector<16xf32>,
        %broadcast_in_dim3A_2659 = arith.constant 0.000000e+00 : f32
        %broadcast_in_dim3A_2660 = vector.broadcast %broadcast_in_dim3A_2659 : f32 to vector<16xf32>
        %swap3A_2661 = arith.constant 112 : index
        %swap3A_2662 = tpu.vector_load %arg8[%swap3A_2661] {strides = array<i32>} : memref<512xf32, #tpu.memory_space<vmem>>, vector<16xf32>,
        tpu.vector_store %arg8[%swap3A_2661], %broadcast_in_dim3A_2660 {strides = array<i32>} : memref<512xf32, #tpu.memory_space<vmem>>, vector<16xf32>,
        %broadcast_in_dim3A_2663 = arith.constant 0.000000e+00 : f32
        %broadcast_in_dim3A_2664 = vector.broadcast %broadcast_in_dim3A_2663 : f32 to vector<16xf32>
        %swap3A_2665 = arith.constant 128 : index
        %swap3A_2666 = tpu.vector_load %arg8[%swap3A_2665] {strides = array<i32>} : memref<512xf32, #tpu.memory_space<vmem>>, vector<16xf32>,
        tpu.vector_store %arg8[%swap3A_2665], %broadcast_in_dim3A_2664 {strides = array<i32>} : memref<512xf32, #tpu.memory_space<vmem>>, vector<16xf32>,
        %broadcast_in_dim3A_2667 = arith.constant 0.000000e+00 : f32
        %broadcast_in_dim3A_2668 = vector.broadcast %broadcast_in_dim3A_2667 : f32 to vector<16xf32>
        %swap3A_2669 = arith.constant 144 : index
        %swap3A_2670 = tpu.vector_load %arg8[%swap3A_2669] {strides = array<i32>} : memref<512xf32, #tpu.memory_space<vmem>>, vector<16xf32>,
        tpu.vector_store %arg8[%swap3A_2669], %broadcast_in_dim3A_2668 {strides = array<i32>} : memref<512xf32, #tpu.memory_space<vmem>>, vector<16xf32>,
        %broadcast_in_dim3A_2671 = arith.constant 0.000000e+00 : f32
        %broadcast_in_dim3A_2672 = vector.broadcast %broadcast_in_dim3A_2671 : f32 to vector<16xf32>
        %swap3A_2673 = arith.constant 160 : index
        %swap3A_2674 = tpu.vector_load %arg8[%swap3A_2673] {strides = array<i32>} : memref<512xf32, #tpu.memory_space<vmem>>, vector<16xf32>,
        tpu.vector_store %arg8[%swap3A_2673], %broadcast_in_dim3A_2672 {strides = array<i32>} : memref<512xf32, #tpu.memory_space<vmem>>, vector<16xf32>,
        %broadcast_in_dim3A_2675 = arith.constant 0.000000e+00 : f32
        %broadcast_in_dim3A_2676 = vector.broadcast %broadcast_in_dim3A_2675 : f32 to vector<16xf32>
        %swap3A_2677 = arith.constant 176 : index
        %swap3A_2678 = tpu.vector_load %arg8[%swap3A_2677] {strides = array<i32>} : memref<512xf32, #tpu.memory_space<vmem>>, vector<16xf32>,
        tpu.vector_store %arg8[%swap3A_2677], %broadcast_in_dim3A_2676 {strides = array<i32>} : memref<512xf32, #tpu.memory_space<vmem>>, vector<16xf32>,
        %broadcast_in_dim3A_2679 = arith.constant 0.000000e+00 : f32
        %broadcast_in_dim3A_2680 = vector.broadcast %broadcast_in_dim3A_2679 : f32 to vector<16xf32>
        %swap3A_2681 = arith.constant 192 : index
        %swap3A_2682 = tpu.vector_load %arg8[%swap3A_2681] {strides = array<i32>} : memref<512xf32, #tpu.memory_space<vmem>>, vector<16xf32>,
        tpu.vector_store %arg8[%swap3A_2681], %broadcast_in_dim3A_2680 {strides = array<i32>} : memref<512xf32, #tpu.memory_space<vmem>>, vector<16xf32>,
        %broadcast_in_dim3A_2683 = arith.constant 0.000000e+00 : f32
        %broadcast_in_dim3A_2684 = vector.broadcast %broadcast_in_dim3A_2683 : f32 to vector<16xf32>
        %swap3A_2685 = arith.constant 208 : index
        %swap3A_2686 = tpu.vector_load %arg8[%swap3A_2685] {strides = array<i32>} : memref<512xf32, #tpu.memory_space<vmem>>, vector<16xf32>,
        tpu.vector_store %arg8[%swap3A_2685], %broadcast_in_dim3A_2684 {strides = array<i32>} : memref<512xf32, #tpu.memory_space<vmem>>, vector<16xf32>,
        %broadcast_in_dim3A_2687 = arith.constant 0.000000e+00 : f32
        %broadcast_in_dim3A_2688 = vector.broadcast %broadcast_in_dim3A_2687 : f32 to vector<16xf32>
        %swap3A_2689 = arith.constant 224 : index
        %swap3A_2690 = tpu.vector_load %arg8[%swap3A_2689] {strides = array<i32>} : memref<512xf32, #tpu.memory_space<vmem>>, vector<16xf32>,
        tpu.vector_store %arg8[%swap3A_2689], %broadcast_in_dim3A_2688 {strides = array<i32>} : memref<512xf32, #tpu.memory_space<vmem>>, vector<16xf32>,
        %broadcast_in_dim3A_2691 = arith.constant 0.000000e+00 : f32
        %broadcast_in_dim3A_2692 = vector.broadcast %broadcast_in_dim3A_2691 : f32 to vector<16xf32>
        %swap3A_2693 = arith.constant 240 : index
        %swap3A_2694 = tpu.vector_load %arg8[%swap3A_2693] {strides = array<i32>} : memref<512xf32, #tpu.memory_space<vmem>>, vector<16xf32>,
        tpu.vector_store %arg8[%swap3A_2693], %broadcast_in_dim3A_2692 {strides = array<i32>} : memref<512xf32, #tpu.memory_space<vmem>>, vector<16xf32>,
        %broadcast_in_dim3A_2695 = arith.constant 0.000000e+00 : f32
        %broadcast_in_dim3A_2696 = vector.broadcast %broadcast_in_dim3A_2695 : f32 to vector<16xf32>
        %swap3A_2697 = arith.constant 256 : index
        %swap3A_2698 = tpu.vector_load %arg8[%swap3A_2697] {strides = array<i32>} : memref<512xf32, #tpu.memory_space<vmem>>, vector<16xf32>,
        tpu.vector_store %arg8[%swap3A_2697], %broadcast_in_dim3A_2696 {strides = array<i32>} : memref<512xf32, #tpu.memory_space<vmem>>, vector<16xf32>,
        %broadcast_in_dim3A_2699 = arith.constant 0.000000e+00 : f32
        %broadcast_in_dim3A_2700 = vector.broadcast %broadcast_in_dim3A_2699 : f32 to vector<16xf32>
        %swap3A_2701 = arith.constant 272 : index
        %swap3A_2702 = tpu.vector_load %arg8[%swap3A_2701] {strides = array<i32>} : memref<512xf32, #tpu.memory_space<vmem>>, vector<16xf32>,
        tpu.vector_store %arg8[%swap3A_2701], %broadcast_in_dim3A_2700 {strides = array<i32>} : memref<512xf32, #tpu.memory_space<vmem>>, vector<16xf32>,
        %broadcast_in_dim3A_2703 = arith.constant 0.000000e+00 : f32
        %broadcast_in_dim3A_2704 = vector.broadcast %broadcast_in_dim3A_2703 : f32 to vector<16xf32>
        %swap3A_2705 = arith.constant 288 : index
        %swap3A_2706 = tpu.vector_load %arg8[%swap3A_2705] {strides = array<i32>} : memref<512xf32, #tpu.memory_space<vmem>>, vector<16xf32>,
        tpu.vector_store %arg8[%swap3A_2705], %broadcast_in_dim3A_2704 {strides = array<i32>} : memref<512xf32, #tpu.memory_space<vmem>>, vector<16xf32>,
        %broadcast_in_dim3A_2707 = arith.constant 0.000000e+00 : f32
        %broadcast_in_dim3A_2708 = vector.broadcast %broadcast_in_dim3A_2707 : f32 to vector<16xf32>
        %swap3A_2709 = arith.constant 304 : index
        %swap3A_2710 = tpu.vector_load %arg8[%swap3A_2709] {strides = array<i32>} : memref<512xf32, #tpu.memory_space<vmem>>, vector<16xf32>,
        tpu.vector_store %arg8[%swap3A_2709], %broadcast_in_dim3A_2708 {strides = array<i32>} : memref<512xf32, #tpu.memory_space<vmem>>, vector<16xf32>,
        %broadcast_in_dim3A_2711 = arith.constant 0.000000e+00 : f32
        %broadcast_in_dim3A_2712 = vector.broadcast %broadcast_in_dim3A_2711 : f32 to vector<16xf32>
        %swap3A_2713 = arith.constant 320 : index
        %swap3A_2714 = tpu.vector_load %arg8[%swap3A_2713] {strides = array<i32>} : memref<512xf32, #tpu.memory_space<vmem>>, vector<16xf32>,
        tpu.vector_store %arg8[%swap3A_2713], %broadcast_in_dim3A_2712 {strides = array<i32>} : memref<512xf32, #tpu.memory_space<vmem>>, vector<16xf32>,
        %broadcast_in_dim3A_2715 = arith.constant 0.000000e+00 : f32
        %broadcast_in_dim3A_2716 = vector.broadcast %broadcast_in_dim3A_2715 : f32 to vector<16xf32>
        %swap3A_2717 = arith.constant 336 : index
        %swap3A_2718 = tpu.vector_load %arg8[%swap3A_2717] {strides = array<i32>} : memref<512xf32, #tpu.memory_space<vmem>>, vector<16xf32>,
        tpu.vector_store %arg8[%swap3A_2717], %broadcast_in_dim3A_2716 {strides = array<i32>} : memref<512xf32, #tpu.memory_space<vmem>>, vector<16xf32>,
        %broadcast_in_dim3A_2719 = arith.constant 0.000000e+00 : f32
        %broadcast_in_dim3A_2720 = vector.broadcast %broadcast_in_dim3A_2719 : f32 to vector<16xf32>
        %swap3A_2721 = arith.constant 352 : index
        %swap3A_2722 = tpu.vector_load %arg8[%swap3A_2721] {strides = array<i32>} : memref<512xf32, #tpu.memory_space<vmem>>, vector<16xf32>,
        tpu.vector_store %arg8[%swap3A_2721], %broadcast_in_dim3A_2720 {strides = array<i32>} : memref<512xf32, #tpu.memory_space<vmem>>, vector<16xf32>,
        %broadcast_in_dim3A_2723 = arith.constant 0.000000e+00 : f32
        %broadcast_in_dim3A_2724 = vector.broadcast %broadcast_in_dim3A_2723 : f32 to vector<16xf32>
        %swap3A_2725 = arith.constant 368 : index
        %swap3A_2726 = tpu.vector_load %arg8[%swap3A_2725] {strides = array<i32>} : memref<512xf32, #tpu.memory_space<vmem>>, vector<16xf32>,
        tpu.vector_store %arg8[%swap3A_2725], %broadcast_in_dim3A_2724 {strides = array<i32>} : memref<512xf32, #tpu.memory_space<vmem>>, vector<16xf32>,
        %broadcast_in_dim3A_2727 = arith.constant 0.000000e+00 : f32
        %broadcast_in_dim3A_2728 = vector.broadcast %broadcast_in_dim3A_2727 : f32 to vector<16xf32>
        %swap3A_2729 = arith.constant 384 : index
        %swap3A_2730 = tpu.vector_load %arg8[%swap3A_2729] {strides = array<i32>} : memref<512xf32, #tpu.memory_space<vmem>>, vector<16xf32>,
        tpu.vector_store %arg8[%swap3A_2729], %broadcast_in_dim3A_2728 {strides = array<i32>} : memref<512xf32, #tpu.memory_space<vmem>>, vector<16xf32>,
        %broadcast_in_dim3A_2731 = arith.constant 0.000000e+00 : f32
        %broadcast_in_dim3A_2732 = vector.broadcast %broadcast_in_dim3A_2731 : f32 to vector<16xf32>
        %swap3A_2733 = arith.constant 400 : index
        %swap3A_2734 = tpu.vector_load %arg8[%swap3A_2733] {strides = array<i32>} : memref<512xf32, #tpu.memory_space<vmem>>, vector<16xf32>,
        tpu.vector_store %arg8[%swap3A_2733], %broadcast_in_dim3A_2732 {strides = array<i32>} : memref<512xf32, #tpu.memory_space<vmem>>, vector<16xf32>,
        %broadcast_in_dim3A_2735 = arith.constant 0.000000e+00 : f32
        %broadcast_in_dim3A_2736 = vector.broadcast %broadcast_in_dim3A_2735 : f32 to vector<16xf32>
        %swap3A_2737 = arith.constant 416 : index
        %swap3A_2738 = tpu.vector_load %arg8[%swap3A_2737] {strides = array<i32>} : memref<512xf32, #tpu.memory_space<vmem>>, vector<16xf32>,
        tpu.vector_store %arg8[%swap3A_2737], %broadcast_in_dim3A_2736 {strides = array<i32>} : memref<512xf32, #tpu.memory_space<vmem>>, vector<16xf32>,
        %broadcast_in_dim3A_2739 = arith.constant 0.000000e+00 : f32
        %broadcast_in_dim3A_2740 = vector.broadcast %broadcast_in_dim3A_2739 : f32 to vector<16xf32>
        %swap3A_2741 = arith.constant 432 : index
        %swap3A_2742 = tpu.vector_load %arg8[%swap3A_2741] {strides = array<i32>} : memref<512xf32, #tpu.memory_space<vmem>>, vector<16xf32>,
        tpu.vector_store %arg8[%swap3A_2741], %broadcast_in_dim3A_2740 {strides = array<i32>} : memref<512xf32, #tpu.memory_space<vmem>>, vector<16xf32>,
        %broadcast_in_dim3A_2743 = arith.constant 0.000000e+00 : f32
        %broadcast_in_dim3A_2744 = vector.broadcast %broadcast_in_dim3A_2743 : f32 to vector<16xf32>
        %swap3A_2745 = arith.constant 448 : index
        %swap3A_2746 = tpu.vector_load %arg8[%swap3A_2745] {strides = array<i32>} : memref<512xf32, #tpu.memory_space<vmem>>, vector<16xf32>,
        tpu.vector_store %arg8[%swap3A_2745], %broadcast_in_dim3A_2744 {strides = array<i32>} : memref<512xf32, #tpu.memory_space<vmem>>, vector<16xf32>,
        %broadcast_in_dim3A_2747 = arith.constant 0.000000e+00 : f32
        %broadcast_in_dim3A_2748 = vector.broadcast %broadcast_in_dim3A_2747 : f32 to vector<16xf32>
        %swap3A_2749 = arith.constant 464 : index
        %swap3A_2750 = tpu.vector_load %arg8[%swap3A_2749] {strides = array<i32>} : memref<512xf32, #tpu.memory_space<vmem>>, vector<16xf32>,
        tpu.vector_store %arg8[%swap3A_2749], %broadcast_in_dim3A_2748 {strides = array<i32>} : memref<512xf32, #tpu.memory_space<vmem>>, vector<16xf32>,
        %broadcast_in_dim3A_2751 = arith.constant 0.000000e+00 : f32
        %broadcast_in_dim3A_2752 = vector.broadcast %broadcast_in_dim3A_2751 : f32 to vector<16xf32>
        %swap3A_2753 = arith.constant 480 : index
        %swap3A_2754 = tpu.vector_load %arg8[%swap3A_2753] {strides = array<i32>} : memref<512xf32, #tpu.memory_space<vmem>>, vector<16xf32>,
        tpu.vector_store %arg8[%swap3A_2753], %broadcast_in_dim3A_2752 {strides = array<i32>} : memref<512xf32, #tpu.memory_space<vmem>>, vector<16xf32>,
        %broadcast_in_dim3A_2755 = arith.constant 0.000000e+00 : f32
        %broadcast_in_dim3A_2756 = vector.broadcast %broadcast_in_dim3A_2755 : f32 to vector<16xf32>
        %swap3A_2757 = arith.constant 496 : index
        %swap3A_2758 = tpu.vector_load %arg8[%swap3A_2757] {strides = array<i32>} : memref<512xf32, #tpu.memory_space<vmem>>, vector<16xf32>,
        tpu.vector_store %arg8[%swap3A_2757], %broadcast_in_dim3A_2756 {strides = array<i32>} : memref<512xf32, #tpu.memory_space<vmem>>, vector<16xf32>,
        "tpu.region"() ({
          %run_scoped3A = tpu.sem_alloc : memref<!tpu.dma_semaphore, #tpu.memory_space<semaphore_mem>>
          tpu.enqueue_dma source(%arg8 : memref<512xf32, #tpu.memory_space<vmem>>) target(%arg13 : memref<512xf32, #tpu.memory_space<vmem_shared>>) target_semaphore(%run_scoped3A : memref<!tpu.dma_semaphore, #tpu.memory_space<semaphore_mem>>)
          tpu.wait_dma2 semaphore(%run_scoped3A : memref<!tpu.dma_semaphore, #tpu.memory_space<semaphore_mem>>) src(%arg8 : memref<512xf32, #tpu.memory_space<vmem>>) dst(%arg13 : memref<512xf32, #tpu.memory_space<vmem_shared>>)
          tpu.yield
        }) : () -> ()
      } else {
      }
      %barrier3A = arith.constant 0 : index
      tpu.barrier barrier_id(%barrier3A)
      %get3A = arith.constant 0 : index
      %get3A_8 = tpu.vector_load %arg4[%get3A] {strides = array<i32>} : memref<512xf32, #tpu.memory_space<vmem>>, vector<16xf32>,
      %sub3A = arith.constant -2.000000e+00 : f32
      %sub3A_9 = vector.broadcast %sub3A : f32 to vector<16xf32>
      %sub3A_10 = arith.subf %get3A_8, %sub3A_9 : vector<16xf32>
      %mul3A_11 = arith.constant 1.280000e+02 : f32
      %mul3A_12 = vector.broadcast %mul3A_11 : f32 to vector<16xf32>
      %mul3A_13 = arith.mulf %sub3A_10, %mul3A_12 : vector<16xf32>
      %convert_element_type3A_14 = arith.fptosi %mul3A_13 : vector<16xf32> to vector<16xi32>
      %convert_element_type3A_15 = arith.sitofp %convert_element_type3A_14 : vector<16xi32> to vector<16xf32>
      %gt3A = arith.cmpf ogt, %convert_element_type3A_15, %mul3A_13 : vector<16xf32>
      %sub3A_16 = arith.constant 1 : i32
      %sub3A_17 = vector.broadcast %sub3A_16 : i32 to vector<16xi32>
      %sub3A_18 = arith.subi %convert_element_type3A_14, %sub3A_17 : vector<16xi32>
      %select_n3A = arith.select %gt3A, %sub3A_18, %convert_element_type3A_14 : vector<16xi1>, vector<16xi32>
      %convert_element_type3A_19 = arith.sitofp %select_n3A : vector<16xi32> to vector<16xf32>
      %sub3A_20 = arith.subf %mul3A_13, %convert_element_type3A_19 : vector<16xf32>
      %sub3A_21 = arith.constant 1.000000e+00 : f32
      %sub3A_22 = vector.broadcast %sub3A_21 : f32 to vector<16xf32>
      %sub3A_23 = arith.subf %sub3A_22, %sub3A_20 : vector<16xf32>
      %add3A = arith.constant 1 : i32
      %add3A_24 = vector.broadcast %add3A : i32 to vector<16xi32>
      %add3A_25 = arith.addi %select_n3A, %add3A_24 : vector<16xi32>
      %max3A = arith.constant 0 : i32
      %max3A_26 = vector.broadcast %max3A : i32 to vector<16xi32>
      %max3A_27 = arith.maxsi %add3A_25, %max3A_26 : vector<16xi32>
      %min3A = arith.constant 511 : i32
      %min3A_28 = vector.broadcast %min3A : i32 to vector<16xi32>
      %min3A_29 = arith.minsi %max3A_27, %min3A_28 : vector<16xi32>
      %ge3A = arith.constant 0 : i32
      %ge3A_30 = vector.broadcast %ge3A : i32 to vector<16xi32>
      %ge3A_31 = arith.cmpi sge, %select_n3A, %ge3A_30 : vector<16xi32>
      %le3A = arith.constant 511 : i32
      %le3A_32 = vector.broadcast %le3A : i32 to vector<16xi32>
      %le3A_33 = arith.cmpi sle, %select_n3A, %le3A_32 : vector<16xi32>
      %and3A = arith.andi %ge3A_31, %le3A_33 : vector<16xi1>
      %jit3A = arith.constant 0 : i32
      %broadcast_in_dim3A = vector.broadcast %jit3A : i32 to vector<16xi32>
      %select_n3A_34 = arith.select %and3A, %select_n3A, %broadcast_in_dim3A : vector<16xi1>, vector<16xi32>
      %swap3A = arith.constant 0 : index
      %swap3A_35 = tpu.vector_load %arg5[%swap3A] {strides = array<i32>} : memref<1024xi32, #tpu.memory_space<vmem>>, vector<16xi32>,
      tpu.vector_store %arg5[%swap3A], %select_n3A_34 {strides = array<i32>} : memref<1024xi32, #tpu.memory_space<vmem>>, vector<16xi32>,
      %jit3A_36 = arith.constant 0.000000e+00 : f32
      %broadcast_in_dim3A_37 = vector.broadcast %jit3A_36 : f32 to vector<16xf32>
      %select_n3A_38 = arith.select %and3A, %sub3A_23, %broadcast_in_dim3A_37 : vector<16xi1>, vector<16xf32>
      %swap3A_39 = arith.constant 0 : index
      %swap3A_40 = tpu.vector_load %arg6[%swap3A_39] {strides = array<i32>} : memref<1024xf32, #tpu.memory_space<vmem>>, vector<16xf32>,
      tpu.vector_store %arg6[%swap3A_39], %select_n3A_38 {strides = array<i32>} : memref<1024xf32, #tpu.memory_space<vmem>>, vector<16xf32>,
      %swap3A_41 = arith.constant 512 : index
      %swap3A_42 = tpu.vector_load %arg5[%swap3A_41] {strides = array<i32>} : memref<1024xi32, #tpu.memory_space<vmem>>, vector<16xi32>,
      tpu.vector_store %arg5[%swap3A_41], %min3A_29 {strides = array<i32>} : memref<1024xi32, #tpu.memory_space<vmem>>, vector<16xi32>,
      %sub3A_43 = arith.constant 1.000000e+00 : f32
      %sub3A_44 = vector.broadcast %sub3A_43 : f32 to vector<16xf32>
      %sub3A_45 = arith.subf %sub3A_44, %sub3A_23 : vector<16xf32>
      %swap3A_46 = arith.constant 512 : index
      %swap3A_47 = tpu.vector_load %arg6[%swap3A_46] {strides = array<i32>} : memref<1024xf32, #tpu.memory_space<vmem>>, vector<16xf32>,
      tpu.vector_store %arg6[%swap3A_46], %sub3A_45 {strides = array<i32>} : memref<1024xf32, #tpu.memory_space<vmem>>, vector<16xf32>,
      %max3A_48 = arith.constant 0 : i32
      %max3A_49 = vector.broadcast %max3A_48 : i32 to vector<16xi32>
      %max3A_50 = arith.maxsi %select_n3A, %max3A_49 : vector<16xi32>
      %min3A_51 = arith.constant 511 : i32
      %min3A_52 = vector.broadcast %min3A_51 : i32 to vector<16xi32>
      %min3A_53 = arith.minsi %max3A_50, %min3A_52 : vector<16xi32>
      %swap3A_54 = arith.constant 0 : index
      %swap3A_55 = tpu.vector_load %arg7[%swap3A_54] {strides = array<i32>} : memref<512xi32, #tpu.memory_space<vmem>>, vector<16xi32>,
      tpu.vector_store %arg7[%swap3A_54], %min3A_53 {strides = array<i32>} : memref<512xi32, #tpu.memory_space<vmem>>, vector<16xi32>,
      %get3A_56 = arith.constant 16 : index
      %get3A_57 = tpu.vector_load %arg4[%get3A_56] {strides = array<i32>} : memref<512xf32, #tpu.memory_space<vmem>>, vector<16xf32>,
      %sub3A_58 = arith.constant -2.000000e+00 : f32
      %sub3A_59 = vector.broadcast %sub3A_58 : f32 to vector<16xf32>
      %sub3A_60 = arith.subf %get3A_57, %sub3A_59 : vector<16xf32>
      %mul3A_61 = arith.constant 1.280000e+02 : f32
      %mul3A_62 = vector.broadcast %mul3A_61 : f32 to vector<16xf32>
      %mul3A_63 = arith.mulf %sub3A_60, %mul3A_62 : vector<16xf32>
      %convert_element_type3A_64 = arith.fptosi %mul3A_63 : vector<16xf32> to vector<16xi32>
      %convert_element_type3A_65 = arith.sitofp %convert_element_type3A_64 : vector<16xi32> to vector<16xf32>
      %gt3A_66 = arith.cmpf ogt, %convert_element_type3A_65, %mul3A_63 : vector<16xf32>
      %sub3A_67 = arith.constant 1 : i32
      %sub3A_68 = vector.broadcast %sub3A_67 : i32 to vector<16xi32>
      %sub3A_69 = arith.subi %convert_element_type3A_64, %sub3A_68 : vector<16xi32>
      %select_n3A_70 = arith.select %gt3A_66, %sub3A_69, %convert_element_type3A_64 : vector<16xi1>, vector<16xi32>
      %convert_element_type3A_71 = arith.sitofp %select_n3A_70 : vector<16xi32> to vector<16xf32>
      %sub3A_72 = arith.subf %mul3A_63, %convert_element_type3A_71 : vector<16xf32>
      %sub3A_73 = arith.constant 1.000000e+00 : f32
      %sub3A_74 = vector.broadcast %sub3A_73 : f32 to vector<16xf32>
      %sub3A_75 = arith.subf %sub3A_74, %sub3A_72 : vector<16xf32>
      %add3A_76 = arith.constant 1 : i32
      %add3A_77 = vector.broadcast %add3A_76 : i32 to vector<16xi32>
      %add3A_78 = arith.addi %select_n3A_70, %add3A_77 : vector<16xi32>
      %max3A_79 = arith.constant 0 : i32
      %max3A_80 = vector.broadcast %max3A_79 : i32 to vector<16xi32>
      %max3A_81 = arith.maxsi %add3A_78, %max3A_80 : vector<16xi32>
      %min3A_82 = arith.constant 511 : i32
      %min3A_83 = vector.broadcast %min3A_82 : i32 to vector<16xi32>
      %min3A_84 = arith.minsi %max3A_81, %min3A_83 : vector<16xi32>
      %ge3A_85 = arith.constant 0 : i32
      %ge3A_86 = vector.broadcast %ge3A_85 : i32 to vector<16xi32>
      %ge3A_87 = arith.cmpi sge, %select_n3A_70, %ge3A_86 : vector<16xi32>
      %le3A_88 = arith.constant 511 : i32
      %le3A_89 = vector.broadcast %le3A_88 : i32 to vector<16xi32>
      %le3A_90 = arith.cmpi sle, %select_n3A_70, %le3A_89 : vector<16xi32>
      %and3A_91 = arith.andi %ge3A_87, %le3A_90 : vector<16xi1>
      %jit3A_92 = arith.constant 0 : i32
      %broadcast_in_dim3A_93 = vector.broadcast %jit3A_92 : i32 to vector<16xi32>
      %select_n3A_94 = arith.select %and3A_91, %select_n3A_70, %broadcast_in_dim3A_93 : vector<16xi1>, vector<16xi32>
      %swap3A_95 = arith.constant 16 : index
      %swap3A_96 = tpu.vector_load %arg5[%swap3A_95] {strides = array<i32>} : memref<1024xi32, #tpu.memory_space<vmem>>, vector<16xi32>,
      tpu.vector_store %arg5[%swap3A_95], %select_n3A_94 {strides = array<i32>} : memref<1024xi32, #tpu.memory_space<vmem>>, vector<16xi32>,
      %jit3A_97 = arith.constant 0.000000e+00 : f32
      %broadcast_in_dim3A_98 = vector.broadcast %jit3A_97 : f32 to vector<16xf32>
      %select_n3A_99 = arith.select %and3A_91, %sub3A_75, %broadcast_in_dim3A_98 : vector<16xi1>, vector<16xf32>
      %swap3A_100 = arith.constant 16 : index
      %swap3A_101 = tpu.vector_load %arg6[%swap3A_100] {strides = array<i32>} : memref<1024xf32, #tpu.memory_space<vmem>>, vector<16xf32>,
      tpu.vector_store %arg6[%swap3A_100], %select_n3A_99 {strides = array<i32>} : memref<1024xf32, #tpu.memory_space<vmem>>, vector<16xf32>,
      %swap3A_102 = arith.constant 528 : index
      %swap3A_103 = tpu.vector_load %arg5[%swap3A_102] {strides = array<i32>} : memref<1024xi32, #tpu.memory_space<vmem>>, vector<16xi32>,
      tpu.vector_store %arg5[%swap3A_102], %min3A_84 {strides = array<i32>} : memref<1024xi32, #tpu.memory_space<vmem>>, vector<16xi32>,
      %sub3A_104 = arith.constant 1.000000e+00 : f32
      %sub3A_105 = vector.broadcast %sub3A_104 : f32 to vector<16xf32>
      %sub3A_106 = arith.subf %sub3A_105, %sub3A_75 : vector<16xf32>
      %swap3A_107 = arith.constant 528 : index
      %swap3A_108 = tpu.vector_load %arg6[%swap3A_107] {strides = array<i32>} : memref<1024xf32, #tpu.memory_space<vmem>>, vector<16xf32>,
      tpu.vector_store %arg6[%swap3A_107], %sub3A_106 {strides = array<i32>} : memref<1024xf32, #tpu.memory_space<vmem>>, vector<16xf32>,
      %max3A_109 = arith.constant 0 : i32
      %max3A_110 = vector.broadcast %max3A_109 : i32 to vector<16xi32>
      %max3A_111 = arith.maxsi %select_n3A_70, %max3A_110 : vector<16xi32>
      %min3A_112 = arith.constant 511 : i32
      %min3A_113 = vector.broadcast %min3A_112 : i32 to vector<16xi32>
      %min3A_114 = arith.minsi %max3A_111, %min3A_113 : vector<16xi32>
      %swap3A_115 = arith.constant 16 : index
      %swap3A_116 = tpu.vector_load %arg7[%swap3A_115] {strides = array<i32>} : memref<512xi32, #tpu.memory_space<vmem>>, vector<16xi32>,
      tpu.vector_store %arg7[%swap3A_115], %min3A_114 {strides = array<i32>} : memref<512xi32, #tpu.memory_space<vmem>>, vector<16xi32>,
      %get3A_117 = arith.constant 32 : index
      %get3A_118 = tpu.vector_load %arg4[%get3A_117] {strides = array<i32>} : memref<512xf32, #tpu.memory_space<vmem>>, vector<16xf32>,
      %sub3A_119 = arith.constant -2.000000e+00 : f32
      %sub3A_120 = vector.broadcast %sub3A_119 : f32 to vector<16xf32>
      %sub3A_121 = arith.subf %get3A_118, %sub3A_120 : vector<16xf32>
      %mul3A_122 = arith.constant 1.280000e+02 : f32
      %mul3A_123 = vector.broadcast %mul3A_122 : f32 to vector<16xf32>
      %mul3A_124 = arith.mulf %sub3A_121, %mul3A_123 : vector<16xf32>
      %convert_element_type3A_125 = arith.fptosi %mul3A_124 : vector<16xf32> to vector<16xi32>
      %convert_element_type3A_126 = arith.sitofp %convert_element_type3A_125 : vector<16xi32> to vector<16xf32>
      %gt3A_127 = arith.cmpf ogt, %convert_element_type3A_126, %mul3A_124 : vector<16xf32>
      %sub3A_128 = arith.constant 1 : i32
      %sub3A_129 = vector.broadcast %sub3A_128 : i32 to vector<16xi32>
      %sub3A_130 = arith.subi %convert_element_type3A_125, %sub3A_129 : vector<16xi32>
      %select_n3A_131 = arith.select %gt3A_127, %sub3A_130, %convert_element_type3A_125 : vector<16xi1>, vector<16xi32>
      %convert_element_type3A_132 = arith.sitofp %select_n3A_131 : vector<16xi32> to vector<16xf32>
      %sub3A_133 = arith.subf %mul3A_124, %convert_element_type3A_132 : vector<16xf32>
      %sub3A_134 = arith.constant 1.000000e+00 : f32
      %sub3A_135 = vector.broadcast %sub3A_134 : f32 to vector<16xf32>
      %sub3A_136 = arith.subf %sub3A_135, %sub3A_133 : vector<16xf32>
      %add3A_137 = arith.constant 1 : i32
      %add3A_138 = vector.broadcast %add3A_137 : i32 to vector<16xi32>
      %add3A_139 = arith.addi %select_n3A_131, %add3A_138 : vector<16xi32>
      %max3A_140 = arith.constant 0 : i32
      %max3A_141 = vector.broadcast %max3A_140 : i32 to vector<16xi32>
      %max3A_142 = arith.maxsi %add3A_139, %max3A_141 : vector<16xi32>
      %min3A_143 = arith.constant 511 : i32
      %min3A_144 = vector.broadcast %min3A_143 : i32 to vector<16xi32>
      %min3A_145 = arith.minsi %max3A_142, %min3A_144 : vector<16xi32>
      %ge3A_146 = arith.constant 0 : i32
      %ge3A_147 = vector.broadcast %ge3A_146 : i32 to vector<16xi32>
      %ge3A_148 = arith.cmpi sge, %select_n3A_131, %ge3A_147 : vector<16xi32>
      %le3A_149 = arith.constant 511 : i32
      %le3A_150 = vector.broadcast %le3A_149 : i32 to vector<16xi32>
      %le3A_151 = arith.cmpi sle, %select_n3A_131, %le3A_150 : vector<16xi32>
      %and3A_152 = arith.andi %ge3A_148, %le3A_151 : vector<16xi1>
      %jit3A_153 = arith.constant 0 : i32
      %broadcast_in_dim3A_154 = vector.broadcast %jit3A_153 : i32 to vector<16xi32>
      %select_n3A_155 = arith.select %and3A_152, %select_n3A_131, %broadcast_in_dim3A_154 : vector<16xi1>, vector<16xi32>
      %swap3A_156 = arith.constant 32 : index
      %swap3A_157 = tpu.vector_load %arg5[%swap3A_156] {strides = array<i32>} : memref<1024xi32, #tpu.memory_space<vmem>>, vector<16xi32>,
      tpu.vector_store %arg5[%swap3A_156], %select_n3A_155 {strides = array<i32>} : memref<1024xi32, #tpu.memory_space<vmem>>, vector<16xi32>,
      %jit3A_158 = arith.constant 0.000000e+00 : f32
      %broadcast_in_dim3A_159 = vector.broadcast %jit3A_158 : f32 to vector<16xf32>
      %select_n3A_160 = arith.select %and3A_152, %sub3A_136, %broadcast_in_dim3A_159 : vector<16xi1>, vector<16xf32>
      %swap3A_161 = arith.constant 32 : index
      %swap3A_162 = tpu.vector_load %arg6[%swap3A_161] {strides = array<i32>} : memref<1024xf32, #tpu.memory_space<vmem>>, vector<16xf32>,
      tpu.vector_store %arg6[%swap3A_161], %select_n3A_160 {strides = array<i32>} : memref<1024xf32, #tpu.memory_space<vmem>>, vector<16xf32>,
      %swap3A_163 = arith.constant 544 : index
      %swap3A_164 = tpu.vector_load %arg5[%swap3A_163] {strides = array<i32>} : memref<1024xi32, #tpu.memory_space<vmem>>, vector<16xi32>,
      tpu.vector_store %arg5[%swap3A_163], %min3A_145 {strides = array<i32>} : memref<1024xi32, #tpu.memory_space<vmem>>, vector<16xi32>,
      %sub3A_165 = arith.constant 1.000000e+00 : f32
      %sub3A_166 = vector.broadcast %sub3A_165 : f32 to vector<16xf32>
      %sub3A_167 = arith.subf %sub3A_166, %sub3A_136 : vector<16xf32>
      %swap3A_168 = arith.constant 544 : index
      %swap3A_169 = tpu.vector_load %arg6[%swap3A_168] {strides = array<i32>} : memref<1024xf32, #tpu.memory_space<vmem>>, vector<16xf32>,
      tpu.vector_store %arg6[%swap3A_168], %sub3A_167 {strides = array<i32>} : memref<1024xf32, #tpu.memory_space<vmem>>, vector<16xf32>,
      %max3A_170 = arith.constant 0 : i32
      %max3A_171 = vector.broadcast %max3A_170 : i32 to vector<16xi32>
      %max3A_172 = arith.maxsi %select_n3A_131, %max3A_171 : vector<16xi32>
      %min3A_173 = arith.constant 511 : i32
      %min3A_174 = vector.broadcast %min3A_173 : i32 to vector<16xi32>
      %min3A_175 = arith.minsi %max3A_172, %min3A_174 : vector<16xi32>
      %swap3A_176 = arith.constant 32 : index
      %swap3A_177 = tpu.vector_load %arg7[%swap3A_176] {strides = array<i32>} : memref<512xi32, #tpu.memory_space<vmem>>, vector<16xi32>,
      tpu.vector_store %arg7[%swap3A_176], %min3A_175 {strides = array<i32>} : memref<512xi32, #tpu.memory_space<vmem>>, vector<16xi32>,
      %get3A_178 = arith.constant 48 : index
      %get3A_179 = tpu.vector_load %arg4[%get3A_178] {strides = array<i32>} : memref<512xf32, #tpu.memory_space<vmem>>, vector<16xf32>,
      %sub3A_180 = arith.constant -2.000000e+00 : f32
      %sub3A_181 = vector.broadcast %sub3A_180 : f32 to vector<16xf32>
      %sub3A_182 = arith.subf %get3A_179, %sub3A_181 : vector<16xf32>
      %mul3A_183 = arith.constant 1.280000e+02 : f32
      %mul3A_184 = vector.broadcast %mul3A_183 : f32 to vector<16xf32>
      %mul3A_185 = arith.mulf %sub3A_182, %mul3A_184 : vector<16xf32>
      %convert_element_type3A_186 = arith.fptosi %mul3A_185 : vector<16xf32> to vector<16xi32>
      %convert_element_type3A_187 = arith.sitofp %convert_element_type3A_186 : vector<16xi32> to vector<16xf32>
      %gt3A_188 = arith.cmpf ogt, %convert_element_type3A_187, %mul3A_185 : vector<16xf32>
      %sub3A_189 = arith.constant 1 : i32
      %sub3A_190 = vector.broadcast %sub3A_189 : i32 to vector<16xi32>
      %sub3A_191 = arith.subi %convert_element_type3A_186, %sub3A_190 : vector<16xi32>
      %select_n3A_192 = arith.select %gt3A_188, %sub3A_191, %convert_element_type3A_186 : vector<16xi1>, vector<16xi32>
      %convert_element_type3A_193 = arith.sitofp %select_n3A_192 : vector<16xi32> to vector<16xf32>
      %sub3A_194 = arith.subf %mul3A_185, %convert_element_type3A_193 : vector<16xf32>
      %sub3A_195 = arith.constant 1.000000e+00 : f32
      %sub3A_196 = vector.broadcast %sub3A_195 : f32 to vector<16xf32>
      %sub3A_197 = arith.subf %sub3A_196, %sub3A_194 : vector<16xf32>
      %add3A_198 = arith.constant 1 : i32
      %add3A_199 = vector.broadcast %add3A_198 : i32 to vector<16xi32>
      %add3A_200 = arith.addi %select_n3A_192, %add3A_199 : vector<16xi32>
      %max3A_201 = arith.constant 0 : i32
      %max3A_202 = vector.broadcast %max3A_201 : i32 to vector<16xi32>
      %max3A_203 = arith.maxsi %add3A_200, %max3A_202 : vector<16xi32>
      %min3A_204 = arith.constant 511 : i32
      %min3A_205 = vector.broadcast %min3A_204 : i32 to vector<16xi32>
      %min3A_206 = arith.minsi %max3A_203, %min3A_205 : vector<16xi32>
      %ge3A_207 = arith.constant 0 : i32
      %ge3A_208 = vector.broadcast %ge3A_207 : i32 to vector<16xi32>
      %ge3A_209 = arith.cmpi sge, %select_n3A_192, %ge3A_208 : vector<16xi32>
      %le3A_210 = arith.constant 511 : i32
      %le3A_211 = vector.broadcast %le3A_210 : i32 to vector<16xi32>
      %le3A_212 = arith.cmpi sle, %select_n3A_192, %le3A_211 : vector<16xi32>
      %and3A_213 = arith.andi %ge3A_209, %le3A_212 : vector<16xi1>
      %jit3A_214 = arith.constant 0 : i32
      %broadcast_in_dim3A_215 = vector.broadcast %jit3A_214 : i32 to vector<16xi32>
      %select_n3A_216 = arith.select %and3A_213, %select_n3A_192, %broadcast_in_dim3A_215 : vector<16xi1>, vector<16xi32>
      %swap3A_217 = arith.constant 48 : index
      %swap3A_218 = tpu.vector_load %arg5[%swap3A_217] {strides = array<i32>} : memref<1024xi32, #tpu.memory_space<vmem>>, vector<16xi32>,
      tpu.vector_store %arg5[%swap3A_217], %select_n3A_216 {strides = array<i32>} : memref<1024xi32, #tpu.memory_space<vmem>>, vector<16xi32>,
      %jit3A_219 = arith.constant 0.000000e+00 : f32
      %broadcast_in_dim3A_220 = vector.broadcast %jit3A_219 : f32 to vector<16xf32>
      %select_n3A_221 = arith.select %and3A_213, %sub3A_197, %broadcast_in_dim3A_220 : vector<16xi1>, vector<16xf32>
      %swap3A_222 = arith.constant 48 : index
      %swap3A_223 = tpu.vector_load %arg6[%swap3A_222] {strides = array<i32>} : memref<1024xf32, #tpu.memory_space<vmem>>, vector<16xf32>,
      tpu.vector_store %arg6[%swap3A_222], %select_n3A_221 {strides = array<i32>} : memref<1024xf32, #tpu.memory_space<vmem>>, vector<16xf32>,
      %swap3A_224 = arith.constant 560 : index
      %swap3A_225 = tpu.vector_load %arg5[%swap3A_224] {strides = array<i32>} : memref<1024xi32, #tpu.memory_space<vmem>>, vector<16xi32>,
      tpu.vector_store %arg5[%swap3A_224], %min3A_206 {strides = array<i32>} : memref<1024xi32, #tpu.memory_space<vmem>>, vector<16xi32>,
      %sub3A_226 = arith.constant 1.000000e+00 : f32
      %sub3A_227 = vector.broadcast %sub3A_226 : f32 to vector<16xf32>
      %sub3A_228 = arith.subf %sub3A_227, %sub3A_197 : vector<16xf32>
      %swap3A_229 = arith.constant 560 : index
      %swap3A_230 = tpu.vector_load %arg6[%swap3A_229] {strides = array<i32>} : memref<1024xf32, #tpu.memory_space<vmem>>, vector<16xf32>,
      tpu.vector_store %arg6[%swap3A_229], %sub3A_228 {strides = array<i32>} : memref<1024xf32, #tpu.memory_space<vmem>>, vector<16xf32>,
      %max3A_231 = arith.constant 0 : i32
      %max3A_232 = vector.broadcast %max3A_231 : i32 to vector<16xi32>
      %max3A_233 = arith.maxsi %select_n3A_192, %max3A_232 : vector<16xi32>
      %min3A_234 = arith.constant 511 : i32
      %min3A_235 = vector.broadcast %min3A_234 : i32 to vector<16xi32>
      %min3A_236 = arith.minsi %max3A_233, %min3A_235 : vector<16xi32>
      %swap3A_237 = arith.constant 48 : index
      %swap3A_238 = tpu.vector_load %arg7[%swap3A_237] {strides = array<i32>} : memref<512xi32, #tpu.memory_space<vmem>>, vector<16xi32>,
      tpu.vector_store %arg7[%swap3A_237], %min3A_236 {strides = array<i32>} : memref<512xi32, #tpu.memory_space<vmem>>, vector<16xi32>,
      %get3A_239 = arith.constant 64 : index
      %get3A_240 = tpu.vector_load %arg4[%get3A_239] {strides = array<i32>} : memref<512xf32, #tpu.memory_space<vmem>>, vector<16xf32>,
      %sub3A_241 = arith.constant -2.000000e+00 : f32
      %sub3A_242 = vector.broadcast %sub3A_241 : f32 to vector<16xf32>
      %sub3A_243 = arith.subf %get3A_240, %sub3A_242 : vector<16xf32>
      %mul3A_244 = arith.constant 1.280000e+02 : f32
      %mul3A_245 = vector.broadcast %mul3A_244 : f32 to vector<16xf32>
      %mul3A_246 = arith.mulf %sub3A_243, %mul3A_245 : vector<16xf32>
      %convert_element_type3A_247 = arith.fptosi %mul3A_246 : vector<16xf32> to vector<16xi32>
      %convert_element_type3A_248 = arith.sitofp %convert_element_type3A_247 : vector<16xi32> to vector<16xf32>
      %gt3A_249 = arith.cmpf ogt, %convert_element_type3A_248, %mul3A_246 : vector<16xf32>
      %sub3A_250 = arith.constant 1 : i32
      %sub3A_251 = vector.broadcast %sub3A_250 : i32 to vector<16xi32>
      %sub3A_252 = arith.subi %convert_element_type3A_247, %sub3A_251 : vector<16xi32>
      %select_n3A_253 = arith.select %gt3A_249, %sub3A_252, %convert_element_type3A_247 : vector<16xi1>, vector<16xi32>
      %convert_element_type3A_254 = arith.sitofp %select_n3A_253 : vector<16xi32> to vector<16xf32>
      %sub3A_255 = arith.subf %mul3A_246, %convert_element_type3A_254 : vector<16xf32>
      %sub3A_256 = arith.constant 1.000000e+00 : f32
      %sub3A_257 = vector.broadcast %sub3A_256 : f32 to vector<16xf32>
      %sub3A_258 = arith.subf %sub3A_257, %sub3A_255 : vector<16xf32>
      %add3A_259 = arith.constant 1 : i32
      %add3A_260 = vector.broadcast %add3A_259 : i32 to vector<16xi32>
      %add3A_261 = arith.addi %select_n3A_253, %add3A_260 : vector<16xi32>
      %max3A_262 = arith.constant 0 : i32
      %max3A_263 = vector.broadcast %max3A_262 : i32 to vector<16xi32>
      %max3A_264 = arith.maxsi %add3A_261, %max3A_263 : vector<16xi32>
      %min3A_265 = arith.constant 511 : i32
      %min3A_266 = vector.broadcast %min3A_265 : i32 to vector<16xi32>
      %min3A_267 = arith.minsi %max3A_264, %min3A_266 : vector<16xi32>
      %ge3A_268 = arith.constant 0 : i32
      %ge3A_269 = vector.broadcast %ge3A_268 : i32 to vector<16xi32>
      %ge3A_270 = arith.cmpi sge, %select_n3A_253, %ge3A_269 : vector<16xi32>
      %le3A_271 = arith.constant 511 : i32
      %le3A_272 = vector.broadcast %le3A_271 : i32 to vector<16xi32>
      %le3A_273 = arith.cmpi sle, %select_n3A_253, %le3A_272 : vector<16xi32>
      %and3A_274 = arith.andi %ge3A_270, %le3A_273 : vector<16xi1>
      %jit3A_275 = arith.constant 0 : i32
      %broadcast_in_dim3A_276 = vector.broadcast %jit3A_275 : i32 to vector<16xi32>
      %select_n3A_277 = arith.select %and3A_274, %select_n3A_253, %broadcast_in_dim3A_276 : vector<16xi1>, vector<16xi32>
      %swap3A_278 = arith.constant 64 : index
      %swap3A_279 = tpu.vector_load %arg5[%swap3A_278] {strides = array<i32>} : memref<1024xi32, #tpu.memory_space<vmem>>, vector<16xi32>,
      tpu.vector_store %arg5[%swap3A_278], %select_n3A_277 {strides = array<i32>} : memref<1024xi32, #tpu.memory_space<vmem>>, vector<16xi32>,
      %jit3A_280 = arith.constant 0.000000e+00 : f32
      %broadcast_in_dim3A_281 = vector.broadcast %jit3A_280 : f32 to vector<16xf32>
      %select_n3A_282 = arith.select %and3A_274, %sub3A_258, %broadcast_in_dim3A_281 : vector<16xi1>, vector<16xf32>
      %swap3A_283 = arith.constant 64 : index
      %swap3A_284 = tpu.vector_load %arg6[%swap3A_283] {strides = array<i32>} : memref<1024xf32, #tpu.memory_space<vmem>>, vector<16xf32>,
      tpu.vector_store %arg6[%swap3A_283], %select_n3A_282 {strides = array<i32>} : memref<1024xf32, #tpu.memory_space<vmem>>, vector<16xf32>,
      %swap3A_285 = arith.constant 576 : index
      %swap3A_286 = tpu.vector_load %arg5[%swap3A_285] {strides = array<i32>} : memref<1024xi32, #tpu.memory_space<vmem>>, vector<16xi32>,
      tpu.vector_store %arg5[%swap3A_285], %min3A_267 {strides = array<i32>} : memref<1024xi32, #tpu.memory_space<vmem>>, vector<16xi32>,
      %sub3A_287 = arith.constant 1.000000e+00 : f32
      %sub3A_288 = vector.broadcast %sub3A_287 : f32 to vector<16xf32>
      %sub3A_289 = arith.subf %sub3A_288, %sub3A_258 : vector<16xf32>
      %swap3A_290 = arith.constant 576 : index
      %swap3A_291 = tpu.vector_load %arg6[%swap3A_290] {strides = array<i32>} : memref<1024xf32, #tpu.memory_space<vmem>>, vector<16xf32>,
      tpu.vector_store %arg6[%swap3A_290], %sub3A_289 {strides = array<i32>} : memref<1024xf32, #tpu.memory_space<vmem>>, vector<16xf32>,
      %max3A_292 = arith.constant 0 : i32
      %max3A_293 = vector.broadcast %max3A_292 : i32 to vector<16xi32>
      %max3A_294 = arith.maxsi %select_n3A_253, %max3A_293 : vector<16xi32>
      %min3A_295 = arith.constant 511 : i32
      %min3A_296 = vector.broadcast %min3A_295 : i32 to vector<16xi32>
      %min3A_297 = arith.minsi %max3A_294, %min3A_296 : vector<16xi32>
      %swap3A_298 = arith.constant 64 : index
      %swap3A_299 = tpu.vector_load %arg7[%swap3A_298] {strides = array<i32>} : memref<512xi32, #tpu.memory_space<vmem>>, vector<16xi32>,
      tpu.vector_store %arg7[%swap3A_298], %min3A_297 {strides = array<i32>} : memref<512xi32, #tpu.memory_space<vmem>>, vector<16xi32>,
      %get3A_300 = arith.constant 80 : index
      %get3A_301 = tpu.vector_load %arg4[%get3A_300] {strides = array<i32>} : memref<512xf32, #tpu.memory_space<vmem>>, vector<16xf32>,
      %sub3A_302 = arith.constant -2.000000e+00 : f32
      %sub3A_303 = vector.broadcast %sub3A_302 : f32 to vector<16xf32>
      %sub3A_304 = arith.subf %get3A_301, %sub3A_303 : vector<16xf32>
      %mul3A_305 = arith.constant 1.280000e+02 : f32
      %mul3A_306 = vector.broadcast %mul3A_305 : f32 to vector<16xf32>
      %mul3A_307 = arith.mulf %sub3A_304, %mul3A_306 : vector<16xf32>
      %convert_element_type3A_308 = arith.fptosi %mul3A_307 : vector<16xf32> to vector<16xi32>
      %convert_element_type3A_309 = arith.sitofp %convert_element_type3A_308 : vector<16xi32> to vector<16xf32>
      %gt3A_310 = arith.cmpf ogt, %convert_element_type3A_309, %mul3A_307 : vector<16xf32>
      %sub3A_311 = arith.constant 1 : i32
      %sub3A_312 = vector.broadcast %sub3A_311 : i32 to vector<16xi32>
      %sub3A_313 = arith.subi %convert_element_type3A_308, %sub3A_312 : vector<16xi32>
      %select_n3A_314 = arith.select %gt3A_310, %sub3A_313, %convert_element_type3A_308 : vector<16xi1>, vector<16xi32>
      %convert_element_type3A_315 = arith.sitofp %select_n3A_314 : vector<16xi32> to vector<16xf32>
      %sub3A_316 = arith.subf %mul3A_307, %convert_element_type3A_315 : vector<16xf32>
      %sub3A_317 = arith.constant 1.000000e+00 : f32
      %sub3A_318 = vector.broadcast %sub3A_317 : f32 to vector<16xf32>
      %sub3A_319 = arith.subf %sub3A_318, %sub3A_316 : vector<16xf32>
      %add3A_320 = arith.constant 1 : i32
      %add3A_321 = vector.broadcast %add3A_320 : i32 to vector<16xi32>
      %add3A_322 = arith.addi %select_n3A_314, %add3A_321 : vector<16xi32>
      %max3A_323 = arith.constant 0 : i32
      %max3A_324 = vector.broadcast %max3A_323 : i32 to vector<16xi32>
      %max3A_325 = arith.maxsi %add3A_322, %max3A_324 : vector<16xi32>
      %min3A_326 = arith.constant 511 : i32
      %min3A_327 = vector.broadcast %min3A_326 : i32 to vector<16xi32>
      %min3A_328 = arith.minsi %max3A_325, %min3A_327 : vector<16xi32>
      %ge3A_329 = arith.constant 0 : i32
      %ge3A_330 = vector.broadcast %ge3A_329 : i32 to vector<16xi32>
      %ge3A_331 = arith.cmpi sge, %select_n3A_314, %ge3A_330 : vector<16xi32>
      %le3A_332 = arith.constant 511 : i32
      %le3A_333 = vector.broadcast %le3A_332 : i32 to vector<16xi32>
      %le3A_334 = arith.cmpi sle, %select_n3A_314, %le3A_333 : vector<16xi32>
      %and3A_335 = arith.andi %ge3A_331, %le3A_334 : vector<16xi1>
      %jit3A_336 = arith.constant 0 : i32
      %broadcast_in_dim3A_337 = vector.broadcast %jit3A_336 : i32 to vector<16xi32>
      %select_n3A_338 = arith.select %and3A_335, %select_n3A_314, %broadcast_in_dim3A_337 : vector<16xi1>, vector<16xi32>
      %swap3A_339 = arith.constant 80 : index
      %swap3A_340 = tpu.vector_load %arg5[%swap3A_339] {strides = array<i32>} : memref<1024xi32, #tpu.memory_space<vmem>>, vector<16xi32>,
      tpu.vector_store %arg5[%swap3A_339], %select_n3A_338 {strides = array<i32>} : memref<1024xi32, #tpu.memory_space<vmem>>, vector<16xi32>,
      %jit3A_341 = arith.constant 0.000000e+00 : f32
      %broadcast_in_dim3A_342 = vector.broadcast %jit3A_341 : f32 to vector<16xf32>
      %select_n3A_343 = arith.select %and3A_335, %sub3A_319, %broadcast_in_dim3A_342 : vector<16xi1>, vector<16xf32>
      %swap3A_344 = arith.constant 80 : index
      %swap3A_345 = tpu.vector_load %arg6[%swap3A_344] {strides = array<i32>} : memref<1024xf32, #tpu.memory_space<vmem>>, vector<16xf32>,
      tpu.vector_store %arg6[%swap3A_344], %select_n3A_343 {strides = array<i32>} : memref<1024xf32, #tpu.memory_space<vmem>>, vector<16xf32>,
      %swap3A_346 = arith.constant 592 : index
      %swap3A_347 = tpu.vector_load %arg5[%swap3A_346] {strides = array<i32>} : memref<1024xi32, #tpu.memory_space<vmem>>, vector<16xi32>,
      tpu.vector_store %arg5[%swap3A_346], %min3A_328 {strides = array<i32>} : memref<1024xi32, #tpu.memory_space<vmem>>, vector<16xi32>,
      %sub3A_348 = arith.constant 1.000000e+00 : f32
      %sub3A_349 = vector.broadcast %sub3A_348 : f32 to vector<16xf32>
      %sub3A_350 = arith.subf %sub3A_349, %sub3A_319 : vector<16xf32>
      %swap3A_351 = arith.constant 592 : index
      %swap3A_352 = tpu.vector_load %arg6[%swap3A_351] {strides = array<i32>} : memref<1024xf32, #tpu.memory_space<vmem>>, vector<16xf32>,
      tpu.vector_store %arg6[%swap3A_351], %sub3A_350 {strides = array<i32>} : memref<1024xf32, #tpu.memory_space<vmem>>, vector<16xf32>,
      %max3A_353 = arith.constant 0 : i32
      %max3A_354 = vector.broadcast %max3A_353 : i32 to vector<16xi32>
      %max3A_355 = arith.maxsi %select_n3A_314, %max3A_354 : vector<16xi32>
      %min3A_356 = arith.constant 511 : i32
      %min3A_357 = vector.broadcast %min3A_356 : i32 to vector<16xi32>
      %min3A_358 = arith.minsi %max3A_355, %min3A_357 : vector<16xi32>
      %swap3A_359 = arith.constant 80 : index
      %swap3A_360 = tpu.vector_load %arg7[%swap3A_359] {strides = array<i32>} : memref<512xi32, #tpu.memory_space<vmem>>, vector<16xi32>,
      tpu.vector_store %arg7[%swap3A_359], %min3A_358 {strides = array<i32>} : memref<512xi32, #tpu.memory_space<vmem>>, vector<16xi32>,
      %get3A_361 = arith.constant 96 : index
      %get3A_362 = tpu.vector_load %arg4[%get3A_361] {strides = array<i32>} : memref<512xf32, #tpu.memory_space<vmem>>, vector<16xf32>,
      %sub3A_363 = arith.constant -2.000000e+00 : f32
      %sub3A_364 = vector.broadcast %sub3A_363 : f32 to vector<16xf32>
      %sub3A_365 = arith.subf %get3A_362, %sub3A_364 : vector<16xf32>
      %mul3A_366 = arith.constant 1.280000e+02 : f32
      %mul3A_367 = vector.broadcast %mul3A_366 : f32 to vector<16xf32>
      %mul3A_368 = arith.mulf %sub3A_365, %mul3A_367 : vector<16xf32>
      %convert_element_type3A_369 = arith.fptosi %mul3A_368 : vector<16xf32> to vector<16xi32>
      %convert_element_type3A_370 = arith.sitofp %convert_element_type3A_369 : vector<16xi32> to vector<16xf32>
      %gt3A_371 = arith.cmpf ogt, %convert_element_type3A_370, %mul3A_368 : vector<16xf32>
      %sub3A_372 = arith.constant 1 : i32
      %sub3A_373 = vector.broadcast %sub3A_372 : i32 to vector<16xi32>
      %sub3A_374 = arith.subi %convert_element_type3A_369, %sub3A_373 : vector<16xi32>
      %select_n3A_375 = arith.select %gt3A_371, %sub3A_374, %convert_element_type3A_369 : vector<16xi1>, vector<16xi32>
      %convert_element_type3A_376 = arith.sitofp %select_n3A_375 : vector<16xi32> to vector<16xf32>
      %sub3A_377 = arith.subf %mul3A_368, %convert_element_type3A_376 : vector<16xf32>
      %sub3A_378 = arith.constant 1.000000e+00 : f32
      %sub3A_379 = vector.broadcast %sub3A_378 : f32 to vector<16xf32>
      %sub3A_380 = arith.subf %sub3A_379, %sub3A_377 : vector<16xf32>
      %add3A_381 = arith.constant 1 : i32
      %add3A_382 = vector.broadcast %add3A_381 : i32 to vector<16xi32>
      %add3A_383 = arith.addi %select_n3A_375, %add3A_382 : vector<16xi32>
      %max3A_384 = arith.constant 0 : i32
      %max3A_385 = vector.broadcast %max3A_384 : i32 to vector<16xi32>
      %max3A_386 = arith.maxsi %add3A_383, %max3A_385 : vector<16xi32>
      %min3A_387 = arith.constant 511 : i32
      %min3A_388 = vector.broadcast %min3A_387 : i32 to vector<16xi32>
      %min3A_389 = arith.minsi %max3A_386, %min3A_388 : vector<16xi32>
      %ge3A_390 = arith.constant 0 : i32
      %ge3A_391 = vector.broadcast %ge3A_390 : i32 to vector<16xi32>
      %ge3A_392 = arith.cmpi sge, %select_n3A_375, %ge3A_391 : vector<16xi32>
      %le3A_393 = arith.constant 511 : i32
      %le3A_394 = vector.broadcast %le3A_393 : i32 to vector<16xi32>
      %le3A_395 = arith.cmpi sle, %select_n3A_375, %le3A_394 : vector<16xi32>
      %and3A_396 = arith.andi %ge3A_392, %le3A_395 : vector<16xi1>
      %jit3A_397 = arith.constant 0 : i32
      %broadcast_in_dim3A_398 = vector.broadcast %jit3A_397 : i32 to vector<16xi32>
      %select_n3A_399 = arith.select %and3A_396, %select_n3A_375, %broadcast_in_dim3A_398 : vector<16xi1>, vector<16xi32>
      %swap3A_400 = arith.constant 96 : index
      %swap3A_401 = tpu.vector_load %arg5[%swap3A_400] {strides = array<i32>} : memref<1024xi32, #tpu.memory_space<vmem>>, vector<16xi32>,
      tpu.vector_store %arg5[%swap3A_400], %select_n3A_399 {strides = array<i32>} : memref<1024xi32, #tpu.memory_space<vmem>>, vector<16xi32>,
      %jit3A_402 = arith.constant 0.000000e+00 : f32
      %broadcast_in_dim3A_403 = vector.broadcast %jit3A_402 : f32 to vector<16xf32>
      %select_n3A_404 = arith.select %and3A_396, %sub3A_380, %broadcast_in_dim3A_403 : vector<16xi1>, vector<16xf32>
      %swap3A_405 = arith.constant 96 : index
      %swap3A_406 = tpu.vector_load %arg6[%swap3A_405] {strides = array<i32>} : memref<1024xf32, #tpu.memory_space<vmem>>, vector<16xf32>,
      tpu.vector_store %arg6[%swap3A_405], %select_n3A_404 {strides = array<i32>} : memref<1024xf32, #tpu.memory_space<vmem>>, vector<16xf32>,
      %swap3A_407 = arith.constant 608 : index
      %swap3A_408 = tpu.vector_load %arg5[%swap3A_407] {strides = array<i32>} : memref<1024xi32, #tpu.memory_space<vmem>>, vector<16xi32>,
      tpu.vector_store %arg5[%swap3A_407], %min3A_389 {strides = array<i32>} : memref<1024xi32, #tpu.memory_space<vmem>>, vector<16xi32>,
      %sub3A_409 = arith.constant 1.000000e+00 : f32
      %sub3A_410 = vector.broadcast %sub3A_409 : f32 to vector<16xf32>
      %sub3A_411 = arith.subf %sub3A_410, %sub3A_380 : vector<16xf32>
      %swap3A_412 = arith.constant 608 : index
      %swap3A_413 = tpu.vector_load %arg6[%swap3A_412] {strides = array<i32>} : memref<1024xf32, #tpu.memory_space<vmem>>, vector<16xf32>,
      tpu.vector_store %arg6[%swap3A_412], %sub3A_411 {strides = array<i32>} : memref<1024xf32, #tpu.memory_space<vmem>>, vector<16xf32>,
      %max3A_414 = arith.constant 0 : i32
      %max3A_415 = vector.broadcast %max3A_414 : i32 to vector<16xi32>
      %max3A_416 = arith.maxsi %select_n3A_375, %max3A_415 : vector<16xi32>
      %min3A_417 = arith.constant 511 : i32
      %min3A_418 = vector.broadcast %min3A_417 : i32 to vector<16xi32>
      %min3A_419 = arith.minsi %max3A_416, %min3A_418 : vector<16xi32>
      %swap3A_420 = arith.constant 96 : index
      %swap3A_421 = tpu.vector_load %arg7[%swap3A_420] {strides = array<i32>} : memref<512xi32, #tpu.memory_space<vmem>>, vector<16xi32>,
      tpu.vector_store %arg7[%swap3A_420], %min3A_419 {strides = array<i32>} : memref<512xi32, #tpu.memory_space<vmem>>, vector<16xi32>,
      %get3A_422 = arith.constant 112 : index
      %get3A_423 = tpu.vector_load %arg4[%get3A_422] {strides = array<i32>} : memref<512xf32, #tpu.memory_space<vmem>>, vector<16xf32>,
      %sub3A_424 = arith.constant -2.000000e+00 : f32
      %sub3A_425 = vector.broadcast %sub3A_424 : f32 to vector<16xf32>
      %sub3A_426 = arith.subf %get3A_423, %sub3A_425 : vector<16xf32>
      %mul3A_427 = arith.constant 1.280000e+02 : f32
      %mul3A_428 = vector.broadcast %mul3A_427 : f32 to vector<16xf32>
      %mul3A_429 = arith.mulf %sub3A_426, %mul3A_428 : vector<16xf32>
      %convert_element_type3A_430 = arith.fptosi %mul3A_429 : vector<16xf32> to vector<16xi32>
      %convert_element_type3A_431 = arith.sitofp %convert_element_type3A_430 : vector<16xi32> to vector<16xf32>
      %gt3A_432 = arith.cmpf ogt, %convert_element_type3A_431, %mul3A_429 : vector<16xf32>
      %sub3A_433 = arith.constant 1 : i32
      %sub3A_434 = vector.broadcast %sub3A_433 : i32 to vector<16xi32>
      %sub3A_435 = arith.subi %convert_element_type3A_430, %sub3A_434 : vector<16xi32>
      %select_n3A_436 = arith.select %gt3A_432, %sub3A_435, %convert_element_type3A_430 : vector<16xi1>, vector<16xi32>
      %convert_element_type3A_437 = arith.sitofp %select_n3A_436 : vector<16xi32> to vector<16xf32>
      %sub3A_438 = arith.subf %mul3A_429, %convert_element_type3A_437 : vector<16xf32>
      %sub3A_439 = arith.constant 1.000000e+00 : f32
      %sub3A_440 = vector.broadcast %sub3A_439 : f32 to vector<16xf32>
      %sub3A_441 = arith.subf %sub3A_440, %sub3A_438 : vector<16xf32>
      %add3A_442 = arith.constant 1 : i32
      %add3A_443 = vector.broadcast %add3A_442 : i32 to vector<16xi32>
      %add3A_444 = arith.addi %select_n3A_436, %add3A_443 : vector<16xi32>
      %max3A_445 = arith.constant 0 : i32
      %max3A_446 = vector.broadcast %max3A_445 : i32 to vector<16xi32>
      %max3A_447 = arith.maxsi %add3A_444, %max3A_446 : vector<16xi32>
      %min3A_448 = arith.constant 511 : i32
      %min3A_449 = vector.broadcast %min3A_448 : i32 to vector<16xi32>
      %min3A_450 = arith.minsi %max3A_447, %min3A_449 : vector<16xi32>
      %ge3A_451 = arith.constant 0 : i32
      %ge3A_452 = vector.broadcast %ge3A_451 : i32 to vector<16xi32>
      %ge3A_453 = arith.cmpi sge, %select_n3A_436, %ge3A_452 : vector<16xi32>
      %le3A_454 = arith.constant 511 : i32
      %le3A_455 = vector.broadcast %le3A_454 : i32 to vector<16xi32>
      %le3A_456 = arith.cmpi sle, %select_n3A_436, %le3A_455 : vector<16xi32>
      %and3A_457 = arith.andi %ge3A_453, %le3A_456 : vector<16xi1>
      %jit3A_458 = arith.constant 0 : i32
      %broadcast_in_dim3A_459 = vector.broadcast %jit3A_458 : i32 to vector<16xi32>
      %select_n3A_460 = arith.select %and3A_457, %select_n3A_436, %broadcast_in_dim3A_459 : vector<16xi1>, vector<16xi32>
      %swap3A_461 = arith.constant 112 : index
      %swap3A_462 = tpu.vector_load %arg5[%swap3A_461] {strides = array<i32>} : memref<1024xi32, #tpu.memory_space<vmem>>, vector<16xi32>,
      tpu.vector_store %arg5[%swap3A_461], %select_n3A_460 {strides = array<i32>} : memref<1024xi32, #tpu.memory_space<vmem>>, vector<16xi32>,
      %jit3A_463 = arith.constant 0.000000e+00 : f32
      %broadcast_in_dim3A_464 = vector.broadcast %jit3A_463 : f32 to vector<16xf32>
      %select_n3A_465 = arith.select %and3A_457, %sub3A_441, %broadcast_in_dim3A_464 : vector<16xi1>, vector<16xf32>
      %swap3A_466 = arith.constant 112 : index
      %swap3A_467 = tpu.vector_load %arg6[%swap3A_466] {strides = array<i32>} : memref<1024xf32, #tpu.memory_space<vmem>>, vector<16xf32>,
      tpu.vector_store %arg6[%swap3A_466], %select_n3A_465 {strides = array<i32>} : memref<1024xf32, #tpu.memory_space<vmem>>, vector<16xf32>,
      %swap3A_468 = arith.constant 624 : index
      %swap3A_469 = tpu.vector_load %arg5[%swap3A_468] {strides = array<i32>} : memref<1024xi32, #tpu.memory_space<vmem>>, vector<16xi32>,
      tpu.vector_store %arg5[%swap3A_468], %min3A_450 {strides = array<i32>} : memref<1024xi32, #tpu.memory_space<vmem>>, vector<16xi32>,
      %sub3A_470 = arith.constant 1.000000e+00 : f32
      %sub3A_471 = vector.broadcast %sub3A_470 : f32 to vector<16xf32>
      %sub3A_472 = arith.subf %sub3A_471, %sub3A_441 : vector<16xf32>
      %swap3A_473 = arith.constant 624 : index
      %swap3A_474 = tpu.vector_load %arg6[%swap3A_473] {strides = array<i32>} : memref<1024xf32, #tpu.memory_space<vmem>>, vector<16xf32>,
      tpu.vector_store %arg6[%swap3A_473], %sub3A_472 {strides = array<i32>} : memref<1024xf32, #tpu.memory_space<vmem>>, vector<16xf32>,
      %max3A_475 = arith.constant 0 : i32
      %max3A_476 = vector.broadcast %max3A_475 : i32 to vector<16xi32>
      %max3A_477 = arith.maxsi %select_n3A_436, %max3A_476 : vector<16xi32>
      %min3A_478 = arith.constant 511 : i32
      %min3A_479 = vector.broadcast %min3A_478 : i32 to vector<16xi32>
      %min3A_480 = arith.minsi %max3A_477, %min3A_479 : vector<16xi32>
      %swap3A_481 = arith.constant 112 : index
      %swap3A_482 = tpu.vector_load %arg7[%swap3A_481] {strides = array<i32>} : memref<512xi32, #tpu.memory_space<vmem>>, vector<16xi32>,
      tpu.vector_store %arg7[%swap3A_481], %min3A_480 {strides = array<i32>} : memref<512xi32, #tpu.memory_space<vmem>>, vector<16xi32>,
      %get3A_483 = arith.constant 128 : index
      %get3A_484 = tpu.vector_load %arg4[%get3A_483] {strides = array<i32>} : memref<512xf32, #tpu.memory_space<vmem>>, vector<16xf32>,
      %sub3A_485 = arith.constant -2.000000e+00 : f32
      %sub3A_486 = vector.broadcast %sub3A_485 : f32 to vector<16xf32>
      %sub3A_487 = arith.subf %get3A_484, %sub3A_486 : vector<16xf32>
      %mul3A_488 = arith.constant 1.280000e+02 : f32
      %mul3A_489 = vector.broadcast %mul3A_488 : f32 to vector<16xf32>
      %mul3A_490 = arith.mulf %sub3A_487, %mul3A_489 : vector<16xf32>
      %convert_element_type3A_491 = arith.fptosi %mul3A_490 : vector<16xf32> to vector<16xi32>
      %convert_element_type3A_492 = arith.sitofp %convert_element_type3A_491 : vector<16xi32> to vector<16xf32>
      %gt3A_493 = arith.cmpf ogt, %convert_element_type3A_492, %mul3A_490 : vector<16xf32>
      %sub3A_494 = arith.constant 1 : i32
      %sub3A_495 = vector.broadcast %sub3A_494 : i32 to vector<16xi32>
      %sub3A_496 = arith.subi %convert_element_type3A_491, %sub3A_495 : vector<16xi32>
      %select_n3A_497 = arith.select %gt3A_493, %sub3A_496, %convert_element_type3A_491 : vector<16xi1>, vector<16xi32>
      %convert_element_type3A_498 = arith.sitofp %select_n3A_497 : vector<16xi32> to vector<16xf32>
      %sub3A_499 = arith.subf %mul3A_490, %convert_element_type3A_498 : vector<16xf32>
      %sub3A_500 = arith.constant 1.000000e+00 : f32
      %sub3A_501 = vector.broadcast %sub3A_500 : f32 to vector<16xf32>
      %sub3A_502 = arith.subf %sub3A_501, %sub3A_499 : vector<16xf32>
      %add3A_503 = arith.constant 1 : i32
      %add3A_504 = vector.broadcast %add3A_503 : i32 to vector<16xi32>
      %add3A_505 = arith.addi %select_n3A_497, %add3A_504 : vector<16xi32>
      %max3A_506 = arith.constant 0 : i32
      %max3A_507 = vector.broadcast %max3A_506 : i32 to vector<16xi32>
      %max3A_508 = arith.maxsi %add3A_505, %max3A_507 : vector<16xi32>
      %min3A_509 = arith.constant 511 : i32
      %min3A_510 = vector.broadcast %min3A_509 : i32 to vector<16xi32>
      %min3A_511 = arith.minsi %max3A_508, %min3A_510 : vector<16xi32>
      %ge3A_512 = arith.constant 0 : i32
      %ge3A_513 = vector.broadcast %ge3A_512 : i32 to vector<16xi32>
      %ge3A_514 = arith.cmpi sge, %select_n3A_497, %ge3A_513 : vector<16xi32>
      %le3A_515 = arith.constant 511 : i32
      %le3A_516 = vector.broadcast %le3A_515 : i32 to vector<16xi32>
      %le3A_517 = arith.cmpi sle, %select_n3A_497, %le3A_516 : vector<16xi32>
      %and3A_518 = arith.andi %ge3A_514, %le3A_517 : vector<16xi1>
      %jit3A_519 = arith.constant 0 : i32
      %broadcast_in_dim3A_520 = vector.broadcast %jit3A_519 : i32 to vector<16xi32>
      %select_n3A_521 = arith.select %and3A_518, %select_n3A_497, %broadcast_in_dim3A_520 : vector<16xi1>, vector<16xi32>
      %swap3A_522 = arith.constant 128 : index
      %swap3A_523 = tpu.vector_load %arg5[%swap3A_522] {strides = array<i32>} : memref<1024xi32, #tpu.memory_space<vmem>>, vector<16xi32>,
      tpu.vector_store %arg5[%swap3A_522], %select_n3A_521 {strides = array<i32>} : memref<1024xi32, #tpu.memory_space<vmem>>, vector<16xi32>,
      %jit3A_524 = arith.constant 0.000000e+00 : f32
      %broadcast_in_dim3A_525 = vector.broadcast %jit3A_524 : f32 to vector<16xf32>
      %select_n3A_526 = arith.select %and3A_518, %sub3A_502, %broadcast_in_dim3A_525 : vector<16xi1>, vector<16xf32>
      %swap3A_527 = arith.constant 128 : index
      %swap3A_528 = tpu.vector_load %arg6[%swap3A_527] {strides = array<i32>} : memref<1024xf32, #tpu.memory_space<vmem>>, vector<16xf32>,
      tpu.vector_store %arg6[%swap3A_527], %select_n3A_526 {strides = array<i32>} : memref<1024xf32, #tpu.memory_space<vmem>>, vector<16xf32>,
      %swap3A_529 = arith.constant 640 : index
      %swap3A_530 = tpu.vector_load %arg5[%swap3A_529] {strides = array<i32>} : memref<1024xi32, #tpu.memory_space<vmem>>, vector<16xi32>,
      tpu.vector_store %arg5[%swap3A_529], %min3A_511 {strides = array<i32>} : memref<1024xi32, #tpu.memory_space<vmem>>, vector<16xi32>,
      %sub3A_531 = arith.constant 1.000000e+00 : f32
      %sub3A_532 = vector.broadcast %sub3A_531 : f32 to vector<16xf32>
      %sub3A_533 = arith.subf %sub3A_532, %sub3A_502 : vector<16xf32>
      %swap3A_534 = arith.constant 640 : index
      %swap3A_535 = tpu.vector_load %arg6[%swap3A_534] {strides = array<i32>} : memref<1024xf32, #tpu.memory_space<vmem>>, vector<16xf32>,
      tpu.vector_store %arg6[%swap3A_534], %sub3A_533 {strides = array<i32>} : memref<1024xf32, #tpu.memory_space<vmem>>, vector<16xf32>,
      %max3A_536 = arith.constant 0 : i32
      %max3A_537 = vector.broadcast %max3A_536 : i32 to vector<16xi32>
      %max3A_538 = arith.maxsi %select_n3A_497, %max3A_537 : vector<16xi32>
      %min3A_539 = arith.constant 511 : i32
      %min3A_540 = vector.broadcast %min3A_539 : i32 to vector<16xi32>
      %min3A_541 = arith.minsi %max3A_538, %min3A_540 : vector<16xi32>
      %swap3A_542 = arith.constant 128 : index
      %swap3A_543 = tpu.vector_load %arg7[%swap3A_542] {strides = array<i32>} : memref<512xi32, #tpu.memory_space<vmem>>, vector<16xi32>,
      tpu.vector_store %arg7[%swap3A_542], %min3A_541 {strides = array<i32>} : memref<512xi32, #tpu.memory_space<vmem>>, vector<16xi32>,
      %get3A_544 = arith.constant 144 : index
      %get3A_545 = tpu.vector_load %arg4[%get3A_544] {strides = array<i32>} : memref<512xf32, #tpu.memory_space<vmem>>, vector<16xf32>,
      %sub3A_546 = arith.constant -2.000000e+00 : f32
      %sub3A_547 = vector.broadcast %sub3A_546 : f32 to vector<16xf32>
      %sub3A_548 = arith.subf %get3A_545, %sub3A_547 : vector<16xf32>
      %mul3A_549 = arith.constant 1.280000e+02 : f32
      %mul3A_550 = vector.broadcast %mul3A_549 : f32 to vector<16xf32>
      %mul3A_551 = arith.mulf %sub3A_548, %mul3A_550 : vector<16xf32>
      %convert_element_type3A_552 = arith.fptosi %mul3A_551 : vector<16xf32> to vector<16xi32>
      %convert_element_type3A_553 = arith.sitofp %convert_element_type3A_552 : vector<16xi32> to vector<16xf32>
      %gt3A_554 = arith.cmpf ogt, %convert_element_type3A_553, %mul3A_551 : vector<16xf32>
      %sub3A_555 = arith.constant 1 : i32
      %sub3A_556 = vector.broadcast %sub3A_555 : i32 to vector<16xi32>
      %sub3A_557 = arith.subi %convert_element_type3A_552, %sub3A_556 : vector<16xi32>
      %select_n3A_558 = arith.select %gt3A_554, %sub3A_557, %convert_element_type3A_552 : vector<16xi1>, vector<16xi32>
      %convert_element_type3A_559 = arith.sitofp %select_n3A_558 : vector<16xi32> to vector<16xf32>
      %sub3A_560 = arith.subf %mul3A_551, %convert_element_type3A_559 : vector<16xf32>
      %sub3A_561 = arith.constant 1.000000e+00 : f32
      %sub3A_562 = vector.broadcast %sub3A_561 : f32 to vector<16xf32>
      %sub3A_563 = arith.subf %sub3A_562, %sub3A_560 : vector<16xf32>
      %add3A_564 = arith.constant 1 : i32
      %add3A_565 = vector.broadcast %add3A_564 : i32 to vector<16xi32>
      %add3A_566 = arith.addi %select_n3A_558, %add3A_565 : vector<16xi32>
      %max3A_567 = arith.constant 0 : i32
      %max3A_568 = vector.broadcast %max3A_567 : i32 to vector<16xi32>
      %max3A_569 = arith.maxsi %add3A_566, %max3A_568 : vector<16xi32>
      %min3A_570 = arith.constant 511 : i32
      %min3A_571 = vector.broadcast %min3A_570 : i32 to vector<16xi32>
      %min3A_572 = arith.minsi %max3A_569, %min3A_571 : vector<16xi32>
      %ge3A_573 = arith.constant 0 : i32
      %ge3A_574 = vector.broadcast %ge3A_573 : i32 to vector<16xi32>
      %ge3A_575 = arith.cmpi sge, %select_n3A_558, %ge3A_574 : vector<16xi32>
      %le3A_576 = arith.constant 511 : i32
      %le3A_577 = vector.broadcast %le3A_576 : i32 to vector<16xi32>
      %le3A_578 = arith.cmpi sle, %select_n3A_558, %le3A_577 : vector<16xi32>
      %and3A_579 = arith.andi %ge3A_575, %le3A_578 : vector<16xi1>
      %jit3A_580 = arith.constant 0 : i32
      %broadcast_in_dim3A_581 = vector.broadcast %jit3A_580 : i32 to vector<16xi32>
      %select_n3A_582 = arith.select %and3A_579, %select_n3A_558, %broadcast_in_dim3A_581 : vector<16xi1>, vector<16xi32>
      %swap3A_583 = arith.constant 144 : index
      %swap3A_584 = tpu.vector_load %arg5[%swap3A_583] {strides = array<i32>} : memref<1024xi32, #tpu.memory_space<vmem>>, vector<16xi32>,
      tpu.vector_store %arg5[%swap3A_583], %select_n3A_582 {strides = array<i32>} : memref<1024xi32, #tpu.memory_space<vmem>>, vector<16xi32>,
      %jit3A_585 = arith.constant 0.000000e+00 : f32
      %broadcast_in_dim3A_586 = vector.broadcast %jit3A_585 : f32 to vector<16xf32>
      %select_n3A_587 = arith.select %and3A_579, %sub3A_563, %broadcast_in_dim3A_586 : vector<16xi1>, vector<16xf32>
      %swap3A_588 = arith.constant 144 : index
      %swap3A_589 = tpu.vector_load %arg6[%swap3A_588] {strides = array<i32>} : memref<1024xf32, #tpu.memory_space<vmem>>, vector<16xf32>,
      tpu.vector_store %arg6[%swap3A_588], %select_n3A_587 {strides = array<i32>} : memref<1024xf32, #tpu.memory_space<vmem>>, vector<16xf32>,
      %swap3A_590 = arith.constant 656 : index
      %swap3A_591 = tpu.vector_load %arg5[%swap3A_590] {strides = array<i32>} : memref<1024xi32, #tpu.memory_space<vmem>>, vector<16xi32>,
      tpu.vector_store %arg5[%swap3A_590], %min3A_572 {strides = array<i32>} : memref<1024xi32, #tpu.memory_space<vmem>>, vector<16xi32>,
      %sub3A_592 = arith.constant 1.000000e+00 : f32
      %sub3A_593 = vector.broadcast %sub3A_592 : f32 to vector<16xf32>
      %sub3A_594 = arith.subf %sub3A_593, %sub3A_563 : vector<16xf32>
      %swap3A_595 = arith.constant 656 : index
      %swap3A_596 = tpu.vector_load %arg6[%swap3A_595] {strides = array<i32>} : memref<1024xf32, #tpu.memory_space<vmem>>, vector<16xf32>,
      tpu.vector_store %arg6[%swap3A_595], %sub3A_594 {strides = array<i32>} : memref<1024xf32, #tpu.memory_space<vmem>>, vector<16xf32>,
      %max3A_597 = arith.constant 0 : i32
      %max3A_598 = vector.broadcast %max3A_597 : i32 to vector<16xi32>
      %max3A_599 = arith.maxsi %select_n3A_558, %max3A_598 : vector<16xi32>
      %min3A_600 = arith.constant 511 : i32
      %min3A_601 = vector.broadcast %min3A_600 : i32 to vector<16xi32>
      %min3A_602 = arith.minsi %max3A_599, %min3A_601 : vector<16xi32>
      %swap3A_603 = arith.constant 144 : index
      %swap3A_604 = tpu.vector_load %arg7[%swap3A_603] {strides = array<i32>} : memref<512xi32, #tpu.memory_space<vmem>>, vector<16xi32>,
      tpu.vector_store %arg7[%swap3A_603], %min3A_602 {strides = array<i32>} : memref<512xi32, #tpu.memory_space<vmem>>, vector<16xi32>,
      %get3A_605 = arith.constant 160 : index
      %get3A_606 = tpu.vector_load %arg4[%get3A_605] {strides = array<i32>} : memref<512xf32, #tpu.memory_space<vmem>>, vector<16xf32>,
      %sub3A_607 = arith.constant -2.000000e+00 : f32
      %sub3A_608 = vector.broadcast %sub3A_607 : f32 to vector<16xf32>
      %sub3A_609 = arith.subf %get3A_606, %sub3A_608 : vector<16xf32>
      %mul3A_610 = arith.constant 1.280000e+02 : f32
      %mul3A_611 = vector.broadcast %mul3A_610 : f32 to vector<16xf32>
      %mul3A_612 = arith.mulf %sub3A_609, %mul3A_611 : vector<16xf32>
      %convert_element_type3A_613 = arith.fptosi %mul3A_612 : vector<16xf32> to vector<16xi32>
      %convert_element_type3A_614 = arith.sitofp %convert_element_type3A_613 : vector<16xi32> to vector<16xf32>
      %gt3A_615 = arith.cmpf ogt, %convert_element_type3A_614, %mul3A_612 : vector<16xf32>
      %sub3A_616 = arith.constant 1 : i32
      %sub3A_617 = vector.broadcast %sub3A_616 : i32 to vector<16xi32>
      %sub3A_618 = arith.subi %convert_element_type3A_613, %sub3A_617 : vector<16xi32>
      %select_n3A_619 = arith.select %gt3A_615, %sub3A_618, %convert_element_type3A_613 : vector<16xi1>, vector<16xi32>
      %convert_element_type3A_620 = arith.sitofp %select_n3A_619 : vector<16xi32> to vector<16xf32>
      %sub3A_621 = arith.subf %mul3A_612, %convert_element_type3A_620 : vector<16xf32>
      %sub3A_622 = arith.constant 1.000000e+00 : f32
      %sub3A_623 = vector.broadcast %sub3A_622 : f32 to vector<16xf32>
      %sub3A_624 = arith.subf %sub3A_623, %sub3A_621 : vector<16xf32>
      %add3A_625 = arith.constant 1 : i32
      %add3A_626 = vector.broadcast %add3A_625 : i32 to vector<16xi32>
      %add3A_627 = arith.addi %select_n3A_619, %add3A_626 : vector<16xi32>
      %max3A_628 = arith.constant 0 : i32
      %max3A_629 = vector.broadcast %max3A_628 : i32 to vector<16xi32>
      %max3A_630 = arith.maxsi %add3A_627, %max3A_629 : vector<16xi32>
      %min3A_631 = arith.constant 511 : i32
      %min3A_632 = vector.broadcast %min3A_631 : i32 to vector<16xi32>
      %min3A_633 = arith.minsi %max3A_630, %min3A_632 : vector<16xi32>
      %ge3A_634 = arith.constant 0 : i32
      %ge3A_635 = vector.broadcast %ge3A_634 : i32 to vector<16xi32>
      %ge3A_636 = arith.cmpi sge, %select_n3A_619, %ge3A_635 : vector<16xi32>
      %le3A_637 = arith.constant 511 : i32
      %le3A_638 = vector.broadcast %le3A_637 : i32 to vector<16xi32>
      %le3A_639 = arith.cmpi sle, %select_n3A_619, %le3A_638 : vector<16xi32>
      %and3A_640 = arith.andi %ge3A_636, %le3A_639 : vector<16xi1>
      %jit3A_641 = arith.constant 0 : i32
      %broadcast_in_dim3A_642 = vector.broadcast %jit3A_641 : i32 to vector<16xi32>
      %select_n3A_643 = arith.select %and3A_640, %select_n3A_619, %broadcast_in_dim3A_642 : vector<16xi1>, vector<16xi32>
      %swap3A_644 = arith.constant 160 : index
      %swap3A_645 = tpu.vector_load %arg5[%swap3A_644] {strides = array<i32>} : memref<1024xi32, #tpu.memory_space<vmem>>, vector<16xi32>,
      tpu.vector_store %arg5[%swap3A_644], %select_n3A_643 {strides = array<i32>} : memref<1024xi32, #tpu.memory_space<vmem>>, vector<16xi32>,
      %jit3A_646 = arith.constant 0.000000e+00 : f32
      %broadcast_in_dim3A_647 = vector.broadcast %jit3A_646 : f32 to vector<16xf32>
      %select_n3A_648 = arith.select %and3A_640, %sub3A_624, %broadcast_in_dim3A_647 : vector<16xi1>, vector<16xf32>
      %swap3A_649 = arith.constant 160 : index
      %swap3A_650 = tpu.vector_load %arg6[%swap3A_649] {strides = array<i32>} : memref<1024xf32, #tpu.memory_space<vmem>>, vector<16xf32>,
      tpu.vector_store %arg6[%swap3A_649], %select_n3A_648 {strides = array<i32>} : memref<1024xf32, #tpu.memory_space<vmem>>, vector<16xf32>,
      %swap3A_651 = arith.constant 672 : index
      %swap3A_652 = tpu.vector_load %arg5[%swap3A_651] {strides = array<i32>} : memref<1024xi32, #tpu.memory_space<vmem>>, vector<16xi32>,
      tpu.vector_store %arg5[%swap3A_651], %min3A_633 {strides = array<i32>} : memref<1024xi32, #tpu.memory_space<vmem>>, vector<16xi32>,
      %sub3A_653 = arith.constant 1.000000e+00 : f32
      %sub3A_654 = vector.broadcast %sub3A_653 : f32 to vector<16xf32>
      %sub3A_655 = arith.subf %sub3A_654, %sub3A_624 : vector<16xf32>
      %swap3A_656 = arith.constant 672 : index
      %swap3A_657 = tpu.vector_load %arg6[%swap3A_656] {strides = array<i32>} : memref<1024xf32, #tpu.memory_space<vmem>>, vector<16xf32>,
      tpu.vector_store %arg6[%swap3A_656], %sub3A_655 {strides = array<i32>} : memref<1024xf32, #tpu.memory_space<vmem>>, vector<16xf32>,
      %max3A_658 = arith.constant 0 : i32
      %max3A_659 = vector.broadcast %max3A_658 : i32 to vector<16xi32>
      %max3A_660 = arith.maxsi %select_n3A_619, %max3A_659 : vector<16xi32>
      %min3A_661 = arith.constant 511 : i32
      %min3A_662 = vector.broadcast %min3A_661 : i32 to vector<16xi32>
      %min3A_663 = arith.minsi %max3A_660, %min3A_662 : vector<16xi32>
      %swap3A_664 = arith.constant 160 : index
      %swap3A_665 = tpu.vector_load %arg7[%swap3A_664] {strides = array<i32>} : memref<512xi32, #tpu.memory_space<vmem>>, vector<16xi32>,
      tpu.vector_store %arg7[%swap3A_664], %min3A_663 {strides = array<i32>} : memref<512xi32, #tpu.memory_space<vmem>>, vector<16xi32>,
      %get3A_666 = arith.constant 176 : index
      %get3A_667 = tpu.vector_load %arg4[%get3A_666] {strides = array<i32>} : memref<512xf32, #tpu.memory_space<vmem>>, vector<16xf32>,
      %sub3A_668 = arith.constant -2.000000e+00 : f32
      %sub3A_669 = vector.broadcast %sub3A_668 : f32 to vector<16xf32>
      %sub3A_670 = arith.subf %get3A_667, %sub3A_669 : vector<16xf32>
      %mul3A_671 = arith.constant 1.280000e+02 : f32
      %mul3A_672 = vector.broadcast %mul3A_671 : f32 to vector<16xf32>
      %mul3A_673 = arith.mulf %sub3A_670, %mul3A_672 : vector<16xf32>
      %convert_element_type3A_674 = arith.fptosi %mul3A_673 : vector<16xf32> to vector<16xi32>
      %convert_element_type3A_675 = arith.sitofp %convert_element_type3A_674 : vector<16xi32> to vector<16xf32>
      %gt3A_676 = arith.cmpf ogt, %convert_element_type3A_675, %mul3A_673 : vector<16xf32>
      %sub3A_677 = arith.constant 1 : i32
      %sub3A_678 = vector.broadcast %sub3A_677 : i32 to vector<16xi32>
      %sub3A_679 = arith.subi %convert_element_type3A_674, %sub3A_678 : vector<16xi32>
      %select_n3A_680 = arith.select %gt3A_676, %sub3A_679, %convert_element_type3A_674 : vector<16xi1>, vector<16xi32>
      %convert_element_type3A_681 = arith.sitofp %select_n3A_680 : vector<16xi32> to vector<16xf32>
      %sub3A_682 = arith.subf %mul3A_673, %convert_element_type3A_681 : vector<16xf32>
      %sub3A_683 = arith.constant 1.000000e+00 : f32
      %sub3A_684 = vector.broadcast %sub3A_683 : f32 to vector<16xf32>
      %sub3A_685 = arith.subf %sub3A_684, %sub3A_682 : vector<16xf32>
      %add3A_686 = arith.constant 1 : i32
      %add3A_687 = vector.broadcast %add3A_686 : i32 to vector<16xi32>
      %add3A_688 = arith.addi %select_n3A_680, %add3A_687 : vector<16xi32>
      %max3A_689 = arith.constant 0 : i32
      %max3A_690 = vector.broadcast %max3A_689 : i32 to vector<16xi32>
      %max3A_691 = arith.maxsi %add3A_688, %max3A_690 : vector<16xi32>
      %min3A_692 = arith.constant 511 : i32
      %min3A_693 = vector.broadcast %min3A_692 : i32 to vector<16xi32>
      %min3A_694 = arith.minsi %max3A_691, %min3A_693 : vector<16xi32>
      %ge3A_695 = arith.constant 0 : i32
      %ge3A_696 = vector.broadcast %ge3A_695 : i32 to vector<16xi32>
      %ge3A_697 = arith.cmpi sge, %select_n3A_680, %ge3A_696 : vector<16xi32>
      %le3A_698 = arith.constant 511 : i32
      %le3A_699 = vector.broadcast %le3A_698 : i32 to vector<16xi32>
      %le3A_700 = arith.cmpi sle, %select_n3A_680, %le3A_699 : vector<16xi32>
      %and3A_701 = arith.andi %ge3A_697, %le3A_700 : vector<16xi1>
      %jit3A_702 = arith.constant 0 : i32
      %broadcast_in_dim3A_703 = vector.broadcast %jit3A_702 : i32 to vector<16xi32>
      %select_n3A_704 = arith.select %and3A_701, %select_n3A_680, %broadcast_in_dim3A_703 : vector<16xi1>, vector<16xi32>
      %swap3A_705 = arith.constant 176 : index
      %swap3A_706 = tpu.vector_load %arg5[%swap3A_705] {strides = array<i32>} : memref<1024xi32, #tpu.memory_space<vmem>>, vector<16xi32>,
      tpu.vector_store %arg5[%swap3A_705], %select_n3A_704 {strides = array<i32>} : memref<1024xi32, #tpu.memory_space<vmem>>, vector<16xi32>,
      %jit3A_707 = arith.constant 0.000000e+00 : f32
      %broadcast_in_dim3A_708 = vector.broadcast %jit3A_707 : f32 to vector<16xf32>
      %select_n3A_709 = arith.select %and3A_701, %sub3A_685, %broadcast_in_dim3A_708 : vector<16xi1>, vector<16xf32>
      %swap3A_710 = arith.constant 176 : index
      %swap3A_711 = tpu.vector_load %arg6[%swap3A_710] {strides = array<i32>} : memref<1024xf32, #tpu.memory_space<vmem>>, vector<16xf32>,
      tpu.vector_store %arg6[%swap3A_710], %select_n3A_709 {strides = array<i32>} : memref<1024xf32, #tpu.memory_space<vmem>>, vector<16xf32>,
      %swap3A_712 = arith.constant 688 : index
      %swap3A_713 = tpu.vector_load %arg5[%swap3A_712] {strides = array<i32>} : memref<1024xi32, #tpu.memory_space<vmem>>, vector<16xi32>,
      tpu.vector_store %arg5[%swap3A_712], %min3A_694 {strides = array<i32>} : memref<1024xi32, #tpu.memory_space<vmem>>, vector<16xi32>,
      %sub3A_714 = arith.constant 1.000000e+00 : f32
      %sub3A_715 = vector.broadcast %sub3A_714 : f32 to vector<16xf32>
      %sub3A_716 = arith.subf %sub3A_715, %sub3A_685 : vector<16xf32>
      %swap3A_717 = arith.constant 688 : index
      %swap3A_718 = tpu.vector_load %arg6[%swap3A_717] {strides = array<i32>} : memref<1024xf32, #tpu.memory_space<vmem>>, vector<16xf32>,
      tpu.vector_store %arg6[%swap3A_717], %sub3A_716 {strides = array<i32>} : memref<1024xf32, #tpu.memory_space<vmem>>, vector<16xf32>,
      %max3A_719 = arith.constant 0 : i32
      %max3A_720 = vector.broadcast %max3A_719 : i32 to vector<16xi32>
      %max3A_721 = arith.maxsi %select_n3A_680, %max3A_720 : vector<16xi32>
      %min3A_722 = arith.constant 511 : i32
      %min3A_723 = vector.broadcast %min3A_722 : i32 to vector<16xi32>
      %min3A_724 = arith.minsi %max3A_721, %min3A_723 : vector<16xi32>
      %swap3A_725 = arith.constant 176 : index
      %swap3A_726 = tpu.vector_load %arg7[%swap3A_725] {strides = array<i32>} : memref<512xi32, #tpu.memory_space<vmem>>, vector<16xi32>,
      tpu.vector_store %arg7[%swap3A_725], %min3A_724 {strides = array<i32>} : memref<512xi32, #tpu.memory_space<vmem>>, vector<16xi32>,
      %get3A_727 = arith.constant 192 : index
      %get3A_728 = tpu.vector_load %arg4[%get3A_727] {strides = array<i32>} : memref<512xf32, #tpu.memory_space<vmem>>, vector<16xf32>,
      %sub3A_729 = arith.constant -2.000000e+00 : f32
      %sub3A_730 = vector.broadcast %sub3A_729 : f32 to vector<16xf32>
      %sub3A_731 = arith.subf %get3A_728, %sub3A_730 : vector<16xf32>
      %mul3A_732 = arith.constant 1.280000e+02 : f32
      %mul3A_733 = vector.broadcast %mul3A_732 : f32 to vector<16xf32>
      %mul3A_734 = arith.mulf %sub3A_731, %mul3A_733 : vector<16xf32>
      %convert_element_type3A_735 = arith.fptosi %mul3A_734 : vector<16xf32> to vector<16xi32>
      %convert_element_type3A_736 = arith.sitofp %convert_element_type3A_735 : vector<16xi32> to vector<16xf32>
      %gt3A_737 = arith.cmpf ogt, %convert_element_type3A_736, %mul3A_734 : vector<16xf32>
      %sub3A_738 = arith.constant 1 : i32
      %sub3A_739 = vector.broadcast %sub3A_738 : i32 to vector<16xi32>
      %sub3A_740 = arith.subi %convert_element_type3A_735, %sub3A_739 : vector<16xi32>
      %select_n3A_741 = arith.select %gt3A_737, %sub3A_740, %convert_element_type3A_735 : vector<16xi1>, vector<16xi32>
      %convert_element_type3A_742 = arith.sitofp %select_n3A_741 : vector<16xi32> to vector<16xf32>
      %sub3A_743 = arith.subf %mul3A_734, %convert_element_type3A_742 : vector<16xf32>
      %sub3A_744 = arith.constant 1.000000e+00 : f32
      %sub3A_745 = vector.broadcast %sub3A_744 : f32 to vector<16xf32>
      %sub3A_746 = arith.subf %sub3A_745, %sub3A_743 : vector<16xf32>
      %add3A_747 = arith.constant 1 : i32
      %add3A_748 = vector.broadcast %add3A_747 : i32 to vector<16xi32>
      %add3A_749 = arith.addi %select_n3A_741, %add3A_748 : vector<16xi32>
      %max3A_750 = arith.constant 0 : i32
      %max3A_751 = vector.broadcast %max3A_750 : i32 to vector<16xi32>
      %max3A_752 = arith.maxsi %add3A_749, %max3A_751 : vector<16xi32>
      %min3A_753 = arith.constant 511 : i32
      %min3A_754 = vector.broadcast %min3A_753 : i32 to vector<16xi32>
      %min3A_755 = arith.minsi %max3A_752, %min3A_754 : vector<16xi32>
      %ge3A_756 = arith.constant 0 : i32
      %ge3A_757 = vector.broadcast %ge3A_756 : i32 to vector<16xi32>
      %ge3A_758 = arith.cmpi sge, %select_n3A_741, %ge3A_757 : vector<16xi32>
      %le3A_759 = arith.constant 511 : i32
      %le3A_760 = vector.broadcast %le3A_759 : i32 to vector<16xi32>
      %le3A_761 = arith.cmpi sle, %select_n3A_741, %le3A_760 : vector<16xi32>
      %and3A_762 = arith.andi %ge3A_758, %le3A_761 : vector<16xi1>
      %jit3A_763 = arith.constant 0 : i32
      %broadcast_in_dim3A_764 = vector.broadcast %jit3A_763 : i32 to vector<16xi32>
      %select_n3A_765 = arith.select %and3A_762, %select_n3A_741, %broadcast_in_dim3A_764 : vector<16xi1>, vector<16xi32>
      %swap3A_766 = arith.constant 192 : index
      %swap3A_767 = tpu.vector_load %arg5[%swap3A_766] {strides = array<i32>} : memref<1024xi32, #tpu.memory_space<vmem>>, vector<16xi32>,
      tpu.vector_store %arg5[%swap3A_766], %select_n3A_765 {strides = array<i32>} : memref<1024xi32, #tpu.memory_space<vmem>>, vector<16xi32>,
      %jit3A_768 = arith.constant 0.000000e+00 : f32
      %broadcast_in_dim3A_769 = vector.broadcast %jit3A_768 : f32 to vector<16xf32>
      %select_n3A_770 = arith.select %and3A_762, %sub3A_746, %broadcast_in_dim3A_769 : vector<16xi1>, vector<16xf32>
      %swap3A_771 = arith.constant 192 : index
      %swap3A_772 = tpu.vector_load %arg6[%swap3A_771] {strides = array<i32>} : memref<1024xf32, #tpu.memory_space<vmem>>, vector<16xf32>,
      tpu.vector_store %arg6[%swap3A_771], %select_n3A_770 {strides = array<i32>} : memref<1024xf32, #tpu.memory_space<vmem>>, vector<16xf32>,
      %swap3A_773 = arith.constant 704 : index
      %swap3A_774 = tpu.vector_load %arg5[%swap3A_773] {strides = array<i32>} : memref<1024xi32, #tpu.memory_space<vmem>>, vector<16xi32>,
      tpu.vector_store %arg5[%swap3A_773], %min3A_755 {strides = array<i32>} : memref<1024xi32, #tpu.memory_space<vmem>>, vector<16xi32>,
      %sub3A_775 = arith.constant 1.000000e+00 : f32
      %sub3A_776 = vector.broadcast %sub3A_775 : f32 to vector<16xf32>
      %sub3A_777 = arith.subf %sub3A_776, %sub3A_746 : vector<16xf32>
      %swap3A_778 = arith.constant 704 : index
      %swap3A_779 = tpu.vector_load %arg6[%swap3A_778] {strides = array<i32>} : memref<1024xf32, #tpu.memory_space<vmem>>, vector<16xf32>,
      tpu.vector_store %arg6[%swap3A_778], %sub3A_777 {strides = array<i32>} : memref<1024xf32, #tpu.memory_space<vmem>>, vector<16xf32>,
      %max3A_780 = arith.constant 0 : i32
      %max3A_781 = vector.broadcast %max3A_780 : i32 to vector<16xi32>
      %max3A_782 = arith.maxsi %select_n3A_741, %max3A_781 : vector<16xi32>
      %min3A_783 = arith.constant 511 : i32
      %min3A_784 = vector.broadcast %min3A_783 : i32 to vector<16xi32>
      %min3A_785 = arith.minsi %max3A_782, %min3A_784 : vector<16xi32>
      %swap3A_786 = arith.constant 192 : index
      %swap3A_787 = tpu.vector_load %arg7[%swap3A_786] {strides = array<i32>} : memref<512xi32, #tpu.memory_space<vmem>>, vector<16xi32>,
      tpu.vector_store %arg7[%swap3A_786], %min3A_785 {strides = array<i32>} : memref<512xi32, #tpu.memory_space<vmem>>, vector<16xi32>,
      %get3A_788 = arith.constant 208 : index
      %get3A_789 = tpu.vector_load %arg4[%get3A_788] {strides = array<i32>} : memref<512xf32, #tpu.memory_space<vmem>>, vector<16xf32>,
      %sub3A_790 = arith.constant -2.000000e+00 : f32
      %sub3A_791 = vector.broadcast %sub3A_790 : f32 to vector<16xf32>
      %sub3A_792 = arith.subf %get3A_789, %sub3A_791 : vector<16xf32>
      %mul3A_793 = arith.constant 1.280000e+02 : f32
      %mul3A_794 = vector.broadcast %mul3A_793 : f32 to vector<16xf32>
      %mul3A_795 = arith.mulf %sub3A_792, %mul3A_794 : vector<16xf32>
      %convert_element_type3A_796 = arith.fptosi %mul3A_795 : vector<16xf32> to vector<16xi32>
      %convert_element_type3A_797 = arith.sitofp %convert_element_type3A_796 : vector<16xi32> to vector<16xf32>
      %gt3A_798 = arith.cmpf ogt, %convert_element_type3A_797, %mul3A_795 : vector<16xf32>
      %sub3A_799 = arith.constant 1 : i32
      %sub3A_800 = vector.broadcast %sub3A_799 : i32 to vector<16xi32>
      %sub3A_801 = arith.subi %convert_element_type3A_796, %sub3A_800 : vector<16xi32>
      %select_n3A_802 = arith.select %gt3A_798, %sub3A_801, %convert_element_type3A_796 : vector<16xi1>, vector<16xi32>
      %convert_element_type3A_803 = arith.sitofp %select_n3A_802 : vector<16xi32> to vector<16xf32>
      %sub3A_804 = arith.subf %mul3A_795, %convert_element_type3A_803 : vector<16xf32>
      %sub3A_805 = arith.constant 1.000000e+00 : f32
      %sub3A_806 = vector.broadcast %sub3A_805 : f32 to vector<16xf32>
      %sub3A_807 = arith.subf %sub3A_806, %sub3A_804 : vector<16xf32>
      %add3A_808 = arith.constant 1 : i32
      %add3A_809 = vector.broadcast %add3A_808 : i32 to vector<16xi32>
      %add3A_810 = arith.addi %select_n3A_802, %add3A_809 : vector<16xi32>
      %max3A_811 = arith.constant 0 : i32
      %max3A_812 = vector.broadcast %max3A_811 : i32 to vector<16xi32>
      %max3A_813 = arith.maxsi %add3A_810, %max3A_812 : vector<16xi32>
      %min3A_814 = arith.constant 511 : i32
      %min3A_815 = vector.broadcast %min3A_814 : i32 to vector<16xi32>
      %min3A_816 = arith.minsi %max3A_813, %min3A_815 : vector<16xi32>
      %ge3A_817 = arith.constant 0 : i32
      %ge3A_818 = vector.broadcast %ge3A_817 : i32 to vector<16xi32>
      %ge3A_819 = arith.cmpi sge, %select_n3A_802, %ge3A_818 : vector<16xi32>
      %le3A_820 = arith.constant 511 : i32
      %le3A_821 = vector.broadcast %le3A_820 : i32 to vector<16xi32>
      %le3A_822 = arith.cmpi sle, %select_n3A_802, %le3A_821 : vector<16xi32>
      %and3A_823 = arith.andi %ge3A_819, %le3A_822 : vector<16xi1>
      %jit3A_824 = arith.constant 0 : i32
      %broadcast_in_dim3A_825 = vector.broadcast %jit3A_824 : i32 to vector<16xi32>
      %select_n3A_826 = arith.select %and3A_823, %select_n3A_802, %broadcast_in_dim3A_825 : vector<16xi1>, vector<16xi32>
      %swap3A_827 = arith.constant 208 : index
      %swap3A_828 = tpu.vector_load %arg5[%swap3A_827] {strides = array<i32>} : memref<1024xi32, #tpu.memory_space<vmem>>, vector<16xi32>,
      tpu.vector_store %arg5[%swap3A_827], %select_n3A_826 {strides = array<i32>} : memref<1024xi32, #tpu.memory_space<vmem>>, vector<16xi32>,
      %jit3A_829 = arith.constant 0.000000e+00 : f32
      %broadcast_in_dim3A_830 = vector.broadcast %jit3A_829 : f32 to vector<16xf32>
      %select_n3A_831 = arith.select %and3A_823, %sub3A_807, %broadcast_in_dim3A_830 : vector<16xi1>, vector<16xf32>
      %swap3A_832 = arith.constant 208 : index
      %swap3A_833 = tpu.vector_load %arg6[%swap3A_832] {strides = array<i32>} : memref<1024xf32, #tpu.memory_space<vmem>>, vector<16xf32>,
      tpu.vector_store %arg6[%swap3A_832], %select_n3A_831 {strides = array<i32>} : memref<1024xf32, #tpu.memory_space<vmem>>, vector<16xf32>,
      %swap3A_834 = arith.constant 720 : index
      %swap3A_835 = tpu.vector_load %arg5[%swap3A_834] {strides = array<i32>} : memref<1024xi32, #tpu.memory_space<vmem>>, vector<16xi32>,
      tpu.vector_store %arg5[%swap3A_834], %min3A_816 {strides = array<i32>} : memref<1024xi32, #tpu.memory_space<vmem>>, vector<16xi32>,
      %sub3A_836 = arith.constant 1.000000e+00 : f32
      %sub3A_837 = vector.broadcast %sub3A_836 : f32 to vector<16xf32>
      %sub3A_838 = arith.subf %sub3A_837, %sub3A_807 : vector<16xf32>
      %swap3A_839 = arith.constant 720 : index
      %swap3A_840 = tpu.vector_load %arg6[%swap3A_839] {strides = array<i32>} : memref<1024xf32, #tpu.memory_space<vmem>>, vector<16xf32>,
      tpu.vector_store %arg6[%swap3A_839], %sub3A_838 {strides = array<i32>} : memref<1024xf32, #tpu.memory_space<vmem>>, vector<16xf32>,
      %max3A_841 = arith.constant 0 : i32
      %max3A_842 = vector.broadcast %max3A_841 : i32 to vector<16xi32>
      %max3A_843 = arith.maxsi %select_n3A_802, %max3A_842 : vector<16xi32>
      %min3A_844 = arith.constant 511 : i32
      %min3A_845 = vector.broadcast %min3A_844 : i32 to vector<16xi32>
      %min3A_846 = arith.minsi %max3A_843, %min3A_845 : vector<16xi32>
      %swap3A_847 = arith.constant 208 : index
      %swap3A_848 = tpu.vector_load %arg7[%swap3A_847] {strides = array<i32>} : memref<512xi32, #tpu.memory_space<vmem>>, vector<16xi32>,
      tpu.vector_store %arg7[%swap3A_847], %min3A_846 {strides = array<i32>} : memref<512xi32, #tpu.memory_space<vmem>>, vector<16xi32>,
      %get3A_849 = arith.constant 224 : index
      %get3A_850 = tpu.vector_load %arg4[%get3A_849] {strides = array<i32>} : memref<512xf32, #tpu.memory_space<vmem>>, vector<16xf32>,
      %sub3A_851 = arith.constant -2.000000e+00 : f32
      %sub3A_852 = vector.broadcast %sub3A_851 : f32 to vector<16xf32>
      %sub3A_853 = arith.subf %get3A_850, %sub3A_852 : vector<16xf32>
      %mul3A_854 = arith.constant 1.280000e+02 : f32
      %mul3A_855 = vector.broadcast %mul3A_854 : f32 to vector<16xf32>
      %mul3A_856 = arith.mulf %sub3A_853, %mul3A_855 : vector<16xf32>
      %convert_element_type3A_857 = arith.fptosi %mul3A_856 : vector<16xf32> to vector<16xi32>
      %convert_element_type3A_858 = arith.sitofp %convert_element_type3A_857 : vector<16xi32> to vector<16xf32>
      %gt3A_859 = arith.cmpf ogt, %convert_element_type3A_858, %mul3A_856 : vector<16xf32>
      %sub3A_860 = arith.constant 1 : i32
      %sub3A_861 = vector.broadcast %sub3A_860 : i32 to vector<16xi32>
      %sub3A_862 = arith.subi %convert_element_type3A_857, %sub3A_861 : vector<16xi32>
      %select_n3A_863 = arith.select %gt3A_859, %sub3A_862, %convert_element_type3A_857 : vector<16xi1>, vector<16xi32>
      %convert_element_type3A_864 = arith.sitofp %select_n3A_863 : vector<16xi32> to vector<16xf32>
      %sub3A_865 = arith.subf %mul3A_856, %convert_element_type3A_864 : vector<16xf32>
      %sub3A_866 = arith.constant 1.000000e+00 : f32
      %sub3A_867 = vector.broadcast %sub3A_866 : f32 to vector<16xf32>
      %sub3A_868 = arith.subf %sub3A_867, %sub3A_865 : vector<16xf32>
      %add3A_869 = arith.constant 1 : i32
      %add3A_870 = vector.broadcast %add3A_869 : i32 to vector<16xi32>
      %add3A_871 = arith.addi %select_n3A_863, %add3A_870 : vector<16xi32>
      %max3A_872 = arith.constant 0 : i32
      %max3A_873 = vector.broadcast %max3A_872 : i32 to vector<16xi32>
      %max3A_874 = arith.maxsi %add3A_871, %max3A_873 : vector<16xi32>
      %min3A_875 = arith.constant 511 : i32
      %min3A_876 = vector.broadcast %min3A_875 : i32 to vector<16xi32>
      %min3A_877 = arith.minsi %max3A_874, %min3A_876 : vector<16xi32>
      %ge3A_878 = arith.constant 0 : i32
      %ge3A_879 = vector.broadcast %ge3A_878 : i32 to vector<16xi32>
      %ge3A_880 = arith.cmpi sge, %select_n3A_863, %ge3A_879 : vector<16xi32>
      %le3A_881 = arith.constant 511 : i32
      %le3A_882 = vector.broadcast %le3A_881 : i32 to vector<16xi32>
      %le3A_883 = arith.cmpi sle, %select_n3A_863, %le3A_882 : vector<16xi32>
      %and3A_884 = arith.andi %ge3A_880, %le3A_883 : vector<16xi1>
      %jit3A_885 = arith.constant 0 : i32
      %broadcast_in_dim3A_886 = vector.broadcast %jit3A_885 : i32 to vector<16xi32>
      %select_n3A_887 = arith.select %and3A_884, %select_n3A_863, %broadcast_in_dim3A_886 : vector<16xi1>, vector<16xi32>
      %swap3A_888 = arith.constant 224 : index
      %swap3A_889 = tpu.vector_load %arg5[%swap3A_888] {strides = array<i32>} : memref<1024xi32, #tpu.memory_space<vmem>>, vector<16xi32>,
      tpu.vector_store %arg5[%swap3A_888], %select_n3A_887 {strides = array<i32>} : memref<1024xi32, #tpu.memory_space<vmem>>, vector<16xi32>,
      %jit3A_890 = arith.constant 0.000000e+00 : f32
      %broadcast_in_dim3A_891 = vector.broadcast %jit3A_890 : f32 to vector<16xf32>
      %select_n3A_892 = arith.select %and3A_884, %sub3A_868, %broadcast_in_dim3A_891 : vector<16xi1>, vector<16xf32>
      %swap3A_893 = arith.constant 224 : index
      %swap3A_894 = tpu.vector_load %arg6[%swap3A_893] {strides = array<i32>} : memref<1024xf32, #tpu.memory_space<vmem>>, vector<16xf32>,
      tpu.vector_store %arg6[%swap3A_893], %select_n3A_892 {strides = array<i32>} : memref<1024xf32, #tpu.memory_space<vmem>>, vector<16xf32>,
      %swap3A_895 = arith.constant 736 : index
      %swap3A_896 = tpu.vector_load %arg5[%swap3A_895] {strides = array<i32>} : memref<1024xi32, #tpu.memory_space<vmem>>, vector<16xi32>,
      tpu.vector_store %arg5[%swap3A_895], %min3A_877 {strides = array<i32>} : memref<1024xi32, #tpu.memory_space<vmem>>, vector<16xi32>,
      %sub3A_897 = arith.constant 1.000000e+00 : f32
      %sub3A_898 = vector.broadcast %sub3A_897 : f32 to vector<16xf32>
      %sub3A_899 = arith.subf %sub3A_898, %sub3A_868 : vector<16xf32>
      %swap3A_900 = arith.constant 736 : index
      %swap3A_901 = tpu.vector_load %arg6[%swap3A_900] {strides = array<i32>} : memref<1024xf32, #tpu.memory_space<vmem>>, vector<16xf32>,
      tpu.vector_store %arg6[%swap3A_900], %sub3A_899 {strides = array<i32>} : memref<1024xf32, #tpu.memory_space<vmem>>, vector<16xf32>,
      %max3A_902 = arith.constant 0 : i32
      %max3A_903 = vector.broadcast %max3A_902 : i32 to vector<16xi32>
      %max3A_904 = arith.maxsi %select_n3A_863, %max3A_903 : vector<16xi32>
      %min3A_905 = arith.constant 511 : i32
      %min3A_906 = vector.broadcast %min3A_905 : i32 to vector<16xi32>
      %min3A_907 = arith.minsi %max3A_904, %min3A_906 : vector<16xi32>
      %swap3A_908 = arith.constant 224 : index
      %swap3A_909 = tpu.vector_load %arg7[%swap3A_908] {strides = array<i32>} : memref<512xi32, #tpu.memory_space<vmem>>, vector<16xi32>,
      tpu.vector_store %arg7[%swap3A_908], %min3A_907 {strides = array<i32>} : memref<512xi32, #tpu.memory_space<vmem>>, vector<16xi32>,
      %get3A_910 = arith.constant 240 : index
      %get3A_911 = tpu.vector_load %arg4[%get3A_910] {strides = array<i32>} : memref<512xf32, #tpu.memory_space<vmem>>, vector<16xf32>,
      %sub3A_912 = arith.constant -2.000000e+00 : f32
      %sub3A_913 = vector.broadcast %sub3A_912 : f32 to vector<16xf32>
      %sub3A_914 = arith.subf %get3A_911, %sub3A_913 : vector<16xf32>
      %mul3A_915 = arith.constant 1.280000e+02 : f32
      %mul3A_916 = vector.broadcast %mul3A_915 : f32 to vector<16xf32>
      %mul3A_917 = arith.mulf %sub3A_914, %mul3A_916 : vector<16xf32>
      %convert_element_type3A_918 = arith.fptosi %mul3A_917 : vector<16xf32> to vector<16xi32>
      %convert_element_type3A_919 = arith.sitofp %convert_element_type3A_918 : vector<16xi32> to vector<16xf32>
      %gt3A_920 = arith.cmpf ogt, %convert_element_type3A_919, %mul3A_917 : vector<16xf32>
      %sub3A_921 = arith.constant 1 : i32
      %sub3A_922 = vector.broadcast %sub3A_921 : i32 to vector<16xi32>
      %sub3A_923 = arith.subi %convert_element_type3A_918, %sub3A_922 : vector<16xi32>
      %select_n3A_924 = arith.select %gt3A_920, %sub3A_923, %convert_element_type3A_918 : vector<16xi1>, vector<16xi32>
      %convert_element_type3A_925 = arith.sitofp %select_n3A_924 : vector<16xi32> to vector<16xf32>
      %sub3A_926 = arith.subf %mul3A_917, %convert_element_type3A_925 : vector<16xf32>
      %sub3A_927 = arith.constant 1.000000e+00 : f32
      %sub3A_928 = vector.broadcast %sub3A_927 : f32 to vector<16xf32>
      %sub3A_929 = arith.subf %sub3A_928, %sub3A_926 : vector<16xf32>
      %add3A_930 = arith.constant 1 : i32
      %add3A_931 = vector.broadcast %add3A_930 : i32 to vector<16xi32>
      %add3A_932 = arith.addi %select_n3A_924, %add3A_931 : vector<16xi32>
      %max3A_933 = arith.constant 0 : i32
      %max3A_934 = vector.broadcast %max3A_933 : i32 to vector<16xi32>
      %max3A_935 = arith.maxsi %add3A_932, %max3A_934 : vector<16xi32>
      %min3A_936 = arith.constant 511 : i32
      %min3A_937 = vector.broadcast %min3A_936 : i32 to vector<16xi32>
      %min3A_938 = arith.minsi %max3A_935, %min3A_937 : vector<16xi32>
      %ge3A_939 = arith.constant 0 : i32
      %ge3A_940 = vector.broadcast %ge3A_939 : i32 to vector<16xi32>
      %ge3A_941 = arith.cmpi sge, %select_n3A_924, %ge3A_940 : vector<16xi32>
      %le3A_942 = arith.constant 511 : i32
      %le3A_943 = vector.broadcast %le3A_942 : i32 to vector<16xi32>
      %le3A_944 = arith.cmpi sle, %select_n3A_924, %le3A_943 : vector<16xi32>
      %and3A_945 = arith.andi %ge3A_941, %le3A_944 : vector<16xi1>
      %jit3A_946 = arith.constant 0 : i32
      %broadcast_in_dim3A_947 = vector.broadcast %jit3A_946 : i32 to vector<16xi32>
      %select_n3A_948 = arith.select %and3A_945, %select_n3A_924, %broadcast_in_dim3A_947 : vector<16xi1>, vector<16xi32>
      %swap3A_949 = arith.constant 240 : index
      %swap3A_950 = tpu.vector_load %arg5[%swap3A_949] {strides = array<i32>} : memref<1024xi32, #tpu.memory_space<vmem>>, vector<16xi32>,
      tpu.vector_store %arg5[%swap3A_949], %select_n3A_948 {strides = array<i32>} : memref<1024xi32, #tpu.memory_space<vmem>>, vector<16xi32>,
      %jit3A_951 = arith.constant 0.000000e+00 : f32
      %broadcast_in_dim3A_952 = vector.broadcast %jit3A_951 : f32 to vector<16xf32>
      %select_n3A_953 = arith.select %and3A_945, %sub3A_929, %broadcast_in_dim3A_952 : vector<16xi1>, vector<16xf32>
      %swap3A_954 = arith.constant 240 : index
      %swap3A_955 = tpu.vector_load %arg6[%swap3A_954] {strides = array<i32>} : memref<1024xf32, #tpu.memory_space<vmem>>, vector<16xf32>,
      tpu.vector_store %arg6[%swap3A_954], %select_n3A_953 {strides = array<i32>} : memref<1024xf32, #tpu.memory_space<vmem>>, vector<16xf32>,
      %swap3A_956 = arith.constant 752 : index
      %swap3A_957 = tpu.vector_load %arg5[%swap3A_956] {strides = array<i32>} : memref<1024xi32, #tpu.memory_space<vmem>>, vector<16xi32>,
      tpu.vector_store %arg5[%swap3A_956], %min3A_938 {strides = array<i32>} : memref<1024xi32, #tpu.memory_space<vmem>>, vector<16xi32>,
      %sub3A_958 = arith.constant 1.000000e+00 : f32
      %sub3A_959 = vector.broadcast %sub3A_958 : f32 to vector<16xf32>
      %sub3A_960 = arith.subf %sub3A_959, %sub3A_929 : vector<16xf32>
      %swap3A_961 = arith.constant 752 : index
      %swap3A_962 = tpu.vector_load %arg6[%swap3A_961] {strides = array<i32>} : memref<1024xf32, #tpu.memory_space<vmem>>, vector<16xf32>,
      tpu.vector_store %arg6[%swap3A_961], %sub3A_960 {strides = array<i32>} : memref<1024xf32, #tpu.memory_space<vmem>>, vector<16xf32>,
      %max3A_963 = arith.constant 0 : i32
      %max3A_964 = vector.broadcast %max3A_963 : i32 to vector<16xi32>
      %max3A_965 = arith.maxsi %select_n3A_924, %max3A_964 : vector<16xi32>
      %min3A_966 = arith.constant 511 : i32
      %min3A_967 = vector.broadcast %min3A_966 : i32 to vector<16xi32>
      %min3A_968 = arith.minsi %max3A_965, %min3A_967 : vector<16xi32>
      %swap3A_969 = arith.constant 240 : index
      %swap3A_970 = tpu.vector_load %arg7[%swap3A_969] {strides = array<i32>} : memref<512xi32, #tpu.memory_space<vmem>>, vector<16xi32>,
      tpu.vector_store %arg7[%swap3A_969], %min3A_968 {strides = array<i32>} : memref<512xi32, #tpu.memory_space<vmem>>, vector<16xi32>,
      %get3A_971 = arith.constant 256 : index
      %get3A_972 = tpu.vector_load %arg4[%get3A_971] {strides = array<i32>} : memref<512xf32, #tpu.memory_space<vmem>>, vector<16xf32>,
      %sub3A_973 = arith.constant -2.000000e+00 : f32
      %sub3A_974 = vector.broadcast %sub3A_973 : f32 to vector<16xf32>
      %sub3A_975 = arith.subf %get3A_972, %sub3A_974 : vector<16xf32>
      %mul3A_976 = arith.constant 1.280000e+02 : f32
      %mul3A_977 = vector.broadcast %mul3A_976 : f32 to vector<16xf32>
      %mul3A_978 = arith.mulf %sub3A_975, %mul3A_977 : vector<16xf32>
      %convert_element_type3A_979 = arith.fptosi %mul3A_978 : vector<16xf32> to vector<16xi32>
      %convert_element_type3A_980 = arith.sitofp %convert_element_type3A_979 : vector<16xi32> to vector<16xf32>
      %gt3A_981 = arith.cmpf ogt, %convert_element_type3A_980, %mul3A_978 : vector<16xf32>
      %sub3A_982 = arith.constant 1 : i32
      %sub3A_983 = vector.broadcast %sub3A_982 : i32 to vector<16xi32>
      %sub3A_984 = arith.subi %convert_element_type3A_979, %sub3A_983 : vector<16xi32>
      %select_n3A_985 = arith.select %gt3A_981, %sub3A_984, %convert_element_type3A_979 : vector<16xi1>, vector<16xi32>
      %convert_element_type3A_986 = arith.sitofp %select_n3A_985 : vector<16xi32> to vector<16xf32>
      %sub3A_987 = arith.subf %mul3A_978, %convert_element_type3A_986 : vector<16xf32>
      %sub3A_988 = arith.constant 1.000000e+00 : f32
      %sub3A_989 = vector.broadcast %sub3A_988 : f32 to vector<16xf32>
      %sub3A_990 = arith.subf %sub3A_989, %sub3A_987 : vector<16xf32>
      %add3A_991 = arith.constant 1 : i32
      %add3A_992 = vector.broadcast %add3A_991 : i32 to vector<16xi32>
      %add3A_993 = arith.addi %select_n3A_985, %add3A_992 : vector<16xi32>
      %max3A_994 = arith.constant 0 : i32
      %max3A_995 = vector.broadcast %max3A_994 : i32 to vector<16xi32>
      %max3A_996 = arith.maxsi %add3A_993, %max3A_995 : vector<16xi32>
      %min3A_997 = arith.constant 511 : i32
      %min3A_998 = vector.broadcast %min3A_997 : i32 to vector<16xi32>
      %min3A_999 = arith.minsi %max3A_996, %min3A_998 : vector<16xi32>
      %ge3A_1000 = arith.constant 0 : i32
      %ge3A_1001 = vector.broadcast %ge3A_1000 : i32 to vector<16xi32>
      %ge3A_1002 = arith.cmpi sge, %select_n3A_985, %ge3A_1001 : vector<16xi32>
      %le3A_1003 = arith.constant 511 : i32
      %le3A_1004 = vector.broadcast %le3A_1003 : i32 to vector<16xi32>
      %le3A_1005 = arith.cmpi sle, %select_n3A_985, %le3A_1004 : vector<16xi32>
      %and3A_1006 = arith.andi %ge3A_1002, %le3A_1005 : vector<16xi1>
      %jit3A_1007 = arith.constant 0 : i32
      %broadcast_in_dim3A_1008 = vector.broadcast %jit3A_1007 : i32 to vector<16xi32>
      %select_n3A_1009 = arith.select %and3A_1006, %select_n3A_985, %broadcast_in_dim3A_1008 : vector<16xi1>, vector<16xi32>
      %swap3A_1010 = arith.constant 256 : index
      %swap3A_1011 = tpu.vector_load %arg5[%swap3A_1010] {strides = array<i32>} : memref<1024xi32, #tpu.memory_space<vmem>>, vector<16xi32>,
      tpu.vector_store %arg5[%swap3A_1010], %select_n3A_1009 {strides = array<i32>} : memref<1024xi32, #tpu.memory_space<vmem>>, vector<16xi32>,
      %jit3A_1012 = arith.constant 0.000000e+00 : f32
      %broadcast_in_dim3A_1013 = vector.broadcast %jit3A_1012 : f32 to vector<16xf32>
      %select_n3A_1014 = arith.select %and3A_1006, %sub3A_990, %broadcast_in_dim3A_1013 : vector<16xi1>, vector<16xf32>
      %swap3A_1015 = arith.constant 256 : index
      %swap3A_1016 = tpu.vector_load %arg6[%swap3A_1015] {strides = array<i32>} : memref<1024xf32, #tpu.memory_space<vmem>>, vector<16xf32>,
      tpu.vector_store %arg6[%swap3A_1015], %select_n3A_1014 {strides = array<i32>} : memref<1024xf32, #tpu.memory_space<vmem>>, vector<16xf32>,
      %swap3A_1017 = arith.constant 768 : index
      %swap3A_1018 = tpu.vector_load %arg5[%swap3A_1017] {strides = array<i32>} : memref<1024xi32, #tpu.memory_space<vmem>>, vector<16xi32>,
      tpu.vector_store %arg5[%swap3A_1017], %min3A_999 {strides = array<i32>} : memref<1024xi32, #tpu.memory_space<vmem>>, vector<16xi32>,
      %sub3A_1019 = arith.constant 1.000000e+00 : f32
      %sub3A_1020 = vector.broadcast %sub3A_1019 : f32 to vector<16xf32>
      %sub3A_1021 = arith.subf %sub3A_1020, %sub3A_990 : vector<16xf32>
      %swap3A_1022 = arith.constant 768 : index
      %swap3A_1023 = tpu.vector_load %arg6[%swap3A_1022] {strides = array<i32>} : memref<1024xf32, #tpu.memory_space<vmem>>, vector<16xf32>,
      tpu.vector_store %arg6[%swap3A_1022], %sub3A_1021 {strides = array<i32>} : memref<1024xf32, #tpu.memory_space<vmem>>, vector<16xf32>,
      %max3A_1024 = arith.constant 0 : i32
      %max3A_1025 = vector.broadcast %max3A_1024 : i32 to vector<16xi32>
      %max3A_1026 = arith.maxsi %select_n3A_985, %max3A_1025 : vector<16xi32>
      %min3A_1027 = arith.constant 511 : i32
      %min3A_1028 = vector.broadcast %min3A_1027 : i32 to vector<16xi32>
      %min3A_1029 = arith.minsi %max3A_1026, %min3A_1028 : vector<16xi32>
      %swap3A_1030 = arith.constant 256 : index
      %swap3A_1031 = tpu.vector_load %arg7[%swap3A_1030] {strides = array<i32>} : memref<512xi32, #tpu.memory_space<vmem>>, vector<16xi32>,
      tpu.vector_store %arg7[%swap3A_1030], %min3A_1029 {strides = array<i32>} : memref<512xi32, #tpu.memory_space<vmem>>, vector<16xi32>,
      %get3A_1032 = arith.constant 272 : index
      %get3A_1033 = tpu.vector_load %arg4[%get3A_1032] {strides = array<i32>} : memref<512xf32, #tpu.memory_space<vmem>>, vector<16xf32>,
      %sub3A_1034 = arith.constant -2.000000e+00 : f32
      %sub3A_1035 = vector.broadcast %sub3A_1034 : f32 to vector<16xf32>
      %sub3A_1036 = arith.subf %get3A_1033, %sub3A_1035 : vector<16xf32>
      %mul3A_1037 = arith.constant 1.280000e+02 : f32
      %mul3A_1038 = vector.broadcast %mul3A_1037 : f32 to vector<16xf32>
      %mul3A_1039 = arith.mulf %sub3A_1036, %mul3A_1038 : vector<16xf32>
      %convert_element_type3A_1040 = arith.fptosi %mul3A_1039 : vector<16xf32> to vector<16xi32>
      %convert_element_type3A_1041 = arith.sitofp %convert_element_type3A_1040 : vector<16xi32> to vector<16xf32>
      %gt3A_1042 = arith.cmpf ogt, %convert_element_type3A_1041, %mul3A_1039 : vector<16xf32>
      %sub3A_1043 = arith.constant 1 : i32
      %sub3A_1044 = vector.broadcast %sub3A_1043 : i32 to vector<16xi32>
      %sub3A_1045 = arith.subi %convert_element_type3A_1040, %sub3A_1044 : vector<16xi32>
      %select_n3A_1046 = arith.select %gt3A_1042, %sub3A_1045, %convert_element_type3A_1040 : vector<16xi1>, vector<16xi32>
      %convert_element_type3A_1047 = arith.sitofp %select_n3A_1046 : vector<16xi32> to vector<16xf32>
      %sub3A_1048 = arith.subf %mul3A_1039, %convert_element_type3A_1047 : vector<16xf32>
      %sub3A_1049 = arith.constant 1.000000e+00 : f32
      %sub3A_1050 = vector.broadcast %sub3A_1049 : f32 to vector<16xf32>
      %sub3A_1051 = arith.subf %sub3A_1050, %sub3A_1048 : vector<16xf32>
      %add3A_1052 = arith.constant 1 : i32
      %add3A_1053 = vector.broadcast %add3A_1052 : i32 to vector<16xi32>
      %add3A_1054 = arith.addi %select_n3A_1046, %add3A_1053 : vector<16xi32>
      %max3A_1055 = arith.constant 0 : i32
      %max3A_1056 = vector.broadcast %max3A_1055 : i32 to vector<16xi32>
      %max3A_1057 = arith.maxsi %add3A_1054, %max3A_1056 : vector<16xi32>
      %min3A_1058 = arith.constant 511 : i32
      %min3A_1059 = vector.broadcast %min3A_1058 : i32 to vector<16xi32>
      %min3A_1060 = arith.minsi %max3A_1057, %min3A_1059 : vector<16xi32>
      %ge3A_1061 = arith.constant 0 : i32
      %ge3A_1062 = vector.broadcast %ge3A_1061 : i32 to vector<16xi32>
      %ge3A_1063 = arith.cmpi sge, %select_n3A_1046, %ge3A_1062 : vector<16xi32>
      %le3A_1064 = arith.constant 511 : i32
      %le3A_1065 = vector.broadcast %le3A_1064 : i32 to vector<16xi32>
      %le3A_1066 = arith.cmpi sle, %select_n3A_1046, %le3A_1065 : vector<16xi32>
      %and3A_1067 = arith.andi %ge3A_1063, %le3A_1066 : vector<16xi1>
      %jit3A_1068 = arith.constant 0 : i32
      %broadcast_in_dim3A_1069 = vector.broadcast %jit3A_1068 : i32 to vector<16xi32>
      %select_n3A_1070 = arith.select %and3A_1067, %select_n3A_1046, %broadcast_in_dim3A_1069 : vector<16xi1>, vector<16xi32>
      %swap3A_1071 = arith.constant 272 : index
      %swap3A_1072 = tpu.vector_load %arg5[%swap3A_1071] {strides = array<i32>} : memref<1024xi32, #tpu.memory_space<vmem>>, vector<16xi32>,
      tpu.vector_store %arg5[%swap3A_1071], %select_n3A_1070 {strides = array<i32>} : memref<1024xi32, #tpu.memory_space<vmem>>, vector<16xi32>,
      %jit3A_1073 = arith.constant 0.000000e+00 : f32
      %broadcast_in_dim3A_1074 = vector.broadcast %jit3A_1073 : f32 to vector<16xf32>
      %select_n3A_1075 = arith.select %and3A_1067, %sub3A_1051, %broadcast_in_dim3A_1074 : vector<16xi1>, vector<16xf32>
      %swap3A_1076 = arith.constant 272 : index
      %swap3A_1077 = tpu.vector_load %arg6[%swap3A_1076] {strides = array<i32>} : memref<1024xf32, #tpu.memory_space<vmem>>, vector<16xf32>,
      tpu.vector_store %arg6[%swap3A_1076], %select_n3A_1075 {strides = array<i32>} : memref<1024xf32, #tpu.memory_space<vmem>>, vector<16xf32>,
      %swap3A_1078 = arith.constant 784 : index
      %swap3A_1079 = tpu.vector_load %arg5[%swap3A_1078] {strides = array<i32>} : memref<1024xi32, #tpu.memory_space<vmem>>, vector<16xi32>,
      tpu.vector_store %arg5[%swap3A_1078], %min3A_1060 {strides = array<i32>} : memref<1024xi32, #tpu.memory_space<vmem>>, vector<16xi32>,
      %sub3A_1080 = arith.constant 1.000000e+00 : f32
      %sub3A_1081 = vector.broadcast %sub3A_1080 : f32 to vector<16xf32>
      %sub3A_1082 = arith.subf %sub3A_1081, %sub3A_1051 : vector<16xf32>
      %swap3A_1083 = arith.constant 784 : index
      %swap3A_1084 = tpu.vector_load %arg6[%swap3A_1083] {strides = array<i32>} : memref<1024xf32, #tpu.memory_space<vmem>>, vector<16xf32>,
      tpu.vector_store %arg6[%swap3A_1083], %sub3A_1082 {strides = array<i32>} : memref<1024xf32, #tpu.memory_space<vmem>>, vector<16xf32>,
      %max3A_1085 = arith.constant 0 : i32
      %max3A_1086 = vector.broadcast %max3A_1085 : i32 to vector<16xi32>
      %max3A_1087 = arith.maxsi %select_n3A_1046, %max3A_1086 : vector<16xi32>
      %min3A_1088 = arith.constant 511 : i32
      %min3A_1089 = vector.broadcast %min3A_1088 : i32 to vector<16xi32>
      %min3A_1090 = arith.minsi %max3A_1087, %min3A_1089 : vector<16xi32>
      %swap3A_1091 = arith.constant 272 : index
      %swap3A_1092 = tpu.vector_load %arg7[%swap3A_1091] {strides = array<i32>} : memref<512xi32, #tpu.memory_space<vmem>>, vector<16xi32>,
      tpu.vector_store %arg7[%swap3A_1091], %min3A_1090 {strides = array<i32>} : memref<512xi32, #tpu.memory_space<vmem>>, vector<16xi32>,
      %get3A_1093 = arith.constant 288 : index
      %get3A_1094 = tpu.vector_load %arg4[%get3A_1093] {strides = array<i32>} : memref<512xf32, #tpu.memory_space<vmem>>, vector<16xf32>,
      %sub3A_1095 = arith.constant -2.000000e+00 : f32
      %sub3A_1096 = vector.broadcast %sub3A_1095 : f32 to vector<16xf32>
      %sub3A_1097 = arith.subf %get3A_1094, %sub3A_1096 : vector<16xf32>
      %mul3A_1098 = arith.constant 1.280000e+02 : f32
      %mul3A_1099 = vector.broadcast %mul3A_1098 : f32 to vector<16xf32>
      %mul3A_1100 = arith.mulf %sub3A_1097, %mul3A_1099 : vector<16xf32>
      %convert_element_type3A_1101 = arith.fptosi %mul3A_1100 : vector<16xf32> to vector<16xi32>
      %convert_element_type3A_1102 = arith.sitofp %convert_element_type3A_1101 : vector<16xi32> to vector<16xf32>
      %gt3A_1103 = arith.cmpf ogt, %convert_element_type3A_1102, %mul3A_1100 : vector<16xf32>
      %sub3A_1104 = arith.constant 1 : i32
      %sub3A_1105 = vector.broadcast %sub3A_1104 : i32 to vector<16xi32>
      %sub3A_1106 = arith.subi %convert_element_type3A_1101, %sub3A_1105 : vector<16xi32>
      %select_n3A_1107 = arith.select %gt3A_1103, %sub3A_1106, %convert_element_type3A_1101 : vector<16xi1>, vector<16xi32>
      %convert_element_type3A_1108 = arith.sitofp %select_n3A_1107 : vector<16xi32> to vector<16xf32>
      %sub3A_1109 = arith.subf %mul3A_1100, %convert_element_type3A_1108 : vector<16xf32>
      %sub3A_1110 = arith.constant 1.000000e+00 : f32
      %sub3A_1111 = vector.broadcast %sub3A_1110 : f32 to vector<16xf32>
      %sub3A_1112 = arith.subf %sub3A_1111, %sub3A_1109 : vector<16xf32>
      %add3A_1113 = arith.constant 1 : i32
      %add3A_1114 = vector.broadcast %add3A_1113 : i32 to vector<16xi32>
      %add3A_1115 = arith.addi %select_n3A_1107, %add3A_1114 : vector<16xi32>
      %max3A_1116 = arith.constant 0 : i32
      %max3A_1117 = vector.broadcast %max3A_1116 : i32 to vector<16xi32>
      %max3A_1118 = arith.maxsi %add3A_1115, %max3A_1117 : vector<16xi32>
      %min3A_1119 = arith.constant 511 : i32
      %min3A_1120 = vector.broadcast %min3A_1119 : i32 to vector<16xi32>
      %min3A_1121 = arith.minsi %max3A_1118, %min3A_1120 : vector<16xi32>
      %ge3A_1122 = arith.constant 0 : i32
      %ge3A_1123 = vector.broadcast %ge3A_1122 : i32 to vector<16xi32>
      %ge3A_1124 = arith.cmpi sge, %select_n3A_1107, %ge3A_1123 : vector<16xi32>
      %le3A_1125 = arith.constant 511 : i32
      %le3A_1126 = vector.broadcast %le3A_1125 : i32 to vector<16xi32>
      %le3A_1127 = arith.cmpi sle, %select_n3A_1107, %le3A_1126 : vector<16xi32>
      %and3A_1128 = arith.andi %ge3A_1124, %le3A_1127 : vector<16xi1>
      %jit3A_1129 = arith.constant 0 : i32
      %broadcast_in_dim3A_1130 = vector.broadcast %jit3A_1129 : i32 to vector<16xi32>
      %select_n3A_1131 = arith.select %and3A_1128, %select_n3A_1107, %broadcast_in_dim3A_1130 : vector<16xi1>, vector<16xi32>
      %swap3A_1132 = arith.constant 288 : index
      %swap3A_1133 = tpu.vector_load %arg5[%swap3A_1132] {strides = array<i32>} : memref<1024xi32, #tpu.memory_space<vmem>>, vector<16xi32>,
      tpu.vector_store %arg5[%swap3A_1132], %select_n3A_1131 {strides = array<i32>} : memref<1024xi32, #tpu.memory_space<vmem>>, vector<16xi32>,
      %jit3A_1134 = arith.constant 0.000000e+00 : f32
      %broadcast_in_dim3A_1135 = vector.broadcast %jit3A_1134 : f32 to vector<16xf32>
      %select_n3A_1136 = arith.select %and3A_1128, %sub3A_1112, %broadcast_in_dim3A_1135 : vector<16xi1>, vector<16xf32>
      %swap3A_1137 = arith.constant 288 : index
      %swap3A_1138 = tpu.vector_load %arg6[%swap3A_1137] {strides = array<i32>} : memref<1024xf32, #tpu.memory_space<vmem>>, vector<16xf32>,
      tpu.vector_store %arg6[%swap3A_1137], %select_n3A_1136 {strides = array<i32>} : memref<1024xf32, #tpu.memory_space<vmem>>, vector<16xf32>,
      %swap3A_1139 = arith.constant 800 : index
      %swap3A_1140 = tpu.vector_load %arg5[%swap3A_1139] {strides = array<i32>} : memref<1024xi32, #tpu.memory_space<vmem>>, vector<16xi32>,
      tpu.vector_store %arg5[%swap3A_1139], %min3A_1121 {strides = array<i32>} : memref<1024xi32, #tpu.memory_space<vmem>>, vector<16xi32>,
      %sub3A_1141 = arith.constant 1.000000e+00 : f32
      %sub3A_1142 = vector.broadcast %sub3A_1141 : f32 to vector<16xf32>
      %sub3A_1143 = arith.subf %sub3A_1142, %sub3A_1112 : vector<16xf32>
      %swap3A_1144 = arith.constant 800 : index
      %swap3A_1145 = tpu.vector_load %arg6[%swap3A_1144] {strides = array<i32>} : memref<1024xf32, #tpu.memory_space<vmem>>, vector<16xf32>,
      tpu.vector_store %arg6[%swap3A_1144], %sub3A_1143 {strides = array<i32>} : memref<1024xf32, #tpu.memory_space<vmem>>, vector<16xf32>,
      %max3A_1146 = arith.constant 0 : i32
      %max3A_1147 = vector.broadcast %max3A_1146 : i32 to vector<16xi32>
      %max3A_1148 = arith.maxsi %select_n3A_1107, %max3A_1147 : vector<16xi32>
      %min3A_1149 = arith.constant 511 : i32
      %min3A_1150 = vector.broadcast %min3A_1149 : i32 to vector<16xi32>
      %min3A_1151 = arith.minsi %max3A_1148, %min3A_1150 : vector<16xi32>
      %swap3A_1152 = arith.constant 288 : index
      %swap3A_1153 = tpu.vector_load %arg7[%swap3A_1152] {strides = array<i32>} : memref<512xi32, #tpu.memory_space<vmem>>, vector<16xi32>,
      tpu.vector_store %arg7[%swap3A_1152], %min3A_1151 {strides = array<i32>} : memref<512xi32, #tpu.memory_space<vmem>>, vector<16xi32>,
      %get3A_1154 = arith.constant 304 : index
      %get3A_1155 = tpu.vector_load %arg4[%get3A_1154] {strides = array<i32>} : memref<512xf32, #tpu.memory_space<vmem>>, vector<16xf32>,
      %sub3A_1156 = arith.constant -2.000000e+00 : f32
      %sub3A_1157 = vector.broadcast %sub3A_1156 : f32 to vector<16xf32>
      %sub3A_1158 = arith.subf %get3A_1155, %sub3A_1157 : vector<16xf32>
      %mul3A_1159 = arith.constant 1.280000e+02 : f32
      %mul3A_1160 = vector.broadcast %mul3A_1159 : f32 to vector<16xf32>
      %mul3A_1161 = arith.mulf %sub3A_1158, %mul3A_1160 : vector<16xf32>
      %convert_element_type3A_1162 = arith.fptosi %mul3A_1161 : vector<16xf32> to vector<16xi32>
      %convert_element_type3A_1163 = arith.sitofp %convert_element_type3A_1162 : vector<16xi32> to vector<16xf32>
      %gt3A_1164 = arith.cmpf ogt, %convert_element_type3A_1163, %mul3A_1161 : vector<16xf32>
      %sub3A_1165 = arith.constant 1 : i32
      %sub3A_1166 = vector.broadcast %sub3A_1165 : i32 to vector<16xi32>
      %sub3A_1167 = arith.subi %convert_element_type3A_1162, %sub3A_1166 : vector<16xi32>
      %select_n3A_1168 = arith.select %gt3A_1164, %sub3A_1167, %convert_element_type3A_1162 : vector<16xi1>, vector<16xi32>
      %convert_element_type3A_1169 = arith.sitofp %select_n3A_1168 : vector<16xi32> to vector<16xf32>
      %sub3A_1170 = arith.subf %mul3A_1161, %convert_element_type3A_1169 : vector<16xf32>
      %sub3A_1171 = arith.constant 1.000000e+00 : f32
      %sub3A_1172 = vector.broadcast %sub3A_1171 : f32 to vector<16xf32>
      %sub3A_1173 = arith.subf %sub3A_1172, %sub3A_1170 : vector<16xf32>
      %add3A_1174 = arith.constant 1 : i32
      %add3A_1175 = vector.broadcast %add3A_1174 : i32 to vector<16xi32>
      %add3A_1176 = arith.addi %select_n3A_1168, %add3A_1175 : vector<16xi32>
      %max3A_1177 = arith.constant 0 : i32
      %max3A_1178 = vector.broadcast %max3A_1177 : i32 to vector<16xi32>
      %max3A_1179 = arith.maxsi %add3A_1176, %max3A_1178 : vector<16xi32>
      %min3A_1180 = arith.constant 511 : i32
      %min3A_1181 = vector.broadcast %min3A_1180 : i32 to vector<16xi32>
      %min3A_1182 = arith.minsi %max3A_1179, %min3A_1181 : vector<16xi32>
      %ge3A_1183 = arith.constant 0 : i32
      %ge3A_1184 = vector.broadcast %ge3A_1183 : i32 to vector<16xi32>
      %ge3A_1185 = arith.cmpi sge, %select_n3A_1168, %ge3A_1184 : vector<16xi32>
      %le3A_1186 = arith.constant 511 : i32
      %le3A_1187 = vector.broadcast %le3A_1186 : i32 to vector<16xi32>
      %le3A_1188 = arith.cmpi sle, %select_n3A_1168, %le3A_1187 : vector<16xi32>
      %and3A_1189 = arith.andi %ge3A_1185, %le3A_1188 : vector<16xi1>
      %jit3A_1190 = arith.constant 0 : i32
      %broadcast_in_dim3A_1191 = vector.broadcast %jit3A_1190 : i32 to vector<16xi32>
      %select_n3A_1192 = arith.select %and3A_1189, %select_n3A_1168, %broadcast_in_dim3A_1191 : vector<16xi1>, vector<16xi32>
      %swap3A_1193 = arith.constant 304 : index
      %swap3A_1194 = tpu.vector_load %arg5[%swap3A_1193] {strides = array<i32>} : memref<1024xi32, #tpu.memory_space<vmem>>, vector<16xi32>,
      tpu.vector_store %arg5[%swap3A_1193], %select_n3A_1192 {strides = array<i32>} : memref<1024xi32, #tpu.memory_space<vmem>>, vector<16xi32>,
      %jit3A_1195 = arith.constant 0.000000e+00 : f32
      %broadcast_in_dim3A_1196 = vector.broadcast %jit3A_1195 : f32 to vector<16xf32>
      %select_n3A_1197 = arith.select %and3A_1189, %sub3A_1173, %broadcast_in_dim3A_1196 : vector<16xi1>, vector<16xf32>
      %swap3A_1198 = arith.constant 304 : index
      %swap3A_1199 = tpu.vector_load %arg6[%swap3A_1198] {strides = array<i32>} : memref<1024xf32, #tpu.memory_space<vmem>>, vector<16xf32>,
      tpu.vector_store %arg6[%swap3A_1198], %select_n3A_1197 {strides = array<i32>} : memref<1024xf32, #tpu.memory_space<vmem>>, vector<16xf32>,
      %swap3A_1200 = arith.constant 816 : index
      %swap3A_1201 = tpu.vector_load %arg5[%swap3A_1200] {strides = array<i32>} : memref<1024xi32, #tpu.memory_space<vmem>>, vector<16xi32>,
      tpu.vector_store %arg5[%swap3A_1200], %min3A_1182 {strides = array<i32>} : memref<1024xi32, #tpu.memory_space<vmem>>, vector<16xi32>,
      %sub3A_1202 = arith.constant 1.000000e+00 : f32
      %sub3A_1203 = vector.broadcast %sub3A_1202 : f32 to vector<16xf32>
      %sub3A_1204 = arith.subf %sub3A_1203, %sub3A_1173 : vector<16xf32>
      %swap3A_1205 = arith.constant 816 : index
      %swap3A_1206 = tpu.vector_load %arg6[%swap3A_1205] {strides = array<i32>} : memref<1024xf32, #tpu.memory_space<vmem>>, vector<16xf32>,
      tpu.vector_store %arg6[%swap3A_1205], %sub3A_1204 {strides = array<i32>} : memref<1024xf32, #tpu.memory_space<vmem>>, vector<16xf32>,
      %max3A_1207 = arith.constant 0 : i32
      %max3A_1208 = vector.broadcast %max3A_1207 : i32 to vector<16xi32>
      %max3A_1209 = arith.maxsi %select_n3A_1168, %max3A_1208 : vector<16xi32>
      %min3A_1210 = arith.constant 511 : i32
      %min3A_1211 = vector.broadcast %min3A_1210 : i32 to vector<16xi32>
      %min3A_1212 = arith.minsi %max3A_1209, %min3A_1211 : vector<16xi32>
      %swap3A_1213 = arith.constant 304 : index
      %swap3A_1214 = tpu.vector_load %arg7[%swap3A_1213] {strides = array<i32>} : memref<512xi32, #tpu.memory_space<vmem>>, vector<16xi32>,
      tpu.vector_store %arg7[%swap3A_1213], %min3A_1212 {strides = array<i32>} : memref<512xi32, #tpu.memory_space<vmem>>, vector<16xi32>,
      %get3A_1215 = arith.constant 320 : index
      %get3A_1216 = tpu.vector_load %arg4[%get3A_1215] {strides = array<i32>} : memref<512xf32, #tpu.memory_space<vmem>>, vector<16xf32>,
      %sub3A_1217 = arith.constant -2.000000e+00 : f32
      %sub3A_1218 = vector.broadcast %sub3A_1217 : f32 to vector<16xf32>
      %sub3A_1219 = arith.subf %get3A_1216, %sub3A_1218 : vector<16xf32>
      %mul3A_1220 = arith.constant 1.280000e+02 : f32
      %mul3A_1221 = vector.broadcast %mul3A_1220 : f32 to vector<16xf32>
      %mul3A_1222 = arith.mulf %sub3A_1219, %mul3A_1221 : vector<16xf32>
      %convert_element_type3A_1223 = arith.fptosi %mul3A_1222 : vector<16xf32> to vector<16xi32>
      %convert_element_type3A_1224 = arith.sitofp %convert_element_type3A_1223 : vector<16xi32> to vector<16xf32>
      %gt3A_1225 = arith.cmpf ogt, %convert_element_type3A_1224, %mul3A_1222 : vector<16xf32>
      %sub3A_1226 = arith.constant 1 : i32
      %sub3A_1227 = vector.broadcast %sub3A_1226 : i32 to vector<16xi32>
      %sub3A_1228 = arith.subi %convert_element_type3A_1223, %sub3A_1227 : vector<16xi32>
      %select_n3A_1229 = arith.select %gt3A_1225, %sub3A_1228, %convert_element_type3A_1223 : vector<16xi1>, vector<16xi32>
      %convert_element_type3A_1230 = arith.sitofp %select_n3A_1229 : vector<16xi32> to vector<16xf32>
      %sub3A_1231 = arith.subf %mul3A_1222, %convert_element_type3A_1230 : vector<16xf32>
      %sub3A_1232 = arith.constant 1.000000e+00 : f32
      %sub3A_1233 = vector.broadcast %sub3A_1232 : f32 to vector<16xf32>
      %sub3A_1234 = arith.subf %sub3A_1233, %sub3A_1231 : vector<16xf32>
      %add3A_1235 = arith.constant 1 : i32
      %add3A_1236 = vector.broadcast %add3A_1235 : i32 to vector<16xi32>
      %add3A_1237 = arith.addi %select_n3A_1229, %add3A_1236 : vector<16xi32>
      %max3A_1238 = arith.constant 0 : i32
      %max3A_1239 = vector.broadcast %max3A_1238 : i32 to vector<16xi32>
      %max3A_1240 = arith.maxsi %add3A_1237, %max3A_1239 : vector<16xi32>
      %min3A_1241 = arith.constant 511 : i32
      %min3A_1242 = vector.broadcast %min3A_1241 : i32 to vector<16xi32>
      %min3A_1243 = arith.minsi %max3A_1240, %min3A_1242 : vector<16xi32>
      %ge3A_1244 = arith.constant 0 : i32
      %ge3A_1245 = vector.broadcast %ge3A_1244 : i32 to vector<16xi32>
      %ge3A_1246 = arith.cmpi sge, %select_n3A_1229, %ge3A_1245 : vector<16xi32>
      %le3A_1247 = arith.constant 511 : i32
      %le3A_1248 = vector.broadcast %le3A_1247 : i32 to vector<16xi32>
      %le3A_1249 = arith.cmpi sle, %select_n3A_1229, %le3A_1248 : vector<16xi32>
      %and3A_1250 = arith.andi %ge3A_1246, %le3A_1249 : vector<16xi1>
      %jit3A_1251 = arith.constant 0 : i32
      %broadcast_in_dim3A_1252 = vector.broadcast %jit3A_1251 : i32 to vector<16xi32>
      %select_n3A_1253 = arith.select %and3A_1250, %select_n3A_1229, %broadcast_in_dim3A_1252 : vector<16xi1>, vector<16xi32>
      %swap3A_1254 = arith.constant 320 : index
      %swap3A_1255 = tpu.vector_load %arg5[%swap3A_1254] {strides = array<i32>} : memref<1024xi32, #tpu.memory_space<vmem>>, vector<16xi32>,
      tpu.vector_store %arg5[%swap3A_1254], %select_n3A_1253 {strides = array<i32>} : memref<1024xi32, #tpu.memory_space<vmem>>, vector<16xi32>,
      %jit3A_1256 = arith.constant 0.000000e+00 : f32
      %broadcast_in_dim3A_1257 = vector.broadcast %jit3A_1256 : f32 to vector<16xf32>
      %select_n3A_1258 = arith.select %and3A_1250, %sub3A_1234, %broadcast_in_dim3A_1257 : vector<16xi1>, vector<16xf32>
      %swap3A_1259 = arith.constant 320 : index
      %swap3A_1260 = tpu.vector_load %arg6[%swap3A_1259] {strides = array<i32>} : memref<1024xf32, #tpu.memory_space<vmem>>, vector<16xf32>,
      tpu.vector_store %arg6[%swap3A_1259], %select_n3A_1258 {strides = array<i32>} : memref<1024xf32, #tpu.memory_space<vmem>>, vector<16xf32>,
      %swap3A_1261 = arith.constant 832 : index
      %swap3A_1262 = tpu.vector_load %arg5[%swap3A_1261] {strides = array<i32>} : memref<1024xi32, #tpu.memory_space<vmem>>, vector<16xi32>,
      tpu.vector_store %arg5[%swap3A_1261], %min3A_1243 {strides = array<i32>} : memref<1024xi32, #tpu.memory_space<vmem>>, vector<16xi32>,
      %sub3A_1263 = arith.constant 1.000000e+00 : f32
      %sub3A_1264 = vector.broadcast %sub3A_1263 : f32 to vector<16xf32>
      %sub3A_1265 = arith.subf %sub3A_1264, %sub3A_1234 : vector<16xf32>
      %swap3A_1266 = arith.constant 832 : index
      %swap3A_1267 = tpu.vector_load %arg6[%swap3A_1266] {strides = array<i32>} : memref<1024xf32, #tpu.memory_space<vmem>>, vector<16xf32>,
      tpu.vector_store %arg6[%swap3A_1266], %sub3A_1265 {strides = array<i32>} : memref<1024xf32, #tpu.memory_space<vmem>>, vector<16xf32>,
      %max3A_1268 = arith.constant 0 : i32
      %max3A_1269 = vector.broadcast %max3A_1268 : i32 to vector<16xi32>
      %max3A_1270 = arith.maxsi %select_n3A_1229, %max3A_1269 : vector<16xi32>
      %min3A_1271 = arith.constant 511 : i32
      %min3A_1272 = vector.broadcast %min3A_1271 : i32 to vector<16xi32>
      %min3A_1273 = arith.minsi %max3A_1270, %min3A_1272 : vector<16xi32>
      %swap3A_1274 = arith.constant 320 : index
      %swap3A_1275 = tpu.vector_load %arg7[%swap3A_1274] {strides = array<i32>} : memref<512xi32, #tpu.memory_space<vmem>>, vector<16xi32>,
      tpu.vector_store %arg7[%swap3A_1274], %min3A_1273 {strides = array<i32>} : memref<512xi32, #tpu.memory_space<vmem>>, vector<16xi32>,
      %get3A_1276 = arith.constant 336 : index
      %get3A_1277 = tpu.vector_load %arg4[%get3A_1276] {strides = array<i32>} : memref<512xf32, #tpu.memory_space<vmem>>, vector<16xf32>,
      %sub3A_1278 = arith.constant -2.000000e+00 : f32
      %sub3A_1279 = vector.broadcast %sub3A_1278 : f32 to vector<16xf32>
      %sub3A_1280 = arith.subf %get3A_1277, %sub3A_1279 : vector<16xf32>
      %mul3A_1281 = arith.constant 1.280000e+02 : f32
      %mul3A_1282 = vector.broadcast %mul3A_1281 : f32 to vector<16xf32>
      %mul3A_1283 = arith.mulf %sub3A_1280, %mul3A_1282 : vector<16xf32>
      %convert_element_type3A_1284 = arith.fptosi %mul3A_1283 : vector<16xf32> to vector<16xi32>
      %convert_element_type3A_1285 = arith.sitofp %convert_element_type3A_1284 : vector<16xi32> to vector<16xf32>
      %gt3A_1286 = arith.cmpf ogt, %convert_element_type3A_1285, %mul3A_1283 : vector<16xf32>
      %sub3A_1287 = arith.constant 1 : i32
      %sub3A_1288 = vector.broadcast %sub3A_1287 : i32 to vector<16xi32>
      %sub3A_1289 = arith.subi %convert_element_type3A_1284, %sub3A_1288 : vector<16xi32>
      %select_n3A_1290 = arith.select %gt3A_1286, %sub3A_1289, %convert_element_type3A_1284 : vector<16xi1>, vector<16xi32>
      %convert_element_type3A_1291 = arith.sitofp %select_n3A_1290 : vector<16xi32> to vector<16xf32>
      %sub3A_1292 = arith.subf %mul3A_1283, %convert_element_type3A_1291 : vector<16xf32>
      %sub3A_1293 = arith.constant 1.000000e+00 : f32
      %sub3A_1294 = vector.broadcast %sub3A_1293 : f32 to vector<16xf32>
      %sub3A_1295 = arith.subf %sub3A_1294, %sub3A_1292 : vector<16xf32>
      %add3A_1296 = arith.constant 1 : i32
      %add3A_1297 = vector.broadcast %add3A_1296 : i32 to vector<16xi32>
      %add3A_1298 = arith.addi %select_n3A_1290, %add3A_1297 : vector<16xi32>
      %max3A_1299 = arith.constant 0 : i32
      %max3A_1300 = vector.broadcast %max3A_1299 : i32 to vector<16xi32>
      %max3A_1301 = arith.maxsi %add3A_1298, %max3A_1300 : vector<16xi32>
      %min3A_1302 = arith.constant 511 : i32
      %min3A_1303 = vector.broadcast %min3A_1302 : i32 to vector<16xi32>
      %min3A_1304 = arith.minsi %max3A_1301, %min3A_1303 : vector<16xi32>
      %ge3A_1305 = arith.constant 0 : i32
      %ge3A_1306 = vector.broadcast %ge3A_1305 : i32 to vector<16xi32>
      %ge3A_1307 = arith.cmpi sge, %select_n3A_1290, %ge3A_1306 : vector<16xi32>
      %le3A_1308 = arith.constant 511 : i32
      %le3A_1309 = vector.broadcast %le3A_1308 : i32 to vector<16xi32>
      %le3A_1310 = arith.cmpi sle, %select_n3A_1290, %le3A_1309 : vector<16xi32>
      %and3A_1311 = arith.andi %ge3A_1307, %le3A_1310 : vector<16xi1>
      %jit3A_1312 = arith.constant 0 : i32
      %broadcast_in_dim3A_1313 = vector.broadcast %jit3A_1312 : i32 to vector<16xi32>
      %select_n3A_1314 = arith.select %and3A_1311, %select_n3A_1290, %broadcast_in_dim3A_1313 : vector<16xi1>, vector<16xi32>
      %swap3A_1315 = arith.constant 336 : index
      %swap3A_1316 = tpu.vector_load %arg5[%swap3A_1315] {strides = array<i32>} : memref<1024xi32, #tpu.memory_space<vmem>>, vector<16xi32>,
      tpu.vector_store %arg5[%swap3A_1315], %select_n3A_1314 {strides = array<i32>} : memref<1024xi32, #tpu.memory_space<vmem>>, vector<16xi32>,
      %jit3A_1317 = arith.constant 0.000000e+00 : f32
      %broadcast_in_dim3A_1318 = vector.broadcast %jit3A_1317 : f32 to vector<16xf32>
      %select_n3A_1319 = arith.select %and3A_1311, %sub3A_1295, %broadcast_in_dim3A_1318 : vector<16xi1>, vector<16xf32>
      %swap3A_1320 = arith.constant 336 : index
      %swap3A_1321 = tpu.vector_load %arg6[%swap3A_1320] {strides = array<i32>} : memref<1024xf32, #tpu.memory_space<vmem>>, vector<16xf32>,
      tpu.vector_store %arg6[%swap3A_1320], %select_n3A_1319 {strides = array<i32>} : memref<1024xf32, #tpu.memory_space<vmem>>, vector<16xf32>,
      %swap3A_1322 = arith.constant 848 : index
      %swap3A_1323 = tpu.vector_load %arg5[%swap3A_1322] {strides = array<i32>} : memref<1024xi32, #tpu.memory_space<vmem>>, vector<16xi32>,
      tpu.vector_store %arg5[%swap3A_1322], %min3A_1304 {strides = array<i32>} : memref<1024xi32, #tpu.memory_space<vmem>>, vector<16xi32>,
      %sub3A_1324 = arith.constant 1.000000e+00 : f32
      %sub3A_1325 = vector.broadcast %sub3A_1324 : f32 to vector<16xf32>
      %sub3A_1326 = arith.subf %sub3A_1325, %sub3A_1295 : vector<16xf32>
      %swap3A_1327 = arith.constant 848 : index
      %swap3A_1328 = tpu.vector_load %arg6[%swap3A_1327] {strides = array<i32>} : memref<1024xf32, #tpu.memory_space<vmem>>, vector<16xf32>,
      tpu.vector_store %arg6[%swap3A_1327], %sub3A_1326 {strides = array<i32>} : memref<1024xf32, #tpu.memory_space<vmem>>, vector<16xf32>,
      %max3A_1329 = arith.constant 0 : i32
      %max3A_1330 = vector.broadcast %max3A_1329 : i32 to vector<16xi32>
      %max3A_1331 = arith.maxsi %select_n3A_1290, %max3A_1330 : vector<16xi32>
      %min3A_1332 = arith.constant 511 : i32
      %min3A_1333 = vector.broadcast %min3A_1332 : i32 to vector<16xi32>
      %min3A_1334 = arith.minsi %max3A_1331, %min3A_1333 : vector<16xi32>
      %swap3A_1335 = arith.constant 336 : index
      %swap3A_1336 = tpu.vector_load %arg7[%swap3A_1335] {strides = array<i32>} : memref<512xi32, #tpu.memory_space<vmem>>, vector<16xi32>,
      tpu.vector_store %arg7[%swap3A_1335], %min3A_1334 {strides = array<i32>} : memref<512xi32, #tpu.memory_space<vmem>>, vector<16xi32>,
      %get3A_1337 = arith.constant 352 : index
      %get3A_1338 = tpu.vector_load %arg4[%get3A_1337] {strides = array<i32>} : memref<512xf32, #tpu.memory_space<vmem>>, vector<16xf32>,
      %sub3A_1339 = arith.constant -2.000000e+00 : f32
      %sub3A_1340 = vector.broadcast %sub3A_1339 : f32 to vector<16xf32>
      %sub3A_1341 = arith.subf %get3A_1338, %sub3A_1340 : vector<16xf32>
      %mul3A_1342 = arith.constant 1.280000e+02 : f32
      %mul3A_1343 = vector.broadcast %mul3A_1342 : f32 to vector<16xf32>
      %mul3A_1344 = arith.mulf %sub3A_1341, %mul3A_1343 : vector<16xf32>
      %convert_element_type3A_1345 = arith.fptosi %mul3A_1344 : vector<16xf32> to vector<16xi32>
      %convert_element_type3A_1346 = arith.sitofp %convert_element_type3A_1345 : vector<16xi32> to vector<16xf32>
      %gt3A_1347 = arith.cmpf ogt, %convert_element_type3A_1346, %mul3A_1344 : vector<16xf32>
      %sub3A_1348 = arith.constant 1 : i32
      %sub3A_1349 = vector.broadcast %sub3A_1348 : i32 to vector<16xi32>
      %sub3A_1350 = arith.subi %convert_element_type3A_1345, %sub3A_1349 : vector<16xi32>
      %select_n3A_1351 = arith.select %gt3A_1347, %sub3A_1350, %convert_element_type3A_1345 : vector<16xi1>, vector<16xi32>
      %convert_element_type3A_1352 = arith.sitofp %select_n3A_1351 : vector<16xi32> to vector<16xf32>
      %sub3A_1353 = arith.subf %mul3A_1344, %convert_element_type3A_1352 : vector<16xf32>
      %sub3A_1354 = arith.constant 1.000000e+00 : f32
      %sub3A_1355 = vector.broadcast %sub3A_1354 : f32 to vector<16xf32>
      %sub3A_1356 = arith.subf %sub3A_1355, %sub3A_1353 : vector<16xf32>
      %add3A_1357 = arith.constant 1 : i32
      %add3A_1358 = vector.broadcast %add3A_1357 : i32 to vector<16xi32>
      %add3A_1359 = arith.addi %select_n3A_1351, %add3A_1358 : vector<16xi32>
      %max3A_1360 = arith.constant 0 : i32
      %max3A_1361 = vector.broadcast %max3A_1360 : i32 to vector<16xi32>
      %max3A_1362 = arith.maxsi %add3A_1359, %max3A_1361 : vector<16xi32>
      %min3A_1363 = arith.constant 511 : i32
      %min3A_1364 = vector.broadcast %min3A_1363 : i32 to vector<16xi32>
      %min3A_1365 = arith.minsi %max3A_1362, %min3A_1364 : vector<16xi32>
      %ge3A_1366 = arith.constant 0 : i32
      %ge3A_1367 = vector.broadcast %ge3A_1366 : i32 to vector<16xi32>
      %ge3A_1368 = arith.cmpi sge, %select_n3A_1351, %ge3A_1367 : vector<16xi32>
      %le3A_1369 = arith.constant 511 : i32
      %le3A_1370 = vector.broadcast %le3A_1369 : i32 to vector<16xi32>
      %le3A_1371 = arith.cmpi sle, %select_n3A_1351, %le3A_1370 : vector<16xi32>
      %and3A_1372 = arith.andi %ge3A_1368, %le3A_1371 : vector<16xi1>
      %jit3A_1373 = arith.constant 0 : i32
      %broadcast_in_dim3A_1374 = vector.broadcast %jit3A_1373 : i32 to vector<16xi32>
      %select_n3A_1375 = arith.select %and3A_1372, %select_n3A_1351, %broadcast_in_dim3A_1374 : vector<16xi1>, vector<16xi32>
      %swap3A_1376 = arith.constant 352 : index
      %swap3A_1377 = tpu.vector_load %arg5[%swap3A_1376] {strides = array<i32>} : memref<1024xi32, #tpu.memory_space<vmem>>, vector<16xi32>,
      tpu.vector_store %arg5[%swap3A_1376], %select_n3A_1375 {strides = array<i32>} : memref<1024xi32, #tpu.memory_space<vmem>>, vector<16xi32>,
      %jit3A_1378 = arith.constant 0.000000e+00 : f32
      %broadcast_in_dim3A_1379 = vector.broadcast %jit3A_1378 : f32 to vector<16xf32>
      %select_n3A_1380 = arith.select %and3A_1372, %sub3A_1356, %broadcast_in_dim3A_1379 : vector<16xi1>, vector<16xf32>
      %swap3A_1381 = arith.constant 352 : index
      %swap3A_1382 = tpu.vector_load %arg6[%swap3A_1381] {strides = array<i32>} : memref<1024xf32, #tpu.memory_space<vmem>>, vector<16xf32>,
      tpu.vector_store %arg6[%swap3A_1381], %select_n3A_1380 {strides = array<i32>} : memref<1024xf32, #tpu.memory_space<vmem>>, vector<16xf32>,
      %swap3A_1383 = arith.constant 864 : index
      %swap3A_1384 = tpu.vector_load %arg5[%swap3A_1383] {strides = array<i32>} : memref<1024xi32, #tpu.memory_space<vmem>>, vector<16xi32>,
      tpu.vector_store %arg5[%swap3A_1383], %min3A_1365 {strides = array<i32>} : memref<1024xi32, #tpu.memory_space<vmem>>, vector<16xi32>,
      %sub3A_1385 = arith.constant 1.000000e+00 : f32
      %sub3A_1386 = vector.broadcast %sub3A_1385 : f32 to vector<16xf32>
      %sub3A_1387 = arith.subf %sub3A_1386, %sub3A_1356 : vector<16xf32>
      %swap3A_1388 = arith.constant 864 : index
      %swap3A_1389 = tpu.vector_load %arg6[%swap3A_1388] {strides = array<i32>} : memref<1024xf32, #tpu.memory_space<vmem>>, vector<16xf32>,
      tpu.vector_store %arg6[%swap3A_1388], %sub3A_1387 {strides = array<i32>} : memref<1024xf32, #tpu.memory_space<vmem>>, vector<16xf32>,
      %max3A_1390 = arith.constant 0 : i32
      %max3A_1391 = vector.broadcast %max3A_1390 : i32 to vector<16xi32>
      %max3A_1392 = arith.maxsi %select_n3A_1351, %max3A_1391 : vector<16xi32>
      %min3A_1393 = arith.constant 511 : i32
      %min3A_1394 = vector.broadcast %min3A_1393 : i32 to vector<16xi32>
      %min3A_1395 = arith.minsi %max3A_1392, %min3A_1394 : vector<16xi32>
      %swap3A_1396 = arith.constant 352 : index
      %swap3A_1397 = tpu.vector_load %arg7[%swap3A_1396] {strides = array<i32>} : memref<512xi32, #tpu.memory_space<vmem>>, vector<16xi32>,
      tpu.vector_store %arg7[%swap3A_1396], %min3A_1395 {strides = array<i32>} : memref<512xi32, #tpu.memory_space<vmem>>, vector<16xi32>,
      %get3A_1398 = arith.constant 368 : index
      %get3A_1399 = tpu.vector_load %arg4[%get3A_1398] {strides = array<i32>} : memref<512xf32, #tpu.memory_space<vmem>>, vector<16xf32>,
      %sub3A_1400 = arith.constant -2.000000e+00 : f32
      %sub3A_1401 = vector.broadcast %sub3A_1400 : f32 to vector<16xf32>
      %sub3A_1402 = arith.subf %get3A_1399, %sub3A_1401 : vector<16xf32>
      %mul3A_1403 = arith.constant 1.280000e+02 : f32
      %mul3A_1404 = vector.broadcast %mul3A_1403 : f32 to vector<16xf32>
      %mul3A_1405 = arith.mulf %sub3A_1402, %mul3A_1404 : vector<16xf32>
      %convert_element_type3A_1406 = arith.fptosi %mul3A_1405 : vector<16xf32> to vector<16xi32>
      %convert_element_type3A_1407 = arith.sitofp %convert_element_type3A_1406 : vector<16xi32> to vector<16xf32>
      %gt3A_1408 = arith.cmpf ogt, %convert_element_type3A_1407, %mul3A_1405 : vector<16xf32>
      %sub3A_1409 = arith.constant 1 : i32
      %sub3A_1410 = vector.broadcast %sub3A_1409 : i32 to vector<16xi32>
      %sub3A_1411 = arith.subi %convert_element_type3A_1406, %sub3A_1410 : vector<16xi32>
      %select_n3A_1412 = arith.select %gt3A_1408, %sub3A_1411, %convert_element_type3A_1406 : vector<16xi1>, vector<16xi32>
      %convert_element_type3A_1413 = arith.sitofp %select_n3A_1412 : vector<16xi32> to vector<16xf32>
      %sub3A_1414 = arith.subf %mul3A_1405, %convert_element_type3A_1413 : vector<16xf32>
      %sub3A_1415 = arith.constant 1.000000e+00 : f32
      %sub3A_1416 = vector.broadcast %sub3A_1415 : f32 to vector<16xf32>
      %sub3A_1417 = arith.subf %sub3A_1416, %sub3A_1414 : vector<16xf32>
      %add3A_1418 = arith.constant 1 : i32
      %add3A_1419 = vector.broadcast %add3A_1418 : i32 to vector<16xi32>
      %add3A_1420 = arith.addi %select_n3A_1412, %add3A_1419 : vector<16xi32>
      %max3A_1421 = arith.constant 0 : i32
      %max3A_1422 = vector.broadcast %max3A_1421 : i32 to vector<16xi32>
      %max3A_1423 = arith.maxsi %add3A_1420, %max3A_1422 : vector<16xi32>
      %min3A_1424 = arith.constant 511 : i32
      %min3A_1425 = vector.broadcast %min3A_1424 : i32 to vector<16xi32>
      %min3A_1426 = arith.minsi %max3A_1423, %min3A_1425 : vector<16xi32>
      %ge3A_1427 = arith.constant 0 : i32
      %ge3A_1428 = vector.broadcast %ge3A_1427 : i32 to vector<16xi32>
      %ge3A_1429 = arith.cmpi sge, %select_n3A_1412, %ge3A_1428 : vector<16xi32>
      %le3A_1430 = arith.constant 511 : i32
      %le3A_1431 = vector.broadcast %le3A_1430 : i32 to vector<16xi32>
      %le3A_1432 = arith.cmpi sle, %select_n3A_1412, %le3A_1431 : vector<16xi32>
      %and3A_1433 = arith.andi %ge3A_1429, %le3A_1432 : vector<16xi1>
      %jit3A_1434 = arith.constant 0 : i32
      %broadcast_in_dim3A_1435 = vector.broadcast %jit3A_1434 : i32 to vector<16xi32>
      %select_n3A_1436 = arith.select %and3A_1433, %select_n3A_1412, %broadcast_in_dim3A_1435 : vector<16xi1>, vector<16xi32>
      %swap3A_1437 = arith.constant 368 : index
      %swap3A_1438 = tpu.vector_load %arg5[%swap3A_1437] {strides = array<i32>} : memref<1024xi32, #tpu.memory_space<vmem>>, vector<16xi32>,
      tpu.vector_store %arg5[%swap3A_1437], %select_n3A_1436 {strides = array<i32>} : memref<1024xi32, #tpu.memory_space<vmem>>, vector<16xi32>,
      %jit3A_1439 = arith.constant 0.000000e+00 : f32
      %broadcast_in_dim3A_1440 = vector.broadcast %jit3A_1439 : f32 to vector<16xf32>
      %select_n3A_1441 = arith.select %and3A_1433, %sub3A_1417, %broadcast_in_dim3A_1440 : vector<16xi1>, vector<16xf32>
      %swap3A_1442 = arith.constant 368 : index
      %swap3A_1443 = tpu.vector_load %arg6[%swap3A_1442] {strides = array<i32>} : memref<1024xf32, #tpu.memory_space<vmem>>, vector<16xf32>,
      tpu.vector_store %arg6[%swap3A_1442], %select_n3A_1441 {strides = array<i32>} : memref<1024xf32, #tpu.memory_space<vmem>>, vector<16xf32>,
      %swap3A_1444 = arith.constant 880 : index
      %swap3A_1445 = tpu.vector_load %arg5[%swap3A_1444] {strides = array<i32>} : memref<1024xi32, #tpu.memory_space<vmem>>, vector<16xi32>,
      tpu.vector_store %arg5[%swap3A_1444], %min3A_1426 {strides = array<i32>} : memref<1024xi32, #tpu.memory_space<vmem>>, vector<16xi32>,
      %sub3A_1446 = arith.constant 1.000000e+00 : f32
      %sub3A_1447 = vector.broadcast %sub3A_1446 : f32 to vector<16xf32>
      %sub3A_1448 = arith.subf %sub3A_1447, %sub3A_1417 : vector<16xf32>
      %swap3A_1449 = arith.constant 880 : index
      %swap3A_1450 = tpu.vector_load %arg6[%swap3A_1449] {strides = array<i32>} : memref<1024xf32, #tpu.memory_space<vmem>>, vector<16xf32>,
      tpu.vector_store %arg6[%swap3A_1449], %sub3A_1448 {strides = array<i32>} : memref<1024xf32, #tpu.memory_space<vmem>>, vector<16xf32>,
      %max3A_1451 = arith.constant 0 : i32
      %max3A_1452 = vector.broadcast %max3A_1451 : i32 to vector<16xi32>
      %max3A_1453 = arith.maxsi %select_n3A_1412, %max3A_1452 : vector<16xi32>
      %min3A_1454 = arith.constant 511 : i32
      %min3A_1455 = vector.broadcast %min3A_1454 : i32 to vector<16xi32>
      %min3A_1456 = arith.minsi %max3A_1453, %min3A_1455 : vector<16xi32>
      %swap3A_1457 = arith.constant 368 : index
      %swap3A_1458 = tpu.vector_load %arg7[%swap3A_1457] {strides = array<i32>} : memref<512xi32, #tpu.memory_space<vmem>>, vector<16xi32>,
      tpu.vector_store %arg7[%swap3A_1457], %min3A_1456 {strides = array<i32>} : memref<512xi32, #tpu.memory_space<vmem>>, vector<16xi32>,
      %get3A_1459 = arith.constant 384 : index
      %get3A_1460 = tpu.vector_load %arg4[%get3A_1459] {strides = array<i32>} : memref<512xf32, #tpu.memory_space<vmem>>, vector<16xf32>,
      %sub3A_1461 = arith.constant -2.000000e+00 : f32
      %sub3A_1462 = vector.broadcast %sub3A_1461 : f32 to vector<16xf32>
      %sub3A_1463 = arith.subf %get3A_1460, %sub3A_1462 : vector<16xf32>
      %mul3A_1464 = arith.constant 1.280000e+02 : f32
      %mul3A_1465 = vector.broadcast %mul3A_1464 : f32 to vector<16xf32>
      %mul3A_1466 = arith.mulf %sub3A_1463, %mul3A_1465 : vector<16xf32>
      %convert_element_type3A_1467 = arith.fptosi %mul3A_1466 : vector<16xf32> to vector<16xi32>
      %convert_element_type3A_1468 = arith.sitofp %convert_element_type3A_1467 : vector<16xi32> to vector<16xf32>
      %gt3A_1469 = arith.cmpf ogt, %convert_element_type3A_1468, %mul3A_1466 : vector<16xf32>
      %sub3A_1470 = arith.constant 1 : i32
      %sub3A_1471 = vector.broadcast %sub3A_1470 : i32 to vector<16xi32>
      %sub3A_1472 = arith.subi %convert_element_type3A_1467, %sub3A_1471 : vector<16xi32>
      %select_n3A_1473 = arith.select %gt3A_1469, %sub3A_1472, %convert_element_type3A_1467 : vector<16xi1>, vector<16xi32>
      %convert_element_type3A_1474 = arith.sitofp %select_n3A_1473 : vector<16xi32> to vector<16xf32>
      %sub3A_1475 = arith.subf %mul3A_1466, %convert_element_type3A_1474 : vector<16xf32>
      %sub3A_1476 = arith.constant 1.000000e+00 : f32
      %sub3A_1477 = vector.broadcast %sub3A_1476 : f32 to vector<16xf32>
      %sub3A_1478 = arith.subf %sub3A_1477, %sub3A_1475 : vector<16xf32>
      %add3A_1479 = arith.constant 1 : i32
      %add3A_1480 = vector.broadcast %add3A_1479 : i32 to vector<16xi32>
      %add3A_1481 = arith.addi %select_n3A_1473, %add3A_1480 : vector<16xi32>
      %max3A_1482 = arith.constant 0 : i32
      %max3A_1483 = vector.broadcast %max3A_1482 : i32 to vector<16xi32>
      %max3A_1484 = arith.maxsi %add3A_1481, %max3A_1483 : vector<16xi32>
      %min3A_1485 = arith.constant 511 : i32
      %min3A_1486 = vector.broadcast %min3A_1485 : i32 to vector<16xi32>
      %min3A_1487 = arith.minsi %max3A_1484, %min3A_1486 : vector<16xi32>
      %ge3A_1488 = arith.constant 0 : i32
      %ge3A_1489 = vector.broadcast %ge3A_1488 : i32 to vector<16xi32>
      %ge3A_1490 = arith.cmpi sge, %select_n3A_1473, %ge3A_1489 : vector<16xi32>
      %le3A_1491 = arith.constant 511 : i32
      %le3A_1492 = vector.broadcast %le3A_1491 : i32 to vector<16xi32>
      %le3A_1493 = arith.cmpi sle, %select_n3A_1473, %le3A_1492 : vector<16xi32>
      %and3A_1494 = arith.andi %ge3A_1490, %le3A_1493 : vector<16xi1>
      %jit3A_1495 = arith.constant 0 : i32
      %broadcast_in_dim3A_1496 = vector.broadcast %jit3A_1495 : i32 to vector<16xi32>
      %select_n3A_1497 = arith.select %and3A_1494, %select_n3A_1473, %broadcast_in_dim3A_1496 : vector<16xi1>, vector<16xi32>
      %swap3A_1498 = arith.constant 384 : index
      %swap3A_1499 = tpu.vector_load %arg5[%swap3A_1498] {strides = array<i32>} : memref<1024xi32, #tpu.memory_space<vmem>>, vector<16xi32>,
      tpu.vector_store %arg5[%swap3A_1498], %select_n3A_1497 {strides = array<i32>} : memref<1024xi32, #tpu.memory_space<vmem>>, vector<16xi32>,
      %jit3A_1500 = arith.constant 0.000000e+00 : f32
      %broadcast_in_dim3A_1501 = vector.broadcast %jit3A_1500 : f32 to vector<16xf32>
      %select_n3A_1502 = arith.select %and3A_1494, %sub3A_1478, %broadcast_in_dim3A_1501 : vector<16xi1>, vector<16xf32>
      %swap3A_1503 = arith.constant 384 : index
      %swap3A_1504 = tpu.vector_load %arg6[%swap3A_1503] {strides = array<i32>} : memref<1024xf32, #tpu.memory_space<vmem>>, vector<16xf32>,
      tpu.vector_store %arg6[%swap3A_1503], %select_n3A_1502 {strides = array<i32>} : memref<1024xf32, #tpu.memory_space<vmem>>, vector<16xf32>,
      %swap3A_1505 = arith.constant 896 : index
      %swap3A_1506 = tpu.vector_load %arg5[%swap3A_1505] {strides = array<i32>} : memref<1024xi32, #tpu.memory_space<vmem>>, vector<16xi32>,
      tpu.vector_store %arg5[%swap3A_1505], %min3A_1487 {strides = array<i32>} : memref<1024xi32, #tpu.memory_space<vmem>>, vector<16xi32>,
      %sub3A_1507 = arith.constant 1.000000e+00 : f32
      %sub3A_1508 = vector.broadcast %sub3A_1507 : f32 to vector<16xf32>
      %sub3A_1509 = arith.subf %sub3A_1508, %sub3A_1478 : vector<16xf32>
      %swap3A_1510 = arith.constant 896 : index
      %swap3A_1511 = tpu.vector_load %arg6[%swap3A_1510] {strides = array<i32>} : memref<1024xf32, #tpu.memory_space<vmem>>, vector<16xf32>,
      tpu.vector_store %arg6[%swap3A_1510], %sub3A_1509 {strides = array<i32>} : memref<1024xf32, #tpu.memory_space<vmem>>, vector<16xf32>,
      %max3A_1512 = arith.constant 0 : i32
      %max3A_1513 = vector.broadcast %max3A_1512 : i32 to vector<16xi32>
      %max3A_1514 = arith.maxsi %select_n3A_1473, %max3A_1513 : vector<16xi32>
      %min3A_1515 = arith.constant 511 : i32
      %min3A_1516 = vector.broadcast %min3A_1515 : i32 to vector<16xi32>
      %min3A_1517 = arith.minsi %max3A_1514, %min3A_1516 : vector<16xi32>
      %swap3A_1518 = arith.constant 384 : index
      %swap3A_1519 = tpu.vector_load %arg7[%swap3A_1518] {strides = array<i32>} : memref<512xi32, #tpu.memory_space<vmem>>, vector<16xi32>,
      tpu.vector_store %arg7[%swap3A_1518], %min3A_1517 {strides = array<i32>} : memref<512xi32, #tpu.memory_space<vmem>>, vector<16xi32>,
      %get3A_1520 = arith.constant 400 : index
      %get3A_1521 = tpu.vector_load %arg4[%get3A_1520] {strides = array<i32>} : memref<512xf32, #tpu.memory_space<vmem>>, vector<16xf32>,
      %sub3A_1522 = arith.constant -2.000000e+00 : f32
      %sub3A_1523 = vector.broadcast %sub3A_1522 : f32 to vector<16xf32>
      %sub3A_1524 = arith.subf %get3A_1521, %sub3A_1523 : vector<16xf32>
      %mul3A_1525 = arith.constant 1.280000e+02 : f32
      %mul3A_1526 = vector.broadcast %mul3A_1525 : f32 to vector<16xf32>
      %mul3A_1527 = arith.mulf %sub3A_1524, %mul3A_1526 : vector<16xf32>
      %convert_element_type3A_1528 = arith.fptosi %mul3A_1527 : vector<16xf32> to vector<16xi32>
      %convert_element_type3A_1529 = arith.sitofp %convert_element_type3A_1528 : vector<16xi32> to vector<16xf32>
      %gt3A_1530 = arith.cmpf ogt, %convert_element_type3A_1529, %mul3A_1527 : vector<16xf32>
      %sub3A_1531 = arith.constant 1 : i32
      %sub3A_1532 = vector.broadcast %sub3A_1531 : i32 to vector<16xi32>
      %sub3A_1533 = arith.subi %convert_element_type3A_1528, %sub3A_1532 : vector<16xi32>
      %select_n3A_1534 = arith.select %gt3A_1530, %sub3A_1533, %convert_element_type3A_1528 : vector<16xi1>, vector<16xi32>
      %convert_element_type3A_1535 = arith.sitofp %select_n3A_1534 : vector<16xi32> to vector<16xf32>
      %sub3A_1536 = arith.subf %mul3A_1527, %convert_element_type3A_1535 : vector<16xf32>
      %sub3A_1537 = arith.constant 1.000000e+00 : f32
      %sub3A_1538 = vector.broadcast %sub3A_1537 : f32 to vector<16xf32>
      %sub3A_1539 = arith.subf %sub3A_1538, %sub3A_1536 : vector<16xf32>
      %add3A_1540 = arith.constant 1 : i32
      %add3A_1541 = vector.broadcast %add3A_1540 : i32 to vector<16xi32>
      %add3A_1542 = arith.addi %select_n3A_1534, %add3A_1541 : vector<16xi32>
      %max3A_1543 = arith.constant 0 : i32
      %max3A_1544 = vector.broadcast %max3A_1543 : i32 to vector<16xi32>
      %max3A_1545 = arith.maxsi %add3A_1542, %max3A_1544 : vector<16xi32>
      %min3A_1546 = arith.constant 511 : i32
      %min3A_1547 = vector.broadcast %min3A_1546 : i32 to vector<16xi32>
      %min3A_1548 = arith.minsi %max3A_1545, %min3A_1547 : vector<16xi32>
      %ge3A_1549 = arith.constant 0 : i32
      %ge3A_1550 = vector.broadcast %ge3A_1549 : i32 to vector<16xi32>
      %ge3A_1551 = arith.cmpi sge, %select_n3A_1534, %ge3A_1550 : vector<16xi32>
      %le3A_1552 = arith.constant 511 : i32
      %le3A_1553 = vector.broadcast %le3A_1552 : i32 to vector<16xi32>
      %le3A_1554 = arith.cmpi sle, %select_n3A_1534, %le3A_1553 : vector<16xi32>
      %and3A_1555 = arith.andi %ge3A_1551, %le3A_1554 : vector<16xi1>
      %jit3A_1556 = arith.constant 0 : i32
      %broadcast_in_dim3A_1557 = vector.broadcast %jit3A_1556 : i32 to vector<16xi32>
      %select_n3A_1558 = arith.select %and3A_1555, %select_n3A_1534, %broadcast_in_dim3A_1557 : vector<16xi1>, vector<16xi32>
      %swap3A_1559 = arith.constant 400 : index
      %swap3A_1560 = tpu.vector_load %arg5[%swap3A_1559] {strides = array<i32>} : memref<1024xi32, #tpu.memory_space<vmem>>, vector<16xi32>,
      tpu.vector_store %arg5[%swap3A_1559], %select_n3A_1558 {strides = array<i32>} : memref<1024xi32, #tpu.memory_space<vmem>>, vector<16xi32>,
      %jit3A_1561 = arith.constant 0.000000e+00 : f32
      %broadcast_in_dim3A_1562 = vector.broadcast %jit3A_1561 : f32 to vector<16xf32>
      %select_n3A_1563 = arith.select %and3A_1555, %sub3A_1539, %broadcast_in_dim3A_1562 : vector<16xi1>, vector<16xf32>
      %swap3A_1564 = arith.constant 400 : index
      %swap3A_1565 = tpu.vector_load %arg6[%swap3A_1564] {strides = array<i32>} : memref<1024xf32, #tpu.memory_space<vmem>>, vector<16xf32>,
      tpu.vector_store %arg6[%swap3A_1564], %select_n3A_1563 {strides = array<i32>} : memref<1024xf32, #tpu.memory_space<vmem>>, vector<16xf32>,
      %swap3A_1566 = arith.constant 912 : index
      %swap3A_1567 = tpu.vector_load %arg5[%swap3A_1566] {strides = array<i32>} : memref<1024xi32, #tpu.memory_space<vmem>>, vector<16xi32>,
      tpu.vector_store %arg5[%swap3A_1566], %min3A_1548 {strides = array<i32>} : memref<1024xi32, #tpu.memory_space<vmem>>, vector<16xi32>,
      %sub3A_1568 = arith.constant 1.000000e+00 : f32
      %sub3A_1569 = vector.broadcast %sub3A_1568 : f32 to vector<16xf32>
      %sub3A_1570 = arith.subf %sub3A_1569, %sub3A_1539 : vector<16xf32>
      %swap3A_1571 = arith.constant 912 : index
      %swap3A_1572 = tpu.vector_load %arg6[%swap3A_1571] {strides = array<i32>} : memref<1024xf32, #tpu.memory_space<vmem>>, vector<16xf32>,
      tpu.vector_store %arg6[%swap3A_1571], %sub3A_1570 {strides = array<i32>} : memref<1024xf32, #tpu.memory_space<vmem>>, vector<16xf32>,
      %max3A_1573 = arith.constant 0 : i32
      %max3A_1574 = vector.broadcast %max3A_1573 : i32 to vector<16xi32>
      %max3A_1575 = arith.maxsi %select_n3A_1534, %max3A_1574 : vector<16xi32>
      %min3A_1576 = arith.constant 511 : i32
      %min3A_1577 = vector.broadcast %min3A_1576 : i32 to vector<16xi32>
      %min3A_1578 = arith.minsi %max3A_1575, %min3A_1577 : vector<16xi32>
      %swap3A_1579 = arith.constant 400 : index
      %swap3A_1580 = tpu.vector_load %arg7[%swap3A_1579] {strides = array<i32>} : memref<512xi32, #tpu.memory_space<vmem>>, vector<16xi32>,
      tpu.vector_store %arg7[%swap3A_1579], %min3A_1578 {strides = array<i32>} : memref<512xi32, #tpu.memory_space<vmem>>, vector<16xi32>,
      %get3A_1581 = arith.constant 416 : index
      %get3A_1582 = tpu.vector_load %arg4[%get3A_1581] {strides = array<i32>} : memref<512xf32, #tpu.memory_space<vmem>>, vector<16xf32>,
      %sub3A_1583 = arith.constant -2.000000e+00 : f32
      %sub3A_1584 = vector.broadcast %sub3A_1583 : f32 to vector<16xf32>
      %sub3A_1585 = arith.subf %get3A_1582, %sub3A_1584 : vector<16xf32>
      %mul3A_1586 = arith.constant 1.280000e+02 : f32
      %mul3A_1587 = vector.broadcast %mul3A_1586 : f32 to vector<16xf32>
      %mul3A_1588 = arith.mulf %sub3A_1585, %mul3A_1587 : vector<16xf32>
      %convert_element_type3A_1589 = arith.fptosi %mul3A_1588 : vector<16xf32> to vector<16xi32>
      %convert_element_type3A_1590 = arith.sitofp %convert_element_type3A_1589 : vector<16xi32> to vector<16xf32>
      %gt3A_1591 = arith.cmpf ogt, %convert_element_type3A_1590, %mul3A_1588 : vector<16xf32>
      %sub3A_1592 = arith.constant 1 : i32
      %sub3A_1593 = vector.broadcast %sub3A_1592 : i32 to vector<16xi32>
      %sub3A_1594 = arith.subi %convert_element_type3A_1589, %sub3A_1593 : vector<16xi32>
      %select_n3A_1595 = arith.select %gt3A_1591, %sub3A_1594, %convert_element_type3A_1589 : vector<16xi1>, vector<16xi32>
      %convert_element_type3A_1596 = arith.sitofp %select_n3A_1595 : vector<16xi32> to vector<16xf32>
      %sub3A_1597 = arith.subf %mul3A_1588, %convert_element_type3A_1596 : vector<16xf32>
      %sub3A_1598 = arith.constant 1.000000e+00 : f32
      %sub3A_1599 = vector.broadcast %sub3A_1598 : f32 to vector<16xf32>
      %sub3A_1600 = arith.subf %sub3A_1599, %sub3A_1597 : vector<16xf32>
      %add3A_1601 = arith.constant 1 : i32
      %add3A_1602 = vector.broadcast %add3A_1601 : i32 to vector<16xi32>
      %add3A_1603 = arith.addi %select_n3A_1595, %add3A_1602 : vector<16xi32>
      %max3A_1604 = arith.constant 0 : i32
      %max3A_1605 = vector.broadcast %max3A_1604 : i32 to vector<16xi32>
      %max3A_1606 = arith.maxsi %add3A_1603, %max3A_1605 : vector<16xi32>
      %min3A_1607 = arith.constant 511 : i32
      %min3A_1608 = vector.broadcast %min3A_1607 : i32 to vector<16xi32>
      %min3A_1609 = arith.minsi %max3A_1606, %min3A_1608 : vector<16xi32>
      %ge3A_1610 = arith.constant 0 : i32
      %ge3A_1611 = vector.broadcast %ge3A_1610 : i32 to vector<16xi32>
      %ge3A_1612 = arith.cmpi sge, %select_n3A_1595, %ge3A_1611 : vector<16xi32>
      %le3A_1613 = arith.constant 511 : i32
      %le3A_1614 = vector.broadcast %le3A_1613 : i32 to vector<16xi32>
      %le3A_1615 = arith.cmpi sle, %select_n3A_1595, %le3A_1614 : vector<16xi32>
      %and3A_1616 = arith.andi %ge3A_1612, %le3A_1615 : vector<16xi1>
      %jit3A_1617 = arith.constant 0 : i32
      %broadcast_in_dim3A_1618 = vector.broadcast %jit3A_1617 : i32 to vector<16xi32>
      %select_n3A_1619 = arith.select %and3A_1616, %select_n3A_1595, %broadcast_in_dim3A_1618 : vector<16xi1>, vector<16xi32>
      %swap3A_1620 = arith.constant 416 : index
      %swap3A_1621 = tpu.vector_load %arg5[%swap3A_1620] {strides = array<i32>} : memref<1024xi32, #tpu.memory_space<vmem>>, vector<16xi32>,
      tpu.vector_store %arg5[%swap3A_1620], %select_n3A_1619 {strides = array<i32>} : memref<1024xi32, #tpu.memory_space<vmem>>, vector<16xi32>,
      %jit3A_1622 = arith.constant 0.000000e+00 : f32
      %broadcast_in_dim3A_1623 = vector.broadcast %jit3A_1622 : f32 to vector<16xf32>
      %select_n3A_1624 = arith.select %and3A_1616, %sub3A_1600, %broadcast_in_dim3A_1623 : vector<16xi1>, vector<16xf32>
      %swap3A_1625 = arith.constant 416 : index
      %swap3A_1626 = tpu.vector_load %arg6[%swap3A_1625] {strides = array<i32>} : memref<1024xf32, #tpu.memory_space<vmem>>, vector<16xf32>,
      tpu.vector_store %arg6[%swap3A_1625], %select_n3A_1624 {strides = array<i32>} : memref<1024xf32, #tpu.memory_space<vmem>>, vector<16xf32>,
      %swap3A_1627 = arith.constant 928 : index
      %swap3A_1628 = tpu.vector_load %arg5[%swap3A_1627] {strides = array<i32>} : memref<1024xi32, #tpu.memory_space<vmem>>, vector<16xi32>,
      tpu.vector_store %arg5[%swap3A_1627], %min3A_1609 {strides = array<i32>} : memref<1024xi32, #tpu.memory_space<vmem>>, vector<16xi32>,
      %sub3A_1629 = arith.constant 1.000000e+00 : f32
      %sub3A_1630 = vector.broadcast %sub3A_1629 : f32 to vector<16xf32>
      %sub3A_1631 = arith.subf %sub3A_1630, %sub3A_1600 : vector<16xf32>
      %swap3A_1632 = arith.constant 928 : index
      %swap3A_1633 = tpu.vector_load %arg6[%swap3A_1632] {strides = array<i32>} : memref<1024xf32, #tpu.memory_space<vmem>>, vector<16xf32>,
      tpu.vector_store %arg6[%swap3A_1632], %sub3A_1631 {strides = array<i32>} : memref<1024xf32, #tpu.memory_space<vmem>>, vector<16xf32>,
      %max3A_1634 = arith.constant 0 : i32
      %max3A_1635 = vector.broadcast %max3A_1634 : i32 to vector<16xi32>
      %max3A_1636 = arith.maxsi %select_n3A_1595, %max3A_1635 : vector<16xi32>
      %min3A_1637 = arith.constant 511 : i32
      %min3A_1638 = vector.broadcast %min3A_1637 : i32 to vector<16xi32>
      %min3A_1639 = arith.minsi %max3A_1636, %min3A_1638 : vector<16xi32>
      %swap3A_1640 = arith.constant 416 : index
      %swap3A_1641 = tpu.vector_load %arg7[%swap3A_1640] {strides = array<i32>} : memref<512xi32, #tpu.memory_space<vmem>>, vector<16xi32>,
      tpu.vector_store %arg7[%swap3A_1640], %min3A_1639 {strides = array<i32>} : memref<512xi32, #tpu.memory_space<vmem>>, vector<16xi32>,
      %get3A_1642 = arith.constant 432 : index
      %get3A_1643 = tpu.vector_load %arg4[%get3A_1642] {strides = array<i32>} : memref<512xf32, #tpu.memory_space<vmem>>, vector<16xf32>,
      %sub3A_1644 = arith.constant -2.000000e+00 : f32
      %sub3A_1645 = vector.broadcast %sub3A_1644 : f32 to vector<16xf32>
      %sub3A_1646 = arith.subf %get3A_1643, %sub3A_1645 : vector<16xf32>
      %mul3A_1647 = arith.constant 1.280000e+02 : f32
      %mul3A_1648 = vector.broadcast %mul3A_1647 : f32 to vector<16xf32>
      %mul3A_1649 = arith.mulf %sub3A_1646, %mul3A_1648 : vector<16xf32>
      %convert_element_type3A_1650 = arith.fptosi %mul3A_1649 : vector<16xf32> to vector<16xi32>
      %convert_element_type3A_1651 = arith.sitofp %convert_element_type3A_1650 : vector<16xi32> to vector<16xf32>
      %gt3A_1652 = arith.cmpf ogt, %convert_element_type3A_1651, %mul3A_1649 : vector<16xf32>
      %sub3A_1653 = arith.constant 1 : i32
      %sub3A_1654 = vector.broadcast %sub3A_1653 : i32 to vector<16xi32>
      %sub3A_1655 = arith.subi %convert_element_type3A_1650, %sub3A_1654 : vector<16xi32>
      %select_n3A_1656 = arith.select %gt3A_1652, %sub3A_1655, %convert_element_type3A_1650 : vector<16xi1>, vector<16xi32>
      %convert_element_type3A_1657 = arith.sitofp %select_n3A_1656 : vector<16xi32> to vector<16xf32>
      %sub3A_1658 = arith.subf %mul3A_1649, %convert_element_type3A_1657 : vector<16xf32>
      %sub3A_1659 = arith.constant 1.000000e+00 : f32
      %sub3A_1660 = vector.broadcast %sub3A_1659 : f32 to vector<16xf32>
      %sub3A_1661 = arith.subf %sub3A_1660, %sub3A_1658 : vector<16xf32>
      %add3A_1662 = arith.constant 1 : i32
      %add3A_1663 = vector.broadcast %add3A_1662 : i32 to vector<16xi32>
      %add3A_1664 = arith.addi %select_n3A_1656, %add3A_1663 : vector<16xi32>
      %max3A_1665 = arith.constant 0 : i32
      %max3A_1666 = vector.broadcast %max3A_1665 : i32 to vector<16xi32>
      %max3A_1667 = arith.maxsi %add3A_1664, %max3A_1666 : vector<16xi32>
      %min3A_1668 = arith.constant 511 : i32
      %min3A_1669 = vector.broadcast %min3A_1668 : i32 to vector<16xi32>
      %min3A_1670 = arith.minsi %max3A_1667, %min3A_1669 : vector<16xi32>
      %ge3A_1671 = arith.constant 0 : i32
      %ge3A_1672 = vector.broadcast %ge3A_1671 : i32 to vector<16xi32>
      %ge3A_1673 = arith.cmpi sge, %select_n3A_1656, %ge3A_1672 : vector<16xi32>
      %le3A_1674 = arith.constant 511 : i32
      %le3A_1675 = vector.broadcast %le3A_1674 : i32 to vector<16xi32>
      %le3A_1676 = arith.cmpi sle, %select_n3A_1656, %le3A_1675 : vector<16xi32>
      %and3A_1677 = arith.andi %ge3A_1673, %le3A_1676 : vector<16xi1>
      %jit3A_1678 = arith.constant 0 : i32
      %broadcast_in_dim3A_1679 = vector.broadcast %jit3A_1678 : i32 to vector<16xi32>
      %select_n3A_1680 = arith.select %and3A_1677, %select_n3A_1656, %broadcast_in_dim3A_1679 : vector<16xi1>, vector<16xi32>
      %swap3A_1681 = arith.constant 432 : index
      %swap3A_1682 = tpu.vector_load %arg5[%swap3A_1681] {strides = array<i32>} : memref<1024xi32, #tpu.memory_space<vmem>>, vector<16xi32>,
      tpu.vector_store %arg5[%swap3A_1681], %select_n3A_1680 {strides = array<i32>} : memref<1024xi32, #tpu.memory_space<vmem>>, vector<16xi32>,
      %jit3A_1683 = arith.constant 0.000000e+00 : f32
      %broadcast_in_dim3A_1684 = vector.broadcast %jit3A_1683 : f32 to vector<16xf32>
      %select_n3A_1685 = arith.select %and3A_1677, %sub3A_1661, %broadcast_in_dim3A_1684 : vector<16xi1>, vector<16xf32>
      %swap3A_1686 = arith.constant 432 : index
      %swap3A_1687 = tpu.vector_load %arg6[%swap3A_1686] {strides = array<i32>} : memref<1024xf32, #tpu.memory_space<vmem>>, vector<16xf32>,
      tpu.vector_store %arg6[%swap3A_1686], %select_n3A_1685 {strides = array<i32>} : memref<1024xf32, #tpu.memory_space<vmem>>, vector<16xf32>,
      %swap3A_1688 = arith.constant 944 : index
      %swap3A_1689 = tpu.vector_load %arg5[%swap3A_1688] {strides = array<i32>} : memref<1024xi32, #tpu.memory_space<vmem>>, vector<16xi32>,
      tpu.vector_store %arg5[%swap3A_1688], %min3A_1670 {strides = array<i32>} : memref<1024xi32, #tpu.memory_space<vmem>>, vector<16xi32>,
      %sub3A_1690 = arith.constant 1.000000e+00 : f32
      %sub3A_1691 = vector.broadcast %sub3A_1690 : f32 to vector<16xf32>
      %sub3A_1692 = arith.subf %sub3A_1691, %sub3A_1661 : vector<16xf32>
      %swap3A_1693 = arith.constant 944 : index
      %swap3A_1694 = tpu.vector_load %arg6[%swap3A_1693] {strides = array<i32>} : memref<1024xf32, #tpu.memory_space<vmem>>, vector<16xf32>,
      tpu.vector_store %arg6[%swap3A_1693], %sub3A_1692 {strides = array<i32>} : memref<1024xf32, #tpu.memory_space<vmem>>, vector<16xf32>,
      %max3A_1695 = arith.constant 0 : i32
      %max3A_1696 = vector.broadcast %max3A_1695 : i32 to vector<16xi32>
      %max3A_1697 = arith.maxsi %select_n3A_1656, %max3A_1696 : vector<16xi32>
      %min3A_1698 = arith.constant 511 : i32
      %min3A_1699 = vector.broadcast %min3A_1698 : i32 to vector<16xi32>
      %min3A_1700 = arith.minsi %max3A_1697, %min3A_1699 : vector<16xi32>
      %swap3A_1701 = arith.constant 432 : index
      %swap3A_1702 = tpu.vector_load %arg7[%swap3A_1701] {strides = array<i32>} : memref<512xi32, #tpu.memory_space<vmem>>, vector<16xi32>,
      tpu.vector_store %arg7[%swap3A_1701], %min3A_1700 {strides = array<i32>} : memref<512xi32, #tpu.memory_space<vmem>>, vector<16xi32>,
      %get3A_1703 = arith.constant 448 : index
      %get3A_1704 = tpu.vector_load %arg4[%get3A_1703] {strides = array<i32>} : memref<512xf32, #tpu.memory_space<vmem>>, vector<16xf32>,
      %sub3A_1705 = arith.constant -2.000000e+00 : f32
      %sub3A_1706 = vector.broadcast %sub3A_1705 : f32 to vector<16xf32>
      %sub3A_1707 = arith.subf %get3A_1704, %sub3A_1706 : vector<16xf32>
      %mul3A_1708 = arith.constant 1.280000e+02 : f32
      %mul3A_1709 = vector.broadcast %mul3A_1708 : f32 to vector<16xf32>
      %mul3A_1710 = arith.mulf %sub3A_1707, %mul3A_1709 : vector<16xf32>
      %convert_element_type3A_1711 = arith.fptosi %mul3A_1710 : vector<16xf32> to vector<16xi32>
      %convert_element_type3A_1712 = arith.sitofp %convert_element_type3A_1711 : vector<16xi32> to vector<16xf32>
      %gt3A_1713 = arith.cmpf ogt, %convert_element_type3A_1712, %mul3A_1710 : vector<16xf32>
      %sub3A_1714 = arith.constant 1 : i32
      %sub3A_1715 = vector.broadcast %sub3A_1714 : i32 to vector<16xi32>
      %sub3A_1716 = arith.subi %convert_element_type3A_1711, %sub3A_1715 : vector<16xi32>
      %select_n3A_1717 = arith.select %gt3A_1713, %sub3A_1716, %convert_element_type3A_1711 : vector<16xi1>, vector<16xi32>
      %convert_element_type3A_1718 = arith.sitofp %select_n3A_1717 : vector<16xi32> to vector<16xf32>
      %sub3A_1719 = arith.subf %mul3A_1710, %convert_element_type3A_1718 : vector<16xf32>
      %sub3A_1720 = arith.constant 1.000000e+00 : f32
      %sub3A_1721 = vector.broadcast %sub3A_1720 : f32 to vector<16xf32>
      %sub3A_1722 = arith.subf %sub3A_1721, %sub3A_1719 : vector<16xf32>
      %add3A_1723 = arith.constant 1 : i32
      %add3A_1724 = vector.broadcast %add3A_1723 : i32 to vector<16xi32>
      %add3A_1725 = arith.addi %select_n3A_1717, %add3A_1724 : vector<16xi32>
      %max3A_1726 = arith.constant 0 : i32
      %max3A_1727 = vector.broadcast %max3A_1726 : i32 to vector<16xi32>
      %max3A_1728 = arith.maxsi %add3A_1725, %max3A_1727 : vector<16xi32>
      %min3A_1729 = arith.constant 511 : i32
      %min3A_1730 = vector.broadcast %min3A_1729 : i32 to vector<16xi32>
      %min3A_1731 = arith.minsi %max3A_1728, %min3A_1730 : vector<16xi32>
      %ge3A_1732 = arith.constant 0 : i32
      %ge3A_1733 = vector.broadcast %ge3A_1732 : i32 to vector<16xi32>
      %ge3A_1734 = arith.cmpi sge, %select_n3A_1717, %ge3A_1733 : vector<16xi32>
      %le3A_1735 = arith.constant 511 : i32
      %le3A_1736 = vector.broadcast %le3A_1735 : i32 to vector<16xi32>
      %le3A_1737 = arith.cmpi sle, %select_n3A_1717, %le3A_1736 : vector<16xi32>
      %and3A_1738 = arith.andi %ge3A_1734, %le3A_1737 : vector<16xi1>
      %jit3A_1739 = arith.constant 0 : i32
      %broadcast_in_dim3A_1740 = vector.broadcast %jit3A_1739 : i32 to vector<16xi32>
      %select_n3A_1741 = arith.select %and3A_1738, %select_n3A_1717, %broadcast_in_dim3A_1740 : vector<16xi1>, vector<16xi32>
      %swap3A_1742 = arith.constant 448 : index
      %swap3A_1743 = tpu.vector_load %arg5[%swap3A_1742] {strides = array<i32>} : memref<1024xi32, #tpu.memory_space<vmem>>, vector<16xi32>,
      tpu.vector_store %arg5[%swap3A_1742], %select_n3A_1741 {strides = array<i32>} : memref<1024xi32, #tpu.memory_space<vmem>>, vector<16xi32>,
      %jit3A_1744 = arith.constant 0.000000e+00 : f32
      %broadcast_in_dim3A_1745 = vector.broadcast %jit3A_1744 : f32 to vector<16xf32>
      %select_n3A_1746 = arith.select %and3A_1738, %sub3A_1722, %broadcast_in_dim3A_1745 : vector<16xi1>, vector<16xf32>
      %swap3A_1747 = arith.constant 448 : index
      %swap3A_1748 = tpu.vector_load %arg6[%swap3A_1747] {strides = array<i32>} : memref<1024xf32, #tpu.memory_space<vmem>>, vector<16xf32>,
      tpu.vector_store %arg6[%swap3A_1747], %select_n3A_1746 {strides = array<i32>} : memref<1024xf32, #tpu.memory_space<vmem>>, vector<16xf32>,
      %swap3A_1749 = arith.constant 960 : index
      %swap3A_1750 = tpu.vector_load %arg5[%swap3A_1749] {strides = array<i32>} : memref<1024xi32, #tpu.memory_space<vmem>>, vector<16xi32>,
      tpu.vector_store %arg5[%swap3A_1749], %min3A_1731 {strides = array<i32>} : memref<1024xi32, #tpu.memory_space<vmem>>, vector<16xi32>,
      %sub3A_1751 = arith.constant 1.000000e+00 : f32
      %sub3A_1752 = vector.broadcast %sub3A_1751 : f32 to vector<16xf32>
      %sub3A_1753 = arith.subf %sub3A_1752, %sub3A_1722 : vector<16xf32>
      %swap3A_1754 = arith.constant 960 : index
      %swap3A_1755 = tpu.vector_load %arg6[%swap3A_1754] {strides = array<i32>} : memref<1024xf32, #tpu.memory_space<vmem>>, vector<16xf32>,
      tpu.vector_store %arg6[%swap3A_1754], %sub3A_1753 {strides = array<i32>} : memref<1024xf32, #tpu.memory_space<vmem>>, vector<16xf32>,
      %max3A_1756 = arith.constant 0 : i32
      %max3A_1757 = vector.broadcast %max3A_1756 : i32 to vector<16xi32>
      %max3A_1758 = arith.maxsi %select_n3A_1717, %max3A_1757 : vector<16xi32>
      %min3A_1759 = arith.constant 511 : i32
      %min3A_1760 = vector.broadcast %min3A_1759 : i32 to vector<16xi32>
      %min3A_1761 = arith.minsi %max3A_1758, %min3A_1760 : vector<16xi32>
      %swap3A_1762 = arith.constant 448 : index
      %swap3A_1763 = tpu.vector_load %arg7[%swap3A_1762] {strides = array<i32>} : memref<512xi32, #tpu.memory_space<vmem>>, vector<16xi32>,
      tpu.vector_store %arg7[%swap3A_1762], %min3A_1761 {strides = array<i32>} : memref<512xi32, #tpu.memory_space<vmem>>, vector<16xi32>,
      %get3A_1764 = arith.constant 464 : index
      %get3A_1765 = tpu.vector_load %arg4[%get3A_1764] {strides = array<i32>} : memref<512xf32, #tpu.memory_space<vmem>>, vector<16xf32>,
      %sub3A_1766 = arith.constant -2.000000e+00 : f32
      %sub3A_1767 = vector.broadcast %sub3A_1766 : f32 to vector<16xf32>
      %sub3A_1768 = arith.subf %get3A_1765, %sub3A_1767 : vector<16xf32>
      %mul3A_1769 = arith.constant 1.280000e+02 : f32
      %mul3A_1770 = vector.broadcast %mul3A_1769 : f32 to vector<16xf32>
      %mul3A_1771 = arith.mulf %sub3A_1768, %mul3A_1770 : vector<16xf32>
      %convert_element_type3A_1772 = arith.fptosi %mul3A_1771 : vector<16xf32> to vector<16xi32>
      %convert_element_type3A_1773 = arith.sitofp %convert_element_type3A_1772 : vector<16xi32> to vector<16xf32>
      %gt3A_1774 = arith.cmpf ogt, %convert_element_type3A_1773, %mul3A_1771 : vector<16xf32>
      %sub3A_1775 = arith.constant 1 : i32
      %sub3A_1776 = vector.broadcast %sub3A_1775 : i32 to vector<16xi32>
      %sub3A_1777 = arith.subi %convert_element_type3A_1772, %sub3A_1776 : vector<16xi32>
      %select_n3A_1778 = arith.select %gt3A_1774, %sub3A_1777, %convert_element_type3A_1772 : vector<16xi1>, vector<16xi32>
      %convert_element_type3A_1779 = arith.sitofp %select_n3A_1778 : vector<16xi32> to vector<16xf32>
      %sub3A_1780 = arith.subf %mul3A_1771, %convert_element_type3A_1779 : vector<16xf32>
      %sub3A_1781 = arith.constant 1.000000e+00 : f32
      %sub3A_1782 = vector.broadcast %sub3A_1781 : f32 to vector<16xf32>
      %sub3A_1783 = arith.subf %sub3A_1782, %sub3A_1780 : vector<16xf32>
      %add3A_1784 = arith.constant 1 : i32
      %add3A_1785 = vector.broadcast %add3A_1784 : i32 to vector<16xi32>
      %add3A_1786 = arith.addi %select_n3A_1778, %add3A_1785 : vector<16xi32>
      %max3A_1787 = arith.constant 0 : i32
      %max3A_1788 = vector.broadcast %max3A_1787 : i32 to vector<16xi32>
      %max3A_1789 = arith.maxsi %add3A_1786, %max3A_1788 : vector<16xi32>
      %min3A_1790 = arith.constant 511 : i32
      %min3A_1791 = vector.broadcast %min3A_1790 : i32 to vector<16xi32>
      %min3A_1792 = arith.minsi %max3A_1789, %min3A_1791 : vector<16xi32>
      %ge3A_1793 = arith.constant 0 : i32
      %ge3A_1794 = vector.broadcast %ge3A_1793 : i32 to vector<16xi32>
      %ge3A_1795 = arith.cmpi sge, %select_n3A_1778, %ge3A_1794 : vector<16xi32>
      %le3A_1796 = arith.constant 511 : i32
      %le3A_1797 = vector.broadcast %le3A_1796 : i32 to vector<16xi32>
      %le3A_1798 = arith.cmpi sle, %select_n3A_1778, %le3A_1797 : vector<16xi32>
      %and3A_1799 = arith.andi %ge3A_1795, %le3A_1798 : vector<16xi1>
      %jit3A_1800 = arith.constant 0 : i32
      %broadcast_in_dim3A_1801 = vector.broadcast %jit3A_1800 : i32 to vector<16xi32>
      %select_n3A_1802 = arith.select %and3A_1799, %select_n3A_1778, %broadcast_in_dim3A_1801 : vector<16xi1>, vector<16xi32>
      %swap3A_1803 = arith.constant 464 : index
      %swap3A_1804 = tpu.vector_load %arg5[%swap3A_1803] {strides = array<i32>} : memref<1024xi32, #tpu.memory_space<vmem>>, vector<16xi32>,
      tpu.vector_store %arg5[%swap3A_1803], %select_n3A_1802 {strides = array<i32>} : memref<1024xi32, #tpu.memory_space<vmem>>, vector<16xi32>,
      %jit3A_1805 = arith.constant 0.000000e+00 : f32
      %broadcast_in_dim3A_1806 = vector.broadcast %jit3A_1805 : f32 to vector<16xf32>
      %select_n3A_1807 = arith.select %and3A_1799, %sub3A_1783, %broadcast_in_dim3A_1806 : vector<16xi1>, vector<16xf32>
      %swap3A_1808 = arith.constant 464 : index
      %swap3A_1809 = tpu.vector_load %arg6[%swap3A_1808] {strides = array<i32>} : memref<1024xf32, #tpu.memory_space<vmem>>, vector<16xf32>,
      tpu.vector_store %arg6[%swap3A_1808], %select_n3A_1807 {strides = array<i32>} : memref<1024xf32, #tpu.memory_space<vmem>>, vector<16xf32>,
      %swap3A_1810 = arith.constant 976 : index
      %swap3A_1811 = tpu.vector_load %arg5[%swap3A_1810] {strides = array<i32>} : memref<1024xi32, #tpu.memory_space<vmem>>, vector<16xi32>,
      tpu.vector_store %arg5[%swap3A_1810], %min3A_1792 {strides = array<i32>} : memref<1024xi32, #tpu.memory_space<vmem>>, vector<16xi32>,
      %sub3A_1812 = arith.constant 1.000000e+00 : f32
      %sub3A_1813 = vector.broadcast %sub3A_1812 : f32 to vector<16xf32>
      %sub3A_1814 = arith.subf %sub3A_1813, %sub3A_1783 : vector<16xf32>
      %swap3A_1815 = arith.constant 976 : index
      %swap3A_1816 = tpu.vector_load %arg6[%swap3A_1815] {strides = array<i32>} : memref<1024xf32, #tpu.memory_space<vmem>>, vector<16xf32>,
      tpu.vector_store %arg6[%swap3A_1815], %sub3A_1814 {strides = array<i32>} : memref<1024xf32, #tpu.memory_space<vmem>>, vector<16xf32>,
      %max3A_1817 = arith.constant 0 : i32
      %max3A_1818 = vector.broadcast %max3A_1817 : i32 to vector<16xi32>
      %max3A_1819 = arith.maxsi %select_n3A_1778, %max3A_1818 : vector<16xi32>
      %min3A_1820 = arith.constant 511 : i32
      %min3A_1821 = vector.broadcast %min3A_1820 : i32 to vector<16xi32>
      %min3A_1822 = arith.minsi %max3A_1819, %min3A_1821 : vector<16xi32>
      %swap3A_1823 = arith.constant 464 : index
      %swap3A_1824 = tpu.vector_load %arg7[%swap3A_1823] {strides = array<i32>} : memref<512xi32, #tpu.memory_space<vmem>>, vector<16xi32>,
      tpu.vector_store %arg7[%swap3A_1823], %min3A_1822 {strides = array<i32>} : memref<512xi32, #tpu.memory_space<vmem>>, vector<16xi32>,
      %get3A_1825 = arith.constant 480 : index
      %get3A_1826 = tpu.vector_load %arg4[%get3A_1825] {strides = array<i32>} : memref<512xf32, #tpu.memory_space<vmem>>, vector<16xf32>,
      %sub3A_1827 = arith.constant -2.000000e+00 : f32
      %sub3A_1828 = vector.broadcast %sub3A_1827 : f32 to vector<16xf32>
      %sub3A_1829 = arith.subf %get3A_1826, %sub3A_1828 : vector<16xf32>
      %mul3A_1830 = arith.constant 1.280000e+02 : f32
      %mul3A_1831 = vector.broadcast %mul3A_1830 : f32 to vector<16xf32>
      %mul3A_1832 = arith.mulf %sub3A_1829, %mul3A_1831 : vector<16xf32>
      %convert_element_type3A_1833 = arith.fptosi %mul3A_1832 : vector<16xf32> to vector<16xi32>
      %convert_element_type3A_1834 = arith.sitofp %convert_element_type3A_1833 : vector<16xi32> to vector<16xf32>
      %gt3A_1835 = arith.cmpf ogt, %convert_element_type3A_1834, %mul3A_1832 : vector<16xf32>
      %sub3A_1836 = arith.constant 1 : i32
      %sub3A_1837 = vector.broadcast %sub3A_1836 : i32 to vector<16xi32>
      %sub3A_1838 = arith.subi %convert_element_type3A_1833, %sub3A_1837 : vector<16xi32>
      %select_n3A_1839 = arith.select %gt3A_1835, %sub3A_1838, %convert_element_type3A_1833 : vector<16xi1>, vector<16xi32>
      %convert_element_type3A_1840 = arith.sitofp %select_n3A_1839 : vector<16xi32> to vector<16xf32>
      %sub3A_1841 = arith.subf %mul3A_1832, %convert_element_type3A_1840 : vector<16xf32>
      %sub3A_1842 = arith.constant 1.000000e+00 : f32
      %sub3A_1843 = vector.broadcast %sub3A_1842 : f32 to vector<16xf32>
      %sub3A_1844 = arith.subf %sub3A_1843, %sub3A_1841 : vector<16xf32>
      %add3A_1845 = arith.constant 1 : i32
      %add3A_1846 = vector.broadcast %add3A_1845 : i32 to vector<16xi32>
      %add3A_1847 = arith.addi %select_n3A_1839, %add3A_1846 : vector<16xi32>
      %max3A_1848 = arith.constant 0 : i32
      %max3A_1849 = vector.broadcast %max3A_1848 : i32 to vector<16xi32>
      %max3A_1850 = arith.maxsi %add3A_1847, %max3A_1849 : vector<16xi32>
      %min3A_1851 = arith.constant 511 : i32
      %min3A_1852 = vector.broadcast %min3A_1851 : i32 to vector<16xi32>
      %min3A_1853 = arith.minsi %max3A_1850, %min3A_1852 : vector<16xi32>
      %ge3A_1854 = arith.constant 0 : i32
      %ge3A_1855 = vector.broadcast %ge3A_1854 : i32 to vector<16xi32>
      %ge3A_1856 = arith.cmpi sge, %select_n3A_1839, %ge3A_1855 : vector<16xi32>
      %le3A_1857 = arith.constant 511 : i32
      %le3A_1858 = vector.broadcast %le3A_1857 : i32 to vector<16xi32>
      %le3A_1859 = arith.cmpi sle, %select_n3A_1839, %le3A_1858 : vector<16xi32>
      %and3A_1860 = arith.andi %ge3A_1856, %le3A_1859 : vector<16xi1>
      %jit3A_1861 = arith.constant 0 : i32
      %broadcast_in_dim3A_1862 = vector.broadcast %jit3A_1861 : i32 to vector<16xi32>
      %select_n3A_1863 = arith.select %and3A_1860, %select_n3A_1839, %broadcast_in_dim3A_1862 : vector<16xi1>, vector<16xi32>
      %swap3A_1864 = arith.constant 480 : index
      %swap3A_1865 = tpu.vector_load %arg5[%swap3A_1864] {strides = array<i32>} : memref<1024xi32, #tpu.memory_space<vmem>>, vector<16xi32>,
      tpu.vector_store %arg5[%swap3A_1864], %select_n3A_1863 {strides = array<i32>} : memref<1024xi32, #tpu.memory_space<vmem>>, vector<16xi32>,
      %jit3A_1866 = arith.constant 0.000000e+00 : f32
      %broadcast_in_dim3A_1867 = vector.broadcast %jit3A_1866 : f32 to vector<16xf32>
      %select_n3A_1868 = arith.select %and3A_1860, %sub3A_1844, %broadcast_in_dim3A_1867 : vector<16xi1>, vector<16xf32>
      %swap3A_1869 = arith.constant 480 : index
      %swap3A_1870 = tpu.vector_load %arg6[%swap3A_1869] {strides = array<i32>} : memref<1024xf32, #tpu.memory_space<vmem>>, vector<16xf32>,
      tpu.vector_store %arg6[%swap3A_1869], %select_n3A_1868 {strides = array<i32>} : memref<1024xf32, #tpu.memory_space<vmem>>, vector<16xf32>,
      %swap3A_1871 = arith.constant 992 : index
      %swap3A_1872 = tpu.vector_load %arg5[%swap3A_1871] {strides = array<i32>} : memref<1024xi32, #tpu.memory_space<vmem>>, vector<16xi32>,
      tpu.vector_store %arg5[%swap3A_1871], %min3A_1853 {strides = array<i32>} : memref<1024xi32, #tpu.memory_space<vmem>>, vector<16xi32>,
      %sub3A_1873 = arith.constant 1.000000e+00 : f32
      %sub3A_1874 = vector.broadcast %sub3A_1873 : f32 to vector<16xf32>
      %sub3A_1875 = arith.subf %sub3A_1874, %sub3A_1844 : vector<16xf32>
      %swap3A_1876 = arith.constant 992 : index
      %swap3A_1877 = tpu.vector_load %arg6[%swap3A_1876] {strides = array<i32>} : memref<1024xf32, #tpu.memory_space<vmem>>, vector<16xf32>,
      tpu.vector_store %arg6[%swap3A_1876], %sub3A_1875 {strides = array<i32>} : memref<1024xf32, #tpu.memory_space<vmem>>, vector<16xf32>,
      %max3A_1878 = arith.constant 0 : i32
      %max3A_1879 = vector.broadcast %max3A_1878 : i32 to vector<16xi32>
      %max3A_1880 = arith.maxsi %select_n3A_1839, %max3A_1879 : vector<16xi32>
      %min3A_1881 = arith.constant 511 : i32
      %min3A_1882 = vector.broadcast %min3A_1881 : i32 to vector<16xi32>
      %min3A_1883 = arith.minsi %max3A_1880, %min3A_1882 : vector<16xi32>
      %swap3A_1884 = arith.constant 480 : index
      %swap3A_1885 = tpu.vector_load %arg7[%swap3A_1884] {strides = array<i32>} : memref<512xi32, #tpu.memory_space<vmem>>, vector<16xi32>,
      tpu.vector_store %arg7[%swap3A_1884], %min3A_1883 {strides = array<i32>} : memref<512xi32, #tpu.memory_space<vmem>>, vector<16xi32>,
      %get3A_1886 = arith.constant 496 : index
      %get3A_1887 = tpu.vector_load %arg4[%get3A_1886] {strides = array<i32>} : memref<512xf32, #tpu.memory_space<vmem>>, vector<16xf32>,
      %sub3A_1888 = arith.constant -2.000000e+00 : f32
      %sub3A_1889 = vector.broadcast %sub3A_1888 : f32 to vector<16xf32>
      %sub3A_1890 = arith.subf %get3A_1887, %sub3A_1889 : vector<16xf32>
      %mul3A_1891 = arith.constant 1.280000e+02 : f32
      %mul3A_1892 = vector.broadcast %mul3A_1891 : f32 to vector<16xf32>
      %mul3A_1893 = arith.mulf %sub3A_1890, %mul3A_1892 : vector<16xf32>
      %convert_element_type3A_1894 = arith.fptosi %mul3A_1893 : vector<16xf32> to vector<16xi32>
      %convert_element_type3A_1895 = arith.sitofp %convert_element_type3A_1894 : vector<16xi32> to vector<16xf32>
      %gt3A_1896 = arith.cmpf ogt, %convert_element_type3A_1895, %mul3A_1893 : vector<16xf32>
      %sub3A_1897 = arith.constant 1 : i32
      %sub3A_1898 = vector.broadcast %sub3A_1897 : i32 to vector<16xi32>
      %sub3A_1899 = arith.subi %convert_element_type3A_1894, %sub3A_1898 : vector<16xi32>
      %select_n3A_1900 = arith.select %gt3A_1896, %sub3A_1899, %convert_element_type3A_1894 : vector<16xi1>, vector<16xi32>
      %convert_element_type3A_1901 = arith.sitofp %select_n3A_1900 : vector<16xi32> to vector<16xf32>
      %sub3A_1902 = arith.subf %mul3A_1893, %convert_element_type3A_1901 : vector<16xf32>
      %sub3A_1903 = arith.constant 1.000000e+00 : f32
      %sub3A_1904 = vector.broadcast %sub3A_1903 : f32 to vector<16xf32>
      %sub3A_1905 = arith.subf %sub3A_1904, %sub3A_1902 : vector<16xf32>
      %add3A_1906 = arith.constant 1 : i32
      %add3A_1907 = vector.broadcast %add3A_1906 : i32 to vector<16xi32>
      %add3A_1908 = arith.addi %select_n3A_1900, %add3A_1907 : vector<16xi32>
      %max3A_1909 = arith.constant 0 : i32
      %max3A_1910 = vector.broadcast %max3A_1909 : i32 to vector<16xi32>
      %max3A_1911 = arith.maxsi %add3A_1908, %max3A_1910 : vector<16xi32>
      %min3A_1912 = arith.constant 511 : i32
      %min3A_1913 = vector.broadcast %min3A_1912 : i32 to vector<16xi32>
      %min3A_1914 = arith.minsi %max3A_1911, %min3A_1913 : vector<16xi32>
      %ge3A_1915 = arith.constant 0 : i32
      %ge3A_1916 = vector.broadcast %ge3A_1915 : i32 to vector<16xi32>
      %ge3A_1917 = arith.cmpi sge, %select_n3A_1900, %ge3A_1916 : vector<16xi32>
      %le3A_1918 = arith.constant 511 : i32
      %le3A_1919 = vector.broadcast %le3A_1918 : i32 to vector<16xi32>
      %le3A_1920 = arith.cmpi sle, %select_n3A_1900, %le3A_1919 : vector<16xi32>
      %and3A_1921 = arith.andi %ge3A_1917, %le3A_1920 : vector<16xi1>
      %jit3A_1922 = arith.constant 0 : i32
      %broadcast_in_dim3A_1923 = vector.broadcast %jit3A_1922 : i32 to vector<16xi32>
      %select_n3A_1924 = arith.select %and3A_1921, %select_n3A_1900, %broadcast_in_dim3A_1923 : vector<16xi1>, vector<16xi32>
      %swap3A_1925 = arith.constant 496 : index
      %swap3A_1926 = tpu.vector_load %arg5[%swap3A_1925] {strides = array<i32>} : memref<1024xi32, #tpu.memory_space<vmem>>, vector<16xi32>,
      tpu.vector_store %arg5[%swap3A_1925], %select_n3A_1924 {strides = array<i32>} : memref<1024xi32, #tpu.memory_space<vmem>>, vector<16xi32>,
      %jit3A_1927 = arith.constant 0.000000e+00 : f32
      %broadcast_in_dim3A_1928 = vector.broadcast %jit3A_1927 : f32 to vector<16xf32>
      %select_n3A_1929 = arith.select %and3A_1921, %sub3A_1905, %broadcast_in_dim3A_1928 : vector<16xi1>, vector<16xf32>
      %swap3A_1930 = arith.constant 496 : index
      %swap3A_1931 = tpu.vector_load %arg6[%swap3A_1930] {strides = array<i32>} : memref<1024xf32, #tpu.memory_space<vmem>>, vector<16xf32>,
      tpu.vector_store %arg6[%swap3A_1930], %select_n3A_1929 {strides = array<i32>} : memref<1024xf32, #tpu.memory_space<vmem>>, vector<16xf32>,
      %swap3A_1932 = arith.constant 1008 : index
      %swap3A_1933 = tpu.vector_load %arg5[%swap3A_1932] {strides = array<i32>} : memref<1024xi32, #tpu.memory_space<vmem>>, vector<16xi32>,
      tpu.vector_store %arg5[%swap3A_1932], %min3A_1914 {strides = array<i32>} : memref<1024xi32, #tpu.memory_space<vmem>>, vector<16xi32>,
      %sub3A_1934 = arith.constant 1.000000e+00 : f32
      %sub3A_1935 = vector.broadcast %sub3A_1934 : f32 to vector<16xf32>
      %sub3A_1936 = arith.subf %sub3A_1935, %sub3A_1905 : vector<16xf32>
      %swap3A_1937 = arith.constant 1008 : index
      %swap3A_1938 = tpu.vector_load %arg6[%swap3A_1937] {strides = array<i32>} : memref<1024xf32, #tpu.memory_space<vmem>>, vector<16xf32>,
      tpu.vector_store %arg6[%swap3A_1937], %sub3A_1936 {strides = array<i32>} : memref<1024xf32, #tpu.memory_space<vmem>>, vector<16xf32>,
      %max3A_1939 = arith.constant 0 : i32
      %max3A_1940 = vector.broadcast %max3A_1939 : i32 to vector<16xi32>
      %max3A_1941 = arith.maxsi %select_n3A_1900, %max3A_1940 : vector<16xi32>
      %min3A_1942 = arith.constant 511 : i32
      %min3A_1943 = vector.broadcast %min3A_1942 : i32 to vector<16xi32>
      %min3A_1944 = arith.minsi %max3A_1941, %min3A_1943 : vector<16xi32>
      %swap3A_1945 = arith.constant 496 : index
      %swap3A_1946 = tpu.vector_load %arg7[%swap3A_1945] {strides = array<i32>} : memref<512xi32, #tpu.memory_space<vmem>>, vector<16xi32>,
      tpu.vector_store %arg7[%swap3A_1945], %min3A_1944 {strides = array<i32>} : memref<512xi32, #tpu.memory_space<vmem>>, vector<16xi32>,
      "tpu.region"() ({
        %run_scoped3A = tpu.sem_alloc : memref<!tpu.dma_semaphore, #tpu.memory_space<semaphore_mem>>
        %dma_start3A = arith.constant 0 : i32
        %dma_start3A_2631 = tpu.memref_slice %arg13[%dma_start3A] : memref<512xf32, #tpu.memory_space<vmem_shared>> -> memref<512xf32, #tpu.memory_space<vmem_shared>>
        tpu.enqueue_indirect_dma source(%arg6 : memref<1024xf32, #tpu.memory_space<vmem>>) target(%dma_start3A_2631 : memref<512xf32, #tpu.memory_space<vmem_shared>>) offsets(%arg5 : memref<1024xi32, #tpu.memory_space<vmem>>) semaphore(%run_scoped3A : memref<!tpu.dma_semaphore, #tpu.memory_space<semaphore_mem>>) {add = true}
        %dma_wait3A = arith.constant 0 : i32
        %dma_wait3A_2632 = tpu.memref_slice %arg13[%dma_wait3A] : memref<512xf32, #tpu.memory_space<vmem_shared>> -> memref<512xf32, #tpu.memory_space<vmem_shared>>
        tpu.wait_indirect_dma semaphore(%run_scoped3A : memref<!tpu.dma_semaphore, #tpu.memory_space<semaphore_mem>>) src(%arg6 : memref<1024xf32, #tpu.memory_space<vmem>>) dst(%dma_wait3A_2632 : memref<512xf32, #tpu.memory_space<vmem_shared>>)
        tpu.yield
      }) : () -> ()
      %barrier3A_1947 = arith.constant 0 : index
      tpu.barrier barrier_id(%barrier3A_1947)
      "tpu.region"() ({
        %run_scoped3A = tpu.sem_alloc : memref<!tpu.dma_semaphore, #tpu.memory_space<semaphore_mem>>
        tpu.enqueue_dma source(%arg13 : memref<512xf32, #tpu.memory_space<vmem_shared>>) target(%arg8 : memref<512xf32, #tpu.memory_space<vmem>>) target_semaphore(%run_scoped3A : memref<!tpu.dma_semaphore, #tpu.memory_space<semaphore_mem>>)
        tpu.wait_dma2 semaphore(%run_scoped3A : memref<!tpu.dma_semaphore, #tpu.memory_space<semaphore_mem>>) src(%arg13 : memref<512xf32, #tpu.memory_space<vmem_shared>>) dst(%arg8 : memref<512xf32, #tpu.memory_space<vmem>>)
        tpu.yield
      }) : () -> ()
      %broadcast_in_dim3A_1948 = arith.constant 0.000000e+00 : f32
      %broadcast_in_dim3A_1949 = vector.broadcast %broadcast_in_dim3A_1948 : f32 to vector<16xf32>
      %get3A_1950 = arith.constant 0 : index
      %get3A_1951 = tpu.vector_load %arg8[%get3A_1950] {strides = array<i32>} : memref<512xf32, #tpu.memory_space<vmem>>, vector<16xf32>,
      %broadcast_in_dim3A_1952 = arith.constant true
      %broadcast_in_dim3A_1953 = vector.broadcast %broadcast_in_dim3A_1952 : i1 to vector<16xi1>
      %masked_cumsum3A = tpu.scan <sum>, %get3A_1951 masked %broadcast_in_dim3A_1953 : vector<16xf32>, vector<16xi1> -> vector<16xf32>
      %add3A_1954 = arith.addf %masked_cumsum3A, %broadcast_in_dim3A_1949 : vector<16xf32>
      %swap3A_1955 = arith.constant 0 : index
      %swap3A_1956 = tpu.vector_load %arg9[%swap3A_1955] {strides = array<i32>} : memref<512xf32, #tpu.memory_space<vmem>>, vector<16xf32>,
      tpu.vector_store %arg9[%swap3A_1955], %add3A_1954 {strides = array<i32>} : memref<512xf32, #tpu.memory_space<vmem>>, vector<16xf32>,
      %reduce_sum3A = arith.constant true
      %reduce_sum3A_1957 = vector.broadcast %reduce_sum3A : i1 to vector<16xi1>
      %reduce_sum3A_1958 = tpu.scan <sum>, %get3A_1951 masked %reduce_sum3A_1957 : vector<16xf32>, vector<16xi1> -> vector<16xf32>
      %reduce_sum3A_1959 = vector.extract %reduce_sum3A_1958[15] : f32 from vector<16xf32>
      %broadcast_in_dim3A_1960 = vector.broadcast %reduce_sum3A_1959 : f32 to vector<16xf32>
      %add3A_1961 = arith.addf %broadcast_in_dim3A_1949, %broadcast_in_dim3A_1960 : vector<16xf32>
      %get3A_1962 = arith.constant 16 : index
      %get3A_1963 = tpu.vector_load %arg8[%get3A_1962] {strides = array<i32>} : memref<512xf32, #tpu.memory_space<vmem>>, vector<16xf32>,
      %broadcast_in_dim3A_1964 = arith.constant true
      %broadcast_in_dim3A_1965 = vector.broadcast %broadcast_in_dim3A_1964 : i1 to vector<16xi1>
      %masked_cumsum3A_1966 = tpu.scan <sum>, %get3A_1963 masked %broadcast_in_dim3A_1965 : vector<16xf32>, vector<16xi1> -> vector<16xf32>
      %add3A_1967 = arith.addf %masked_cumsum3A_1966, %add3A_1961 : vector<16xf32>
      %swap3A_1968 = arith.constant 16 : index
      %swap3A_1969 = tpu.vector_load %arg9[%swap3A_1968] {strides = array<i32>} : memref<512xf32, #tpu.memory_space<vmem>>, vector<16xf32>,
      tpu.vector_store %arg9[%swap3A_1968], %add3A_1967 {strides = array<i32>} : memref<512xf32, #tpu.memory_space<vmem>>, vector<16xf32>,
      %reduce_sum3A_1970 = arith.constant true
      %reduce_sum3A_1971 = vector.broadcast %reduce_sum3A_1970 : i1 to vector<16xi1>
      %reduce_sum3A_1972 = tpu.scan <sum>, %get3A_1963 masked %reduce_sum3A_1971 : vector<16xf32>, vector<16xi1> -> vector<16xf32>
      %reduce_sum3A_1973 = vector.extract %reduce_sum3A_1972[15] : f32 from vector<16xf32>
      %broadcast_in_dim3A_1974 = vector.broadcast %reduce_sum3A_1973 : f32 to vector<16xf32>
      %add3A_1975 = arith.addf %add3A_1961, %broadcast_in_dim3A_1974 : vector<16xf32>
      %get3A_1976 = arith.constant 32 : index
      %get3A_1977 = tpu.vector_load %arg8[%get3A_1976] {strides = array<i32>} : memref<512xf32, #tpu.memory_space<vmem>>, vector<16xf32>,
      %broadcast_in_dim3A_1978 = arith.constant true
      %broadcast_in_dim3A_1979 = vector.broadcast %broadcast_in_dim3A_1978 : i1 to vector<16xi1>
      %masked_cumsum3A_1980 = tpu.scan <sum>, %get3A_1977 masked %broadcast_in_dim3A_1979 : vector<16xf32>, vector<16xi1> -> vector<16xf32>
      %add3A_1981 = arith.addf %masked_cumsum3A_1980, %add3A_1975 : vector<16xf32>
      %swap3A_1982 = arith.constant 32 : index
      %swap3A_1983 = tpu.vector_load %arg9[%swap3A_1982] {strides = array<i32>} : memref<512xf32, #tpu.memory_space<vmem>>, vector<16xf32>,
      tpu.vector_store %arg9[%swap3A_1982], %add3A_1981 {strides = array<i32>} : memref<512xf32, #tpu.memory_space<vmem>>, vector<16xf32>,
      %reduce_sum3A_1984 = arith.constant true
      %reduce_sum3A_1985 = vector.broadcast %reduce_sum3A_1984 : i1 to vector<16xi1>
      %reduce_sum3A_1986 = tpu.scan <sum>, %get3A_1977 masked %reduce_sum3A_1985 : vector<16xf32>, vector<16xi1> -> vector<16xf32>
      %reduce_sum3A_1987 = vector.extract %reduce_sum3A_1986[15] : f32 from vector<16xf32>
      %broadcast_in_dim3A_1988 = vector.broadcast %reduce_sum3A_1987 : f32 to vector<16xf32>
      %add3A_1989 = arith.addf %add3A_1975, %broadcast_in_dim3A_1988 : vector<16xf32>
      %get3A_1990 = arith.constant 48 : index
      %get3A_1991 = tpu.vector_load %arg8[%get3A_1990] {strides = array<i32>} : memref<512xf32, #tpu.memory_space<vmem>>, vector<16xf32>,
      %broadcast_in_dim3A_1992 = arith.constant true
      %broadcast_in_dim3A_1993 = vector.broadcast %broadcast_in_dim3A_1992 : i1 to vector<16xi1>
      %masked_cumsum3A_1994 = tpu.scan <sum>, %get3A_1991 masked %broadcast_in_dim3A_1993 : vector<16xf32>, vector<16xi1> -> vector<16xf32>
      %add3A_1995 = arith.addf %masked_cumsum3A_1994, %add3A_1989 : vector<16xf32>
      %swap3A_1996 = arith.constant 48 : index
      %swap3A_1997 = tpu.vector_load %arg9[%swap3A_1996] {strides = array<i32>} : memref<512xf32, #tpu.memory_space<vmem>>, vector<16xf32>,
      tpu.vector_store %arg9[%swap3A_1996], %add3A_1995 {strides = array<i32>} : memref<512xf32, #tpu.memory_space<vmem>>, vector<16xf32>,
      %reduce_sum3A_1998 = arith.constant true
      %reduce_sum3A_1999 = vector.broadcast %reduce_sum3A_1998 : i1 to vector<16xi1>
      %reduce_sum3A_2000 = tpu.scan <sum>, %get3A_1991 masked %reduce_sum3A_1999 : vector<16xf32>, vector<16xi1> -> vector<16xf32>
      %reduce_sum3A_2001 = vector.extract %reduce_sum3A_2000[15] : f32 from vector<16xf32>
      %broadcast_in_dim3A_2002 = vector.broadcast %reduce_sum3A_2001 : f32 to vector<16xf32>
      %add3A_2003 = arith.addf %add3A_1989, %broadcast_in_dim3A_2002 : vector<16xf32>
      %get3A_2004 = arith.constant 64 : index
      %get3A_2005 = tpu.vector_load %arg8[%get3A_2004] {strides = array<i32>} : memref<512xf32, #tpu.memory_space<vmem>>, vector<16xf32>,
      %broadcast_in_dim3A_2006 = arith.constant true
      %broadcast_in_dim3A_2007 = vector.broadcast %broadcast_in_dim3A_2006 : i1 to vector<16xi1>
      %masked_cumsum3A_2008 = tpu.scan <sum>, %get3A_2005 masked %broadcast_in_dim3A_2007 : vector<16xf32>, vector<16xi1> -> vector<16xf32>
      %add3A_2009 = arith.addf %masked_cumsum3A_2008, %add3A_2003 : vector<16xf32>
      %swap3A_2010 = arith.constant 64 : index
      %swap3A_2011 = tpu.vector_load %arg9[%swap3A_2010] {strides = array<i32>} : memref<512xf32, #tpu.memory_space<vmem>>, vector<16xf32>,
      tpu.vector_store %arg9[%swap3A_2010], %add3A_2009 {strides = array<i32>} : memref<512xf32, #tpu.memory_space<vmem>>, vector<16xf32>,
      %reduce_sum3A_2012 = arith.constant true
      %reduce_sum3A_2013 = vector.broadcast %reduce_sum3A_2012 : i1 to vector<16xi1>
      %reduce_sum3A_2014 = tpu.scan <sum>, %get3A_2005 masked %reduce_sum3A_2013 : vector<16xf32>, vector<16xi1> -> vector<16xf32>
      %reduce_sum3A_2015 = vector.extract %reduce_sum3A_2014[15] : f32 from vector<16xf32>
      %broadcast_in_dim3A_2016 = vector.broadcast %reduce_sum3A_2015 : f32 to vector<16xf32>
      %add3A_2017 = arith.addf %add3A_2003, %broadcast_in_dim3A_2016 : vector<16xf32>
      %get3A_2018 = arith.constant 80 : index
      %get3A_2019 = tpu.vector_load %arg8[%get3A_2018] {strides = array<i32>} : memref<512xf32, #tpu.memory_space<vmem>>, vector<16xf32>,
      %broadcast_in_dim3A_2020 = arith.constant true
      %broadcast_in_dim3A_2021 = vector.broadcast %broadcast_in_dim3A_2020 : i1 to vector<16xi1>
      %masked_cumsum3A_2022 = tpu.scan <sum>, %get3A_2019 masked %broadcast_in_dim3A_2021 : vector<16xf32>, vector<16xi1> -> vector<16xf32>
      %add3A_2023 = arith.addf %masked_cumsum3A_2022, %add3A_2017 : vector<16xf32>
      %swap3A_2024 = arith.constant 80 : index
      %swap3A_2025 = tpu.vector_load %arg9[%swap3A_2024] {strides = array<i32>} : memref<512xf32, #tpu.memory_space<vmem>>, vector<16xf32>,
      tpu.vector_store %arg9[%swap3A_2024], %add3A_2023 {strides = array<i32>} : memref<512xf32, #tpu.memory_space<vmem>>, vector<16xf32>,
      %reduce_sum3A_2026 = arith.constant true
      %reduce_sum3A_2027 = vector.broadcast %reduce_sum3A_2026 : i1 to vector<16xi1>
      %reduce_sum3A_2028 = tpu.scan <sum>, %get3A_2019 masked %reduce_sum3A_2027 : vector<16xf32>, vector<16xi1> -> vector<16xf32>
      %reduce_sum3A_2029 = vector.extract %reduce_sum3A_2028[15] : f32 from vector<16xf32>
      %broadcast_in_dim3A_2030 = vector.broadcast %reduce_sum3A_2029 : f32 to vector<16xf32>
      %add3A_2031 = arith.addf %add3A_2017, %broadcast_in_dim3A_2030 : vector<16xf32>
      %get3A_2032 = arith.constant 96 : index
      %get3A_2033 = tpu.vector_load %arg8[%get3A_2032] {strides = array<i32>} : memref<512xf32, #tpu.memory_space<vmem>>, vector<16xf32>,
      %broadcast_in_dim3A_2034 = arith.constant true
      %broadcast_in_dim3A_2035 = vector.broadcast %broadcast_in_dim3A_2034 : i1 to vector<16xi1>
      %masked_cumsum3A_2036 = tpu.scan <sum>, %get3A_2033 masked %broadcast_in_dim3A_2035 : vector<16xf32>, vector<16xi1> -> vector<16xf32>
      %add3A_2037 = arith.addf %masked_cumsum3A_2036, %add3A_2031 : vector<16xf32>
      %swap3A_2038 = arith.constant 96 : index
      %swap3A_2039 = tpu.vector_load %arg9[%swap3A_2038] {strides = array<i32>} : memref<512xf32, #tpu.memory_space<vmem>>, vector<16xf32>,
      tpu.vector_store %arg9[%swap3A_2038], %add3A_2037 {strides = array<i32>} : memref<512xf32, #tpu.memory_space<vmem>>, vector<16xf32>,
      %reduce_sum3A_2040 = arith.constant true
      %reduce_sum3A_2041 = vector.broadcast %reduce_sum3A_2040 : i1 to vector<16xi1>
      %reduce_sum3A_2042 = tpu.scan <sum>, %get3A_2033 masked %reduce_sum3A_2041 : vector<16xf32>, vector<16xi1> -> vector<16xf32>
      %reduce_sum3A_2043 = vector.extract %reduce_sum3A_2042[15] : f32 from vector<16xf32>
      %broadcast_in_dim3A_2044 = vector.broadcast %reduce_sum3A_2043 : f32 to vector<16xf32>
      %add3A_2045 = arith.addf %add3A_2031, %broadcast_in_dim3A_2044 : vector<16xf32>
      %get3A_2046 = arith.constant 112 : index
      %get3A_2047 = tpu.vector_load %arg8[%get3A_2046] {strides = array<i32>} : memref<512xf32, #tpu.memory_space<vmem>>, vector<16xf32>,
      %broadcast_in_dim3A_2048 = arith.constant true
      %broadcast_in_dim3A_2049 = vector.broadcast %broadcast_in_dim3A_2048 : i1 to vector<16xi1>
      %masked_cumsum3A_2050 = tpu.scan <sum>, %get3A_2047 masked %broadcast_in_dim3A_2049 : vector<16xf32>, vector<16xi1> -> vector<16xf32>
      %add3A_2051 = arith.addf %masked_cumsum3A_2050, %add3A_2045 : vector<16xf32>
      %swap3A_2052 = arith.constant 112 : index
      %swap3A_2053 = tpu.vector_load %arg9[%swap3A_2052] {strides = array<i32>} : memref<512xf32, #tpu.memory_space<vmem>>, vector<16xf32>,
      tpu.vector_store %arg9[%swap3A_2052], %add3A_2051 {strides = array<i32>} : memref<512xf32, #tpu.memory_space<vmem>>, vector<16xf32>,
      %reduce_sum3A_2054 = arith.constant true
      %reduce_sum3A_2055 = vector.broadcast %reduce_sum3A_2054 : i1 to vector<16xi1>
      %reduce_sum3A_2056 = tpu.scan <sum>, %get3A_2047 masked %reduce_sum3A_2055 : vector<16xf32>, vector<16xi1> -> vector<16xf32>
      %reduce_sum3A_2057 = vector.extract %reduce_sum3A_2056[15] : f32 from vector<16xf32>
      %broadcast_in_dim3A_2058 = vector.broadcast %reduce_sum3A_2057 : f32 to vector<16xf32>
      %add3A_2059 = arith.addf %add3A_2045, %broadcast_in_dim3A_2058 : vector<16xf32>
      %get3A_2060 = arith.constant 128 : index
      %get3A_2061 = tpu.vector_load %arg8[%get3A_2060] {strides = array<i32>} : memref<512xf32, #tpu.memory_space<vmem>>, vector<16xf32>,
      %broadcast_in_dim3A_2062 = arith.constant true
      %broadcast_in_dim3A_2063 = vector.broadcast %broadcast_in_dim3A_2062 : i1 to vector<16xi1>
      %masked_cumsum3A_2064 = tpu.scan <sum>, %get3A_2061 masked %broadcast_in_dim3A_2063 : vector<16xf32>, vector<16xi1> -> vector<16xf32>
      %add3A_2065 = arith.addf %masked_cumsum3A_2064, %add3A_2059 : vector<16xf32>
      %swap3A_2066 = arith.constant 128 : index
      %swap3A_2067 = tpu.vector_load %arg9[%swap3A_2066] {strides = array<i32>} : memref<512xf32, #tpu.memory_space<vmem>>, vector<16xf32>,
      tpu.vector_store %arg9[%swap3A_2066], %add3A_2065 {strides = array<i32>} : memref<512xf32, #tpu.memory_space<vmem>>, vector<16xf32>,
      %reduce_sum3A_2068 = arith.constant true
      %reduce_sum3A_2069 = vector.broadcast %reduce_sum3A_2068 : i1 to vector<16xi1>
      %reduce_sum3A_2070 = tpu.scan <sum>, %get3A_2061 masked %reduce_sum3A_2069 : vector<16xf32>, vector<16xi1> -> vector<16xf32>
      %reduce_sum3A_2071 = vector.extract %reduce_sum3A_2070[15] : f32 from vector<16xf32>
      %broadcast_in_dim3A_2072 = vector.broadcast %reduce_sum3A_2071 : f32 to vector<16xf32>
      %add3A_2073 = arith.addf %add3A_2059, %broadcast_in_dim3A_2072 : vector<16xf32>
      %get3A_2074 = arith.constant 144 : index
      %get3A_2075 = tpu.vector_load %arg8[%get3A_2074] {strides = array<i32>} : memref<512xf32, #tpu.memory_space<vmem>>, vector<16xf32>,
      %broadcast_in_dim3A_2076 = arith.constant true
      %broadcast_in_dim3A_2077 = vector.broadcast %broadcast_in_dim3A_2076 : i1 to vector<16xi1>
      %masked_cumsum3A_2078 = tpu.scan <sum>, %get3A_2075 masked %broadcast_in_dim3A_2077 : vector<16xf32>, vector<16xi1> -> vector<16xf32>
      %add3A_2079 = arith.addf %masked_cumsum3A_2078, %add3A_2073 : vector<16xf32>
      %swap3A_2080 = arith.constant 144 : index
      %swap3A_2081 = tpu.vector_load %arg9[%swap3A_2080] {strides = array<i32>} : memref<512xf32, #tpu.memory_space<vmem>>, vector<16xf32>,
      tpu.vector_store %arg9[%swap3A_2080], %add3A_2079 {strides = array<i32>} : memref<512xf32, #tpu.memory_space<vmem>>, vector<16xf32>,
      %reduce_sum3A_2082 = arith.constant true
      %reduce_sum3A_2083 = vector.broadcast %reduce_sum3A_2082 : i1 to vector<16xi1>
      %reduce_sum3A_2084 = tpu.scan <sum>, %get3A_2075 masked %reduce_sum3A_2083 : vector<16xf32>, vector<16xi1> -> vector<16xf32>
      %reduce_sum3A_2085 = vector.extract %reduce_sum3A_2084[15] : f32 from vector<16xf32>
      %broadcast_in_dim3A_2086 = vector.broadcast %reduce_sum3A_2085 : f32 to vector<16xf32>
      %add3A_2087 = arith.addf %add3A_2073, %broadcast_in_dim3A_2086 : vector<16xf32>
      %get3A_2088 = arith.constant 160 : index
      %get3A_2089 = tpu.vector_load %arg8[%get3A_2088] {strides = array<i32>} : memref<512xf32, #tpu.memory_space<vmem>>, vector<16xf32>,
      %broadcast_in_dim3A_2090 = arith.constant true
      %broadcast_in_dim3A_2091 = vector.broadcast %broadcast_in_dim3A_2090 : i1 to vector<16xi1>
      %masked_cumsum3A_2092 = tpu.scan <sum>, %get3A_2089 masked %broadcast_in_dim3A_2091 : vector<16xf32>, vector<16xi1> -> vector<16xf32>
      %add3A_2093 = arith.addf %masked_cumsum3A_2092, %add3A_2087 : vector<16xf32>
      %swap3A_2094 = arith.constant 160 : index
      %swap3A_2095 = tpu.vector_load %arg9[%swap3A_2094] {strides = array<i32>} : memref<512xf32, #tpu.memory_space<vmem>>, vector<16xf32>,
      tpu.vector_store %arg9[%swap3A_2094], %add3A_2093 {strides = array<i32>} : memref<512xf32, #tpu.memory_space<vmem>>, vector<16xf32>,
      %reduce_sum3A_2096 = arith.constant true
      %reduce_sum3A_2097 = vector.broadcast %reduce_sum3A_2096 : i1 to vector<16xi1>
      %reduce_sum3A_2098 = tpu.scan <sum>, %get3A_2089 masked %reduce_sum3A_2097 : vector<16xf32>, vector<16xi1> -> vector<16xf32>
      %reduce_sum3A_2099 = vector.extract %reduce_sum3A_2098[15] : f32 from vector<16xf32>
      %broadcast_in_dim3A_2100 = vector.broadcast %reduce_sum3A_2099 : f32 to vector<16xf32>
      %add3A_2101 = arith.addf %add3A_2087, %broadcast_in_dim3A_2100 : vector<16xf32>
      %get3A_2102 = arith.constant 176 : index
      %get3A_2103 = tpu.vector_load %arg8[%get3A_2102] {strides = array<i32>} : memref<512xf32, #tpu.memory_space<vmem>>, vector<16xf32>,
      %broadcast_in_dim3A_2104 = arith.constant true
      %broadcast_in_dim3A_2105 = vector.broadcast %broadcast_in_dim3A_2104 : i1 to vector<16xi1>
      %masked_cumsum3A_2106 = tpu.scan <sum>, %get3A_2103 masked %broadcast_in_dim3A_2105 : vector<16xf32>, vector<16xi1> -> vector<16xf32>
      %add3A_2107 = arith.addf %masked_cumsum3A_2106, %add3A_2101 : vector<16xf32>
      %swap3A_2108 = arith.constant 176 : index
      %swap3A_2109 = tpu.vector_load %arg9[%swap3A_2108] {strides = array<i32>} : memref<512xf32, #tpu.memory_space<vmem>>, vector<16xf32>,
      tpu.vector_store %arg9[%swap3A_2108], %add3A_2107 {strides = array<i32>} : memref<512xf32, #tpu.memory_space<vmem>>, vector<16xf32>,
      %reduce_sum3A_2110 = arith.constant true
      %reduce_sum3A_2111 = vector.broadcast %reduce_sum3A_2110 : i1 to vector<16xi1>
      %reduce_sum3A_2112 = tpu.scan <sum>, %get3A_2103 masked %reduce_sum3A_2111 : vector<16xf32>, vector<16xi1> -> vector<16xf32>
      %reduce_sum3A_2113 = vector.extract %reduce_sum3A_2112[15] : f32 from vector<16xf32>
      %broadcast_in_dim3A_2114 = vector.broadcast %reduce_sum3A_2113 : f32 to vector<16xf32>
      %add3A_2115 = arith.addf %add3A_2101, %broadcast_in_dim3A_2114 : vector<16xf32>
      %get3A_2116 = arith.constant 192 : index
      %get3A_2117 = tpu.vector_load %arg8[%get3A_2116] {strides = array<i32>} : memref<512xf32, #tpu.memory_space<vmem>>, vector<16xf32>,
      %broadcast_in_dim3A_2118 = arith.constant true
      %broadcast_in_dim3A_2119 = vector.broadcast %broadcast_in_dim3A_2118 : i1 to vector<16xi1>
      %masked_cumsum3A_2120 = tpu.scan <sum>, %get3A_2117 masked %broadcast_in_dim3A_2119 : vector<16xf32>, vector<16xi1> -> vector<16xf32>
      %add3A_2121 = arith.addf %masked_cumsum3A_2120, %add3A_2115 : vector<16xf32>
      %swap3A_2122 = arith.constant 192 : index
      %swap3A_2123 = tpu.vector_load %arg9[%swap3A_2122] {strides = array<i32>} : memref<512xf32, #tpu.memory_space<vmem>>, vector<16xf32>,
      tpu.vector_store %arg9[%swap3A_2122], %add3A_2121 {strides = array<i32>} : memref<512xf32, #tpu.memory_space<vmem>>, vector<16xf32>,
      %reduce_sum3A_2124 = arith.constant true
      %reduce_sum3A_2125 = vector.broadcast %reduce_sum3A_2124 : i1 to vector<16xi1>
      %reduce_sum3A_2126 = tpu.scan <sum>, %get3A_2117 masked %reduce_sum3A_2125 : vector<16xf32>, vector<16xi1> -> vector<16xf32>
      %reduce_sum3A_2127 = vector.extract %reduce_sum3A_2126[15] : f32 from vector<16xf32>
      %broadcast_in_dim3A_2128 = vector.broadcast %reduce_sum3A_2127 : f32 to vector<16xf32>
      %add3A_2129 = arith.addf %add3A_2115, %broadcast_in_dim3A_2128 : vector<16xf32>
      %get3A_2130 = arith.constant 208 : index
      %get3A_2131 = tpu.vector_load %arg8[%get3A_2130] {strides = array<i32>} : memref<512xf32, #tpu.memory_space<vmem>>, vector<16xf32>,
      %broadcast_in_dim3A_2132 = arith.constant true
      %broadcast_in_dim3A_2133 = vector.broadcast %broadcast_in_dim3A_2132 : i1 to vector<16xi1>
      %masked_cumsum3A_2134 = tpu.scan <sum>, %get3A_2131 masked %broadcast_in_dim3A_2133 : vector<16xf32>, vector<16xi1> -> vector<16xf32>
      %add3A_2135 = arith.addf %masked_cumsum3A_2134, %add3A_2129 : vector<16xf32>
      %swap3A_2136 = arith.constant 208 : index
      %swap3A_2137 = tpu.vector_load %arg9[%swap3A_2136] {strides = array<i32>} : memref<512xf32, #tpu.memory_space<vmem>>, vector<16xf32>,
      tpu.vector_store %arg9[%swap3A_2136], %add3A_2135 {strides = array<i32>} : memref<512xf32, #tpu.memory_space<vmem>>, vector<16xf32>,
      %reduce_sum3A_2138 = arith.constant true
      %reduce_sum3A_2139 = vector.broadcast %reduce_sum3A_2138 : i1 to vector<16xi1>
      %reduce_sum3A_2140 = tpu.scan <sum>, %get3A_2131 masked %reduce_sum3A_2139 : vector<16xf32>, vector<16xi1> -> vector<16xf32>
      %reduce_sum3A_2141 = vector.extract %reduce_sum3A_2140[15] : f32 from vector<16xf32>
      %broadcast_in_dim3A_2142 = vector.broadcast %reduce_sum3A_2141 : f32 to vector<16xf32>
      %add3A_2143 = arith.addf %add3A_2129, %broadcast_in_dim3A_2142 : vector<16xf32>
      %get3A_2144 = arith.constant 224 : index
      %get3A_2145 = tpu.vector_load %arg8[%get3A_2144] {strides = array<i32>} : memref<512xf32, #tpu.memory_space<vmem>>, vector<16xf32>,
      %broadcast_in_dim3A_2146 = arith.constant true
      %broadcast_in_dim3A_2147 = vector.broadcast %broadcast_in_dim3A_2146 : i1 to vector<16xi1>
      %masked_cumsum3A_2148 = tpu.scan <sum>, %get3A_2145 masked %broadcast_in_dim3A_2147 : vector<16xf32>, vector<16xi1> -> vector<16xf32>
      %add3A_2149 = arith.addf %masked_cumsum3A_2148, %add3A_2143 : vector<16xf32>
      %swap3A_2150 = arith.constant 224 : index
      %swap3A_2151 = tpu.vector_load %arg9[%swap3A_2150] {strides = array<i32>} : memref<512xf32, #tpu.memory_space<vmem>>, vector<16xf32>,
      tpu.vector_store %arg9[%swap3A_2150], %add3A_2149 {strides = array<i32>} : memref<512xf32, #tpu.memory_space<vmem>>, vector<16xf32>,
      %reduce_sum3A_2152 = arith.constant true
      %reduce_sum3A_2153 = vector.broadcast %reduce_sum3A_2152 : i1 to vector<16xi1>
      %reduce_sum3A_2154 = tpu.scan <sum>, %get3A_2145 masked %reduce_sum3A_2153 : vector<16xf32>, vector<16xi1> -> vector<16xf32>
      %reduce_sum3A_2155 = vector.extract %reduce_sum3A_2154[15] : f32 from vector<16xf32>
      %broadcast_in_dim3A_2156 = vector.broadcast %reduce_sum3A_2155 : f32 to vector<16xf32>
      %add3A_2157 = arith.addf %add3A_2143, %broadcast_in_dim3A_2156 : vector<16xf32>
      %get3A_2158 = arith.constant 240 : index
      %get3A_2159 = tpu.vector_load %arg8[%get3A_2158] {strides = array<i32>} : memref<512xf32, #tpu.memory_space<vmem>>, vector<16xf32>,
      %broadcast_in_dim3A_2160 = arith.constant true
      %broadcast_in_dim3A_2161 = vector.broadcast %broadcast_in_dim3A_2160 : i1 to vector<16xi1>
      %masked_cumsum3A_2162 = tpu.scan <sum>, %get3A_2159 masked %broadcast_in_dim3A_2161 : vector<16xf32>, vector<16xi1> -> vector<16xf32>
      %add3A_2163 = arith.addf %masked_cumsum3A_2162, %add3A_2157 : vector<16xf32>
      %swap3A_2164 = arith.constant 240 : index
      %swap3A_2165 = tpu.vector_load %arg9[%swap3A_2164] {strides = array<i32>} : memref<512xf32, #tpu.memory_space<vmem>>, vector<16xf32>,
      tpu.vector_store %arg9[%swap3A_2164], %add3A_2163 {strides = array<i32>} : memref<512xf32, #tpu.memory_space<vmem>>, vector<16xf32>,
      %reduce_sum3A_2166 = arith.constant true
      %reduce_sum3A_2167 = vector.broadcast %reduce_sum3A_2166 : i1 to vector<16xi1>
      %reduce_sum3A_2168 = tpu.scan <sum>, %get3A_2159 masked %reduce_sum3A_2167 : vector<16xf32>, vector<16xi1> -> vector<16xf32>
      %reduce_sum3A_2169 = vector.extract %reduce_sum3A_2168[15] : f32 from vector<16xf32>
      %broadcast_in_dim3A_2170 = vector.broadcast %reduce_sum3A_2169 : f32 to vector<16xf32>
      %add3A_2171 = arith.addf %add3A_2157, %broadcast_in_dim3A_2170 : vector<16xf32>
      %get3A_2172 = arith.constant 256 : index
      %get3A_2173 = tpu.vector_load %arg8[%get3A_2172] {strides = array<i32>} : memref<512xf32, #tpu.memory_space<vmem>>, vector<16xf32>,
      %broadcast_in_dim3A_2174 = arith.constant true
      %broadcast_in_dim3A_2175 = vector.broadcast %broadcast_in_dim3A_2174 : i1 to vector<16xi1>
      %masked_cumsum3A_2176 = tpu.scan <sum>, %get3A_2173 masked %broadcast_in_dim3A_2175 : vector<16xf32>, vector<16xi1> -> vector<16xf32>
      %add3A_2177 = arith.addf %masked_cumsum3A_2176, %add3A_2171 : vector<16xf32>
      %swap3A_2178 = arith.constant 256 : index
      %swap3A_2179 = tpu.vector_load %arg9[%swap3A_2178] {strides = array<i32>} : memref<512xf32, #tpu.memory_space<vmem>>, vector<16xf32>,
      tpu.vector_store %arg9[%swap3A_2178], %add3A_2177 {strides = array<i32>} : memref<512xf32, #tpu.memory_space<vmem>>, vector<16xf32>,
      %reduce_sum3A_2180 = arith.constant true
      %reduce_sum3A_2181 = vector.broadcast %reduce_sum3A_2180 : i1 to vector<16xi1>
      %reduce_sum3A_2182 = tpu.scan <sum>, %get3A_2173 masked %reduce_sum3A_2181 : vector<16xf32>, vector<16xi1> -> vector<16xf32>
      %reduce_sum3A_2183 = vector.extract %reduce_sum3A_2182[15] : f32 from vector<16xf32>
      %broadcast_in_dim3A_2184 = vector.broadcast %reduce_sum3A_2183 : f32 to vector<16xf32>
      %add3A_2185 = arith.addf %add3A_2171, %broadcast_in_dim3A_2184 : vector<16xf32>
      %get3A_2186 = arith.constant 272 : index
      %get3A_2187 = tpu.vector_load %arg8[%get3A_2186] {strides = array<i32>} : memref<512xf32, #tpu.memory_space<vmem>>, vector<16xf32>,
      %broadcast_in_dim3A_2188 = arith.constant true
      %broadcast_in_dim3A_2189 = vector.broadcast %broadcast_in_dim3A_2188 : i1 to vector<16xi1>
      %masked_cumsum3A_2190 = tpu.scan <sum>, %get3A_2187 masked %broadcast_in_dim3A_2189 : vector<16xf32>, vector<16xi1> -> vector<16xf32>
      %add3A_2191 = arith.addf %masked_cumsum3A_2190, %add3A_2185 : vector<16xf32>
      %swap3A_2192 = arith.constant 272 : index
      %swap3A_2193 = tpu.vector_load %arg9[%swap3A_2192] {strides = array<i32>} : memref<512xf32, #tpu.memory_space<vmem>>, vector<16xf32>,
      tpu.vector_store %arg9[%swap3A_2192], %add3A_2191 {strides = array<i32>} : memref<512xf32, #tpu.memory_space<vmem>>, vector<16xf32>,
      %reduce_sum3A_2194 = arith.constant true
      %reduce_sum3A_2195 = vector.broadcast %reduce_sum3A_2194 : i1 to vector<16xi1>
      %reduce_sum3A_2196 = tpu.scan <sum>, %get3A_2187 masked %reduce_sum3A_2195 : vector<16xf32>, vector<16xi1> -> vector<16xf32>
      %reduce_sum3A_2197 = vector.extract %reduce_sum3A_2196[15] : f32 from vector<16xf32>
      %broadcast_in_dim3A_2198 = vector.broadcast %reduce_sum3A_2197 : f32 to vector<16xf32>
      %add3A_2199 = arith.addf %add3A_2185, %broadcast_in_dim3A_2198 : vector<16xf32>
      %get3A_2200 = arith.constant 288 : index
      %get3A_2201 = tpu.vector_load %arg8[%get3A_2200] {strides = array<i32>} : memref<512xf32, #tpu.memory_space<vmem>>, vector<16xf32>,
      %broadcast_in_dim3A_2202 = arith.constant true
      %broadcast_in_dim3A_2203 = vector.broadcast %broadcast_in_dim3A_2202 : i1 to vector<16xi1>
      %masked_cumsum3A_2204 = tpu.scan <sum>, %get3A_2201 masked %broadcast_in_dim3A_2203 : vector<16xf32>, vector<16xi1> -> vector<16xf32>
      %add3A_2205 = arith.addf %masked_cumsum3A_2204, %add3A_2199 : vector<16xf32>
      %swap3A_2206 = arith.constant 288 : index
      %swap3A_2207 = tpu.vector_load %arg9[%swap3A_2206] {strides = array<i32>} : memref<512xf32, #tpu.memory_space<vmem>>, vector<16xf32>,
      tpu.vector_store %arg9[%swap3A_2206], %add3A_2205 {strides = array<i32>} : memref<512xf32, #tpu.memory_space<vmem>>, vector<16xf32>,
      %reduce_sum3A_2208 = arith.constant true
      %reduce_sum3A_2209 = vector.broadcast %reduce_sum3A_2208 : i1 to vector<16xi1>
      %reduce_sum3A_2210 = tpu.scan <sum>, %get3A_2201 masked %reduce_sum3A_2209 : vector<16xf32>, vector<16xi1> -> vector<16xf32>
      %reduce_sum3A_2211 = vector.extract %reduce_sum3A_2210[15] : f32 from vector<16xf32>
      %broadcast_in_dim3A_2212 = vector.broadcast %reduce_sum3A_2211 : f32 to vector<16xf32>
      %add3A_2213 = arith.addf %add3A_2199, %broadcast_in_dim3A_2212 : vector<16xf32>
      %get3A_2214 = arith.constant 304 : index
      %get3A_2215 = tpu.vector_load %arg8[%get3A_2214] {strides = array<i32>} : memref<512xf32, #tpu.memory_space<vmem>>, vector<16xf32>,
      %broadcast_in_dim3A_2216 = arith.constant true
      %broadcast_in_dim3A_2217 = vector.broadcast %broadcast_in_dim3A_2216 : i1 to vector<16xi1>
      %masked_cumsum3A_2218 = tpu.scan <sum>, %get3A_2215 masked %broadcast_in_dim3A_2217 : vector<16xf32>, vector<16xi1> -> vector<16xf32>
      %add3A_2219 = arith.addf %masked_cumsum3A_2218, %add3A_2213 : vector<16xf32>
      %swap3A_2220 = arith.constant 304 : index
      %swap3A_2221 = tpu.vector_load %arg9[%swap3A_2220] {strides = array<i32>} : memref<512xf32, #tpu.memory_space<vmem>>, vector<16xf32>,
      tpu.vector_store %arg9[%swap3A_2220], %add3A_2219 {strides = array<i32>} : memref<512xf32, #tpu.memory_space<vmem>>, vector<16xf32>,
      %reduce_sum3A_2222 = arith.constant true
      %reduce_sum3A_2223 = vector.broadcast %reduce_sum3A_2222 : i1 to vector<16xi1>
      %reduce_sum3A_2224 = tpu.scan <sum>, %get3A_2215 masked %reduce_sum3A_2223 : vector<16xf32>, vector<16xi1> -> vector<16xf32>
      %reduce_sum3A_2225 = vector.extract %reduce_sum3A_2224[15] : f32 from vector<16xf32>
      %broadcast_in_dim3A_2226 = vector.broadcast %reduce_sum3A_2225 : f32 to vector<16xf32>
      %add3A_2227 = arith.addf %add3A_2213, %broadcast_in_dim3A_2226 : vector<16xf32>
      %get3A_2228 = arith.constant 320 : index
      %get3A_2229 = tpu.vector_load %arg8[%get3A_2228] {strides = array<i32>} : memref<512xf32, #tpu.memory_space<vmem>>, vector<16xf32>,
      %broadcast_in_dim3A_2230 = arith.constant true
      %broadcast_in_dim3A_2231 = vector.broadcast %broadcast_in_dim3A_2230 : i1 to vector<16xi1>
      %masked_cumsum3A_2232 = tpu.scan <sum>, %get3A_2229 masked %broadcast_in_dim3A_2231 : vector<16xf32>, vector<16xi1> -> vector<16xf32>
      %add3A_2233 = arith.addf %masked_cumsum3A_2232, %add3A_2227 : vector<16xf32>
      %swap3A_2234 = arith.constant 320 : index
      %swap3A_2235 = tpu.vector_load %arg9[%swap3A_2234] {strides = array<i32>} : memref<512xf32, #tpu.memory_space<vmem>>, vector<16xf32>,
      tpu.vector_store %arg9[%swap3A_2234], %add3A_2233 {strides = array<i32>} : memref<512xf32, #tpu.memory_space<vmem>>, vector<16xf32>,
      %reduce_sum3A_2236 = arith.constant true
      %reduce_sum3A_2237 = vector.broadcast %reduce_sum3A_2236 : i1 to vector<16xi1>
      %reduce_sum3A_2238 = tpu.scan <sum>, %get3A_2229 masked %reduce_sum3A_2237 : vector<16xf32>, vector<16xi1> -> vector<16xf32>
      %reduce_sum3A_2239 = vector.extract %reduce_sum3A_2238[15] : f32 from vector<16xf32>
      %broadcast_in_dim3A_2240 = vector.broadcast %reduce_sum3A_2239 : f32 to vector<16xf32>
      %add3A_2241 = arith.addf %add3A_2227, %broadcast_in_dim3A_2240 : vector<16xf32>
      %get3A_2242 = arith.constant 336 : index
      %get3A_2243 = tpu.vector_load %arg8[%get3A_2242] {strides = array<i32>} : memref<512xf32, #tpu.memory_space<vmem>>, vector<16xf32>,
      %broadcast_in_dim3A_2244 = arith.constant true
      %broadcast_in_dim3A_2245 = vector.broadcast %broadcast_in_dim3A_2244 : i1 to vector<16xi1>
      %masked_cumsum3A_2246 = tpu.scan <sum>, %get3A_2243 masked %broadcast_in_dim3A_2245 : vector<16xf32>, vector<16xi1> -> vector<16xf32>
      %add3A_2247 = arith.addf %masked_cumsum3A_2246, %add3A_2241 : vector<16xf32>
      %swap3A_2248 = arith.constant 336 : index
      %swap3A_2249 = tpu.vector_load %arg9[%swap3A_2248] {strides = array<i32>} : memref<512xf32, #tpu.memory_space<vmem>>, vector<16xf32>,
      tpu.vector_store %arg9[%swap3A_2248], %add3A_2247 {strides = array<i32>} : memref<512xf32, #tpu.memory_space<vmem>>, vector<16xf32>,
      %reduce_sum3A_2250 = arith.constant true
      %reduce_sum3A_2251 = vector.broadcast %reduce_sum3A_2250 : i1 to vector<16xi1>
      %reduce_sum3A_2252 = tpu.scan <sum>, %get3A_2243 masked %reduce_sum3A_2251 : vector<16xf32>, vector<16xi1> -> vector<16xf32>
      %reduce_sum3A_2253 = vector.extract %reduce_sum3A_2252[15] : f32 from vector<16xf32>
      %broadcast_in_dim3A_2254 = vector.broadcast %reduce_sum3A_2253 : f32 to vector<16xf32>
      %add3A_2255 = arith.addf %add3A_2241, %broadcast_in_dim3A_2254 : vector<16xf32>
      %get3A_2256 = arith.constant 352 : index
      %get3A_2257 = tpu.vector_load %arg8[%get3A_2256] {strides = array<i32>} : memref<512xf32, #tpu.memory_space<vmem>>, vector<16xf32>,
      %broadcast_in_dim3A_2258 = arith.constant true
      %broadcast_in_dim3A_2259 = vector.broadcast %broadcast_in_dim3A_2258 : i1 to vector<16xi1>
      %masked_cumsum3A_2260 = tpu.scan <sum>, %get3A_2257 masked %broadcast_in_dim3A_2259 : vector<16xf32>, vector<16xi1> -> vector<16xf32>
      %add3A_2261 = arith.addf %masked_cumsum3A_2260, %add3A_2255 : vector<16xf32>
      %swap3A_2262 = arith.constant 352 : index
      %swap3A_2263 = tpu.vector_load %arg9[%swap3A_2262] {strides = array<i32>} : memref<512xf32, #tpu.memory_space<vmem>>, vector<16xf32>,
      tpu.vector_store %arg9[%swap3A_2262], %add3A_2261 {strides = array<i32>} : memref<512xf32, #tpu.memory_space<vmem>>, vector<16xf32>,
      %reduce_sum3A_2264 = arith.constant true
      %reduce_sum3A_2265 = vector.broadcast %reduce_sum3A_2264 : i1 to vector<16xi1>
      %reduce_sum3A_2266 = tpu.scan <sum>, %get3A_2257 masked %reduce_sum3A_2265 : vector<16xf32>, vector<16xi1> -> vector<16xf32>
      %reduce_sum3A_2267 = vector.extract %reduce_sum3A_2266[15] : f32 from vector<16xf32>
      %broadcast_in_dim3A_2268 = vector.broadcast %reduce_sum3A_2267 : f32 to vector<16xf32>
      %add3A_2269 = arith.addf %add3A_2255, %broadcast_in_dim3A_2268 : vector<16xf32>
      %get3A_2270 = arith.constant 368 : index
      %get3A_2271 = tpu.vector_load %arg8[%get3A_2270] {strides = array<i32>} : memref<512xf32, #tpu.memory_space<vmem>>, vector<16xf32>,
      %broadcast_in_dim3A_2272 = arith.constant true
      %broadcast_in_dim3A_2273 = vector.broadcast %broadcast_in_dim3A_2272 : i1 to vector<16xi1>
      %masked_cumsum3A_2274 = tpu.scan <sum>, %get3A_2271 masked %broadcast_in_dim3A_2273 : vector<16xf32>, vector<16xi1> -> vector<16xf32>
      %add3A_2275 = arith.addf %masked_cumsum3A_2274, %add3A_2269 : vector<16xf32>
      %swap3A_2276 = arith.constant 368 : index
      %swap3A_2277 = tpu.vector_load %arg9[%swap3A_2276] {strides = array<i32>} : memref<512xf32, #tpu.memory_space<vmem>>, vector<16xf32>,
      tpu.vector_store %arg9[%swap3A_2276], %add3A_2275 {strides = array<i32>} : memref<512xf32, #tpu.memory_space<vmem>>, vector<16xf32>,
      %reduce_sum3A_2278 = arith.constant true
      %reduce_sum3A_2279 = vector.broadcast %reduce_sum3A_2278 : i1 to vector<16xi1>
      %reduce_sum3A_2280 = tpu.scan <sum>, %get3A_2271 masked %reduce_sum3A_2279 : vector<16xf32>, vector<16xi1> -> vector<16xf32>
      %reduce_sum3A_2281 = vector.extract %reduce_sum3A_2280[15] : f32 from vector<16xf32>
      %broadcast_in_dim3A_2282 = vector.broadcast %reduce_sum3A_2281 : f32 to vector<16xf32>
      %add3A_2283 = arith.addf %add3A_2269, %broadcast_in_dim3A_2282 : vector<16xf32>
      %get3A_2284 = arith.constant 384 : index
      %get3A_2285 = tpu.vector_load %arg8[%get3A_2284] {strides = array<i32>} : memref<512xf32, #tpu.memory_space<vmem>>, vector<16xf32>,
      %broadcast_in_dim3A_2286 = arith.constant true
      %broadcast_in_dim3A_2287 = vector.broadcast %broadcast_in_dim3A_2286 : i1 to vector<16xi1>
      %masked_cumsum3A_2288 = tpu.scan <sum>, %get3A_2285 masked %broadcast_in_dim3A_2287 : vector<16xf32>, vector<16xi1> -> vector<16xf32>
      %add3A_2289 = arith.addf %masked_cumsum3A_2288, %add3A_2283 : vector<16xf32>
      %swap3A_2290 = arith.constant 384 : index
      %swap3A_2291 = tpu.vector_load %arg9[%swap3A_2290] {strides = array<i32>} : memref<512xf32, #tpu.memory_space<vmem>>, vector<16xf32>,
      tpu.vector_store %arg9[%swap3A_2290], %add3A_2289 {strides = array<i32>} : memref<512xf32, #tpu.memory_space<vmem>>, vector<16xf32>,
      %reduce_sum3A_2292 = arith.constant true
      %reduce_sum3A_2293 = vector.broadcast %reduce_sum3A_2292 : i1 to vector<16xi1>
      %reduce_sum3A_2294 = tpu.scan <sum>, %get3A_2285 masked %reduce_sum3A_2293 : vector<16xf32>, vector<16xi1> -> vector<16xf32>
      %reduce_sum3A_2295 = vector.extract %reduce_sum3A_2294[15] : f32 from vector<16xf32>
      %broadcast_in_dim3A_2296 = vector.broadcast %reduce_sum3A_2295 : f32 to vector<16xf32>
      %add3A_2297 = arith.addf %add3A_2283, %broadcast_in_dim3A_2296 : vector<16xf32>
      %get3A_2298 = arith.constant 400 : index
      %get3A_2299 = tpu.vector_load %arg8[%get3A_2298] {strides = array<i32>} : memref<512xf32, #tpu.memory_space<vmem>>, vector<16xf32>,
      %broadcast_in_dim3A_2300 = arith.constant true
      %broadcast_in_dim3A_2301 = vector.broadcast %broadcast_in_dim3A_2300 : i1 to vector<16xi1>
      %masked_cumsum3A_2302 = tpu.scan <sum>, %get3A_2299 masked %broadcast_in_dim3A_2301 : vector<16xf32>, vector<16xi1> -> vector<16xf32>
      %add3A_2303 = arith.addf %masked_cumsum3A_2302, %add3A_2297 : vector<16xf32>
      %swap3A_2304 = arith.constant 400 : index
      %swap3A_2305 = tpu.vector_load %arg9[%swap3A_2304] {strides = array<i32>} : memref<512xf32, #tpu.memory_space<vmem>>, vector<16xf32>,
      tpu.vector_store %arg9[%swap3A_2304], %add3A_2303 {strides = array<i32>} : memref<512xf32, #tpu.memory_space<vmem>>, vector<16xf32>,
      %reduce_sum3A_2306 = arith.constant true
      %reduce_sum3A_2307 = vector.broadcast %reduce_sum3A_2306 : i1 to vector<16xi1>
      %reduce_sum3A_2308 = tpu.scan <sum>, %get3A_2299 masked %reduce_sum3A_2307 : vector<16xf32>, vector<16xi1> -> vector<16xf32>
      %reduce_sum3A_2309 = vector.extract %reduce_sum3A_2308[15] : f32 from vector<16xf32>
      %broadcast_in_dim3A_2310 = vector.broadcast %reduce_sum3A_2309 : f32 to vector<16xf32>
      %add3A_2311 = arith.addf %add3A_2297, %broadcast_in_dim3A_2310 : vector<16xf32>
      %get3A_2312 = arith.constant 416 : index
      %get3A_2313 = tpu.vector_load %arg8[%get3A_2312] {strides = array<i32>} : memref<512xf32, #tpu.memory_space<vmem>>, vector<16xf32>,
      %broadcast_in_dim3A_2314 = arith.constant true
      %broadcast_in_dim3A_2315 = vector.broadcast %broadcast_in_dim3A_2314 : i1 to vector<16xi1>
      %masked_cumsum3A_2316 = tpu.scan <sum>, %get3A_2313 masked %broadcast_in_dim3A_2315 : vector<16xf32>, vector<16xi1> -> vector<16xf32>
      %add3A_2317 = arith.addf %masked_cumsum3A_2316, %add3A_2311 : vector<16xf32>
      %swap3A_2318 = arith.constant 416 : index
      %swap3A_2319 = tpu.vector_load %arg9[%swap3A_2318] {strides = array<i32>} : memref<512xf32, #tpu.memory_space<vmem>>, vector<16xf32>,
      tpu.vector_store %arg9[%swap3A_2318], %add3A_2317 {strides = array<i32>} : memref<512xf32, #tpu.memory_space<vmem>>, vector<16xf32>,
      %reduce_sum3A_2320 = arith.constant true
      %reduce_sum3A_2321 = vector.broadcast %reduce_sum3A_2320 : i1 to vector<16xi1>
      %reduce_sum3A_2322 = tpu.scan <sum>, %get3A_2313 masked %reduce_sum3A_2321 : vector<16xf32>, vector<16xi1> -> vector<16xf32>
      %reduce_sum3A_2323 = vector.extract %reduce_sum3A_2322[15] : f32 from vector<16xf32>
      %broadcast_in_dim3A_2324 = vector.broadcast %reduce_sum3A_2323 : f32 to vector<16xf32>
      %add3A_2325 = arith.addf %add3A_2311, %broadcast_in_dim3A_2324 : vector<16xf32>
      %get3A_2326 = arith.constant 432 : index
      %get3A_2327 = tpu.vector_load %arg8[%get3A_2326] {strides = array<i32>} : memref<512xf32, #tpu.memory_space<vmem>>, vector<16xf32>,
      %broadcast_in_dim3A_2328 = arith.constant true
      %broadcast_in_dim3A_2329 = vector.broadcast %broadcast_in_dim3A_2328 : i1 to vector<16xi1>
      %masked_cumsum3A_2330 = tpu.scan <sum>, %get3A_2327 masked %broadcast_in_dim3A_2329 : vector<16xf32>, vector<16xi1> -> vector<16xf32>
      %add3A_2331 = arith.addf %masked_cumsum3A_2330, %add3A_2325 : vector<16xf32>
      %swap3A_2332 = arith.constant 432 : index
      %swap3A_2333 = tpu.vector_load %arg9[%swap3A_2332] {strides = array<i32>} : memref<512xf32, #tpu.memory_space<vmem>>, vector<16xf32>,
      tpu.vector_store %arg9[%swap3A_2332], %add3A_2331 {strides = array<i32>} : memref<512xf32, #tpu.memory_space<vmem>>, vector<16xf32>,
      %reduce_sum3A_2334 = arith.constant true
      %reduce_sum3A_2335 = vector.broadcast %reduce_sum3A_2334 : i1 to vector<16xi1>
      %reduce_sum3A_2336 = tpu.scan <sum>, %get3A_2327 masked %reduce_sum3A_2335 : vector<16xf32>, vector<16xi1> -> vector<16xf32>
      %reduce_sum3A_2337 = vector.extract %reduce_sum3A_2336[15] : f32 from vector<16xf32>
      %broadcast_in_dim3A_2338 = vector.broadcast %reduce_sum3A_2337 : f32 to vector<16xf32>
      %add3A_2339 = arith.addf %add3A_2325, %broadcast_in_dim3A_2338 : vector<16xf32>
      %get3A_2340 = arith.constant 448 : index
      %get3A_2341 = tpu.vector_load %arg8[%get3A_2340] {strides = array<i32>} : memref<512xf32, #tpu.memory_space<vmem>>, vector<16xf32>,
      %broadcast_in_dim3A_2342 = arith.constant true
      %broadcast_in_dim3A_2343 = vector.broadcast %broadcast_in_dim3A_2342 : i1 to vector<16xi1>
      %masked_cumsum3A_2344 = tpu.scan <sum>, %get3A_2341 masked %broadcast_in_dim3A_2343 : vector<16xf32>, vector<16xi1> -> vector<16xf32>
      %add3A_2345 = arith.addf %masked_cumsum3A_2344, %add3A_2339 : vector<16xf32>
      %swap3A_2346 = arith.constant 448 : index
      %swap3A_2347 = tpu.vector_load %arg9[%swap3A_2346] {strides = array<i32>} : memref<512xf32, #tpu.memory_space<vmem>>, vector<16xf32>,
      tpu.vector_store %arg9[%swap3A_2346], %add3A_2345 {strides = array<i32>} : memref<512xf32, #tpu.memory_space<vmem>>, vector<16xf32>,
      %reduce_sum3A_2348 = arith.constant true
      %reduce_sum3A_2349 = vector.broadcast %reduce_sum3A_2348 : i1 to vector<16xi1>
      %reduce_sum3A_2350 = tpu.scan <sum>, %get3A_2341 masked %reduce_sum3A_2349 : vector<16xf32>, vector<16xi1> -> vector<16xf32>
      %reduce_sum3A_2351 = vector.extract %reduce_sum3A_2350[15] : f32 from vector<16xf32>
      %broadcast_in_dim3A_2352 = vector.broadcast %reduce_sum3A_2351 : f32 to vector<16xf32>
      %add3A_2353 = arith.addf %add3A_2339, %broadcast_in_dim3A_2352 : vector<16xf32>
      %get3A_2354 = arith.constant 464 : index
      %get3A_2355 = tpu.vector_load %arg8[%get3A_2354] {strides = array<i32>} : memref<512xf32, #tpu.memory_space<vmem>>, vector<16xf32>,
      %broadcast_in_dim3A_2356 = arith.constant true
      %broadcast_in_dim3A_2357 = vector.broadcast %broadcast_in_dim3A_2356 : i1 to vector<16xi1>
      %masked_cumsum3A_2358 = tpu.scan <sum>, %get3A_2355 masked %broadcast_in_dim3A_2357 : vector<16xf32>, vector<16xi1> -> vector<16xf32>
      %add3A_2359 = arith.addf %masked_cumsum3A_2358, %add3A_2353 : vector<16xf32>
      %swap3A_2360 = arith.constant 464 : index
      %swap3A_2361 = tpu.vector_load %arg9[%swap3A_2360] {strides = array<i32>} : memref<512xf32, #tpu.memory_space<vmem>>, vector<16xf32>,
      tpu.vector_store %arg9[%swap3A_2360], %add3A_2359 {strides = array<i32>} : memref<512xf32, #tpu.memory_space<vmem>>, vector<16xf32>,
      %reduce_sum3A_2362 = arith.constant true
      %reduce_sum3A_2363 = vector.broadcast %reduce_sum3A_2362 : i1 to vector<16xi1>
      %reduce_sum3A_2364 = tpu.scan <sum>, %get3A_2355 masked %reduce_sum3A_2363 : vector<16xf32>, vector<16xi1> -> vector<16xf32>
      %reduce_sum3A_2365 = vector.extract %reduce_sum3A_2364[15] : f32 from vector<16xf32>
      %broadcast_in_dim3A_2366 = vector.broadcast %reduce_sum3A_2365 : f32 to vector<16xf32>
      %add3A_2367 = arith.addf %add3A_2353, %broadcast_in_dim3A_2366 : vector<16xf32>
      %get3A_2368 = arith.constant 480 : index
      %get3A_2369 = tpu.vector_load %arg8[%get3A_2368] {strides = array<i32>} : memref<512xf32, #tpu.memory_space<vmem>>, vector<16xf32>,
      %broadcast_in_dim3A_2370 = arith.constant true
      %broadcast_in_dim3A_2371 = vector.broadcast %broadcast_in_dim3A_2370 : i1 to vector<16xi1>
      %masked_cumsum3A_2372 = tpu.scan <sum>, %get3A_2369 masked %broadcast_in_dim3A_2371 : vector<16xf32>, vector<16xi1> -> vector<16xf32>
      %add3A_2373 = arith.addf %masked_cumsum3A_2372, %add3A_2367 : vector<16xf32>
      %swap3A_2374 = arith.constant 480 : index
      %swap3A_2375 = tpu.vector_load %arg9[%swap3A_2374] {strides = array<i32>} : memref<512xf32, #tpu.memory_space<vmem>>, vector<16xf32>,
      tpu.vector_store %arg9[%swap3A_2374], %add3A_2373 {strides = array<i32>} : memref<512xf32, #tpu.memory_space<vmem>>, vector<16xf32>,
      %reduce_sum3A_2376 = arith.constant true
      %reduce_sum3A_2377 = vector.broadcast %reduce_sum3A_2376 : i1 to vector<16xi1>
      %reduce_sum3A_2378 = tpu.scan <sum>, %get3A_2369 masked %reduce_sum3A_2377 : vector<16xf32>, vector<16xi1> -> vector<16xf32>
      %reduce_sum3A_2379 = vector.extract %reduce_sum3A_2378[15] : f32 from vector<16xf32>
      %broadcast_in_dim3A_2380 = vector.broadcast %reduce_sum3A_2379 : f32 to vector<16xf32>
      %add3A_2381 = arith.addf %add3A_2367, %broadcast_in_dim3A_2380 : vector<16xf32>
      %get3A_2382 = arith.constant 496 : index
      %get3A_2383 = tpu.vector_load %arg8[%get3A_2382] {strides = array<i32>} : memref<512xf32, #tpu.memory_space<vmem>>, vector<16xf32>,
      %broadcast_in_dim3A_2384 = arith.constant true
      %broadcast_in_dim3A_2385 = vector.broadcast %broadcast_in_dim3A_2384 : i1 to vector<16xi1>
      %masked_cumsum3A_2386 = tpu.scan <sum>, %get3A_2383 masked %broadcast_in_dim3A_2385 : vector<16xf32>, vector<16xi1> -> vector<16xf32>
      %add3A_2387 = arith.addf %masked_cumsum3A_2386, %add3A_2381 : vector<16xf32>
      %swap3A_2388 = arith.constant 496 : index
      %swap3A_2389 = tpu.vector_load %arg9[%swap3A_2388] {strides = array<i32>} : memref<512xf32, #tpu.memory_space<vmem>>, vector<16xf32>,
      tpu.vector_store %arg9[%swap3A_2388], %add3A_2387 {strides = array<i32>} : memref<512xf32, #tpu.memory_space<vmem>>, vector<16xf32>,
      %reduce_sum3A_2390 = arith.constant true
      %reduce_sum3A_2391 = vector.broadcast %reduce_sum3A_2390 : i1 to vector<16xi1>
      %reduce_sum3A_2392 = tpu.scan <sum>, %get3A_2383 masked %reduce_sum3A_2391 : vector<16xf32>, vector<16xi1> -> vector<16xf32>
      %reduce_sum3A_2393 = vector.extract %reduce_sum3A_2392[15] : f32 from vector<16xf32>
      %broadcast_in_dim3A_2394 = vector.broadcast %reduce_sum3A_2393 : f32 to vector<16xf32>
      %add3A_2395 = arith.addf %add3A_2381, %broadcast_in_dim3A_2394 : vector<16xf32>
      %broadcast_in_dim3A_2396 = arith.constant 0.000000e+00 : f32
      %broadcast_in_dim3A_2397 = vector.broadcast %broadcast_in_dim3A_2396 : f32 to vector<16xf32>
      %get3A_2398 = arith.constant 0 : index
      %get3A_2399 = tpu.vector_load %arg4[%get3A_2398] {strides = array<i32>} : memref<512xf32, #tpu.memory_space<vmem>>, vector<16xf32>,
      %get3A_2400 = arith.constant 0 : index
      %get3A_2401 = tpu.vector_load %arg7[%get3A_2400] {strides = array<i32>} : memref<512xi32, #tpu.memory_space<vmem>>, vector<16xi32>,
      %gather3A = tpu.vector_load_idx %arg9[%get3A_2401] : memref<512xf32, #tpu.memory_space<vmem>>[vector<16xi32>], vector<16xf32>,
      %mul3A_2402 = arith.mulf %get3A_2399, %gather3A : vector<16xf32>
      %add3A_2403 = arith.addf %broadcast_in_dim3A_2397, %mul3A_2402 : vector<16xf32>
      %get3A_2404 = arith.constant 16 : index
      %get3A_2405 = tpu.vector_load %arg4[%get3A_2404] {strides = array<i32>} : memref<512xf32, #tpu.memory_space<vmem>>, vector<16xf32>,
      %get3A_2406 = arith.constant 16 : index
      %get3A_2407 = tpu.vector_load %arg7[%get3A_2406] {strides = array<i32>} : memref<512xi32, #tpu.memory_space<vmem>>, vector<16xi32>,
      %gather3A_2408 = tpu.vector_load_idx %arg9[%get3A_2407] : memref<512xf32, #tpu.memory_space<vmem>>[vector<16xi32>], vector<16xf32>,
      %mul3A_2409 = arith.mulf %get3A_2405, %gather3A_2408 : vector<16xf32>
      %add3A_2410 = arith.addf %add3A_2403, %mul3A_2409 : vector<16xf32>
      %get3A_2411 = arith.constant 32 : index
      %get3A_2412 = tpu.vector_load %arg4[%get3A_2411] {strides = array<i32>} : memref<512xf32, #tpu.memory_space<vmem>>, vector<16xf32>,
      %get3A_2413 = arith.constant 32 : index
      %get3A_2414 = tpu.vector_load %arg7[%get3A_2413] {strides = array<i32>} : memref<512xi32, #tpu.memory_space<vmem>>, vector<16xi32>,
      %gather3A_2415 = tpu.vector_load_idx %arg9[%get3A_2414] : memref<512xf32, #tpu.memory_space<vmem>>[vector<16xi32>], vector<16xf32>,
      %mul3A_2416 = arith.mulf %get3A_2412, %gather3A_2415 : vector<16xf32>
      %add3A_2417 = arith.addf %add3A_2410, %mul3A_2416 : vector<16xf32>
      %get3A_2418 = arith.constant 48 : index
      %get3A_2419 = tpu.vector_load %arg4[%get3A_2418] {strides = array<i32>} : memref<512xf32, #tpu.memory_space<vmem>>, vector<16xf32>,
      %get3A_2420 = arith.constant 48 : index
      %get3A_2421 = tpu.vector_load %arg7[%get3A_2420] {strides = array<i32>} : memref<512xi32, #tpu.memory_space<vmem>>, vector<16xi32>,
      %gather3A_2422 = tpu.vector_load_idx %arg9[%get3A_2421] : memref<512xf32, #tpu.memory_space<vmem>>[vector<16xi32>], vector<16xf32>,
      %mul3A_2423 = arith.mulf %get3A_2419, %gather3A_2422 : vector<16xf32>
      %add3A_2424 = arith.addf %add3A_2417, %mul3A_2423 : vector<16xf32>
      %get3A_2425 = arith.constant 64 : index
      %get3A_2426 = tpu.vector_load %arg4[%get3A_2425] {strides = array<i32>} : memref<512xf32, #tpu.memory_space<vmem>>, vector<16xf32>,
      %get3A_2427 = arith.constant 64 : index
      %get3A_2428 = tpu.vector_load %arg7[%get3A_2427] {strides = array<i32>} : memref<512xi32, #tpu.memory_space<vmem>>, vector<16xi32>,
      %gather3A_2429 = tpu.vector_load_idx %arg9[%get3A_2428] : memref<512xf32, #tpu.memory_space<vmem>>[vector<16xi32>], vector<16xf32>,
      %mul3A_2430 = arith.mulf %get3A_2426, %gather3A_2429 : vector<16xf32>
      %add3A_2431 = arith.addf %add3A_2424, %mul3A_2430 : vector<16xf32>
      %get3A_2432 = arith.constant 80 : index
      %get3A_2433 = tpu.vector_load %arg4[%get3A_2432] {strides = array<i32>} : memref<512xf32, #tpu.memory_space<vmem>>, vector<16xf32>,
      %get3A_2434 = arith.constant 80 : index
      %get3A_2435 = tpu.vector_load %arg7[%get3A_2434] {strides = array<i32>} : memref<512xi32, #tpu.memory_space<vmem>>, vector<16xi32>,
      %gather3A_2436 = tpu.vector_load_idx %arg9[%get3A_2435] : memref<512xf32, #tpu.memory_space<vmem>>[vector<16xi32>], vector<16xf32>,
      %mul3A_2437 = arith.mulf %get3A_2433, %gather3A_2436 : vector<16xf32>
      %add3A_2438 = arith.addf %add3A_2431, %mul3A_2437 : vector<16xf32>
      %get3A_2439 = arith.constant 96 : index
      %get3A_2440 = tpu.vector_load %arg4[%get3A_2439] {strides = array<i32>} : memref<512xf32, #tpu.memory_space<vmem>>, vector<16xf32>,
      %get3A_2441 = arith.constant 96 : index
      %get3A_2442 = tpu.vector_load %arg7[%get3A_2441] {strides = array<i32>} : memref<512xi32, #tpu.memory_space<vmem>>, vector<16xi32>,
      %gather3A_2443 = tpu.vector_load_idx %arg9[%get3A_2442] : memref<512xf32, #tpu.memory_space<vmem>>[vector<16xi32>], vector<16xf32>,
      %mul3A_2444 = arith.mulf %get3A_2440, %gather3A_2443 : vector<16xf32>
      %add3A_2445 = arith.addf %add3A_2438, %mul3A_2444 : vector<16xf32>
      %get3A_2446 = arith.constant 112 : index
      %get3A_2447 = tpu.vector_load %arg4[%get3A_2446] {strides = array<i32>} : memref<512xf32, #tpu.memory_space<vmem>>, vector<16xf32>,
      %get3A_2448 = arith.constant 112 : index
      %get3A_2449 = tpu.vector_load %arg7[%get3A_2448] {strides = array<i32>} : memref<512xi32, #tpu.memory_space<vmem>>, vector<16xi32>,
      %gather3A_2450 = tpu.vector_load_idx %arg9[%get3A_2449] : memref<512xf32, #tpu.memory_space<vmem>>[vector<16xi32>], vector<16xf32>,
      %mul3A_2451 = arith.mulf %get3A_2447, %gather3A_2450 : vector<16xf32>
      %add3A_2452 = arith.addf %add3A_2445, %mul3A_2451 : vector<16xf32>
      %get3A_2453 = arith.constant 128 : index
      %get3A_2454 = tpu.vector_load %arg4[%get3A_2453] {strides = array<i32>} : memref<512xf32, #tpu.memory_space<vmem>>, vector<16xf32>,
      %get3A_2455 = arith.constant 128 : index
      %get3A_2456 = tpu.vector_load %arg7[%get3A_2455] {strides = array<i32>} : memref<512xi32, #tpu.memory_space<vmem>>, vector<16xi32>,
      %gather3A_2457 = tpu.vector_load_idx %arg9[%get3A_2456] : memref<512xf32, #tpu.memory_space<vmem>>[vector<16xi32>], vector<16xf32>,
      %mul3A_2458 = arith.mulf %get3A_2454, %gather3A_2457 : vector<16xf32>
      %add3A_2459 = arith.addf %add3A_2452, %mul3A_2458 : vector<16xf32>
      %get3A_2460 = arith.constant 144 : index
      %get3A_2461 = tpu.vector_load %arg4[%get3A_2460] {strides = array<i32>} : memref<512xf32, #tpu.memory_space<vmem>>, vector<16xf32>,
      %get3A_2462 = arith.constant 144 : index
      %get3A_2463 = tpu.vector_load %arg7[%get3A_2462] {strides = array<i32>} : memref<512xi32, #tpu.memory_space<vmem>>, vector<16xi32>,
      %gather3A_2464 = tpu.vector_load_idx %arg9[%get3A_2463] : memref<512xf32, #tpu.memory_space<vmem>>[vector<16xi32>], vector<16xf32>,
      %mul3A_2465 = arith.mulf %get3A_2461, %gather3A_2464 : vector<16xf32>
      %add3A_2466 = arith.addf %add3A_2459, %mul3A_2465 : vector<16xf32>
      %get3A_2467 = arith.constant 160 : index
      %get3A_2468 = tpu.vector_load %arg4[%get3A_2467] {strides = array<i32>} : memref<512xf32, #tpu.memory_space<vmem>>, vector<16xf32>,
      %get3A_2469 = arith.constant 160 : index
      %get3A_2470 = tpu.vector_load %arg7[%get3A_2469] {strides = array<i32>} : memref<512xi32, #tpu.memory_space<vmem>>, vector<16xi32>,
      %gather3A_2471 = tpu.vector_load_idx %arg9[%get3A_2470] : memref<512xf32, #tpu.memory_space<vmem>>[vector<16xi32>], vector<16xf32>,
      %mul3A_2472 = arith.mulf %get3A_2468, %gather3A_2471 : vector<16xf32>
      %add3A_2473 = arith.addf %add3A_2466, %mul3A_2472 : vector<16xf32>
      %get3A_2474 = arith.constant 176 : index
      %get3A_2475 = tpu.vector_load %arg4[%get3A_2474] {strides = array<i32>} : memref<512xf32, #tpu.memory_space<vmem>>, vector<16xf32>,
      %get3A_2476 = arith.constant 176 : index
      %get3A_2477 = tpu.vector_load %arg7[%get3A_2476] {strides = array<i32>} : memref<512xi32, #tpu.memory_space<vmem>>, vector<16xi32>,
      %gather3A_2478 = tpu.vector_load_idx %arg9[%get3A_2477] : memref<512xf32, #tpu.memory_space<vmem>>[vector<16xi32>], vector<16xf32>,
      %mul3A_2479 = arith.mulf %get3A_2475, %gather3A_2478 : vector<16xf32>
      %add3A_2480 = arith.addf %add3A_2473, %mul3A_2479 : vector<16xf32>
      %get3A_2481 = arith.constant 192 : index
      %get3A_2482 = tpu.vector_load %arg4[%get3A_2481] {strides = array<i32>} : memref<512xf32, #tpu.memory_space<vmem>>, vector<16xf32>,
      %get3A_2483 = arith.constant 192 : index
      %get3A_2484 = tpu.vector_load %arg7[%get3A_2483] {strides = array<i32>} : memref<512xi32, #tpu.memory_space<vmem>>, vector<16xi32>,
      %gather3A_2485 = tpu.vector_load_idx %arg9[%get3A_2484] : memref<512xf32, #tpu.memory_space<vmem>>[vector<16xi32>], vector<16xf32>,
      %mul3A_2486 = arith.mulf %get3A_2482, %gather3A_2485 : vector<16xf32>
      %add3A_2487 = arith.addf %add3A_2480, %mul3A_2486 : vector<16xf32>
      %get3A_2488 = arith.constant 208 : index
      %get3A_2489 = tpu.vector_load %arg4[%get3A_2488] {strides = array<i32>} : memref<512xf32, #tpu.memory_space<vmem>>, vector<16xf32>,
      %get3A_2490 = arith.constant 208 : index
      %get3A_2491 = tpu.vector_load %arg7[%get3A_2490] {strides = array<i32>} : memref<512xi32, #tpu.memory_space<vmem>>, vector<16xi32>,
      %gather3A_2492 = tpu.vector_load_idx %arg9[%get3A_2491] : memref<512xf32, #tpu.memory_space<vmem>>[vector<16xi32>], vector<16xf32>,
      %mul3A_2493 = arith.mulf %get3A_2489, %gather3A_2492 : vector<16xf32>
      %add3A_2494 = arith.addf %add3A_2487, %mul3A_2493 : vector<16xf32>
      %get3A_2495 = arith.constant 224 : index
      %get3A_2496 = tpu.vector_load %arg4[%get3A_2495] {strides = array<i32>} : memref<512xf32, #tpu.memory_space<vmem>>, vector<16xf32>,
      %get3A_2497 = arith.constant 224 : index
      %get3A_2498 = tpu.vector_load %arg7[%get3A_2497] {strides = array<i32>} : memref<512xi32, #tpu.memory_space<vmem>>, vector<16xi32>,
      %gather3A_2499 = tpu.vector_load_idx %arg9[%get3A_2498] : memref<512xf32, #tpu.memory_space<vmem>>[vector<16xi32>], vector<16xf32>,
      %mul3A_2500 = arith.mulf %get3A_2496, %gather3A_2499 : vector<16xf32>
      %add3A_2501 = arith.addf %add3A_2494, %mul3A_2500 : vector<16xf32>
      %get3A_2502 = arith.constant 240 : index
      %get3A_2503 = tpu.vector_load %arg4[%get3A_2502] {strides = array<i32>} : memref<512xf32, #tpu.memory_space<vmem>>, vector<16xf32>,
      %get3A_2504 = arith.constant 240 : index
      %get3A_2505 = tpu.vector_load %arg7[%get3A_2504] {strides = array<i32>} : memref<512xi32, #tpu.memory_space<vmem>>, vector<16xi32>,
      %gather3A_2506 = tpu.vector_load_idx %arg9[%get3A_2505] : memref<512xf32, #tpu.memory_space<vmem>>[vector<16xi32>], vector<16xf32>,
      %mul3A_2507 = arith.mulf %get3A_2503, %gather3A_2506 : vector<16xf32>
      %add3A_2508 = arith.addf %add3A_2501, %mul3A_2507 : vector<16xf32>
      %get3A_2509 = arith.constant 256 : index
      %get3A_2510 = tpu.vector_load %arg4[%get3A_2509] {strides = array<i32>} : memref<512xf32, #tpu.memory_space<vmem>>, vector<16xf32>,
      %get3A_2511 = arith.constant 256 : index
      %get3A_2512 = tpu.vector_load %arg7[%get3A_2511] {strides = array<i32>} : memref<512xi32, #tpu.memory_space<vmem>>, vector<16xi32>,
      %gather3A_2513 = tpu.vector_load_idx %arg9[%get3A_2512] : memref<512xf32, #tpu.memory_space<vmem>>[vector<16xi32>], vector<16xf32>,
      %mul3A_2514 = arith.mulf %get3A_2510, %gather3A_2513 : vector<16xf32>
      %add3A_2515 = arith.addf %add3A_2508, %mul3A_2514 : vector<16xf32>
      %get3A_2516 = arith.constant 272 : index
      %get3A_2517 = tpu.vector_load %arg4[%get3A_2516] {strides = array<i32>} : memref<512xf32, #tpu.memory_space<vmem>>, vector<16xf32>,
      %get3A_2518 = arith.constant 272 : index
      %get3A_2519 = tpu.vector_load %arg7[%get3A_2518] {strides = array<i32>} : memref<512xi32, #tpu.memory_space<vmem>>, vector<16xi32>,
      %gather3A_2520 = tpu.vector_load_idx %arg9[%get3A_2519] : memref<512xf32, #tpu.memory_space<vmem>>[vector<16xi32>], vector<16xf32>,
      %mul3A_2521 = arith.mulf %get3A_2517, %gather3A_2520 : vector<16xf32>
      %add3A_2522 = arith.addf %add3A_2515, %mul3A_2521 : vector<16xf32>
      %get3A_2523 = arith.constant 288 : index
      %get3A_2524 = tpu.vector_load %arg4[%get3A_2523] {strides = array<i32>} : memref<512xf32, #tpu.memory_space<vmem>>, vector<16xf32>,
      %get3A_2525 = arith.constant 288 : index
      %get3A_2526 = tpu.vector_load %arg7[%get3A_2525] {strides = array<i32>} : memref<512xi32, #tpu.memory_space<vmem>>, vector<16xi32>,
      %gather3A_2527 = tpu.vector_load_idx %arg9[%get3A_2526] : memref<512xf32, #tpu.memory_space<vmem>>[vector<16xi32>], vector<16xf32>,
      %mul3A_2528 = arith.mulf %get3A_2524, %gather3A_2527 : vector<16xf32>
      %add3A_2529 = arith.addf %add3A_2522, %mul3A_2528 : vector<16xf32>
      %get3A_2530 = arith.constant 304 : index
      %get3A_2531 = tpu.vector_load %arg4[%get3A_2530] {strides = array<i32>} : memref<512xf32, #tpu.memory_space<vmem>>, vector<16xf32>,
      %get3A_2532 = arith.constant 304 : index
      %get3A_2533 = tpu.vector_load %arg7[%get3A_2532] {strides = array<i32>} : memref<512xi32, #tpu.memory_space<vmem>>, vector<16xi32>,
      %gather3A_2534 = tpu.vector_load_idx %arg9[%get3A_2533] : memref<512xf32, #tpu.memory_space<vmem>>[vector<16xi32>], vector<16xf32>,
      %mul3A_2535 = arith.mulf %get3A_2531, %gather3A_2534 : vector<16xf32>
      %add3A_2536 = arith.addf %add3A_2529, %mul3A_2535 : vector<16xf32>
      %get3A_2537 = arith.constant 320 : index
      %get3A_2538 = tpu.vector_load %arg4[%get3A_2537] {strides = array<i32>} : memref<512xf32, #tpu.memory_space<vmem>>, vector<16xf32>,
      %get3A_2539 = arith.constant 320 : index
      %get3A_2540 = tpu.vector_load %arg7[%get3A_2539] {strides = array<i32>} : memref<512xi32, #tpu.memory_space<vmem>>, vector<16xi32>,
      %gather3A_2541 = tpu.vector_load_idx %arg9[%get3A_2540] : memref<512xf32, #tpu.memory_space<vmem>>[vector<16xi32>], vector<16xf32>,
      %mul3A_2542 = arith.mulf %get3A_2538, %gather3A_2541 : vector<16xf32>
      %add3A_2543 = arith.addf %add3A_2536, %mul3A_2542 : vector<16xf32>
      %get3A_2544 = arith.constant 336 : index
      %get3A_2545 = tpu.vector_load %arg4[%get3A_2544] {strides = array<i32>} : memref<512xf32, #tpu.memory_space<vmem>>, vector<16xf32>,
      %get3A_2546 = arith.constant 336 : index
      %get3A_2547 = tpu.vector_load %arg7[%get3A_2546] {strides = array<i32>} : memref<512xi32, #tpu.memory_space<vmem>>, vector<16xi32>,
      %gather3A_2548 = tpu.vector_load_idx %arg9[%get3A_2547] : memref<512xf32, #tpu.memory_space<vmem>>[vector<16xi32>], vector<16xf32>,
      %mul3A_2549 = arith.mulf %get3A_2545, %gather3A_2548 : vector<16xf32>
      %add3A_2550 = arith.addf %add3A_2543, %mul3A_2549 : vector<16xf32>
      %get3A_2551 = arith.constant 352 : index
      %get3A_2552 = tpu.vector_load %arg4[%get3A_2551] {strides = array<i32>} : memref<512xf32, #tpu.memory_space<vmem>>, vector<16xf32>,
      %get3A_2553 = arith.constant 352 : index
      %get3A_2554 = tpu.vector_load %arg7[%get3A_2553] {strides = array<i32>} : memref<512xi32, #tpu.memory_space<vmem>>, vector<16xi32>,
      %gather3A_2555 = tpu.vector_load_idx %arg9[%get3A_2554] : memref<512xf32, #tpu.memory_space<vmem>>[vector<16xi32>], vector<16xf32>,
      %mul3A_2556 = arith.mulf %get3A_2552, %gather3A_2555 : vector<16xf32>
      %add3A_2557 = arith.addf %add3A_2550, %mul3A_2556 : vector<16xf32>
      %get3A_2558 = arith.constant 368 : index
      %get3A_2559 = tpu.vector_load %arg4[%get3A_2558] {strides = array<i32>} : memref<512xf32, #tpu.memory_space<vmem>>, vector<16xf32>,
      %get3A_2560 = arith.constant 368 : index
      %get3A_2561 = tpu.vector_load %arg7[%get3A_2560] {strides = array<i32>} : memref<512xi32, #tpu.memory_space<vmem>>, vector<16xi32>,
      %gather3A_2562 = tpu.vector_load_idx %arg9[%get3A_2561] : memref<512xf32, #tpu.memory_space<vmem>>[vector<16xi32>], vector<16xf32>,
      %mul3A_2563 = arith.mulf %get3A_2559, %gather3A_2562 : vector<16xf32>
      %add3A_2564 = arith.addf %add3A_2557, %mul3A_2563 : vector<16xf32>
      %get3A_2565 = arith.constant 384 : index
      %get3A_2566 = tpu.vector_load %arg4[%get3A_2565] {strides = array<i32>} : memref<512xf32, #tpu.memory_space<vmem>>, vector<16xf32>,
      %get3A_2567 = arith.constant 384 : index
      %get3A_2568 = tpu.vector_load %arg7[%get3A_2567] {strides = array<i32>} : memref<512xi32, #tpu.memory_space<vmem>>, vector<16xi32>,
      %gather3A_2569 = tpu.vector_load_idx %arg9[%get3A_2568] : memref<512xf32, #tpu.memory_space<vmem>>[vector<16xi32>], vector<16xf32>,
      %mul3A_2570 = arith.mulf %get3A_2566, %gather3A_2569 : vector<16xf32>
      %add3A_2571 = arith.addf %add3A_2564, %mul3A_2570 : vector<16xf32>
      %get3A_2572 = arith.constant 400 : index
      %get3A_2573 = tpu.vector_load %arg4[%get3A_2572] {strides = array<i32>} : memref<512xf32, #tpu.memory_space<vmem>>, vector<16xf32>,
      %get3A_2574 = arith.constant 400 : index
      %get3A_2575 = tpu.vector_load %arg7[%get3A_2574] {strides = array<i32>} : memref<512xi32, #tpu.memory_space<vmem>>, vector<16xi32>,
      %gather3A_2576 = tpu.vector_load_idx %arg9[%get3A_2575] : memref<512xf32, #tpu.memory_space<vmem>>[vector<16xi32>], vector<16xf32>,
      %mul3A_2577 = arith.mulf %get3A_2573, %gather3A_2576 : vector<16xf32>
      %add3A_2578 = arith.addf %add3A_2571, %mul3A_2577 : vector<16xf32>
      %get3A_2579 = arith.constant 416 : index
      %get3A_2580 = tpu.vector_load %arg4[%get3A_2579] {strides = array<i32>} : memref<512xf32, #tpu.memory_space<vmem>>, vector<16xf32>,
      %get3A_2581 = arith.constant 416 : index
      %get3A_2582 = tpu.vector_load %arg7[%get3A_2581] {strides = array<i32>} : memref<512xi32, #tpu.memory_space<vmem>>, vector<16xi32>,
      %gather3A_2583 = tpu.vector_load_idx %arg9[%get3A_2582] : memref<512xf32, #tpu.memory_space<vmem>>[vector<16xi32>], vector<16xf32>,
      %mul3A_2584 = arith.mulf %get3A_2580, %gather3A_2583 : vector<16xf32>
      %add3A_2585 = arith.addf %add3A_2578, %mul3A_2584 : vector<16xf32>
      %get3A_2586 = arith.constant 432 : index
      %get3A_2587 = tpu.vector_load %arg4[%get3A_2586] {strides = array<i32>} : memref<512xf32, #tpu.memory_space<vmem>>, vector<16xf32>,
      %get3A_2588 = arith.constant 432 : index
      %get3A_2589 = tpu.vector_load %arg7[%get3A_2588] {strides = array<i32>} : memref<512xi32, #tpu.memory_space<vmem>>, vector<16xi32>,
      %gather3A_2590 = tpu.vector_load_idx %arg9[%get3A_2589] : memref<512xf32, #tpu.memory_space<vmem>>[vector<16xi32>], vector<16xf32>,
      %mul3A_2591 = arith.mulf %get3A_2587, %gather3A_2590 : vector<16xf32>
      %add3A_2592 = arith.addf %add3A_2585, %mul3A_2591 : vector<16xf32>
      %get3A_2593 = arith.constant 448 : index
      %get3A_2594 = tpu.vector_load %arg4[%get3A_2593] {strides = array<i32>} : memref<512xf32, #tpu.memory_space<vmem>>, vector<16xf32>,
      %get3A_2595 = arith.constant 448 : index
      %get3A_2596 = tpu.vector_load %arg7[%get3A_2595] {strides = array<i32>} : memref<512xi32, #tpu.memory_space<vmem>>, vector<16xi32>,
      %gather3A_2597 = tpu.vector_load_idx %arg9[%get3A_2596] : memref<512xf32, #tpu.memory_space<vmem>>[vector<16xi32>], vector<16xf32>,
      %mul3A_2598 = arith.mulf %get3A_2594, %gather3A_2597 : vector<16xf32>
      %add3A_2599 = arith.addf %add3A_2592, %mul3A_2598 : vector<16xf32>
      %get3A_2600 = arith.constant 464 : index
      %get3A_2601 = tpu.vector_load %arg4[%get3A_2600] {strides = array<i32>} : memref<512xf32, #tpu.memory_space<vmem>>, vector<16xf32>,
      %get3A_2602 = arith.constant 464 : index
      %get3A_2603 = tpu.vector_load %arg7[%get3A_2602] {strides = array<i32>} : memref<512xi32, #tpu.memory_space<vmem>>, vector<16xi32>,
      %gather3A_2604 = tpu.vector_load_idx %arg9[%get3A_2603] : memref<512xf32, #tpu.memory_space<vmem>>[vector<16xi32>], vector<16xf32>,
      %mul3A_2605 = arith.mulf %get3A_2601, %gather3A_2604 : vector<16xf32>
      %add3A_2606 = arith.addf %add3A_2599, %mul3A_2605 : vector<16xf32>
      %get3A_2607 = arith.constant 480 : index
      %get3A_2608 = tpu.vector_load %arg4[%get3A_2607] {strides = array<i32>} : memref<512xf32, #tpu.memory_space<vmem>>, vector<16xf32>,
      %get3A_2609 = arith.constant 480 : index
      %get3A_2610 = tpu.vector_load %arg7[%get3A_2609] {strides = array<i32>} : memref<512xi32, #tpu.memory_space<vmem>>, vector<16xi32>,
      %gather3A_2611 = tpu.vector_load_idx %arg9[%get3A_2610] : memref<512xf32, #tpu.memory_space<vmem>>[vector<16xi32>], vector<16xf32>,
      %mul3A_2612 = arith.mulf %get3A_2608, %gather3A_2611 : vector<16xf32>
      %add3A_2613 = arith.addf %add3A_2606, %mul3A_2612 : vector<16xf32>
      %get3A_2614 = arith.constant 496 : index
      %get3A_2615 = tpu.vector_load %arg4[%get3A_2614] {strides = array<i32>} : memref<512xf32, #tpu.memory_space<vmem>>, vector<16xf32>,
      %get3A_2616 = arith.constant 496 : index
      %get3A_2617 = tpu.vector_load %arg7[%get3A_2616] {strides = array<i32>} : memref<512xi32, #tpu.memory_space<vmem>>, vector<16xi32>,
      %gather3A_2618 = tpu.vector_load_idx %arg9[%get3A_2617] : memref<512xf32, #tpu.memory_space<vmem>>[vector<16xi32>], vector<16xf32>,
      %mul3A_2619 = arith.mulf %get3A_2615, %gather3A_2618 : vector<16xf32>
      %add3A_2620 = arith.addf %add3A_2613, %mul3A_2619 : vector<16xf32>
      %swap3A_2621 = arith.constant 0 : index
      %swap3A_2622 = tpu.vector_load %arg10[%swap3A_2621] {strides = array<i32>} : memref<16xf32, #tpu.memory_space<vmem>>, vector<16xf32>,
      tpu.vector_store %arg10[%swap3A_2621], %add3A_2620 {strides = array<i32>} : memref<16xf32, #tpu.memory_space<vmem>>, vector<16xf32>,
      %mul3A_2623 = arith.constant 16 : i32
      %mul3A_2624 = arith.muli %arg1, %mul3A_2623 : i32
      "tpu.region"() ({
        %run_scoped3A = tpu.sem_alloc : memref<!tpu.dma_semaphore, #tpu.memory_space<semaphore_mem>>
        %dma_start3A = tpu.memref_slice %arg14[%mul3A_2624] : memref<256xf32, #tpu.memory_space<vmem_shared>> -> memref<16xf32, #tpu.memory_space<vmem_shared>>
        %dma_start3A_2631 = tpu.memref_slice %arg14[%mul3A_2624] : memref<256xf32, #tpu.memory_space<vmem_shared>> -> memref<16xf32, #tpu.memory_space<vmem_shared>>
        tpu.enqueue_dma source(%arg10 : memref<16xf32, #tpu.memory_space<vmem>>) target(%dma_start3A_2631 : memref<16xf32, #tpu.memory_space<vmem_shared>>) target_semaphore(%run_scoped3A : memref<!tpu.dma_semaphore, #tpu.memory_space<semaphore_mem>>)
        %dma_wait3A = tpu.memref_slice %arg14[%mul3A_2624] : memref<256xf32, #tpu.memory_space<vmem_shared>> -> memref<16xf32, #tpu.memory_space<vmem_shared>>
        %dma_wait3A_2632 = tpu.memref_slice %arg14[%mul3A_2624] : memref<256xf32, #tpu.memory_space<vmem_shared>> -> memref<16xf32, #tpu.memory_space<vmem_shared>>
        tpu.wait_dma2 semaphore(%run_scoped3A : memref<!tpu.dma_semaphore, #tpu.memory_space<semaphore_mem>>) src(%arg10 : memref<16xf32, #tpu.memory_space<vmem>>) dst(%dma_wait3A_2632 : memref<16xf32, #tpu.memory_space<vmem_shared>>)
        tpu.yield
      }) : () -> ()
      %barrier3A_2625 = arith.constant 0 : index
      tpu.barrier barrier_id(%barrier3A_2625)
      %eq3A_2626 = arith.constant 0 : i32
      %eq3A_2627 = arith.cmpi eq, %arg1, %eq3A_2626 : i32
      %convert_element_type3A_2628 = arith.extui %eq3A_2627 : i1 to i32
      %cond3A_2629 = arith.constant 0 : i32
      %cond3A_2630 = arith.cmpi ne, %convert_element_type3A_2628, %cond3A_2629 : i32
      scf.if %cond3A_2630 {
        "tpu.region"() ({
          %run_scoped3A = tpu.sem_alloc : memref<!tpu.dma_semaphore, #tpu.memory_space<semaphore_mem>>
          tpu.enqueue_dma source(%arg14 : memref<256xf32, #tpu.memory_space<vmem_shared>>) target(%arg11 : memref<256xf32, #tpu.memory_space<vmem>>) target_semaphore(%run_scoped3A : memref<!tpu.dma_semaphore, #tpu.memory_space<semaphore_mem>>)
          tpu.wait_dma2 semaphore(%run_scoped3A : memref<!tpu.dma_semaphore, #tpu.memory_space<semaphore_mem>>) src(%arg14 : memref<256xf32, #tpu.memory_space<vmem_shared>>) dst(%arg11 : memref<256xf32, #tpu.memory_space<vmem>>)
          tpu.yield
        }) : () -> ()
        %broadcast_in_dim3A_2631 = arith.constant 0.000000e+00 : f32
        %broadcast_in_dim3A_2632 = vector.broadcast %broadcast_in_dim3A_2631 : f32 to vector<16xf32>
        %get3A_2633 = arith.constant 0 : index
        %get3A_2634 = tpu.vector_load %arg11[%get3A_2633] {strides = array<i32>} : memref<256xf32, #tpu.memory_space<vmem>>, vector<16xf32>,
        %add3A_2635 = arith.addf %broadcast_in_dim3A_2632, %get3A_2634 : vector<16xf32>
        %get3A_2636 = arith.constant 16 : index
        %get3A_2637 = tpu.vector_load %arg11[%get3A_2636] {strides = array<i32>} : memref<256xf32, #tpu.memory_space<vmem>>, vector<16xf32>,
        %add3A_2638 = arith.addf %add3A_2635, %get3A_2637 : vector<16xf32>
        %get3A_2639 = arith.constant 32 : index
        %get3A_2640 = tpu.vector_load %arg11[%get3A_2639] {strides = array<i32>} : memref<256xf32, #tpu.memory_space<vmem>>, vector<16xf32>,
        %add3A_2641 = arith.addf %add3A_2638, %get3A_2640 : vector<16xf32>
        %get3A_2642 = arith.constant 48 : index
        %get3A_2643 = tpu.vector_load %arg11[%get3A_2642] {strides = array<i32>} : memref<256xf32, #tpu.memory_space<vmem>>, vector<16xf32>,
        %add3A_2644 = arith.addf %add3A_2641, %get3A_2643 : vector<16xf32>
        %get3A_2645 = arith.constant 64 : index
        %get3A_2646 = tpu.vector_load %arg11[%get3A_2645] {strides = array<i32>} : memref<256xf32, #tpu.memory_space<vmem>>, vector<16xf32>,
        %add3A_2647 = arith.addf %add3A_2644, %get3A_2646 : vector<16xf32>
        %get3A_2648 = arith.constant 80 : index
        %get3A_2649 = tpu.vector_load %arg11[%get3A_2648] {strides = array<i32>} : memref<256xf32, #tpu.memory_space<vmem>>, vector<16xf32>,
        %add3A_2650 = arith.addf %add3A_2647, %get3A_2649 : vector<16xf32>
        %get3A_2651 = arith.constant 96 : index
        %get3A_2652 = tpu.vector_load %arg11[%get3A_2651] {strides = array<i32>} : memref<256xf32, #tpu.memory_space<vmem>>, vector<16xf32>,
        %add3A_2653 = arith.addf %add3A_2650, %get3A_2652 : vector<16xf32>
        %get3A_2654 = arith.constant 112 : index
        %get3A_2655 = tpu.vector_load %arg11[%get3A_2654] {strides = array<i32>} : memref<256xf32, #tpu.memory_space<vmem>>, vector<16xf32>,
        %add3A_2656 = arith.addf %add3A_2653, %get3A_2655 : vector<16xf32>
        %get3A_2657 = arith.constant 128 : index
        %get3A_2658 = tpu.vector_load %arg11[%get3A_2657] {strides = array<i32>} : memref<256xf32, #tpu.memory_space<vmem>>, vector<16xf32>,
        %add3A_2659 = arith.addf %add3A_2656, %get3A_2658 : vector<16xf32>
        %get3A_2660 = arith.constant 144 : index
        %get3A_2661 = tpu.vector_load %arg11[%get3A_2660] {strides = array<i32>} : memref<256xf32, #tpu.memory_space<vmem>>, vector<16xf32>,
        %add3A_2662 = arith.addf %add3A_2659, %get3A_2661 : vector<16xf32>
        %get3A_2663 = arith.constant 160 : index
        %get3A_2664 = tpu.vector_load %arg11[%get3A_2663] {strides = array<i32>} : memref<256xf32, #tpu.memory_space<vmem>>, vector<16xf32>,
        %add3A_2665 = arith.addf %add3A_2662, %get3A_2664 : vector<16xf32>
        %get3A_2666 = arith.constant 176 : index
        %get3A_2667 = tpu.vector_load %arg11[%get3A_2666] {strides = array<i32>} : memref<256xf32, #tpu.memory_space<vmem>>, vector<16xf32>,
        %add3A_2668 = arith.addf %add3A_2665, %get3A_2667 : vector<16xf32>
        %get3A_2669 = arith.constant 192 : index
        %get3A_2670 = tpu.vector_load %arg11[%get3A_2669] {strides = array<i32>} : memref<256xf32, #tpu.memory_space<vmem>>, vector<16xf32>,
        %add3A_2671 = arith.addf %add3A_2668, %get3A_2670 : vector<16xf32>
        %get3A_2672 = arith.constant 208 : index
        %get3A_2673 = tpu.vector_load %arg11[%get3A_2672] {strides = array<i32>} : memref<256xf32, #tpu.memory_space<vmem>>, vector<16xf32>,
        %add3A_2674 = arith.addf %add3A_2671, %get3A_2673 : vector<16xf32>
        %get3A_2675 = arith.constant 224 : index
        %get3A_2676 = tpu.vector_load %arg11[%get3A_2675] {strides = array<i32>} : memref<256xf32, #tpu.memory_space<vmem>>, vector<16xf32>,
        %add3A_2677 = arith.addf %add3A_2674, %get3A_2676 : vector<16xf32>
        %get3A_2678 = arith.constant 240 : index
        %get3A_2679 = tpu.vector_load %arg11[%get3A_2678] {strides = array<i32>} : memref<256xf32, #tpu.memory_space<vmem>>, vector<16xf32>,
        %add3A_2680 = arith.addf %add3A_2677, %get3A_2679 : vector<16xf32>
        %reduce_sum3A_2681 = arith.constant true
        %reduce_sum3A_2682 = vector.broadcast %reduce_sum3A_2681 : i1 to vector<16xi1>
        %reduce_sum3A_2683 = tpu.scan <sum>, %add3A_2680 masked %reduce_sum3A_2682 : vector<16xf32>, vector<16xi1> -> vector<16xf32>
        %reduce_sum3A_2684 = vector.extract %reduce_sum3A_2683[15] : f32 from vector<16xf32>
        %broadcast_in_dim3A_2685 = vector.broadcast %reduce_sum3A_2684 : f32 to vector<16xf32>
        %mul3A_2686 = arith.constant 8.192000e+03 : f32
        %mul3A_2687 = vector.broadcast %mul3A_2686 : f32 to vector<16xf32>
        %mul3A_2688 = arith.mulf %add3A_2395, %mul3A_2687 : vector<16xf32>
        %div3A = arith.divf %broadcast_in_dim3A_2685, %mul3A_2688 : vector<16xf32>
        %swap3A_2689 = arith.constant 0 : index
        %swap3A_2690 = tpu.vector_load %arg12[%swap3A_2689] {strides = array<i32>} : memref<16xf32, #tpu.memory_space<vmem>>, vector<16xf32>,
        tpu.vector_store %arg12[%swap3A_2689], %div3A {strides = array<i32>} : memref<16xf32, #tpu.memory_space<vmem>>, vector<16xf32>,
        "tpu.region"() ({
          %run_scoped3A = tpu.sem_alloc : memref<!tpu.dma_semaphore, #tpu.memory_space<semaphore_mem>>
          tpu.enqueue_dma source(%arg12 : memref<16xf32, #tpu.memory_space<vmem>>) target(%arg3 : memref<16xf32, #tpu.memory_space<hbm>>) target_semaphore(%run_scoped3A : memref<!tpu.dma_semaphore, #tpu.memory_space<semaphore_mem>>)
          tpu.wait_dma2 semaphore(%run_scoped3A : memref<!tpu.dma_semaphore, #tpu.memory_space<semaphore_mem>>) src(%arg12 : memref<16xf32, #tpu.memory_space<vmem>>) dst(%arg3 : memref<16xf32, #tpu.memory_space<hbm>>)
          tpu.yield
        }) : () -> ()
      } else {
      }
    } else {
    }
    return
  }
}

module attributes {stable_mosaic.version = 14 : i64} {
  func.func @_stage1_kernel(%arg0: i32, %arg1: i32, %arg2: memref<2048x64xf32, #tpu.memory_space<vmem>>, %arg3: memref<2048x64xf32, #tpu.memory_space<vmem>>, %arg4: memref<1x8192xf32, #tpu.memory_space<vmem>>, %arg5: memref<1x8192xbf16, #tpu.memory_space<vmem>>, %arg6: memref<8192x128xbf16, #tpu.memory_space<vmem>>, %arg7: memref<1x8192xf32, #tpu.memory_space<vmem>>) attributes {dimension_semantics = [#tpu.dimension_semantics<arbitrary>, #tpu.dimension_semantics<arbitrary>], iteration_bounds = array<i64: 4, 4>, scalar_prefetch = 0 : i64, scratch_operands = 3 : i64, tpu.core_type = #tpu.core_type<tc>, window_params = [{transform_indices = @transform_0, window_bounds = array<i64: 2048, 64>}, {transform_indices = @transform_1, window_bounds = array<i64: 2048, 64>}, {pipeline_mode = #tpu.pipeline_mode<synchronous>, transform_indices = @transform_2, window_bounds = array<i64: 1, 8192>}]} {
    %get3A = arith.constant 0 : index
    %get3A_0 = arith.constant 0 : index
    %get3A_1 = vector.load %arg2[%get3A, %get3A_0] : memref<2048x64xf32, #tpu.memory_space<vmem>>, vector<2048x64xf32>
    %convert_element_type3A = arith.truncf %get3A_1 : vector<2048x64xf32> to vector<2048x64xbf16>
    %get3A_2 = arith.constant 0 : index
    %get3A_3 = arith.constant 0 : index
    %get3A_4 = vector.load %arg3[%get3A_2, %get3A_3] : memref<2048x64xf32, #tpu.memory_space<vmem>>, vector<2048x64xf32>
    %convert_element_type3A_5 = arith.truncf %get3A_4 : vector<2048x64xf32> to vector<2048x64xbf16>
    %dot_general3A = arith.constant dense<0.000000e+00> : vector<2048x2048xf32>
    %dot_general3A_6 = tpu.matmul %convert_element_type3A, %convert_element_type3A_5, %dot_general3A {dimension_numbers = #tpu.dot_dimension_numbers<[1], [1], [0], [0], [0, 0, 1, 0], [], []>, transpose_lhs_hint = false} : vector<2048x64xbf16>, vector<2048x64xbf16>, vector<2048x2048xf32> -> vector<2048x2048xf32>
    %convert_element_type3A_7 = arith.truncf %dot_general3A_6 : vector<2048x2048xf32> to vector<2048x2048xbf16>
    %ge3A = arith.constant 9.960930e-01 : bf16
    %ge3A_8 = vector.broadcast %ge3A : bf16 to vector<2048x2048xbf16>
    %ge3A_9 = arith.cmpf oge, %convert_element_type3A_7, %ge3A_8 : vector<2048x2048xbf16>
    %jit3A = arith.constant -4.999610e+09 : bf16
    %broadcast_in_dim3A = vector.broadcast %jit3A : bf16 to vector<2048x2048xbf16>
    %select_n3A = arith.select %ge3A_9, %broadcast_in_dim3A, %convert_element_type3A_7 : vector<2048x2048xi1>, vector<2048x2048xbf16>
    %eq3A = arith.cmpi eq, %arg0, %arg1 : i32
    %convert_element_type3A_10 = arith.extui %eq3A : i1 to i32
    %cond3A = arith.constant -4.999610e+09 : bf16
    %cond3A_11 = arith.constant 0 : i32
    %cond3A_12 = arith.cmpi ne, %convert_element_type3A_10, %cond3A_11 : i32
    scf.if %cond3A_12 {
      %iota3A = tpu.iota {dimensions = array<i32: 0>} : vector<2048x2048xi32>
      %iota3A_23 = tpu.iota {dimensions = array<i32: 1>} : vector<2048x2048xi32>
      %eq3A_24 = arith.cmpi eq, %iota3A, %iota3A_23 : vector<2048x2048xi32>
      %jit3A_25 = arith.constant 0.000000e+00 : f32
      %broadcast_in_dim3A_26 = vector.broadcast %jit3A_25 : f32 to vector<2048x2048xf32>
      %select_n3A_27 = arith.select %eq3A_24, %dot_general3A_6, %broadcast_in_dim3A_26 : vector<2048x2048xi1>, vector<2048x2048xf32>
      %reduce_sum3A = arith.constant dense<0.000000e+00> : vector<2048xf32>
      %reduce_sum3A_28 = vector.multi_reduction <add>, %select_n3A_27, %reduce_sum3A [0] : vector<2048x2048xf32> to vector<2048xf32>
      %broadcast_in_dim3A_29 = vector.shape_cast %reduce_sum3A_28 : vector<2048xf32> to vector<1x2048xf32>
      %mul3A = arith.constant 2048 : i32
      %mul3A_30 = arith.muli %arg1, %mul3A : i32
      %swap3A = arith.constant 0 : index
      %swap3A_31 = arith.index_cast %mul3A_30 : i32 to index
      %swap3A_32 = vector.load %arg7[%swap3A, %swap3A_31] : memref<1x8192xf32, #tpu.memory_space<vmem>>, vector<1x2048xf32>
      tpu.vector_store %arg7[%swap3A, %swap3A_31], %broadcast_in_dim3A_29 {strides = array<i32>} : memref<1x8192xf32, #tpu.memory_space<vmem>>, vector<1x2048xf32>,
      %broadcast_in_dim3A_33 = vector.broadcast %cond3A : bf16 to vector<2048x2048xbf16>
      %select_n3A_34 = arith.select %eq3A_24, %broadcast_in_dim3A_33, %select_n3A : vector<2048x2048xi1>, vector<2048x2048xbf16>
      %reduce_max3A = arith.constant dense<0xFF80> : vector<2048xbf16>
      %reduce_max3A_35 = vector.multi_reduction <maximumf>, %select_n3A_34, %reduce_max3A [0] : vector<2048x2048xbf16> to vector<2048xbf16>
      %broadcast_in_dim3A_36 = vector.shape_cast %reduce_max3A_35 : vector<2048xbf16> to vector<1x2048xbf16>
      %slice3A = vector.extract_strided_slice %select_n3A_34 {offsets = [0, 0], sizes = [2048, 128], strides = [1, 1]} : vector<2048x2048xbf16> to vector<2048x128xbf16>
      %slice3A_37 = vector.extract_strided_slice %select_n3A_34 {offsets = [0, 128], sizes = [2048, 128], strides = [1, 1]} : vector<2048x2048xbf16> to vector<2048x128xbf16>
      %max3A = arith.maximumf %slice3A, %slice3A_37 : vector<2048x128xbf16>
      %slice3A_38 = vector.extract_strided_slice %select_n3A_34 {offsets = [0, 256], sizes = [2048, 128], strides = [1, 1]} : vector<2048x2048xbf16> to vector<2048x128xbf16>
      %max3A_39 = arith.maximumf %max3A, %slice3A_38 : vector<2048x128xbf16>
      %slice3A_40 = vector.extract_strided_slice %select_n3A_34 {offsets = [0, 384], sizes = [2048, 128], strides = [1, 1]} : vector<2048x2048xbf16> to vector<2048x128xbf16>
      %max3A_41 = arith.maximumf %max3A_39, %slice3A_40 : vector<2048x128xbf16>
      %slice3A_42 = vector.extract_strided_slice %select_n3A_34 {offsets = [0, 512], sizes = [2048, 128], strides = [1, 1]} : vector<2048x2048xbf16> to vector<2048x128xbf16>
      %max3A_43 = arith.maximumf %max3A_41, %slice3A_42 : vector<2048x128xbf16>
      %slice3A_44 = vector.extract_strided_slice %select_n3A_34 {offsets = [0, 640], sizes = [2048, 128], strides = [1, 1]} : vector<2048x2048xbf16> to vector<2048x128xbf16>
      %max3A_45 = arith.maximumf %max3A_43, %slice3A_44 : vector<2048x128xbf16>
      %slice3A_46 = vector.extract_strided_slice %select_n3A_34 {offsets = [0, 768], sizes = [2048, 128], strides = [1, 1]} : vector<2048x2048xbf16> to vector<2048x128xbf16>
      %max3A_47 = arith.maximumf %max3A_45, %slice3A_46 : vector<2048x128xbf16>
      %slice3A_48 = vector.extract_strided_slice %select_n3A_34 {offsets = [0, 896], sizes = [2048, 128], strides = [1, 1]} : vector<2048x2048xbf16> to vector<2048x128xbf16>
      %max3A_49 = arith.maximumf %max3A_47, %slice3A_48 : vector<2048x128xbf16>
      %slice3A_50 = vector.extract_strided_slice %select_n3A_34 {offsets = [0, 1024], sizes = [2048, 128], strides = [1, 1]} : vector<2048x2048xbf16> to vector<2048x128xbf16>
      %max3A_51 = arith.maximumf %max3A_49, %slice3A_50 : vector<2048x128xbf16>
      %slice3A_52 = vector.extract_strided_slice %select_n3A_34 {offsets = [0, 1152], sizes = [2048, 128], strides = [1, 1]} : vector<2048x2048xbf16> to vector<2048x128xbf16>
      %max3A_53 = arith.maximumf %max3A_51, %slice3A_52 : vector<2048x128xbf16>
      %slice3A_54 = vector.extract_strided_slice %select_n3A_34 {offsets = [0, 1280], sizes = [2048, 128], strides = [1, 1]} : vector<2048x2048xbf16> to vector<2048x128xbf16>
      %max3A_55 = arith.maximumf %max3A_53, %slice3A_54 : vector<2048x128xbf16>
      %slice3A_56 = vector.extract_strided_slice %select_n3A_34 {offsets = [0, 1408], sizes = [2048, 128], strides = [1, 1]} : vector<2048x2048xbf16> to vector<2048x128xbf16>
      %max3A_57 = arith.maximumf %max3A_55, %slice3A_56 : vector<2048x128xbf16>
      %slice3A_58 = vector.extract_strided_slice %select_n3A_34 {offsets = [0, 1536], sizes = [2048, 128], strides = [1, 1]} : vector<2048x2048xbf16> to vector<2048x128xbf16>
      %max3A_59 = arith.maximumf %max3A_57, %slice3A_58 : vector<2048x128xbf16>
      %slice3A_60 = vector.extract_strided_slice %select_n3A_34 {offsets = [0, 1664], sizes = [2048, 128], strides = [1, 1]} : vector<2048x2048xbf16> to vector<2048x128xbf16>
      %max3A_61 = arith.maximumf %max3A_59, %slice3A_60 : vector<2048x128xbf16>
      %slice3A_62 = vector.extract_strided_slice %select_n3A_34 {offsets = [0, 1792], sizes = [2048, 128], strides = [1, 1]} : vector<2048x2048xbf16> to vector<2048x128xbf16>
      %max3A_63 = arith.maximumf %max3A_61, %slice3A_62 : vector<2048x128xbf16>
      %slice3A_64 = vector.extract_strided_slice %select_n3A_34 {offsets = [0, 1920], sizes = [2048, 128], strides = [1, 1]} : vector<2048x2048xbf16> to vector<2048x128xbf16>
      %max3A_65 = arith.maximumf %max3A_63, %slice3A_64 : vector<2048x128xbf16>
      %eq3A_66 = arith.constant 0 : i32
      %eq3A_67 = arith.cmpi eq, %arg0, %eq3A_66 : i32
      %convert_element_type3A_68 = arith.extui %eq3A_67 : i1 to i32
      %cond3A_69 = arith.constant 0 : i32
      %cond3A_70 = arith.cmpi ne, %convert_element_type3A_68, %cond3A_69 : i32
      scf.if %cond3A_70 {
        %mul3A_85 = arith.constant 2048 : i32
        %mul3A_86 = arith.muli %arg1, %mul3A_85 : i32
        %swap3A_87 = arith.constant 0 : index
        %swap3A_88 = arith.index_cast %mul3A_86 : i32 to index
        %swap3A_89 = vector.load %arg5[%swap3A_87, %swap3A_88] : memref<1x8192xbf16, #tpu.memory_space<vmem>>, vector<1x2048xbf16>
        tpu.vector_store %arg5[%swap3A_87, %swap3A_88], %broadcast_in_dim3A_36 {strides = array<i32>} : memref<1x8192xbf16, #tpu.memory_space<vmem>>, vector<1x2048xbf16>,
      } else {
      }
      %gt3A = arith.constant 0 : i32
      %gt3A_71 = arith.cmpi sgt, %arg0, %gt3A : i32
      %convert_element_type3A_72 = arith.extui %gt3A_71 : i1 to i32
      %cond3A_73 = arith.constant 0 : i32
      %cond3A_74 = arith.cmpi ne, %convert_element_type3A_72, %cond3A_73 : i32
      scf.if %cond3A_74 {
        %mul3A_85 = arith.constant 2048 : i32
        %mul3A_86 = arith.muli %arg1, %mul3A_85 : i32
        %get3A_87 = arith.constant 0 : index
        %get3A_88 = arith.index_cast %mul3A_86 : i32 to index
        %get3A_89 = vector.load %arg5[%get3A_87, %get3A_88] : memref<1x8192xbf16, #tpu.memory_space<vmem>>, vector<1x2048xbf16>
        %max3A_90 = arith.maximumf %get3A_89, %broadcast_in_dim3A_36 : vector<1x2048xbf16>
        %mul3A_91 = arith.constant 2048 : i32
        %mul3A_92 = arith.muli %arg1, %mul3A_91 : i32
        %swap3A_93 = arith.constant 0 : index
        %swap3A_94 = arith.index_cast %mul3A_92 : i32 to index
        %swap3A_95 = vector.load %arg5[%swap3A_93, %swap3A_94] : memref<1x8192xbf16, #tpu.memory_space<vmem>>, vector<1x2048xbf16>
        tpu.vector_store %arg5[%swap3A_93, %swap3A_94], %max3A_90 {strides = array<i32>} : memref<1x8192xbf16, #tpu.memory_space<vmem>>, vector<1x2048xbf16>,
      } else {
      }
      %eq3A_75 = arith.constant 0 : i32
      %eq3A_76 = arith.cmpi eq, %arg1, %eq3A_75 : i32
      %convert_element_type3A_77 = arith.extui %eq3A_76 : i1 to i32
      %cond3A_78 = arith.constant 0 : i32
      %cond3A_79 = arith.cmpi ne, %convert_element_type3A_77, %cond3A_78 : i32
      scf.if %cond3A_79 {
        %mul3A_85 = arith.constant 2048 : i32
        %mul3A_86 = arith.muli %arg0, %mul3A_85 : i32
        %swap3A_87 = arith.index_cast %mul3A_86 : i32 to index
        %swap3A_88 = arith.constant 0 : index
        %swap3A_89 = vector.load %arg6[%swap3A_87, %swap3A_88] : memref<8192x128xbf16, #tpu.memory_space<vmem>>, vector<2048x128xbf16>
        tpu.vector_store %arg6[%swap3A_87, %swap3A_88], %max3A_65 {strides = array<i32>} : memref<8192x128xbf16, #tpu.memory_space<vmem>>, vector<2048x128xbf16>,
      } else {
      }
      %gt3A_80 = arith.constant 0 : i32
      %gt3A_81 = arith.cmpi sgt, %arg1, %gt3A_80 : i32
      %convert_element_type3A_82 = arith.extui %gt3A_81 : i1 to i32
      %cond3A_83 = arith.constant 0 : i32
      %cond3A_84 = arith.cmpi ne, %convert_element_type3A_82, %cond3A_83 : i32
      scf.if %cond3A_84 {
        %mul3A_85 = arith.constant 2048 : i32
        %mul3A_86 = arith.muli %arg0, %mul3A_85 : i32
        %get3A_87 = arith.index_cast %mul3A_86 : i32 to index
        %get3A_88 = arith.constant 0 : index
        %get3A_89 = vector.load %arg6[%get3A_87, %get3A_88] : memref<8192x128xbf16, #tpu.memory_space<vmem>>, vector<2048x128xbf16>
        %max3A_90 = arith.maximumf %get3A_89, %max3A_65 : vector<2048x128xbf16>
        %mul3A_91 = arith.constant 2048 : i32
        %mul3A_92 = arith.muli %arg0, %mul3A_91 : i32
        %swap3A_93 = arith.index_cast %mul3A_92 : i32 to index
        %swap3A_94 = arith.constant 0 : index
        %swap3A_95 = vector.load %arg6[%swap3A_93, %swap3A_94] : memref<8192x128xbf16, #tpu.memory_space<vmem>>, vector<2048x128xbf16>
        tpu.vector_store %arg6[%swap3A_93, %swap3A_94], %max3A_90 {strides = array<i32>} : memref<8192x128xbf16, #tpu.memory_space<vmem>>, vector<2048x128xbf16>,
      } else {
      }
    } else {
    }
    %ne3A = arith.cmpi ne, %arg0, %arg1 : i32
    %convert_element_type3A_13 = arith.extui %ne3A : i1 to i32
    %cond3A_14 = arith.constant 0 : i32
    %cond3A_15 = arith.cmpi ne, %convert_element_type3A_13, %cond3A_14 : i32
    scf.if %cond3A_15 {
      %reduce_max3A = arith.constant dense<0xFF80> : vector<2048xbf16>
      %reduce_max3A_23 = vector.multi_reduction <maximumf>, %select_n3A, %reduce_max3A [0] : vector<2048x2048xbf16> to vector<2048xbf16>
      %broadcast_in_dim3A_24 = vector.shape_cast %reduce_max3A_23 : vector<2048xbf16> to vector<1x2048xbf16>
      %slice3A = vector.extract_strided_slice %select_n3A {offsets = [0, 0], sizes = [2048, 128], strides = [1, 1]} : vector<2048x2048xbf16> to vector<2048x128xbf16>
      %slice3A_25 = vector.extract_strided_slice %select_n3A {offsets = [0, 128], sizes = [2048, 128], strides = [1, 1]} : vector<2048x2048xbf16> to vector<2048x128xbf16>
      %max3A = arith.maximumf %slice3A, %slice3A_25 : vector<2048x128xbf16>
      %slice3A_26 = vector.extract_strided_slice %select_n3A {offsets = [0, 256], sizes = [2048, 128], strides = [1, 1]} : vector<2048x2048xbf16> to vector<2048x128xbf16>
      %max3A_27 = arith.maximumf %max3A, %slice3A_26 : vector<2048x128xbf16>
      %slice3A_28 = vector.extract_strided_slice %select_n3A {offsets = [0, 384], sizes = [2048, 128], strides = [1, 1]} : vector<2048x2048xbf16> to vector<2048x128xbf16>
      %max3A_29 = arith.maximumf %max3A_27, %slice3A_28 : vector<2048x128xbf16>
      %slice3A_30 = vector.extract_strided_slice %select_n3A {offsets = [0, 512], sizes = [2048, 128], strides = [1, 1]} : vector<2048x2048xbf16> to vector<2048x128xbf16>
      %max3A_31 = arith.maximumf %max3A_29, %slice3A_30 : vector<2048x128xbf16>
      %slice3A_32 = vector.extract_strided_slice %select_n3A {offsets = [0, 640], sizes = [2048, 128], strides = [1, 1]} : vector<2048x2048xbf16> to vector<2048x128xbf16>
      %max3A_33 = arith.maximumf %max3A_31, %slice3A_32 : vector<2048x128xbf16>
      %slice3A_34 = vector.extract_strided_slice %select_n3A {offsets = [0, 768], sizes = [2048, 128], strides = [1, 1]} : vector<2048x2048xbf16> to vector<2048x128xbf16>
      %max3A_35 = arith.maximumf %max3A_33, %slice3A_34 : vector<2048x128xbf16>
      %slice3A_36 = vector.extract_strided_slice %select_n3A {offsets = [0, 896], sizes = [2048, 128], strides = [1, 1]} : vector<2048x2048xbf16> to vector<2048x128xbf16>
      %max3A_37 = arith.maximumf %max3A_35, %slice3A_36 : vector<2048x128xbf16>
      %slice3A_38 = vector.extract_strided_slice %select_n3A {offsets = [0, 1024], sizes = [2048, 128], strides = [1, 1]} : vector<2048x2048xbf16> to vector<2048x128xbf16>
      %max3A_39 = arith.maximumf %max3A_37, %slice3A_38 : vector<2048x128xbf16>
      %slice3A_40 = vector.extract_strided_slice %select_n3A {offsets = [0, 1152], sizes = [2048, 128], strides = [1, 1]} : vector<2048x2048xbf16> to vector<2048x128xbf16>
      %max3A_41 = arith.maximumf %max3A_39, %slice3A_40 : vector<2048x128xbf16>
      %slice3A_42 = vector.extract_strided_slice %select_n3A {offsets = [0, 1280], sizes = [2048, 128], strides = [1, 1]} : vector<2048x2048xbf16> to vector<2048x128xbf16>
      %max3A_43 = arith.maximumf %max3A_41, %slice3A_42 : vector<2048x128xbf16>
      %slice3A_44 = vector.extract_strided_slice %select_n3A {offsets = [0, 1408], sizes = [2048, 128], strides = [1, 1]} : vector<2048x2048xbf16> to vector<2048x128xbf16>
      %max3A_45 = arith.maximumf %max3A_43, %slice3A_44 : vector<2048x128xbf16>
      %slice3A_46 = vector.extract_strided_slice %select_n3A {offsets = [0, 1536], sizes = [2048, 128], strides = [1, 1]} : vector<2048x2048xbf16> to vector<2048x128xbf16>
      %max3A_47 = arith.maximumf %max3A_45, %slice3A_46 : vector<2048x128xbf16>
      %slice3A_48 = vector.extract_strided_slice %select_n3A {offsets = [0, 1664], sizes = [2048, 128], strides = [1, 1]} : vector<2048x2048xbf16> to vector<2048x128xbf16>
      %max3A_49 = arith.maximumf %max3A_47, %slice3A_48 : vector<2048x128xbf16>
      %slice3A_50 = vector.extract_strided_slice %select_n3A {offsets = [0, 1792], sizes = [2048, 128], strides = [1, 1]} : vector<2048x2048xbf16> to vector<2048x128xbf16>
      %max3A_51 = arith.maximumf %max3A_49, %slice3A_50 : vector<2048x128xbf16>
      %slice3A_52 = vector.extract_strided_slice %select_n3A {offsets = [0, 1920], sizes = [2048, 128], strides = [1, 1]} : vector<2048x2048xbf16> to vector<2048x128xbf16>
      %max3A_53 = arith.maximumf %max3A_51, %slice3A_52 : vector<2048x128xbf16>
      %eq3A_54 = arith.constant 0 : i32
      %eq3A_55 = arith.cmpi eq, %arg0, %eq3A_54 : i32
      %convert_element_type3A_56 = arith.extui %eq3A_55 : i1 to i32
      %cond3A_57 = arith.constant 0 : i32
      %cond3A_58 = arith.cmpi ne, %convert_element_type3A_56, %cond3A_57 : i32
      scf.if %cond3A_58 {
        %mul3A = arith.constant 2048 : i32
        %mul3A_73 = arith.muli %arg1, %mul3A : i32
        %swap3A = arith.constant 0 : index
        %swap3A_74 = arith.index_cast %mul3A_73 : i32 to index
        %swap3A_75 = vector.load %arg5[%swap3A, %swap3A_74] : memref<1x8192xbf16, #tpu.memory_space<vmem>>, vector<1x2048xbf16>
        tpu.vector_store %arg5[%swap3A, %swap3A_74], %broadcast_in_dim3A_24 {strides = array<i32>} : memref<1x8192xbf16, #tpu.memory_space<vmem>>, vector<1x2048xbf16>,
      } else {
      }
      %gt3A = arith.constant 0 : i32
      %gt3A_59 = arith.cmpi sgt, %arg0, %gt3A : i32
      %convert_element_type3A_60 = arith.extui %gt3A_59 : i1 to i32
      %cond3A_61 = arith.constant 0 : i32
      %cond3A_62 = arith.cmpi ne, %convert_element_type3A_60, %cond3A_61 : i32
      scf.if %cond3A_62 {
        %mul3A = arith.constant 2048 : i32
        %mul3A_73 = arith.muli %arg1, %mul3A : i32
        %get3A_74 = arith.constant 0 : index
        %get3A_75 = arith.index_cast %mul3A_73 : i32 to index
        %get3A_76 = vector.load %arg5[%get3A_74, %get3A_75] : memref<1x8192xbf16, #tpu.memory_space<vmem>>, vector<1x2048xbf16>
        %max3A_77 = arith.maximumf %get3A_76, %broadcast_in_dim3A_24 : vector<1x2048xbf16>
        %mul3A_78 = arith.constant 2048 : i32
        %mul3A_79 = arith.muli %arg1, %mul3A_78 : i32
        %swap3A = arith.constant 0 : index
        %swap3A_80 = arith.index_cast %mul3A_79 : i32 to index
        %swap3A_81 = vector.load %arg5[%swap3A, %swap3A_80] : memref<1x8192xbf16, #tpu.memory_space<vmem>>, vector<1x2048xbf16>
        tpu.vector_store %arg5[%swap3A, %swap3A_80], %max3A_77 {strides = array<i32>} : memref<1x8192xbf16, #tpu.memory_space<vmem>>, vector<1x2048xbf16>,
      } else {
      }
      %eq3A_63 = arith.constant 0 : i32
      %eq3A_64 = arith.cmpi eq, %arg1, %eq3A_63 : i32
      %convert_element_type3A_65 = arith.extui %eq3A_64 : i1 to i32
      %cond3A_66 = arith.constant 0 : i32
      %cond3A_67 = arith.cmpi ne, %convert_element_type3A_65, %cond3A_66 : i32
      scf.if %cond3A_67 {
        %mul3A = arith.constant 2048 : i32
        %mul3A_73 = arith.muli %arg0, %mul3A : i32
        %swap3A = arith.index_cast %mul3A_73 : i32 to index
        %swap3A_74 = arith.constant 0 : index
        %swap3A_75 = vector.load %arg6[%swap3A, %swap3A_74] : memref<8192x128xbf16, #tpu.memory_space<vmem>>, vector<2048x128xbf16>
        tpu.vector_store %arg6[%swap3A, %swap3A_74], %max3A_53 {strides = array<i32>} : memref<8192x128xbf16, #tpu.memory_space<vmem>>, vector<2048x128xbf16>,
      } else {
      }
      %gt3A_68 = arith.constant 0 : i32
      %gt3A_69 = arith.cmpi sgt, %arg1, %gt3A_68 : i32
      %convert_element_type3A_70 = arith.extui %gt3A_69 : i1 to i32
      %cond3A_71 = arith.constant 0 : i32
      %cond3A_72 = arith.cmpi ne, %convert_element_type3A_70, %cond3A_71 : i32
      scf.if %cond3A_72 {
        %mul3A = arith.constant 2048 : i32
        %mul3A_73 = arith.muli %arg0, %mul3A : i32
        %get3A_74 = arith.index_cast %mul3A_73 : i32 to index
        %get3A_75 = arith.constant 0 : index
        %get3A_76 = vector.load %arg6[%get3A_74, %get3A_75] : memref<8192x128xbf16, #tpu.memory_space<vmem>>, vector<2048x128xbf16>
        %max3A_77 = arith.maximumf %get3A_76, %max3A_53 : vector<2048x128xbf16>
        %mul3A_78 = arith.constant 2048 : i32
        %mul3A_79 = arith.muli %arg0, %mul3A_78 : i32
        %swap3A = arith.index_cast %mul3A_79 : i32 to index
        %swap3A_80 = arith.constant 0 : index
        %swap3A_81 = vector.load %arg6[%swap3A, %swap3A_80] : memref<8192x128xbf16, #tpu.memory_space<vmem>>, vector<2048x128xbf16>
        tpu.vector_store %arg6[%swap3A, %swap3A_80], %max3A_77 {strides = array<i32>} : memref<8192x128xbf16, #tpu.memory_space<vmem>>, vector<2048x128xbf16>,
      } else {
      }
    } else {
    }
    %eq3A_16 = arith.constant 3 : i32
    %eq3A_17 = arith.cmpi eq, %arg0, %eq3A_16 : i32
    %eq3A_18 = arith.constant 3 : i32
    %eq3A_19 = arith.cmpi eq, %arg1, %eq3A_18 : i32
    %and3A = arith.andi %eq3A_17, %eq3A_19 : i1
    %convert_element_type3A_20 = arith.extui %and3A : i1 to i32
    %cond3A_21 = arith.constant 0 : i32
    %cond3A_22 = arith.cmpi ne, %convert_element_type3A_20, %cond3A_21 : i32
    scf.if %cond3A_22 {
      %get3A_23 = arith.constant 0 : index
      %get3A_24 = arith.constant 0 : index
      %get3A_25 = vector.load %arg6[%get3A_23, %get3A_24] : memref<8192x128xbf16, #tpu.memory_space<vmem>>, vector<8192x128xbf16>
      %reduce_max3A = arith.constant dense<0xFF80> : vector<8192xbf16>
      %reduce_max3A_26 = vector.multi_reduction <maximumf>, %get3A_25, %reduce_max3A [1] : vector<8192x128xbf16> to vector<8192xbf16>
      %get3A_27 = arith.constant 0 : index
      %get3A_28 = arith.constant 0 : index
      %get3A_29 = vector.load %arg5[%get3A_27, %get3A_28] : memref<1x8192xbf16, #tpu.memory_space<vmem>>, vector<1x8192xbf16>
      %reshape3A = vector.shape_cast %reduce_max3A_26 : vector<8192xbf16> to vector<1x8192xbf16>
      %max3A = arith.maximumf %get3A_29, %reshape3A : vector<1x8192xbf16>
      %convert_element_type3A_30 = arith.extf %max3A : vector<1x8192xbf16> to vector<1x8192xf32>
      %sub3A = arith.constant 1.000000e+00 : f32
      %sub3A_31 = vector.broadcast %sub3A : f32 to vector<1x8192xf32>
      %sub3A_32 = arith.subf %sub3A_31, %convert_element_type3A_30 : vector<1x8192xf32>
      %add3A = arith.constant 9.99999997E-7 : f32
      %add3A_33 = vector.broadcast %add3A : f32 to vector<1x8192xf32>
      %add3A_34 = arith.addf %sub3A_32, %add3A_33 : vector<1x8192xf32>
      %mul3A = arith.constant 2.000000e+00 : f32
      %mul3A_35 = vector.broadcast %mul3A : f32 to vector<1x8192xf32>
      %mul3A_36 = arith.mulf %add3A_34, %mul3A_35 : vector<1x8192xf32>
      %sqrt3A = math.sqrt %mul3A_36 : vector<1x8192xf32>
      %get3A_37 = arith.constant 0 : index
      %get3A_38 = arith.constant 0 : index
      %get3A_39 = vector.load %arg7[%get3A_37, %get3A_38] : memref<1x8192xf32, #tpu.memory_space<vmem>>, vector<1x8192xf32>
      %sub3A_40 = arith.constant 1.000000e+00 : f32
      %sub3A_41 = vector.broadcast %sub3A_40 : f32 to vector<1x8192xf32>
      %sub3A_42 = arith.subf %sub3A_41, %get3A_39 : vector<1x8192xf32>
      %add3A_43 = arith.constant 9.99999997E-7 : f32
      %add3A_44 = vector.broadcast %add3A_43 : f32 to vector<1x8192xf32>
      %add3A_45 = arith.addf %sub3A_42, %add3A_44 : vector<1x8192xf32>
      %mul3A_46 = arith.constant 2.000000e+00 : f32
      %mul3A_47 = vector.broadcast %mul3A_46 : f32 to vector<1x8192xf32>
      %mul3A_48 = arith.mulf %add3A_45, %mul3A_47 : vector<1x8192xf32>
      %sqrt3A_49 = math.sqrt %mul3A_48 : vector<1x8192xf32>
      %sub3A_50 = arith.subf %sqrt3A_49, %sqrt3A : vector<1x8192xf32>
      %swap3A = arith.constant 0 : index
      %swap3A_51 = arith.constant 0 : index
      %swap3A_52 = vector.load %arg4[%swap3A, %swap3A_51] : memref<1x8192xf32, #tpu.memory_space<vmem>>, vector<1x8192xf32>
      tpu.vector_store %arg4[%swap3A, %swap3A_51], %sub3A_50 {strides = array<i32>} : memref<1x8192xf32, #tpu.memory_space<vmem>>, vector<1x8192xf32>,
    } else {
    }
    return
  }
  func.func @transform_0(%arg0: i32, %arg1: i32) -> (i32, i32) {
    %c0_i32 = arith.constant 0 : i32
    %c0_i32_0 = arith.constant 0 : i32
    return %arg0, %c0_i32 : i32, i32
  }
  func.func @transform_1(%arg0: i32, %arg1: i32) -> (i32, i32) {
    %c0_i32 = arith.constant 0 : i32
    %c0_i32_0 = arith.constant 0 : i32
    return %arg1, %c0_i32 : i32, i32
  }
  func.func @transform_2(%arg0: i32, %arg1: i32) -> (i32, i32) {
    %c0_i32 = arith.constant 0 : i32
    %c0_i32_0 = arith.constant 0 : i32
    %c0_i32_1 = arith.constant 0 : i32
    return %c0_i32, %c0_i32_0 : i32, i32
  }
}

</mosaic_0001>

<sc_bundles>
// kernel: kernel.4.cloned.1.call-start
scs
__scs_entry_jumppad:
0x0: {  	(pc) =	sbr.rel $0x88, $3  }
0x1: {  	(tag) =	ssettag $0x0;
	lr =	simm.s32 $0x1  }
0x2: {  	[smem:$0x3FA0] =	sst lr;
	_ =	strace $0xD0000000  }
0x3: {  	_ = 	snop  }
0x4: {  	_ = 	snop  }
0x5: {  	_ = 	snop  }
0x6: {  	_ = 	snop  }
0x7: {  	_ = 	snop  }
__scs_overlays_trampoline_lowered:
0x8: {  	[smem:$0x3FAF] =	sst s0  }
0x9: {  	[smem:$0x3FB0] =	sst s1  }
0xa: {  	[smem:$0x3FB1] =	sst s2  }
0xb: {  	[smem:$0x3FB2] =	sst s3  }
0xc: {  	[smem:$0x3FB3] =	sst s4  }
0xd: {  	[smem:$0x3FB4] =	sst s5  }
0xe: {  	[smem:$0x3FB5] =	sst s6  }
0xf: {  	[smem:$0x3FB6] =	sst s7  }
0x10: {  	[smem:$0x3FB7] =	sst s8  }
0x11: {  	[smem:$0x3FB8] =	sst s9;
	s0 =	simm.s32 @!p0 $0x0  }
0x12: {  	s1 =	sld [smem:$0x3F9E];
	s0 =	simm.s32 @p0 $0x1  }
0x13: {  	[smem:$0x3FB9] =	sst s0;
	s0 =	simm.s32 @!p1 $0x0  }
0x14: {  	s2 =	sld [smem:$0x3F9D];
	s0 =	simm.s32 @p1 $0x1  }
0x15: {  	[smem:$0x3FBA] =	sst s0;
	s0 =	simm.s32 @!p2 $0x0  }
0x16: {  	s3 =	sld [smem:$0x3FDB];
	s0 =	simm.s32 @p2 $0x1  }
0x17: {  	s4 =	simm.s32 $0x1BF5;
	[smem:$0x3FBC] =	sst s0  }
0x18: {  	s0 =	sld [smem:$0x3F9F];
	_ =	swait.ge [sflag:s4], $0x0  }
0x19: {  	s7 =	sld [smem:$0x3FA0]  }
0x1a: {  	s8 =	sadd.s32 $0xFFFFE003, lr  }
0x1b: {  	s9 =	sadd.s32 $0xFFFFFEF7, lr;
	s5 =	simm.s32 $0xFFFFFFFF;
	p2 =	slt.u32 s8, $0xFFFFF086  }
0x1c: {  	p1 =	slt.u32 s9, $0xF7A;
	s5 =	simm.s32 @!p2 $0x0  }
0x1d: {  	s5 =	simm.s32 @p1 $0x1;
	p0 =	seq.s32 s7, s2  }
0x1e: {  	s7 =	smul.u32 @!p0 $0xF7A, s2;
	p2 =	seq.s32 @!p0 s5, $0x0  }
0x1f: {  	s9 =	smul.u32 $0xF7A, s1;
	s8 =	simm.s32 @!p0 $0x1BF5;
	p2 =	por !p2, p0  }
0x20: {  	[sflag:s8] =	ssyncset.s32 @!p0 $0xFFFFF086;
	s6 =	sadd.s32 @!p0 s3, s7;
	s7 =	simm.s32 @!p0 $0x108  }
0x21: {  	s3 =	sadd.s32 s3, s9;
	s6 =	sadd.s32 @!p0 $0x88, s6;
	s7 =	simm.s32 @p2 $0x1082  }
0x22: {  	[simem:s7], [sflag:s8] =	dma.local @!p0 [hbm:s6], $0xF7A  }
0x23: {  	s9 =	sor.u32 $0xD0000000, s2;
	s6 =	simm.s32 $0x108;
	_ =	swait.ge @!p0 [sflag:s8], $0x0  }
0x24: {  	s3 =	sadd.s32 $0x88, s3;
	s6 =	simm.s32 @!p1 $0x1082;
	[sflag:s4] =	ssyncset.s32 $0xFFFFF086  }
0x25: {  	[simem:s6], [sflag:s4] =	dma.local [hbm:s3], $0xF7A  }
0x26: {  	[smem:$0x3FA0] =	sst s1;
	(tag) =	ssettag s2;
	_ =	strace s9  }
0x27: {  	s1 =	sld [smem:$0x3FB0]  }
0x28: {  	s2 =	sld [smem:$0x3FB1]  }
0x29: {  	s4 =	sld [smem:$0x3FB3]  }
0x2a: {  	p0 =	seq.s32 s5, $0x0;
	s5 =	sld [smem:$0x3FB4]  }
0x2b: {  	s6 =	sld [smem:$0x3FB5]  }
0x2c: {  	s7 =	sld [smem:$0x3FB6]  }
0x2d: {  	s3 =	simm.s32 $0x108;
	s8 =	sld [smem:$0x3FB7]  }
0x2e: {  	s3 =	simm.s32 @!p0 $0x1082;
	s9 =	sld [smem:$0x3FB8]  }
0x2f: {  	lr =	sadd.s32 s0, s3;
	s0 =	sld [smem:$0x3FAF]  }
0x30: {  	s3 =	sld [smem:$0x3FB2]  }
0x31: {  	[smem:$0x3FBB] =	sst s10  }
0x32: {  	s10 =	sld [smem:$0x3FB9];
	_ =	sdelay $0x3  }
0x33: {  	p0 =	seq.s32 s10, $0x1;
	s10 =	sld [smem:$0x3FBB];
	_ =	sdelay $0x3  }
0x34: {  	[smem:$0x3FBB] =	sst s10  }
0x35: {  	s10 =	sld [smem:$0x3FBA];
	_ =	sdelay $0x3  }
0x36: {  	p1 =	seq.s32 s10, $0x1;
	s10 =	sld [smem:$0x3FBB];
	_ =	sdelay $0x3  }
0x37: {  	[smem:$0x3FBB] =	sst s10  }
0x38: {  	s10 =	sld [smem:$0x3FBC]  }
0x39: {  	_ = 	snop;
	(pc) =	sbr.ind lr, $3  }
0x3a: {  	_ = 	snop  }
0x3b: {  	_ = 	snop  }
0x3c: {  	p2 =	seq.s32 s10, $0x1;
	s10 =	sld [smem:$0x3FBB]  }
0x3d: {  	_ =	shalt  }
0x3e: {  	_ =	shalt  }
0x3f: {  	_ =	shalt  }
0x40: {  	_ =	shalt  }
0x41: {  	_ =	shalt  }
0x42: {  	_ =	shalt  }
0x43: {  	_ =	shalt  }
0x44: {  	_ =	shalt  }
0x45: {  	_ =	shalt  }
0x46: {  	_ =	shalt  }
0x47: {  	_ =	shalt  }
0x48: {  	_ =	shalt  }
0x49: {  	_ =	shalt  }
0x4a: {  	_ =	shalt  }
0x4b: {  	_ =	shalt  }
0x4c: {  	_ =	shalt  }
0x4d: {  	_ =	shalt  }
0x4e: {  	_ =	shalt  }
0x4f: {  	_ =	shalt  }
0x50: {  	_ =	shalt  }
0x51: {  	_ =	shalt  }
0x52: {  	_ =	shalt  }
0x53: {  	_ =	shalt  }
0x54: {  	_ =	shalt  }
0x55: {  	_ =	shalt  }
0x56: {  	_ =	shalt  }
0x57: {  	_ =	shalt  }
0x58: {  	_ =	shalt  }
0x59: {  	_ =	shalt  }
0x5a: {  	_ =	shalt  }
0x5b: {  	_ =	shalt  }
0x5c: {  	_ =	shalt  }
0x5d: {  	_ =	shalt  }
0x5e: {  	_ =	shalt  }
0x5f: {  	_ =	shalt  }
0x60: {  	_ =	shalt  }
0x61: {  	_ =	shalt  }
0x62: {  	_ =	shalt  }
0x63: {  	_ =	shalt  }
0x64: {  	_ =	shalt  }
0x65: {  	_ =	shalt  }
0x66: {  	_ =	shalt  }
0x67: {  	_ =	shalt  }
0x68: {  	_ =	shalt  }
0x69: {  	_ =	shalt  }
0x6a: {  	_ =	shalt  }
0x6b: {  	_ =	shalt  }
0x6c: {  	_ =	shalt  }
0x6d: {  	_ =	shalt  }
0x6e: {  	_ =	shalt  }
0x6f: {  	_ =	shalt  }
0x70: {  	_ =	shalt  }
0x71: {  	_ =	shalt  }
0x72: {  	_ =	shalt  }
0x73: {  	_ =	shalt  }
0x74: {  	_ =	shalt  }
0x75: {  	_ =	shalt  }
0x76: {  	_ =	shalt  }
0x77: {  	_ =	shalt  }
0x78: {  	_ =	shalt  }
0x79: {  	_ =	shalt  }
0x7a: {  	_ =	shalt  }
0x7b: {  	_ =	shalt  }
0x7c: {  	_ =	shalt  }
0x7d: {  	_ =	shalt  }
0x7e: {  	_ =	shalt  }
0x7f: {  	_ =	shalt  }
0x80: {  	_ =	shalt  }
0x81: {  	_ =	shalt  }
0x82: {  	_ =	shalt  }
0x83: {  	_ =	shalt  }
0x84: {  	_ =	shalt  }
0x85: {  	_ =	shalt  }
0x86: {  	_ =	shalt  }
0x87: {  	_ =	shalt  }
.Lfunc_end0:
.L_simem_size_0:
called_computation_lowered:
.L_overlay_start_0:
0x88: {  	s2 =	sld [smem:$0x3FD9]  }
0x89: {  	s3 =	sld [smem:$0x3FFE];
	_ =	sdelay $0x1  }
0x8a: {  	s1 =	srdreg.scid  }
0x8b: {  	s0 =	sand.u32 $0x1, s1  }
0x8c: {  	s17 =	sshll.u32 s0, $0xA;
	s2 =	sadd.s32 s3, s2  }
0x8d: {  	s2 =	sadd.s32 s2, s17  }
0x8e: {  	[smem:$0x3FC7] =	sst s2  }
0x8f: {  	_ = 	snop  }
0x90: {  	s2 =	sld [smem:$0x3FD0];
	(tm) =	ssettm $0x1  }
0x91: {  	s18 =	sld [smem:$0x3FFB];
	_ =	sdelay $0x3  }
0x92: {  	_ =	strace s18  }
0x93: {  	s3 =	sld [smem:$0x3FFC];
	_ =	sdelay $0x3  }
0x94: {  	_ =	strace s3  }
0x95: {  	s3 =	sld [smem:$0x3FFD];
	_ =	sdelay $0x3  }
0x96: {  	_ =	strace s3  }
0x97: {  	_ =	strace $0x8FFFFFFF  }
0x98: {  	s19 =	sld [smem:$0x3FDB];
	_ =	sdelay $0x1  }
0x99: {  	s4 =	simm.s32 $_scs_section_size  }
0x9a: {  	s5 =	simm.s32 $_size__tile_overlayer_lowered;
	s6 =	simm.s32 $_tile_overlayer_lowered  }
0x9b: {  	s22 =	simm.s32 $0x1BFF;
	s21 =	sshll.u32 s6, $0x1;
	s3 =	sadd.s32 s4, s19  }
0x9c: {  	s7 =	simm.s32 $0x0;
	s20 =	sshll.u32 s5, $0x1;
	s5 =	sadd.s32 s21, s3  }
0x9d: {  	[timem:s7], [sflag:s22] =	dma.local [hbm:s5], s20  }
0x9e: {  	_ =	swait.ge [sflag:s22], s20  }
0x9f: {  	s4 =	ssub.s32 $0x0, s20;
	[sflag:s22] =	ssyncset.done $0x0  }
0xa0: {  	[sflag:s22] =	ssyncadd.s32 s4;
	_ =	sdelay $0x1  }
0xa1: {  	s23 =	simm.s32 $0x1B8B  }
0xa2: {  	_ =	swait.ge [sflag:s23], $0x1  }
0xa3: {  	[sflag:s23] =	ssyncset.done $0x0  }
0xa4: {  	s25 =	simm.s32 $0x1B8E;
	s24 =	sld [smem:$0x3FFE];
	[sflag:s23] =	ssyncadd.s32 $0xFFFFFFFF  }
0xa5: {  	s26 =	simm.s32 $execute0_lowered;
	[smem:$0x3FD2] =	sst s25  }
0xa6: {  	s5 =	sshll.u32 s26, $0x1;
	_ =	strace $0x80000046;
	[dreg:$0x1] =	wrdreg $0xFFFFFFFF  }
0xa7: {  	s28 =	simm.s32 $_size_execute0_lowered;
	s3 =	sadd.s32 s3, s5;
	[dreg:$0x0] =	wrdreg $0x0  }
0xa8: {  	s5 =	sshll.u32 s28, $0x1;
	[dreg:$0x2] =	wrdreg s3  }
0xa9: {  	[dreg:$0x3] =	wrdreg s5  }
0xaa: {  	[dreg:$0x4] =	wrdreg $0xC0  }
0xab: {  	_ =	task [dreg:s7], $0x5FFFF  }
0xac: {  	[dreg:$0x1] =	wrdreg $0xFFFFFFFF  }
0xad: {  	[dreg:$0x0] =	wrdreg $0x60  }
0xae: {  	[dreg:$0x2] =	wrdreg s24  }
0xaf: {  	[dreg:$0x3] =	wrdreg s2  }
0xb0: {  	[dreg:$0x4] =	wrdreg $0x12000  }
0xb1: {  	[dreg:$0x5] =	wrdreg $0x12200  }
0xb2: {  	[dreg:$0x6] =	wrdreg $0x9  }
0xb3: {  	_ =	task.clear_ibuf [dreg:s7], $0x7FFFF;
	_ =	strace $0x90000046  }
0xb4: {  	s29 =	simm.s32 $0x9;
	_ =	strace $0x80000048  }
0xb5: {  	_ =	swait.ge [sflag:s29], $0x1  }
0xb6: {  	[sflag:s29] =	ssyncadd.s32 $0xFFFFFFFF  }
0xb7: {  	_ =	strace $0x90000048  }
0xb8: {  	_ =	sfence  }
0xb9: {  	s30 =	sld [smem:$0x0];
	_ =	sdelay $0x2  }
0xba: {  	s31 =	sshll.u32 s1, $0xD;
	s1 =	sshrl.u32 s1, $0x2  }
0xbb: {  	s3 =	sand.u32 $0x4000, s31;
	s1 =	sadd.s32 s1, s30  }
0xbc: {  	s0 =	sor.u32 s3, s0;
	s1 =	sshll.u32 s1, $0x11  }
0xbd: {  	s0 =	sor.u32 s1, s0  }
0xbe: {  	s0 =	sadd.s32 $0x8F2B, s0  }
0xbf: {  	[sflag:s0] =	ssyncadd.remote.s32 $0x1  }
0xc0: {  	_ =	sfence.sel $0xFFFF  }
0xc1: {  	[dreg:$0x0] =	wrdreg $0xFFFFFFFF;
	(pc) =	sbr.abs _section_cstart, $3  }
0xc2: {  	[dreg:$0x1] =	wrdreg $0xFFFFFFFF  }
0xc3: {  	_ =	task.clear_ibuf [dreg:s7], $0x2FFFF;
	_ =	strace $0x9FFFFFFF  }
0xc4: {  	(tm) =	ssettm $0x7FFFFFFF  }
0xc5: {  	_ =	shalt  }
tec
execute0_lowered:
.L_overlay_start_1:
0x0: {  	(tag) =	ssettag $0x1  }
0x1: {  	s5 =	srdreg.scid  }
0x2: {  	s7 =	sand.u32 $0x1, s5  }
0x3: {  	s3 =	rddreg [dreg:$0x0];
	p1 =	seq.s32 s7, $0x1  }
.Ltmp0:
0x4: {  	s1 =	rddreg [dreg:$0x1];
	(pc) =	sbr.rel @p1 .LBB2_2-.Ltmp0, $4  }
0x5: {  	s6 =	rddreg [dreg:$0x2]  }
0x6: {  	s2 =	rddreg [dreg:$0x3];
	s4 =	simm.s32 $0x0  }
0x7: {  	[smem:$0x7FF] =	sst s4;
	s5 =	stileid.u32  }
0x8: {  	s0 =	rddreg [dreg:$0x4];
	_ =	strace $0x80000047;
	p0 =	sne.s32 s5, $0x0  }
0x9: {  	s3 =	sadd.s32 $0x800, s3;
	s5 =	sshll.u32 s5, $0x6  }
0xa: {  	s28 =	simm.s32 $0x1;
	s3 =	sadd.s32 s3, s5  }
0xb: {  	[tilespmem:s4], [sflag:$0x1] =	stream.linear.gather [hbm4b:s3+s4], $0x200, $0x38;
	[tilespmem:$0x1230] =	vst v63  }
0xc: {  	_ =	swait.ge [sflag:s28], $0x200  }
0xd: {  	[sflag:s28] =	ssyncset.done $0x0  }
0xe: {  	v0 =	vimm.f32 @!p0 $0.0e+00;
	[sflag:s28] =	ssyncadd.s32 $0xFFFFFE00  }
0xf: {  	[tilespmem:$0xC00] =	vst @!p0 v0  }
0x10: {  	[tilespmem:$0xC10] =	vst @!p0 v0  }
0x11: {  	[tilespmem:$0xC20] =	vst @!p0 v0  }
0x12: {  	[tilespmem:$0xC30] =	vst @!p0 v0  }
0x13: {  	[tilespmem:$0xC40] =	vst @!p0 v0  }
0x14: {  	[tilespmem:$0xC50] =	vst @!p0 v0  }
0x15: {  	[tilespmem:$0xC60] =	vst @!p0 v0  }
0x16: {  	[tilespmem:$0xC70] =	vst @!p0 v0  }
0x17: {  	[tilespmem:$0xC80] =	vst @!p0 v0  }
0x18: {  	[tilespmem:$0xC90] =	vst @!p0 v0  }
0x19: {  	[tilespmem:$0xCA0] =	vst @!p0 v0  }
0x1a: {  	[tilespmem:$0xCB0] =	vst @!p0 v0  }
0x1b: {  	[tilespmem:$0xCC0] =	vst @!p0 v0  }
0x1c: {  	[tilespmem:$0xCD0] =	vst @!p0 v0  }
0x1d: {  	[tilespmem:$0xCE0] =	vst @!p0 v0  }
0x1e: {  	[tilespmem:$0xCF0] =	vst @!p0 v0  }
0x1f: {  	[tilespmem:$0xD00] =	vst @!p0 v0  }
0x20: {  	[tilespmem:$0xD10] =	vst @!p0 v0  }
0x21: {  	[tilespmem:$0xD20] =	vst @!p0 v0  }
0x22: {  	[tilespmem:$0xD30] =	vst @!p0 v0  }
0x23: {  	[tilespmem:$0xD40] =	vst @!p0 v0  }
0x24: {  	[tilespmem:$0xD50] =	vst @!p0 v0  }
0x25: {  	[tilespmem:$0xD60] =	vst @!p0 v0  }
0x26: {  	[tilespmem:$0xD70] =	vst @!p0 v0  }
0x27: {  	[tilespmem:$0xD80] =	vst @!p0 v0  }
0x28: {  	[tilespmem:$0xD90] =	vst @!p0 v0  }
0x29: {  	[tilespmem:$0xDA0] =	vst @!p0 v0  }
0x2a: {  	[tilespmem:$0xDB0] =	vst @!p0 v0  }
0x2b: {  	[tilespmem:$0xDC0] =	vst @!p0 v0  }
0x2c: {  	[tilespmem:$0xDD0] =	vst @!p0 v0  }
0x2d: {  	[tilespmem:$0xDE0] =	vst @!p0 v0  }
0x2e: {  	s3 =	simm.s32 @!p0 $0xC00;
	[tilespmem:$0xDF0] =	vst @!p0 v0  }
0x2f: {  	[spmem:s6] =	stream.linear.scatter @!p0 [tilespmem:s3], [sflag:$0x1], $0x200, $0x38;
	[tilespmem:$0x1230] =	vst v63  }
0x30: {  	s3 =	simm.s32 @!p0 $0x1  }
0x31: {  	_ =	swait.ge @!p0 [sflag:s3], $0x200  }
0x32: {  	[sflag:s3] =	ssyncset.done @!p0 $0x0  }
0x33: {  	[sflag:s3] =	ssyncadd.s32 @!p0 $0xFFFFFE00  }
0x34: {  	[bflag:$0x0] =	sbarrier.arrive $0xFFFF  }
0x35: {  	v11 =	vld [tilespmem:$0x0]  }
0x36: {  	v1 =	vld [tilespmem:$0x10]  }
0x37: {  	v5 =	vld [tilespmem:$0x20];
	_ =	sdelay $0x2  }
0x38: {  	v29 =	vld [tilespmem:$0x80]  }
0x39: {  	v0 =	vadd.f32 $2.000000000e+00, v11;
	v1 =	vadd.f32 $2.000000000e+00, v1  }
0x3a: {  	v5 =	vadd.f32 $2.000000000e+00, v5;
	v11 =	vld [tilespmem:$0x40]  }
0x3b: {  	v2 =	vmul.f32 $1.280000000e+02, v0;
	v1 =	vmul.f32 $1.280000000e+02, v1  }
0x3c: {  	v5 =	vmul.f32 $1.280000000e+02, v5  }
0x3d: {  	v29 =	vadd.f32 $2.000000000e+00, v29;
	v0 =	vtrunc.f32 v2;
	v12 =	vtrunc.f32 v1  }
0x3e: {  	v22 =	vtrunc.f32 v5;
	v3 =	vcvt.f32.s32 v0;
	vm0 =	vlt.f32 v2, v0  }
0x3f: {  	v0 =	vimm.s32 $0x0;
	v7 =	vcvt.f32.s32 v12;
	v11 =	vadd.f32 $2.000000000e+00, v11  }
0x40: {  	vm10 =	vlt.f32 v1, v12;
	v10 =	vcvt.f32.s32 v22;
	v4 =	vsel vm0, $0xFFFFFFFF, v0  }
0x41: {  	vm14 =	vlt.f32 v5, v22;
	v3 =	vadd.s32 v3, v4;
	v11 =	vmul.f32 $1.280000000e+02, v11  }
0x42: {  	v19 =	vld [tilespmem:$0x30];
	v4 =	vcvt.s32.f32 v3;
	v6 =	vadd.s32 $0x1, v3;
	vm11 =	vlt.u32 v3, $0x200  }
0x43: {  	vm12 =	vgt.s32 v3, $0x0;
	vm1 =	vgt.s32 v6, $0x0;
	v21 =	vnsel vm11, $0x0, v3  }
0x44: {  	v3 =	vnsel vm12, $0x0, v3;
	v38 =	vtrunc.f32 v11;
	v2 =	vsub.f32 v4, v2  }
0x45: {  	v4 =	vsel vm10, $0xFFFFFFFF, v0;
	v13 =	vnsel vm1, $0x0, v6;
	v3 =	vmin.u32 v3, $0x1FF  }
0x46: {  	v16 =	vcvt.f32.s32 v38;
	vm10 =	vlt.f32 v11, v38;
	v38 =	vmul.f32 $1.280000000e+02, v29  }
0x47: {  	v14 =	vadd.s32 v7, v4;
	v7 =	vadd.f32 $2.000000000e+00, v19;
	v8 =	vadd.f32 $1.000000000e+00, v2  }
0x48: {  	v4 =	vcvt.s32.f32 v14;
	v2 =	vmin.u32 v13, $0x1FF;
	v20 =	vadd.s32 $0x1, v14  }
0x49: {  	vm15 =	vlt.u32 v14, $0x200;
	vm4 =	vgt.s32 v14, $0x0;
	v56 =	vtrunc.f32 v38  }
0x4a: {  	vm13 =	vgt.s32 v20, $0x0;
	v22 =	vnsel vm15, $0x0, v14;
	v7 =	vmul.f32 $1.280000000e+02, v7  }
0x4b: {  	v6 =	vnsel vm4, $0x0, v14;
	v1 =	vsub.f32 v4, v1;
	v26 =	vnsel vm11, $0x0, v8  }
0x4c: {  	v9 =	vsub.f32 $1.000000000e+00, v8;
	v8 =	vsel vm14, $0xFFFFFFFF, v0;
	v12 =	vmin.u32 v6, $0x1FF  }
0x4d: {  	v8 =	vadd.s32 v10, v8;
	v23 =	vtrunc.f32 v7;
	v4 =	vadd.f32 $1.000000000e+00, v1  }
0x4e: {  	v30 =	vld [tilespmem:$0x50];
	v1 =	vnsel vm13, $0x0, v20;
	v10 =	vcvt.s32.f32 v8;
	v13 =	vadd.s32 $0x1, v8  }
0x4f: {  	v14 =	vcvt.f32.s32 v23;
	vm5 =	vlt.f32 v7, v23;
	vm7 =	vlt.u32 v8, $0x200  }
0x50: {  	vm8 =	vgt.s32 v8, $0x0;
	v1 =	vmin.u32 v1, $0x1FF;
	vm6 =	vgt.s32 v13, $0x0  }
0x51: {  	v24 =	vsel vm5, $0xFFFFFFFF, v0;
	v31 =	vnsel vm7, $0x0, v8;
	v8 =	vnsel vm8, $0x0, v8  }
0x52: {  	v17 =	vnsel vm15, $0x0, v4;
	v4 =	vsub.f32 $1.000000000e+00, v4;
	v5 =	vsub.f32 v10, v5  }
0x53: {  	v39 =	vld [tilespmem:$0x60];
	v25 =	vnsel vm6, $0x0, v13;
	v14 =	vadd.s32 v14, v24;
	v10 =	vadd.f32 $2.000000000e+00, v30  }
0x54: {  	v27 =	vcvt.s32.f32 v14;
	v6 =	vmin.u32 v25, $0x1FF;
	v37 =	vadd.s32 $0x1, v14  }
0x55: {  	vm11 =	vlt.u32 v14, $0x200;
	vm12 =	vgt.s32 v14, $0x0;
	v5 =	vadd.f32 $1.000000000e+00, v5  }
0x56: {  	vm9 =	vgt.s32 v37, $0x0;
	v32 =	vnsel vm11, $0x0, v14;
	v19 =	vmul.f32 $1.280000000e+02, v10  }
0x57: {  	v24 =	vld [tilespmem:$0x70];
	v14 =	vnsel vm12, $0x0, v14;
	v15 =	vsub.f32 v27, v7;
	v7 =	vmin.u32 v8, $0x1FF  }
0x58: {  	v18 =	vmin.u32 v14, $0x1FF;
	v8 =	vadd.f32 $2.000000000e+00, v39;
	v33 =	vnsel vm7, $0x0, v5  }
0x59: {  	v13 =	vsub.f32 $1.000000000e+00, v5;
	v5 =	vnsel vm9, $0x0, v37;
	v40 =	vtrunc.f32 v19  }
0x5a: {  	v36 =	vadd.f32 $1.000000000e+00, v15;
	v15 =	vsel vm10, $0xFFFFFFFF, v0;
	v5 =	vmin.u32 v5, $0x1FF  }
0x5b: {  	v23 =	vcvt.f32.s32 v40;
	vm13 =	vlt.f32 v19, v40;
	v25 =	vmul.f32 $1.280000000e+02, v8  }
0x5c: {  	v24 =	vadd.f32 $2.000000000e+00, v24;
	v40 =	vcvt.f32.s32 v56;
	v15 =	vadd.s32 v16, v15  }
0x5d: {  	v41 =	vsel vm13, $0xFFFFFFFF, v0;
	v16 =	vcvt.s32.f32 v15;
	v27 =	vnsel vm11, $0x0, v36  }
0x5e: {  	v10 =	vsub.f32 $1.000000000e+00, v36;
	v20 =	vadd.s32 $0x1, v15;
	v44 =	vadd.s32 v23, v41  }
0x5f: {  	vm15 =	vlt.u32 v15, $0x200;
	vm4 =	vgt.s32 v15, $0x0;
	v47 =	vtrunc.f32 v25  }
0x60: {  	v24 =	vmul.f32 $1.280000000e+02, v24;
	vm14 =	vgt.s32 v20, $0x0;
	v14 =	vcvt.s32.f32 v44  }
0x61: {  	v36 =	vnsel vm15, $0x0, v15;
	v15 =	vnsel vm4, $0x0, v15;
	v46 =	vadd.s32 $0x1, v44  }
0x62: {  	v48 =	vcvt.f32.s32 v47;
	vm6 =	vlt.f32 v25, v47;
	vm7 =	vlt.u32 v44, $0x200  }
0x63: {  	vm8 =	vgt.s32 v44, $0x0;
	v11 =	vsub.f32 v16, v11;
	v43 =	vnsel vm14, $0x0, v20  }
0x64: {  	vm5 =	vgt.s32 v46, $0x0;
	v16 =	vsel vm6, $0xFFFFFFFF, v0;
	v37 =	vnsel vm7, $0x0, v44  }
0x65: {  	v20 =	vnsel vm8, $0x0, v44;
	v49 =	vtrunc.f32 v24;
	vm14 =	vlt.f32 v38, v56  }
0x66: {  	v19 =	vsub.f32 v14, v19;
	v14 =	vmin.u32 v15, $0x1FF;
	v8 =	vnsel vm5, $0x0, v46  }
0x67: {  	v54 =	vld [tilespmem:$0x90];
	v16 =	vadd.s32 v48, v16;
	v35 =	vcvt.f32.s32 v49;
	vm9 =	vlt.f32 v24, v49  }
0x68: {  	v28 =	vmin.u32 v20, $0x1FF;
	v42 =	vadd.f32 $1.000000000e+00, v11;
	v11 =	vmin.u32 v43, $0x1FF  }
0x69: {  	v8 =	vmin.u32 v8, $0x1FF;
	v30 =	vadd.s32 $0x1, v16;
	v50 =	vsel vm9, $0xFFFFFFFF, v0  }
0x6a: {  	vm11 =	vlt.u32 v16, $0x200;
	vm12 =	vgt.s32 v16, $0x0;
	v45 =	vadd.f32 $1.000000000e+00, v19  }
0x6b: {  	v19 =	vcvt.s32.f32 v16;
	vm10 =	vgt.s32 v30, $0x0;
	v53 =	vadd.s32 v35, v50  }
0x6c: {  	v41 =	vnsel vm11, $0x0, v16;
	v16 =	vnsel vm12, $0x0, v16;
	v35 =	vadd.f32 $2.000000000e+00, v54  }
0x6d: {  	v44 =	vld [tilespmem:$0xA0];
	v39 =	vnsel vm15, $0x0, v42;
	v23 =	vsub.f32 $1.000000000e+00, v42;
	v52 =	vnsel vm10, $0x0, v30  }
0x6e: {  	v49 =	vld [tilespmem:$0xB0];
	v20 =	vcvt.s32.f32 v53;
	v55 =	vadd.s32 $0x1, v53;
	vm15 =	vlt.u32 v53, $0x200  }
0x6f: {  	vm4 =	vgt.s32 v53, $0x0;
	v34 =	vnsel vm7, $0x0, v45;
	v15 =	vsub.f32 $1.000000000e+00, v45  }
0x70: {  	v19 =	vsub.f32 v19, v25;
	vm13 =	vgt.s32 v55, $0x0;
	v25 =	vsel vm14, $0xFFFFFFFF, v0  }
0x71: {  	v42 =	vnsel vm15, $0x0, v53;
	v46 =	vmul.f32 $1.280000000e+02, v35;
	v30 =	vnsel vm4, $0x0, v53  }
0x72: {  	v60 =	vadd.f32 $2.000000000e+00, v44;
	v24 =	vsub.f32 v20, v24;
	v20 =	vmin.u32 v16, $0x1FF  }
0x73: {  	v16 =	vnsel vm13, $0x0, v55;
	v45 =	vadd.s32 v40, v25;
	v49 =	vadd.f32 $2.000000000e+00, v49  }
0x74: {  	v51 =	vadd.f32 $1.000000000e+00, v19;
	v19 =	vmin.u32 v52, $0x1FF;
	v16 =	vmin.u32 v16, $0x1FF  }
0x75: {  	v25 =	vcvt.s32.f32 v45;
	v35 =	vtrunc.f32 v46;
	v57 =	vadd.s32 $0x1, v45  }
0x76: {  	vm7 =	vlt.u32 v45, $0x200;
	vm8 =	vgt.s32 v45, $0x0;
	v24 =	vadd.f32 $1.000000000e+00, v24  }
0x77: {  	v47 =	vcvt.f32.s32 v35;
	vm5 =	vlt.f32 v46, v35;
	v35 =	vmin.u32 v30, $0x1FF  }
0x78: {  	vm6 =	vgt.s32 v57, $0x0;
	v44 =	vnsel vm7, $0x0, v45;
	v50 =	vnsel vm8, $0x0, v45  }
0x79: {  	v49 =	vmul.f32 $1.280000000e+02, v49;
	v43 =	vnsel vm11, $0x0, v51;
	v29 =	vsub.f32 $1.000000000e+00, v51  }
0x7a: {  	v25 =	vsub.f32 v25, v38;
	v58 =	vsel vm5, $0xFFFFFFFF, v0;
	v59 =	vnsel vm6, $0x0, v57  }
0x7b: {  	v51 =	vmul.f32 $1.280000000e+02, v60;
	v40 =	vnsel vm15, $0x0, v24;
	v24 =	vsub.f32 $1.000000000e+00, v24  }
0x7c: {  	v47 =	vadd.s32 v47, v58;
	v58 =	vtrunc.f32 v49;
	v48 =	vadd.f32 $1.000000000e+00, v25  }
0x7d: {  	v30 =	vcvt.s32.f32 v47;
	v25 =	vmin.u32 v59, $0x1FF;
	v61 =	vadd.s32 $0x1, v47  }
0x7e: {  	v62 =	vtrunc.f32 v51;
	vm11 =	vlt.u32 v47, $0x200;
	vm12 =	vgt.s32 v47, $0x0  }
0x7f: {  	[tilespmem:$0x200] =	vst v21;
	v55 =	vld [tilespmem:$0xC0];
	vm13 =	vlt.f32 v49, v58;
	vm9 =	vgt.s32 v61, $0x0;
	vm10 =	vlt.f32 v51, v62  }
0x80: {  	[tilespmem:$0x800] =	vst v9;
	v63 =	vcvt.f32.s32 v62;
	v9 =	vnsel vm11, $0x0, v47;
	v56 =	vnsel vm12, $0x0, v47  }
0x81: {  	[tilespmem:$0xA00] =	vst v3;
	v60 =	vsel vm13, $0xFFFFFFFF, v0;
	v46 =	vsub.f32 v30, v46;
	v45 =	vnsel vm7, $0x0, v48  }
0x82: {  	[tilespmem:$0x400] =	vst v2;
	v38 =	vsub.f32 $1.000000000e+00, v48;
	v30 =	vmin.u32 v50, $0x1FF;
	v52 =	vnsel vm9, $0x0, v61  }
0x83: {  	[tilespmem:$0x410] =	vst v1;
	v53 =	vsel vm10, $0xFFFFFFFF, v0;
	v1 =	vmin.u32 v56, $0x1FF;
	v2 =	vmin.u32 v52, $0x1FF  }
0x84: {  	[tilespmem:$0x210] =	vst v22;
	v54 =	vadd.s32 v63, v53;
	v63 =	vadd.f32 $2.000000000e+00, v55;
	v46 =	vadd.f32 $1.000000000e+00, v46  }
0x85: {  	[tilespmem:$0x600] =	vst v26;
	v48 =	vcvt.s32.f32 v54;
	v59 =	vadd.s32 $0x1, v54;
	vm15 =	vgt.s32 v54, $0x0  }
0x86: {  	[tilespmem:$0xA10] =	vst v12;
	vm4 =	vlt.u32 v54, $0x200;
	vm14 =	vgt.s32 v59, $0x0;
	v50 =	vnsel vm15, $0x0, v54  }
0x87: {  	[tilespmem:$0x610] =	vst v17;
	v17 =	vnsel vm4, $0x0, v54;
	v53 =	vmul.f32 $1.280000000e+02, v63;
	v21 =	vnsel vm11, $0x0, v46  }
0x88: {  	[tilespmem:$0x810] =	vst v4;
	v57 =	vsub.f32 v48, v51;
	v48 =	vcvt.f32.s32 v58;
	v61 =	vnsel vm14, $0x0, v59  }
0x89: {  	[tilespmem:$0x420] =	vst v6;
	v3 =	vsub.f32 $1.000000000e+00, v46;
	v6 =	vmin.u32 v50, $0x1FF;
	v4 =	vmin.u32 v61, $0x1FF  }
0x8a: {  	[tilespmem:$0x220] =	vst v31;
	v55 =	vtrunc.f32 v53;
	v47 =	vadd.f32 $1.000000000e+00, v57;
	v48 =	vadd.s32 v48, v60  }
0x8b: {  	[tilespmem:$0x230] =	vst v32;
	v51 =	vld [tilespmem:$0xD0];
	vm6 =	vlt.f32 v53, v55;
	v31 =	vcvt.f32.s32 v55;
	v62 =	vcvt.s32.f32 v48  }
0x8c: {  	[tilespmem:$0xA20] =	vst v7;
	v54 =	vadd.s32 $0x1, v48;
	v57 =	vsel vm6, $0xFFFFFFFF, v0;
	vm7 =	vlt.u32 v48, $0x200  }
0x8d: {  	[tilespmem:$0xA30] =	vst v18;
	v50 =	vld [tilespmem:$0xF0];
	vm8 =	vgt.s32 v48, $0x0;
	v22 =	vnsel vm4, $0x0, v47;
	v12 =	vsub.f32 $1.000000000e+00, v47  }
0x8e: {  	[tilespmem:$0x820] =	vst v13;
	vm5 =	vgt.s32 v54, $0x0;
	v59 =	vadd.s32 v31, v57;
	v13 =	vnsel vm7, $0x0, v48  }
0x8f: {  	[tilespmem:$0x620] =	vst v33;
	v61 =	vnsel vm8, $0x0, v48;
	v52 =	vsub.f32 v62, v49;
	v56 =	vnsel vm5, $0x0, v54  }
0x90: {  	[tilespmem:$0x430] =	vst v5;
	v58 =	vadd.f32 $2.000000000e+00, v51;
	v31 =	vcvt.s32.f32 v59;
	v63 =	vadd.s32 $0x1, v59  }
0x91: {  	[tilespmem:$0x630] =	vst v27;
	v60 =	vld [tilespmem:$0xE0];
	v18 =	vmin.u32 v61, $0x1FF;
	vm11 =	vgt.s32 v59, $0x0;
	vm12 =	vlt.u32 v59, $0x200  }
0x92: {  	[tilespmem:$0x830] =	vst v10;
	v57 =	vadd.f32 $2.000000000e+00, v50;
	v7 =	vmin.u32 v56, $0x1FF;
	vm10 =	vgt.s32 v63, $0x0  }
0x93: {  	[tilespmem:$0x240] =	vst v36;
	v49 =	vnsel vm11, $0x0, v59;
	v26 =	vadd.f32 $1.000000000e+00, v52;
	v32 =	vmul.f32 $1.280000000e+02, v58  }
0x94: {  	[tilespmem:$0x250] =	vst v37;
	v27 =	vnsel vm12, $0x0, v59;
	v31 =	vsub.f32 v31, v53;
	v47 =	vnsel vm10, $0x0, v63  }
0x95: {  	[tilespmem:$0xA40] =	vst v14;
	v10 =	vnsel vm7, $0x0, v26;
	v5 =	vsub.f32 $1.000000000e+00, v26;
	v62 =	vtrunc.f32 v32  }
0x96: {  	[tilespmem:$0xA50] =	vst v28;
	v26 =	vadd.f32 $2.000000000e+00, v60;
	vm9 =	vlt.f32 v32, v62;
	v33 =	vcvt.f32.s32 v62  }
0x97: {  	[tilespmem:$0x440] =	vst v11;
	v14 =	vmin.u32 v49, $0x1FF;
	v31 =	vadd.f32 $1.000000000e+00, v31;
	v46 =	vsel vm9, $0xFFFFFFFF, v0  }
0x98: {  	[tilespmem:$0x450] =	vst v8;
	v11 =	vmin.u32 v47, $0x1FF;
	v60 =	vld [tilespmem:$0x100];
	v51 =	vmul.f32 $1.280000000e+02, v26;
	v33 =	vadd.s32 v33, v46  }
0x99: {  	[tilespmem:$0x840] =	vst v23;
	v26 =	vnsel vm12, $0x0, v31;
	v23 =	vsub.f32 $1.000000000e+00, v31;
	v48 =	vcvt.s32.f32 v33  }
0x9a: {  	[tilespmem:$0x260] =	vst v41;
	v53 =	vadd.s32 $0x1, v33;
	v54 =	vtrunc.f32 v51;
	vm15 =	vlt.u32 v33, $0x200  }
0x9b: {  	[tilespmem:$0x640] =	vst v39;
	vm4 =	vgt.s32 v33, $0x0;
	vm13 =	vgt.s32 v53, $0x0;
	vm14 =	vlt.f32 v51, v54  }
0x9c: {  	[tilespmem:$0x650] =	vst v34;
	v55 =	vcvt.f32.s32 v54;
	v28 =	vnsel vm15, $0x0, v33;
	v61 =	vnsel vm4, $0x0, v33  }
0x9d: {  	[tilespmem:$0x270] =	vst v42;
	v31 =	vadd.f32 $2.000000000e+00, v60;
	v32 =	vsub.f32 v48, v32;
	v8 =	vnsel vm13, $0x0, v53  }
0x9e: {  	[tilespmem:$0xA60] =	vst v20;
	v56 =	vsel vm14, $0xFFFFFFFF, v0;
	v20 =	vmin.u32 v61, $0x1FF;
	v8 =	vmin.u32 v8, $0x1FF  }
0x9f: {  	[tilespmem:$0x850] =	vst v15;
	v58 =	vadd.s32 v55, v56;
	v31 =	vmul.f32 $1.280000000e+02, v31;
	v52 =	vadd.f32 $1.000000000e+00, v32  }
0xa0: {  	[tilespmem:$0x460] =	vst v19;
	v46 =	vld [tilespmem:$0x110];
	v59 =	vcvt.s32.f32 v58;
	v32 =	vmul.f32 $1.280000000e+02, v57;
	v41 =	vadd.s32 $0x1, v58  }
0xa1: {  	[tilespmem:$0x470] =	vst v16;
	v53 =	vld [tilespmem:$0x120];
	vm7 =	vgt.s32 v58, $0x0;
	vm8 =	vlt.u32 v58, $0x200;
	vm6 =	vgt.s32 v41, $0x0  }
0xa2: {  	[tilespmem:$0x660] =	vst v43;
	v61 =	vld [tilespmem:$0x130];
	v43 =	vnsel vm7, $0x0, v58;
	v34 =	vnsel vm8, $0x0, v58;
	v48 =	vtrunc.f32 v31  }
0xa3: {  	[tilespmem:$0xA70] =	vst v35;
	v19 =	vnsel vm15, $0x0, v52;
	v15 =	vsub.f32 $1.000000000e+00, v52;
	v62 =	vsub.f32 v59, v51  }
0xa4: {  	[tilespmem:$0x870] =	vst v24;
	v63 =	vtrunc.f32 v32;
	v37 =	vnsel vm6, $0x0, v41;
	v24 =	vmin.u32 v43, $0x1FF  }
0xa5: {  	[tilespmem:$0x280] =	vst v44;
	vm10 =	vlt.f32 v31, v48;
	v39 =	vcvt.f32.s32 v48;
	vm5 =	vlt.f32 v32, v63  }
0xa6: {  	[tilespmem:$0x860] =	vst v29;
	v36 =	vcvt.f32.s32 v63;
	v16 =	vmin.u32 v37, $0x1FF;
	v37 =	vadd.f32 $2.000000000e+00, v46  }
0xa7: {  	[tilespmem:$0x670] =	vst v40;
	v50 =	vsel vm10, $0xFFFFFFFF, v0;
	v60 =	vadd.f32 $2.000000000e+00, v53;
	v41 =	vadd.f32 $2.000000000e+00, v61  }
0xa8: {  	[tilespmem:$0x480] =	vst v25;
	v42 =	vsel vm5, $0xFFFFFFFF, v0;
	v33 =	vadd.f32 $1.000000000e+00, v62;
	v51 =	vadd.s32 v39, v50  }
0xa9: {  	[tilespmem:$0x290] =	vst v9;
	v36 =	vadd.s32 v36, v42;
	v52 =	vcvt.s32.f32 v51;
	v37 =	vmul.f32 $1.280000000e+02, v37  }
0xaa: {  	[tilespmem:$0x680] =	vst v45;
	v56 =	vadd.s32 $0x1, v51;
	vm15 =	vlt.u32 v51, $0x200;
	v63 =	vmul.f32 $1.280000000e+02, v60  }
0xab: {  	[tilespmem:$0xA80] =	vst v30;
	v45 =	vld [tilespmem:$0x140];
	vm4 =	vgt.s32 v51, $0x0;
	v44 =	vmul.f32 $1.280000000e+02, v41;
	v29 =	vcvt.s32.f32 v36  }
0xac: {  	[tilespmem:$0xA90] =	vst v1;
	v35 =	vnsel vm8, $0x0, v33;
	v47 =	vadd.s32 $0x1, v36;
	vm11 =	vlt.u32 v36, $0x200  }
0xad: {  	[tilespmem:$0x4A0] =	vst v4;
	vm12 =	vgt.s32 v36, $0x0;
	vm14 =	vgt.s32 v56, $0x0;
	v4 =	vnsel vm15, $0x0, v51  }
0xae: {  	[tilespmem:$0x880] =	vst v38;
	v62 =	vnsel vm4, $0x0, v51;
	vm9 =	vgt.s32 v47, $0x0;
	v54 =	vnsel vm12, $0x0, v36  }
0xaf: {  	[tilespmem:$0x890] =	vst v3;
	v53 =	vld [tilespmem:$0x150];
	v31 =	vsub.f32 v52, v31;
	v55 =	vtrunc.f32 v37;
	v3 =	vnsel vm14, $0x0, v56  }
0xb0: {  	[tilespmem:$0x8A0] =	vst v12;
	v12 =	vmin.u32 v62, $0x1FF;
	v46 =	vtrunc.f32 v44;
	v52 =	vadd.f32 $2.000000000e+00, v45  }
0xb1: {  	[tilespmem:$0x490] =	vst v2;
	v32 =	vsub.f32 v29, v32;
	v29 =	vsub.f32 $1.000000000e+00, v33;
	v49 =	vnsel vm9, $0x0, v47  }
0xb2: {  	[tilespmem:$0x2A0] =	vst v17;
	v33 =	vnsel vm11, $0x0, v36;
	vm13 =	vlt.f32 v37, v55;
	v36 =	vcvt.f32.s32 v55  }
0xb3: {  	[tilespmem:$0x690] =	vst v21;
	v1 =	vmin.u32 v54, $0x1FF;
	v3 =	vmin.u32 v3, $0x1FF;
	v48 =	vcvt.f32.s32 v46  }
0xb4: {  	[tilespmem:$0x2D0] =	vst v28;
	vm9 =	vlt.f32 v44, v46;
	v28 =	vadd.f32 $2.000000000e+00, v53;
	v25 =	vmin.u32 v49, $0x1FF  }
0xb5: {  	[tilespmem:$0xAA0] =	vst v6;
	v57 =	vsel vm13, $0xFFFFFFFF, v0;
	v58 =	vadd.f32 $1.000000000e+00, v31;
	v31 =	vtrunc.f32 v63  }
0xb6: {  	[tilespmem:$0x6A0] =	vst v22;
	v49 =	vsel vm9, $0xFFFFFFFF, v0;
	v55 =	vmul.f32 $1.280000000e+02, v52;
	v32 =	vadd.f32 $1.000000000e+00, v32  }
0xb7: {  	[tilespmem:$0x2B0] =	vst v13;
	v2 =	vadd.s32 v36, v57;
	v38 =	vcvt.f32.s32 v31;
	vm6 =	vlt.f32 v63, v31  }
0xb8: {  	[tilespmem:$0xAB0] =	vst v18;
	v51 =	vadd.s32 v48, v49;
	v28 =	vmul.f32 $1.280000000e+02, v28;
	v59 =	vcvt.s32.f32 v2  }
0xb9: {  	[tilespmem:$0x4B0] =	vst v7;
	v6 =	vnsel vm15, $0x0, v58;
	v17 =	vsub.f32 $1.000000000e+00, v58;
	v40 =	vsel vm6, $0xFFFFFFFF, v0  }
0xba: {  	[tilespmem:$0x8C0] =	vst v23;
	vm7 =	vlt.u32 v2, $0x200;
	vm8 =	vgt.s32 v2, $0x0;
	v23 =	vcvt.s32.f32 v51  }
0xbb: {  	[tilespmem:$0x2C0] =	vst v27;
	v56 =	vadd.s32 $0x1, v51;
	v57 =	vtrunc.f32 v55;
	vm15 =	vlt.u32 v51, $0x200  }
0xbc: {  	[tilespmem:$0xAC0] =	vst v14;
	vm4 =	vgt.s32 v51, $0x0;
	v21 =	vnsel vm11, $0x0, v32;
	v9 =	vsub.f32 $1.000000000e+00, v32  }
0xbd: {  	[tilespmem:$0x6B0] =	vst v10;
	v42 =	vadd.s32 v38, v40;
	v10 =	vnsel vm7, $0x0, v2;
	vm13 =	vgt.s32 v56, $0x0  }
0xbe: {  	[tilespmem:$0x4C0] =	vst v11;
	v58 =	vcvt.f32.s32 v57;
	vm14 =	vlt.f32 v55, v57;
	v61 =	vtrunc.f32 v28  }
0xbf: {  	[tilespmem:$0x8B0] =	vst v5;
	v22 =	vsub.f32 v59, v37;
	v37 =	vadd.s32 $0x1, v2;
	v43 =	vcvt.s32.f32 v42  }
0xc0: {  	[tilespmem:$0x6C0] =	vst v26;
	v2 =	vnsel vm8, $0x0, v2;
	v47 =	vadd.s32 $0x1, v42;
	vm11 =	vlt.u32 v42, $0x200  }
0xc1: {  	[tilespmem:$0xAD0] =	vst v20;
	vm12 =	vgt.s32 v42, $0x0;
	v54 =	vsub.f32 v23, v44;
	v20 =	vnsel vm13, $0x0, v56  }
0xc2: {  	[tilespmem:$0x4D0] =	vst v8;
	v23 =	vsel vm14, $0xFFFFFFFF, v0;
	vm5 =	vgt.s32 v37, $0x0;
	v2 =	vmin.u32 v2, $0x1FF  }
0xc3: {  	[tilespmem:$0x6D0] =	vst v19;
	v60 =	vld [tilespmem:$0x160];
	vm10 =	vgt.s32 v47, $0x0;
	v19 =	vnsel vm11, $0x0, v42;
	v7 =	vnsel vm12, $0x0, v42  }
0xc4: {  	[tilespmem:$0x4E0] =	vst v16;
	v16 =	vmin.u32 v20, $0x1FF;
	v59 =	vadd.s32 v58, v23;
	v23 =	vnsel vm15, $0x0, v51  }
0xc5: {  	[tilespmem:$0x2E0] =	vst v34;
	v36 =	vadd.f32 $1.000000000e+00, v22;
	v39 =	vnsel vm5, $0x0, v37;
	v18 =	vsub.f32 v43, v63  }
0xc6: {  	[tilespmem:$0xAE0] =	vst v24;
	v11 =	vnsel vm10, $0x0, v47;
	v7 =	vmin.u32 v7, $0x1FF;
	v8 =	vadd.f32 $1.000000000e+00, v54  }
0xc7: {  	[tilespmem:$0x8D0] =	vst v15;
	v26 =	vcvt.s32.f32 v59;
	v62 =	vadd.s32 $0x1, v59;
	v63 =	vcvt.f32.s32 v61  }
0xc8: {  	[tilespmem:$0x6E0] =	vst v35;
	vm5 =	vlt.f32 v28, v61;
	v37 =	vadd.f32 $2.000000000e+00, v60;
	vm8 =	vgt.s32 v59, $0x0  }
0xc9: {  	[tilespmem:$0x300] =	vst v4;
	v40 =	vld [tilespmem:$0x170];
	v5 =	vmin.u32 v39, $0x1FF;
	v11 =	vmin.u32 v11, $0x1FF;
	vm6 =	vgt.s32 v62, $0x0  }
0xca: {  	[tilespmem:$0x2F0] =	vst v33;
	v33 =	vsel vm5, $0xFFFFFFFF, v0;
	v41 =	vnsel vm8, $0x0, v59;
	v27 =	vnsel vm7, $0x0, v36  }
0xcb: {  	[tilespmem:$0xB00] =	vst v12;
	v13 =	vsub.f32 $1.000000000e+00, v36;
	v50 =	vadd.f32 $1.000000000e+00, v18;
	v24 =	vnsel vm15, $0x0, v8  }
0xcc: {  	[tilespmem:$0xAF0] =	vst v1;
	v8 =	vsub.f32 $1.000000000e+00, v8;
	v18 =	vnsel vm4, $0x0, v51;
	v22 =	vsub.f32 v26, v55  }
0xcd: {  	[tilespmem:$0x6F0] =	vst v21;
	v21 =	vnsel vm6, $0x0, v62;
	v35 =	vadd.s32 v63, v33;
	vm7 =	vlt.u32 v59, $0x200  }
0xce: {  	[tilespmem:$0x700] =	vst v6;
	v42 =	vmul.f32 $1.280000000e+02, v37;
	v6 =	vmin.u32 v41, $0x1FF;
	v48 =	vadd.f32 $2.000000000e+00, v40  }
0xcf: {  	[tilespmem:$0x500] =	vst v3;
	v18 =	vmin.u32 v18, $0x1FF;
	v36 =	vcvt.s32.f32 v35;
	v38 =	vmin.u32 v21, $0x1FF  }
0xd0: {  	[tilespmem:$0x8E0] =	vst v29;
	v39 =	vnsel vm7, $0x0, v59;
	v44 =	vadd.s32 $0x1, v35;
	vm12 =	vgt.s32 v35, $0x0  }
0xd1: {  	[tilespmem:$0x4F0] =	vst v25;
	v51 =	vld [tilespmem:$0x180];
	v15 =	vnsel vm11, $0x0, v50;
	v14 =	vsub.f32 $1.000000000e+00, v50;
	v34 =	vadd.f32 $1.000000000e+00, v22  }
0xd2: {  	[tilespmem:$0x900] =	vst v17;
	v63 =	vld [tilespmem:$0x190];
	v25 =	vtrunc.f32 v42;
	vm9 =	vgt.s32 v44, $0x0;
	vm11 =	vlt.u32 v35, $0x200  }
0xd3: {  	[tilespmem:$0x310] =	vst v10;
	v33 =	vld [tilespmem:$0x1A0];
	v52 =	vnsel vm12, $0x0, v35;
	v1 =	vsub.f32 v36, v28;
	v45 =	vcvt.f32.s32 v25  }
0xd4: {  	[tilespmem:$0x8F0] =	vst v9;
	vm10 =	vlt.f32 v42, v25;
	v46 =	vnsel vm9, $0x0, v44;
	v49 =	vnsel vm11, $0x0, v35  }
0xd5: {  	[tilespmem:$0xB10] =	vst v2;
	v25 =	vmul.f32 $1.280000000e+02, v48;
	v2 =	vmin.u32 v52, $0x1FF;
	v43 =	vnsel vm7, $0x0, v34  }
0xd6: {  	[tilespmem:$0x320] =	vst v19;
	v9 =	vsub.f32 $1.000000000e+00, v34;
	v47 =	vsel vm10, $0xFFFFFFFF, v0;
	v10 =	vmin.u32 v46, $0x1FF  }
0xd7: {  	[tilespmem:$0x330] =	vst v23;
	v1 =	vadd.f32 $1.000000000e+00, v1;
	v12 =	vadd.s32 v45, v47;
	v60 =	vadd.f32 $2.000000000e+00, v51  }
0xd8: {  	v53 =	vtrunc.f32 v25;
	v20 =	vadd.f32 $2.000000000e+00, v63;
	[tilespmem:$0x740] =	vst v43;
	v43 =	vadd.f32 $2.000000000e+00, v33  }
0xd9: {  	[tilespmem:$0x530] =	vst v16;
	v17 =	vcvt.s32.f32 v12;
	v54 =	vadd.s32 $0x1, v12;
	v55 =	vcvt.f32.s32 v53  }
0xda: {  	[tilespmem:$0xB20] =	vst v7;
	vm13 =	vlt.f32 v25, v53;
	vm15 =	vlt.u32 v12, $0x200;
	vm4 =	vgt.s32 v12, $0x0  }
0xdb: {  	[tilespmem:$0x510] =	vst v5;
	v50 =	vnsel vm11, $0x0, v1;
	v1 =	vsub.f32 $1.000000000e+00, v1;
	vm14 =	vgt.s32 v54, $0x0  }
0xdc: {  	[tilespmem:$0x520] =	vst v11;
	v56 =	vsel vm13, $0xFFFFFFFF, v0;
	v62 =	vnsel vm15, $0x0, v12;
	v19 =	vmul.f32 $1.280000000e+02, v60  }
0xdd: {  	[tilespmem:$0x350] =	vst v49;
	v12 =	vnsel vm4, $0x0, v12;
	v20 =	vmul.f32 $1.280000000e+02, v20;
	v49 =	vmul.f32 $1.280000000e+02, v43  }
0xde: {  	[tilespmem:$0x720] =	vst v15;
	v17 =	vsub.f32 v17, v42;
	v58 =	vnsel vm14, $0x0, v54;
	v15 =	vadd.s32 v55, v56  }
0xdf: {  	[tilespmem:$0x710] =	vst v27;
	v12 =	vmin.u32 v12, $0x1FF;
	v59 =	vcvt.s32.f32 v15;
	v61 =	vmin.u32 v58, $0x1FF  }
0xe0: {  	[tilespmem:$0x730] =	vst v24;
	v27 =	vadd.s32 $0x1, v15;
	v28 =	vtrunc.f32 v19;
	vm7 =	vlt.u32 v15, $0x200  }
0xe1: {  	[tilespmem:$0xB40] =	vst v6;
	vm8 =	vgt.s32 v15, $0x0;
	v36 =	vtrunc.f32 v20;
	v52 =	vtrunc.f32 v49  }
0xe2: {  	[tilespmem:$0x910] =	vst v13;
	v57 =	vadd.f32 $1.000000000e+00, v17;
	vm5 =	vgt.s32 v27, $0x0;
	v29 =	vcvt.f32.s32 v28  }
0xe3: {  	[tilespmem:$0x930] =	vst v8;
	vm6 =	vlt.f32 v19, v28;
	v31 =	vnsel vm7, $0x0, v15;
	v34 =	vnsel vm8, $0x0, v15  }
0xe4: {  	[tilespmem:$0x540] =	vst v38;
	v60 =	vld [tilespmem:$0x1C0];
	v38 =	vcvt.f32.s32 v36;
	vm9 =	vlt.f32 v20, v36;
	v53 =	vcvt.f32.s32 v52  }
0xe5: {  	[tilespmem:$0x920] =	vst v14;
	vm14 =	vlt.f32 v49, v52;
	v14 =	vsub.f32 v59, v25;
	v16 =	vnsel vm5, $0x0, v27  }
0xe6: {  	[tilespmem:$0x340] =	vst v39;
	v30 =	vsel vm6, $0xFFFFFFFF, v0;
	v39 =	vmin.u32 v34, $0x1FF;
	v40 =	vsel vm9, $0xFFFFFFFF, v0  }
0xe7: {  	[tilespmem:$0xB30] =	vst v18;
	v55 =	vsel vm14, $0xFFFFFFFF, v0;
	v26 =	vnsel vm15, $0x0, v57;
	v11 =	vsub.f32 $1.000000000e+00, v57  }
0xe8: {  	[tilespmem:$0x940] =	vst v9;
	v16 =	vmin.u32 v16, $0x1FF;
	v8 =	vadd.s32 v29, v30;
	v9 =	vadd.s32 v38, v40  }
0xe9: {  	[tilespmem:$0xB50] =	vst v2;
	v7 =	vadd.s32 v53, v55;
	v24 =	vadd.f32 $2.000000000e+00, v60;
	v14 =	vadd.f32 $1.000000000e+00, v14  }
0xea: {  	[tilespmem:$0x550] =	vst v10;
	v18 =	vcvt.s32.f32 v8;
	v37 =	vadd.s32 $0x1, v8;
	vm11 =	vlt.u32 v8, $0x200  }
0xeb: {  	[tilespmem:$0x750] =	vst v50;
	v42 =	vcvt.s32.f32 v9;
	vm12 =	vgt.s32 v8, $0x0;
	v51 =	vadd.s32 $0x1, v9  }
0xec: {  	[tilespmem:$0x360] =	vst v62;
	vm15 =	vlt.u32 v9, $0x200;
	v57 =	vcvt.s32.f32 v7;
	vm4 =	vgt.s32 v9, $0x0  }
0xed: {  	v46 =	vld [tilespmem:$0x1B0];
	[tilespmem:$0x950] =	vst v1;
	v62 =	vadd.s32 $0x1, v7;
	vm8 =	vgt.s32 v7, $0x0;
	vm10 =	vgt.s32 v37, $0x0  }
0xee: {  	[tilespmem:$0xB60] =	vst v12;
	v45 =	vnsel vm11, $0x0, v8;
	v47 =	vnsel vm12, $0x0, v8;
	vm13 =	vgt.s32 v51, $0x0  }
0xef: {  	[tilespmem:$0x560] =	vst v61;
	v52 =	vld [tilespmem:$0x1F0];
	v56 =	vnsel vm15, $0x0, v9;
	v9 =	vnsel vm4, $0x0, v9;
	vm6 =	vgt.s32 v62, $0x0  }
0xf0: {  	[tilespmem:$0x370] =	vst v31;
	v28 =	vmul.f32 $1.280000000e+02, v24;
	v32 =	vnsel vm7, $0x0, v14;
	v14 =	vsub.f32 $1.000000000e+00, v14  }
0xf1: {  	[tilespmem:$0xB70] =	vst v39;
	v35 =	vsub.f32 v18, v19;
	v6 =	vnsel vm10, $0x0, v37;
	v48 =	vsub.f32 v42, v20  }
0xf2: {  	[tilespmem:$0x760] =	vst v26;
	v2 =	vmin.u32 v47, $0x1FF;
	v54 =	vnsel vm13, $0x0, v51;
	v18 =	vadd.f32 $2.000000000e+00, v46  }
0xf3: {  	v27 =	vld [tilespmem:$0x1D0];
	[tilespmem:$0x570] =	vst v16;
	v10 =	vsub.f32 v57, v49;
	v19 =	vmin.u32 v9, $0x1FF;
	v22 =	vnsel vm6, $0x0, v62  }
0xf4: {  	[tilespmem:$0x960] =	vst v11;
	vm7 =	vlt.u32 v7, $0x200;
	v60 =	vadd.f32 $2.000000000e+00, v52;
	v44 =	vmin.u32 v6, $0x1FF  }
0xf5: {  	[tilespmem:$0x380] =	vst v45;
	v11 =	vmin.u32 v54, $0x1FF;
	v25 =	vmin.u32 v22, $0x1FF;
	v26 =	vnsel vm7, $0x0, v7  }
0xf6: {  	[tilespmem:$0x390] =	vst v56;
	v7 =	vnsel vm8, $0x0, v7;
	v41 =	vadd.f32 $1.000000000e+00, v35;
	v8 =	vadd.f32 $1.000000000e+00, v48  }
0xf7: {  	v58 =	vmul.f32 $1.280000000e+02, v18;
	[tilespmem:$0x970] =	vst v14;
	v21 =	vadd.f32 $1.000000000e+00, v10;
	v14 =	vtrunc.f32 v28  }
0xf8: {  	[tilespmem:$0x770] =	vst v32;
	v7 =	vmin.u32 v7, $0x1FF;
	v35 =	vadd.f32 $2.000000000e+00, v27;
	v32 =	vcvt.f32.s32 v14  }
0xf9: {  	[tilespmem:$0xB80] =	vst v2;
	vm10 =	vlt.f32 v28, v14;
	v50 =	vnsel vm11, $0x0, v41;
	v13 =	vsub.f32 $1.000000000e+00, v41  }
0xfa: {  	[tilespmem:$0xB90] =	vst v19;
	v59 =	vnsel vm15, $0x0, v8;
	v8 =	vsub.f32 $1.000000000e+00, v8;
	v61 =	vtrunc.f32 v58  }
0xfb: {  	[tilespmem:$0x580] =	vst v44;
	v29 =	vnsel vm7, $0x0, v21;
	v6 =	vsub.f32 $1.000000000e+00, v21;
	v34 =	vsel vm10, $0xFFFFFFFF, v0  }
0xfc: {  	[tilespmem:$0x590] =	vst v11;
	v39 =	vmul.f32 $1.280000000e+02, v35;
	vm5 =	vlt.f32 v58, v61;
	v4 =	vadd.s32 v32, v34  }
0xfd: {  	[tilespmem:$0x3A0] =	vst v26;
	v63 =	vcvt.f32.s32 v61;
	v20 =	vsel vm5, $0xFFFFFFFF, v0;
	v38 =	vcvt.s32.f32 v4  }
0xfe: {  	[tilespmem:$0x5A0] =	vst v25;
	v44 =	vtrunc.f32 v39;
	v45 =	vadd.s32 $0x1, v4;
	vm15 =	vlt.u32 v4, $0x200  }
0xff: {  	[tilespmem:$0xBA0] =	vst v7;
	vm4 =	vgt.s32 v4, $0x0;
	v9 =	vadd.s32 v63, v20;
	v46 =	vcvt.f32.s32 v44  }
0x100: {  	v41 =	vld [tilespmem:$0x1E0];
	[tilespmem:$0x780] =	vst v50;
	vm13 =	vlt.f32 v39, v44;
	vm14 =	vgt.s32 v45, $0x0;
	v51 =	vnsel vm15, $0x0, v4  }
0x101: {  	[tilespmem:$0x790] =	vst v59;
	v4 =	vnsel vm4, $0x0, v4;
	v23 =	vcvt.s32.f32 v9;
	v31 =	vadd.s32 $0x1, v9  }
0x102: {  	[tilespmem:$0x7A0] =	vst v29;
	vm11 =	vlt.u32 v9, $0x200;
	vm12 =	vgt.s32 v9, $0x0;
	v43 =	vsub.f32 v38, v28  }
0x103: {  	[tilespmem:$0x980] =	vst v13;
	v47 =	vsel vm13, $0xFFFFFFFF, v0;
	v1 =	vnsel vm14, $0x0, v45;
	v4 =	vmin.u32 v4, $0x1FF  }
0x104: {  	[tilespmem:$0x990] =	vst v8;
	vm9 =	vgt.s32 v31, $0x0;
	v37 =	vnsel vm11, $0x0, v9;
	v42 =	vnsel vm12, $0x0, v9  }
0x105: {  	[tilespmem:$0x9A0] =	vst v6;
	v6 =	vadd.s32 v46, v47;
	v50 =	vadd.f32 $2.000000000e+00, v41;
	v1 =	vmin.u32 v1, $0x1FF  }
0x106: {  	[tilespmem:$0x3C0] =	vst v51;
	v12 =	vsub.f32 v23, v58;
	v33 =	vnsel vm9, $0x0, v31;
	v2 =	vmin.u32 v42, $0x1FF  }
0x107: {  	[tilespmem:$0xBC0] =	vst v4;
	v48 =	vadd.f32 $1.000000000e+00, v43;
	v49 =	vcvt.s32.f32 v6;
	v56 =	vadd.s32 $0x1, v6  }
0x108: {  	[tilespmem:$0x3B0] =	vst v37;
	vm7 =	vlt.u32 v6, $0x200;
	vm8 =	vgt.s32 v6, $0x0;
	v36 =	vmin.u32 v33, $0x1FF  }
0x109: {  	[tilespmem:$0x5C0] =	vst v1;
	v53 =	vmul.f32 $1.280000000e+02, v50;
	vm5 =	vgt.s32 v56, $0x0;
	v63 =	vnsel vm7, $0x0, v6  }
0x10a: {  	[tilespmem:$0xBB0] =	vst v2;
	v14 =	vnsel vm8, $0x0, v6;
	v30 =	vadd.f32 $1.000000000e+00, v12;
	v5 =	vsub.f32 v49, v39  }
0x10b: {  	[tilespmem:$0x5B0] =	vst v36;
	v54 =	vnsel vm15, $0x0, v48;
	v7 =	vsub.f32 $1.000000000e+00, v48;
	v58 =	vnsel vm5, $0x0, v56  }
0x10c: {  	[tilespmem:$0x3D0] =	vst v63;
	v17 =	vmin.u32 v14, $0x1FF;
	v9 =	vtrunc.f32 v53;
	v61 =	vmin.u32 v58, $0x1FF  }
0x10d: {  	[tilespmem:$0x7C0] =	vst v54;
	v55 =	vadd.f32 $1.000000000e+00, v5;
	v57 =	vcvt.f32.s32 v9;
	vm6 =	vlt.f32 v53, v9  }
0x10e: {  	[tilespmem:$0xBD0] =	vst v17;
	v40 =	vnsel vm11, $0x0, v30;
	v9 =	vmul.f32 $1.280000000e+02, v60;
	v59 =	vsel vm6, $0xFFFFFFFF, v0  }
0x10f: {  	v3 =	vsub.f32 $1.000000000e+00, v30;
	[tilespmem:$0x9C0] =	vst v7;
	v62 =	vadd.s32 v57, v59;
	v13 =	vnsel vm7, $0x0, v55  }
0x110: {  	[tilespmem:$0x5D0] =	vst v61;
	v2 =	vsub.f32 $1.000000000e+00, v55;
	v16 =	vtrunc.f32 v9;
	v12 =	vcvt.s32.f32 v62  }
0x111: {  	[tilespmem:$0x7B0] =	vst v40;
	v18 =	vcvt.f32.s32 v16;
	vm9 =	vlt.f32 v9, v16;
	v20 =	vadd.s32 $0x1, v62  }
0x112: {  	[tilespmem:$0x9B0] =	vst v3;
	vm11 =	vlt.u32 v62, $0x200;
	vm12 =	vgt.s32 v62, $0x0;
	v0 =	vsel vm9, $0xFFFFFFFF, v0  }
0x113: {  	[tilespmem:$0x7D0] =	vst v13;
	vm10 =	vgt.s32 v20, $0x0;
	v22 =	vnsel vm11, $0x0, v62;
	v3 =	vnsel vm12, $0x0, v62  }
0x114: {  	[tilespmem:$0x9D0] =	vst v2;
	v15 =	vsub.f32 v12, v53;
	v0 =	vadd.s32 v18, v0;
	v21 =	vnsel vm10, $0x0, v20  }
0x115: {  	[tilespmem:$0x3E0] =	vst v22;
	v25 =	vmin.u32 v3, $0x1FF;
	v5 =	vcvt.s32.f32 v0;
	v2 =	vmin.u32 v21, $0x1FF  }
0x116: {  	v27 =	vadd.s32 $0x1, v0;
	vm13 =	vlt.u32 v0, $0x200;
	[tilespmem:$0xBE0] =	vst v25;
	vm15 =	vgt.s32 v0, $0x0  }
0x117: {  	v19 =	vadd.f32 $1.000000000e+00, v15;
	[tilespmem:$0x5E0] =	vst v2;
	v28 =	vnsel vm13, $0x0, v0;
	v0 =	vnsel vm15, $0x0, v0  }
0x118: {  	vm14 =	vgt.s32 v27, $0x0;
	v24 =	vsub.f32 v5, v9;
	[tilespmem:$0x3F0] =	vst v28;
	v0 =	vmin.u32 v0, $0x1FF  }
0x119: {  	v3 =	vnsel vm14, $0x0, v27;
	v23 =	vnsel vm11, $0x0, v19;
	[tilespmem:$0xBF0] =	vst v0  }
0x11a: {  	v1 =	vsub.f32 $1.000000000e+00, v19;
	v3 =	vmin.u32 v3, $0x1FF;
	[tilespmem:$0x7E0] =	vst v23;
	v26 =	vadd.f32 $1.000000000e+00, v24  }
0x11b: {  	[tilespmem:$0x5F0] =	vst v3  }
0x11c: {  	[tilespmem:$0x9E0] =	vst v1;
	v29 =	vnsel vm13, $0x0, v26;
	v1 =	vsub.f32 $1.000000000e+00, v26  }
0x11d: {  	[tilespmem:$0x7F0] =	vst v29  }
0x11e: {  	s7 =	simm.s32 $0x400;
	s8 =	simm.s32 $0x200;
	s9 =	simm.s32 $0x600;
	[tilespmem:$0x9F0] =	vst v1  }
0x11f: {  	[spmem:s6] =	stream.indirect.scatter.add.f32 [tilespmem:s9], [sflag:$0x1], $0x1, s8, s7, $0xb8;
	[tilespmem:$0x1230] =	vst v63  }
0x120: {  	_ =	swait.ge [sflag:s28], $0x400  }
0x121: {  	[sflag:s28] =	ssyncset.done $0x0  }
0x122: {  	[sflag:s28] =	ssyncadd.s32 $0xFFFFFC00  }
0x123: {  	s29 =	simm.s32 $0xC00;
	[bflag:$0x0] =	sbarrier.arrive $0xFFFF  }
0x124: {  	[tilespmem:s29], [sflag:$0x1] =	stream.linear.gather [spmem:s6], $0x200, $0x38;
	[tilespmem:$0x1230] =	vst v63  }
0x125: {  	_ =	swait.ge [sflag:s28], $0x200  }
0x126: {  	[sflag:s28] =	ssyncset.done $0x0  }
0x127: {  	[sflag:s28] =	ssyncadd.s32 $0xFFFFFE00  }
0x128: {  	v30 =	vld [tilespmem:$0xC00];
	_ =	sdelay $0x1  }
0x129: {  	v31 =	vld [tilespmem:$0xC10];
	_ =	sdelay $0x1  }
0x12a: {  	v32 =	vld [tilespmem:$0xC20]  }
0x12b: {  	v33 =	vld [tilespmem:$0xC30];
	(xrf2) =	vadd.scan.msk.f32 $0xffff, v30;
	_ =	sdelay $0x1  }
0x12c: {  	v34 =	vld [tilespmem:$0xC40];
	(xrf2) =	vadd.scan.msk.f32 $0xffff, v31;
	_ =	sdelay $0x1  }
0x12d: {  	(xrf2) =	vadd.scan.msk.f32 $0xffff, v32  }
0x12e: {  	v35 =	vld [tilespmem:$0xC50];
	(xrf2) =	vadd.scan.msk.f32 $0xffff, v33;
	_ =	sdelay $0x1  }
0x12f: {  	v36 =	vld [tilespmem:$0xC60];
	(xrf2) =	vadd.scan.msk.f32 $0xffff, v34;
	_ =	sdelay $0x1  }
0x130: {  	v37 =	vld [tilespmem:$0xC70]  }
0x131: {  	v39 =	vld [tilespmem:$0xC80];
	v38, _, _ =	vpop (xrf2);
	(xrf2) =	vadd.scan.msk.f32 $0xffff, v35  }
0x132: {  	v2 =	vadd.f32 $0.0e+00, v38  }
0x133: {  	v40 =	vld [tilespmem:$0xC90];
	v4, _, _ =	vpop (xrf2);
	(xrf2) =	vadd.scan.msk.f32 $0xffff, v36  }
0x134: {  	v0 =	vadd.f32 v4, v2  }
0x135: {  	v6, _, _ =	vpop (xrf2);
	(xrf2) =	vadd.scan.msk.f32 $0xffff, v37  }
0x136: {  	v41 =	vld [tilespmem:$0xCA0];
	v8, _, _ =	vpop (xrf2);
	(xrf2) =	vadd.scan.msk.f32 $0xffff, v39;
	v1 =	vadd.f32 v6, v0;
	_ =	sdelay $0x1  }
0x137: {  	v42 =	vld [tilespmem:$0xCB0];
	v10, _, _ =	vpop (xrf2);
	(xrf2) =	vadd.scan.msk.f32 $0xffff, v40;
	v3 =	vadd.f32 v8, v1;
	_ =	sdelay $0x1  }
0x138: {  	v44 =	vld [tilespmem:$0xCC0];
	v43 =	vadd.f32 v10, v3  }
0x139: {  	v47 =	vld [tilespmem:$0xCD0];
	v45, _, _ =	vpop (xrf2);
	(xrf2) =	vadd.scan.msk.f32 $0xffff, v41  }
0x13a: {  	v46 =	vadd.f32 v45, v43  }
0x13b: {  	v49 =	vld [tilespmem:$0xCE0];
	v14, _, _ =	vpop (xrf2);
	(xrf2) =	vadd.scan.msk.f32 $0xffff, v42  }
0x13c: {  	v48 =	vadd.f32 v14, v46  }
0x13d: {  	v16, _, _ =	vpop (xrf2);
	(xrf2) =	vadd.scan.msk.f32 $0xffff, v44  }
0x13e: {  	v51 =	vld [tilespmem:$0xCF0];
	v18, _, _ =	vpop (xrf2);
	(xrf2) =	vadd.scan.msk.f32 $0xffff, v47;
	v50 =	vadd.f32 v16, v48;
	_ =	sdelay $0x1  }
0x13f: {  	v53 =	vld [tilespmem:$0xD00];
	v20, _, _ =	vpop (xrf2);
	(xrf2) =	vadd.scan.msk.f32 $0xffff, v49;
	v52 =	vadd.f32 v18, v50;
	_ =	sdelay $0x1  }
0x140: {  	v55 =	vld [tilespmem:$0xD10];
	v54 =	vadd.f32 v20, v52  }
0x141: {  	v57 =	vld [tilespmem:$0xD20];
	v22, _, _ =	vpop (xrf2);
	(xrf2) =	vadd.scan.msk.f32 $0xffff, v51  }
0x142: {  	v56 =	vadd.f32 v22, v54  }
0x143: {  	v58 =	vld [tilespmem:$0xD30];
	v24, _, _ =	vpop (xrf2);
	(xrf2) =	vadd.scan.msk.f32 $0xffff, v53  }
0x144: {  	v19 =	vadd.f32 v24, v56  }
0x145: {  	v59 =	vld [tilespmem:$0xD40];
	v26, _, _ =	vpop (xrf2);
	(xrf2) =	vadd.scan.msk.f32 $0xffff, v55  }
0x146: {  	v60 =	vld [tilespmem:$0xD50];
	v28, _, _ =	vpop (xrf2);
	(xrf2) =	vadd.scan.msk.f32 $0xffff, v57;
	v21 =	vadd.f32 v26, v19  }
0x147: {  	v61 =	vld [tilespmem:$0xD60]  }
0x148: {  	v62 =	vld [tilespmem:$0xD70];
	v63 =	vbroadcast v2, $0xF;
	v30, _, _ =	vpop (xrf2);
	(xrf2) =	vadd.scan.msk.f32 $0xffff, v58;
	v23 =	vadd.f32 v28, v21  }
0x149: {  	v40 =	vld [tilespmem:$0xD80];
	v1 =	vbroadcast v1, $0xF;
	v3 =	vbroadcast v3, $0xF  }
0x14a: {  	v4 =	vadd.f32 v63, v4;
	v63 =	vld [tilespmem:$0xDE0];
	v25 =	vadd.f32 v30, v23  }
0x14b: {  	v1 =	vadd.f32 v1, v8;
	v41 =	vld [tilespmem:$0xD90];
	v42 =	vbroadcast v43, $0xF;
	v44 =	vadd.f32 v3, v10;
	v32, _, _ =	vpop (xrf2);
	(xrf2) =	vadd.scan.msk.f32 $0xffff, v59  }
0x14c: {  	v43 =	vld [tilespmem:$0xDA0];
	v7 =	vbroadcast v46, $0xF;
	v56 =	vbroadcast v56, $0xF;
	v27 =	vadd.f32 v32, v25  }
0x14d: {  	v45 =	vadd.f32 v42, v45;
	v47 =	vld [tilespmem:$0xDB0];
	v46 =	vbroadcast v48, $0xF;
	v49 =	vbroadcast v50, $0xF;
	v34, _, _ =	vpop (xrf2);
	(xrf2) =	vadd.scan.msk.f32 $0xffff, v60  }
0x14e: {  	[tilespmem:$0xE40] =	vst v44;
	v44 =	vld [tilespmem:$0xDF0];
	v60 =	vadd.f32 v56, v24;
	v24 =	vbroadcast v23, $0xF;
	v35 =	vadd.f32 v34, v27  }
0x14f: {  	v48 =	vadd.f32 v7, v14;
	v51 =	vbroadcast v52, $0xF;
	v52 =	vld [tilespmem:$0xDC0];
	v37, _, _ =	vpop (xrf2);
	(xrf2) =	vadd.scan.msk.f32 $0xffff, v61;
	v39 =	vbroadcast v27, $0xF  }
0x150: {  	[tilespmem:$0xE00] =	vst v2;
	v57 =	vld [tilespmem:$0xDD0];
	v2, _, _ =	vpop (xrf2);
	(xrf2) =	vadd.scan.msk.f32 $0xffff, v62;
	v38 =	vadd.f32 v24, v30;
	v29 =	vadd.f32 v37, v35  }
0x151: {  	[tilespmem:$0xE50] =	vst v45;
	v53 =	vadd.f32 v49, v18;
	v45 =	vadd.f32 v39, v34;
	v34 =	vld [tilespmem:$0xA10]  }
0x152: {  	v3, _, _ =	vpop (xrf2);
	(xrf2) =	vadd.scan.msk.f32 $0xffff, v40;
	v42 =	vbroadcast v35, $0xF;
	[tilespmem:$0xEE0] =	vst v38;
	v38 =	vld [tilespmem:$0x0];
	v5 =	vadd.f32 v2, v29  }
0x153: {  	v50 =	vadd.f32 v46, v16;
	[tilespmem:$0xE60] =	vst v48;
	v55 =	vadd.f32 v51, v20;
	v46 =	vbroadcast v29, $0xF;
	v29 =	vld [tilespmem:$0xA00]  }
0x154: {  	v54 =	vbroadcast v54, $0xF;
	[tilespmem:$0xE80] =	vst v53;
	v48 =	vadd.f32 v42, v37;
	v37 =	vld [tilespmem:$0xA20];
	v8 =	vadd.f32 v3, v5  }
0x155: {  	[tilespmem:$0xE90] =	vst v55;
	v33 =	vbroadcast v25, $0xF;
	v42 =	vld [tilespmem:$0xA40];
	v7, _, _ =	vpop (xrf2);
	(xrf2) =	vadd.scan.msk.f32 $0xffff, v41  }
0x156: {  	v58 =	vadd.f32 v54, v22;
	[tilespmem:$0xF00] =	vst v45;
	v45 =	vld [tilespmem:$0x30];
	v49 =	vbroadcast v5, $0xF;
	v11 =	vadd.f32 v7, v8  }
0x157: {  	v59 =	vbroadcast v19, $0xF;
	[tilespmem:$0xF10] =	vst v48;
	v48 =	vld [tilespmem:$0xA70];
	v41 =	vadd.f32 v33, v32;
	v10, _, _ =	vpop (xrf2);
	(xrf2) =	vadd.scan.msk.f32 $0xffff, v43  }
0x158: {  	[tilespmem:$0xEA0] =	vst v58;
	v54 =	vadd.f32 v49, v3;
	v49 =	vld [tilespmem:$0x50];
	v13 =	vadd.f32 v10, v11  }
0x159: {  	v22 =	vadd.f32 v59, v26;
	v15, _, _ =	vpop (xrf2);
	(xrf2) =	vadd.scan.msk.f32 $0xffff, v47;
	[tilespmem:$0xEF0] =	vst v41;
	v41 =	vld [tilespmem:$0x10]  }
0x15a: {  	v53 =	vbroadcast v8, $0xF;
	v26, _, _ =	vpop (xrf2);
	(xrf2) =	vadd.scan.msk.f32 $0xffff, v52;
	v52 =	vadd.f32 v46, v2;
	v46 =	vld [tilespmem:$0xA60];
	v62 =	vadd.f32 v15, v13  }
0x15b: {  	[tilespmem:$0xF30] =	vst v54;
	v54 =	vld [tilespmem:$0xAA0]  }
0x15c: {  	v55 =	vbroadcast v11, $0xF;
	v40, _, _ =	vpop (xrf2);
	(xrf2) =	vadd.scan.msk.f32 $0xffff, v57;
	v57 =	vadd.f32 v53, v7;
	v53 =	vld [tilespmem:$0x70];
	v36 =	vadd.f32 v26, v62  }
0x15d: {  	v61 =	vbroadcast v21, $0xF;
	[tilespmem:$0xF20] =	vst v52;
	v52 =	vld [tilespmem:$0xA90]  }
0x15e: {  	[tilespmem:$0xEB0] =	vst v60;
	v58 =	vbroadcast v13, $0xF;
	v60 =	vadd.f32 v55, v10;
	v55 =	vld [tilespmem:$0x80];
	v43 =	vadd.f32 v40, v36  }
0x15f: {  	v0 =	vbroadcast v0, $0xF;
	v31 =	vadd.f32 v61, v28;
	[tilespmem:$0xF40] =	vst v57;
	v57 =	vld [tilespmem:$0x90];
	v47, _, _ =	vpop (xrf2);
	(xrf2) =	vadd.scan.msk.f32 $0xffff, v63  }
0x160: {  	[tilespmem:$0xE70] =	vst v50;
	v61 =	vbroadcast v62, $0xF;
	v13 =	vadd.f32 v58, v15;
	v58 =	vld [tilespmem:$0xAC0];
	v50 =	vadd.f32 v47, v43  }
0x161: {  	v0 =	vadd.f32 v0, v6;
	[tilespmem:$0xF50] =	vst v60;
	v60 =	vld [tilespmem:$0xAD0];
	v15 =	vbroadcast v36, $0xF;
	v51, _, _ =	vpop (xrf2)  }
0x162: {  	[tilespmem:$0xE10] =	vst v4;
	v17 =	vadd.f32 v61, v26;
	v61 =	vld [tilespmem:$0xB0];
	v56 =	vadd.f32 v51, v50  }
0x163: {  	[tilespmem:$0xE20] =	vst v0;
	(xrf2) =	vadd.scan.msk.f32 $0xffff, v44;
	v23 =	vadd.f32 v15, v40;
	v40 =	vld [tilespmem:$0xA30];
	v59, _, _ =	vpop (xrf2)  }
0x164: {  	[tilespmem:$0xE30] =	vst v1;
	v19 =	vbroadcast v43, $0xF;
	v43 =	vld [tilespmem:$0x20];
	v62 =	vadd.f32 v59, v56  }
0x165: {  	[tilespmem:$0xEC0] =	vst v22;
	v44 =	vld [tilespmem:$0xA50];
	v63, _, _ =	vpop (xrf2)  }
0x166: {  	[tilespmem:$0xED0] =	vst v31;
	v24 =	vbroadcast v50, $0xF;
	v25 =	vadd.f32 v19, v47;
	v47 =	vld [tilespmem:$0x40];
	v21 =	vadd.f32 v63, v62  }
0x167: {  	[tilespmem:$0xF60] =	vst v13;
	v50 =	vld [tilespmem:$0xA80];
	v22, _, _ =	vpop (xrf2)  }
0x168: {  	[tilespmem:$0xF70] =	vst v17;
	v26 =	vbroadcast v56, $0xF;
	v2 =	vadd.f32 v24, v51;
	v51 =	vld [tilespmem:$0x60];
	v27 =	vadd.f32 v22, v21  }
0x169: {  	[tilespmem:$0xF80] =	vst v23;
	v56 =	vld [tilespmem:$0xAB0];
	v7 =	vbroadcast v62, $0xF;
	v28, _, _ =	vpop (xrf2)  }
0x16a: {  	[tilespmem:$0xF90] =	vst v25;
	v25 =	vld [tilespmem:$0xB80];
	v30 =	vadd.f32 v26, v59;
	v31 =	vbroadcast v21, $0xF;
	v0 =	vadd.f32 v28, v27  }
0x16b: {  	[tilespmem:$0xFA0] =	vst v2;
	v59 =	vld [tilespmem:$0xA0];
	v32 =	vadd.f32 v7, v63;
	v4 =	vbroadcast v27, $0xF  }
0x16c: {  	v62 =	vld [tilespmem:$0xAE0];
	[tilespmem:$0xFB0] =	vst v30;
	v3 =	vadd.f32 v31, v22;
	v33 =	vbroadcast v0, $0xF  }
0x16d: {  	v26 =	vld [tilespmem:$0x160];
	[tilespmem:$0xFC0] =	vst v32;
	v1, _, _ =	vpop (xrf2);
	v35 =	vadd.f32 v4, v28  }
0x16e: {  	v63 =	vld [tilespmem:$0xC0];
	[tilespmem:$0xFD0] =	vst v3;
	v36 =	vadd.f32 v33, v1  }
0x16f: {  	v31 =	vld [tilespmem:$0x170];
	[tilespmem:$0xFE0] =	vst v35  }
0x170: {  	s30 =	simm.s32 $0xE00;
	v33 =	vld [tilespmem:$0xAF0];
	[tilespmem:$0xFF0] =	vst v36  }
0x171: {  	v39 =	vld.idx.msk [tilespmem:v29+s30+$0x0], $0xffff  }
0x172: {  	v7 =	vld.idx.msk [tilespmem:v34+s30+$0x0], $0xffff  }
0x173: {  	v2 =	vld.idx.msk [tilespmem:v37+s30+$0x0], $0xffff  }
0x174: {  	v5 =	vld.idx.msk [tilespmem:v40+s30+$0x0], $0xffff  }
0x175: {  	v8 =	vld.idx.msk [tilespmem:v42+s30+$0x0], $0xffff  }
0x176: {  	v10 =	vld.idx.msk [tilespmem:v44+s30+$0x0], $0xffff  }
0x177: {  	v12 =	vld.idx.msk [tilespmem:v46+s30+$0x0], $0xffff;
	v3 =	vmul.f32 v39, v38  }
0x178: {  	v14 =	vld.idx.msk [tilespmem:v48+s30+$0x0], $0xffff  }
0x179: {  	v16 =	vld.idx.msk [tilespmem:v50+s30+$0x0], $0xffff;
	v6 =	vmul.f32 v7, v41;
	v3 =	vadd.f32 $0.0e+00, v3  }
0x17a: {  	v18 =	vld.idx.msk [tilespmem:v52+s30+$0x0], $0xffff  }
0x17b: {  	v20 =	vld.idx.msk [tilespmem:v54+s30+$0x0], $0xffff;
	v2 =	vmul.f32 v2, v43;
	v3 =	vadd.f32 v6, v3  }
0x17c: {  	v22 =	vld.idx.msk [tilespmem:v56+s30+$0x0], $0xffff  }
0x17d: {  	v32 =	vld.idx.msk [tilespmem:v58+s30+$0x0], $0xffff;
	v36 =	vmul.f32 v5, v45;
	v2 =	vadd.f32 v2, v3  }
0x17e: {  	v34 =	vld [tilespmem:$0xD0]  }
0x17f: {  	v35 =	vld.idx.msk [tilespmem:v60+s30+$0x0], $0xffff;
	v39 =	vmul.f32 v8, v47;
	v2 =	vadd.f32 v36, v2  }
0x180: {  	v37 =	vld [tilespmem:$0xB00]  }
0x181: {  	v4 =	vld.idx.msk [tilespmem:v62+s30+$0x0], $0xffff;
	v41 =	vmul.f32 v10, v49;
	v2 =	vadd.f32 v39, v2  }
0x182: {  	v40 =	vld [tilespmem:$0xB10]  }
0x183: {  	v42 =	vld [tilespmem:$0xF0];
	v44 =	vmul.f32 v12, v51;
	v2 =	vadd.f32 v41, v2  }
0x184: {  	v46 =	vld [tilespmem:$0x100]  }
0x185: {  	v48 =	vld [tilespmem:$0xB30];
	v47 =	vmul.f32 v14, v53;
	v2 =	vadd.f32 v44, v2  }
0x186: {  	v50 =	vld [tilespmem:$0x110]  }
0x187: {  	v52 =	vld [tilespmem:$0xB40];
	v49 =	vmul.f32 v16, v55;
	v2 =	vadd.f32 v47, v2  }
0x188: {  	v60 =	vld [tilespmem:$0x140]  }
0x189: {  	v29 =	vld [tilespmem:$0xB90];
	v51 =	vmul.f32 v18, v57;
	v2 =	vadd.f32 v49, v2  }
0x18a: {  	v38 =	vld [tilespmem:$0xE0]  }
0x18b: {  	v43 =	vld.idx.msk [tilespmem:v33+s30+$0x0], $0xffff;
	v54 =	vmul.f32 v20, v59;
	v2 =	vadd.f32 v51, v2  }
0x18c: {  	v45 =	vld [tilespmem:$0xB20]  }
0x18d: {  	v53 =	vld [tilespmem:$0x120];
	v56 =	vmul.f32 v22, v61;
	v2 =	vadd.f32 v54, v2  }
0x18e: {  	v55 =	vld [tilespmem:$0xB50]  }
0x18f: {  	v57 =	vld [tilespmem:$0x130];
	v58 =	vmul.f32 v32, v63;
	v2 =	vadd.f32 v56, v2  }
0x190: {  	v59 =	vld [tilespmem:$0xB60]  }
0x191: {  	v61 =	vmul.f32 v35, v34;
	v63 =	vld [tilespmem:$0xB70];
	v2 =	vadd.f32 v58, v2  }
0x192: {  	v5 =	vld.idx.msk [tilespmem:v37+s30+$0x0], $0xffff  }
0x193: {  	v22 =	vld [tilespmem:$0x150];
	v17 =	vmul.f32 v4, v38;
	v2 =	vadd.f32 v61, v2  }
0x194: {  	v8 =	vld.idx.msk [tilespmem:v40+s30+$0x0], $0xffff  }
0x195: {  	v33 =	vld [tilespmem:$0xBA0];
	v24 =	vmul.f32 v43, v42;
	v2 =	vadd.f32 v17, v2  }
0x196: {  	v12 =	vld.idx.msk [tilespmem:v45+s30+$0x0], $0xffff  }
0x197: {  	v34 =	vld [tilespmem:$0x180];
	v27 =	vmul.f32 v5, v46;
	v2 =	vadd.f32 v24, v2  }
0x198: {  	v14 =	vld.idx.msk [tilespmem:v48+s30+$0x0], $0xffff  }
0x199: {  	v10 =	vld.idx.msk [tilespmem:v25+s30+$0x0], $0xffff;
	v30 =	vmul.f32 v8, v50;
	v2 =	vadd.f32 v27, v2  }
0x19a: {  	v62 =	vld.idx.msk [tilespmem:v52+s30+$0x0], $0xffff  }
0x19b: {  	v7 =	vld.idx.msk [tilespmem:v29+s30+$0x0], $0xffff;
	v32 =	vmul.f32 v12, v53;
	v2 =	vadd.f32 v30, v2  }
0x19c: {  	v23 =	vld.idx.msk [tilespmem:v55+s30+$0x0], $0xffff  }
0x19d: {  	v40 =	vld [tilespmem:$0x1A0];
	v35 =	vmul.f32 v14, v57;
	v2 =	vadd.f32 v32, v2  }
0x19e: {  	v28 =	vld.idx.msk [tilespmem:v59+s30+$0x0], $0xffff  }
0x19f: {  	v38 =	vld [tilespmem:$0xBB0];
	v37 =	vmul.f32 v62, v60;
	v2 =	vadd.f32 v35, v2  }
0x1a0: {  	v9 =	vld.idx.msk [tilespmem:v63+s30+$0x0], $0xffff  }
0x1a1: {  	v36 =	vld [tilespmem:$0x190];
	v39 =	vmul.f32 v23, v22;
	v2 =	vadd.f32 v37, v2  }
0x1a2: {  	v41 =	vld [tilespmem:$0xBC0]  }
0x1a3: {  	v43 =	vld.idx.msk [tilespmem:v33+s30+$0x0], $0xffff;
	v42 =	vmul.f32 v28, v26;
	v2 =	vadd.f32 v39, v2  }
0x1a4: {  	v44 =	vld [tilespmem:$0xBD0]  }
0x1a5: {  	v46 =	vld [tilespmem:$0x1B0];
	v45 =	vmul.f32 v9, v31;
	v2 =	vadd.f32 v42, v2  }
0x1a6: {  	v47 =	vld [tilespmem:$0xBE0]  }
0x1a7: {  	v48 =	vmul.f32 v10, v34;
	v6 =	vld.idx.msk [tilespmem:v38+s30+$0x0], $0xffff;
	v2 =	vadd.f32 v45, v2  }
0x1a8: {  	v49 =	vld [tilespmem:$0xBF0]  }
0x1a9: {  	v50 =	vmul.f32 v7, v36;
	v51 =	vld [tilespmem:$0x1C0];
	v2 =	vadd.f32 v48, v2  }
0x1aa: {  	v11 =	vld.idx.msk [tilespmem:v41+s30+$0x0], $0xffff  }
0x1ab: {  	v52 =	vmul.f32 v43, v40;
	v53 =	vld [tilespmem:$0x1D0];
	v2 =	vadd.f32 v50, v2  }
0x1ac: {  	v54 =	vld.idx.msk [tilespmem:v44+s30+$0x0], $0xffff  }
0x1ad: {  	v55 =	vmul.f32 v6, v46;
	v56 =	vld [tilespmem:$0x1E0];
	v2 =	vadd.f32 v52, v2  }
0x1ae: {  	v57 =	vld.idx.msk [tilespmem:v47+s30+$0x0], $0xffff  }
0x1af: {  	v59 =	vld [tilespmem:$0x1F0];
	v58 =	vmul.f32 v11, v51;
	v2 =	vadd.f32 v55, v2  }
0x1b0: {  	v60 =	vld.idx.msk [tilespmem:v49+s30+$0x0], $0xffff  }
0x1b1: {  	v61 =	vmul.f32 v54, v53;
	v2 =	vadd.f32 v58, v2;
	_ =	sdelay $0x1  }
0x1b2: {  	v62 =	vmul.f32 v57, v56;
	v2 =	vadd.f32 v61, v2;
	_ =	sdelay $0x1  }
0x1b3: {  	v63 =	vmul.f32 v60, v59;
	v2 =	vadd.f32 v62, v2;
	_ =	sdelay $0x1  }
0x1b4: {  	v2 =	vadd.f32 v63, v2  }
0x1b5: {  	s5 =	sshrl.u32 s5, $0x2  }
0x1b6: {  	s31 =	simm.s32 $0x1000;
	s5 =	sadd.s32 s5, s2;
	[tilespmem:$0x1000] =	vst v2  }
0x1b7: {  	[spmem:s5] =	stream.linear.scatter [tilespmem:s31], [sflag:$0x1], $0x10, $0x38;
	[tilespmem:$0x1230] =	vst v63  }
0x1b8: {  	_ =	swait.ge [sflag:s28], $0x10  }
0x1b9: {  	[sflag:s28] =	ssyncset.done $0x0  }
0x1ba: {  	[sflag:s28] =	ssyncadd.s32 $0xFFFFFFF0  }
0x1bb: {  	s4 =	simm.s32 @!p0 $0x1080;
	[bflag:$0x0] =	sbarrier.arrive $0xFFFF  }
0x1bc: {  	[tilespmem:s4], [sflag:$0x1] =	stream.linear.gather @!p0 [spmem:s2], $0x100, $0x38;
	[tilespmem:$0x1230] =	vst v63  }
0x1bd: {  	_ =	swait.ge @!p0 [sflag:s3], $0x100  }
0x1be: {  	[sflag:s3] =	ssyncset.done @!p0 $0x0  }
0x1bf: {  	[sflag:s3] =	ssyncadd.s32 @!p0 $0xFFFFFF00  }
0x1c0: {  	v2 =	vld @!p0 [tilespmem:$0x1080];
	_ =	sdelay $0x1  }
0x1c1: {  	v3 =	vld @!p0 [tilespmem:$0x1090];
	_ =	sdelay $0x1  }
0x1c2: {  	v4 =	vld @!p0 [tilespmem:$0x10A0]  }
0x1c3: {  	v2 =	vadd.f32 @!p0 $0.0e+00, v2  }
0x1c4: {  	v5 =	vld @!p0 [tilespmem:$0x10B0]  }
0x1c5: {  	v2 =	vadd.f32 @!p0 v3, v2  }
0x1c6: {  	v3 =	vld @!p0 [tilespmem:$0x10C0]  }
0x1c7: {  	v2 =	vadd.f32 @!p0 v4, v2  }
0x1c8: {  	v4 =	vld @!p0 [tilespmem:$0x10D0]  }
0x1c9: {  	v2 =	vadd.f32 @!p0 v5, v2  }
0x1ca: {  	v5 =	vld @!p0 [tilespmem:$0x10E0]  }
0x1cb: {  	v2 =	vadd.f32 @!p0 v3, v2  }
0x1cc: {  	v3 =	vld @!p0 [tilespmem:$0x10F0]  }
0x1cd: {  	v2 =	vadd.f32 @!p0 v4, v2  }
0x1ce: {  	v4 =	vld @!p0 [tilespmem:$0x1100]  }
0x1cf: {  	v2 =	vadd.f32 @!p0 v5, v2  }
0x1d0: {  	v5 =	vld @!p0 [tilespmem:$0x1110]  }
0x1d1: {  	v2 =	vadd.f32 @!p0 v3, v2  }
0x1d2: {  	v3 =	vld @!p0 [tilespmem:$0x1120]  }
0x1d3: {  	v2 =	vadd.f32 @!p0 v4, v2  }
0x1d4: {  	v4 =	vld @!p0 [tilespmem:$0x1130]  }
0x1d5: {  	v2 =	vadd.f32 @!p0 v5, v2  }
0x1d6: {  	v5 =	vld @!p0 [tilespmem:$0x1140]  }
0x1d7: {  	v2 =	vadd.f32 @!p0 v3, v2  }
0x1d8: {  	v3 =	vld @!p0 [tilespmem:$0x1150]  }
0x1d9: {  	v2 =	vadd.f32 @!p0 v4, v2  }
0x1da: {  	v4 =	vld @!p0 [tilespmem:$0x1160]  }
0x1db: {  	v2 =	vadd.f32 @!p0 v5, v2  }
0x1dc: {  	v5 =	vld @!p0 [tilespmem:$0x1170]  }
0x1dd: {  	v2 =	vadd.f32 @!p0 v3, v2;
	_ =	sdelay $0x1  }
0x1de: {  	v2 =	vadd.f32 @!p0 v4, v2  }
0x1df: {  	v0 =	vadd.f32 @!p0 v1, v0  }
0x1e0: {  	v1 =	vadd.f32 @!p0 v5, v2  }
0x1e1: {  	v0 =	vmul.f32 @!p0 $8.192000000e+03, v0  }
0x1e2: {  	(xrf2) =	vadd.scan.msk.f32 @!p0 $0xffff, v1  }
0x1e3: {  	v0 =	vbroadcast @!p0 v0, $0xF;
	_ =	sdelay $0x1  }
0x1e4: {  	(erf) = vrcp.f32 @!p0 v0;
	_ =	sdelay $0x6  }
0x1e5: {  	v0, _, _ =	vpop @!p0 (xrf2)  }
0x1e6: {  	v0 =	vbroadcast @!p0 v0, $0xF  }
0x1e7: {  	v1 =	vpop @!p0 (erf)  }
0x1e8: {  	v0 =	vmul.f32 @!p0 v0, v1;
	_ =	sdelay $0x1  }
0x1e9: {  	s2 =	simm.s32 @!p0 $0x0;
	s4 =	simm.s32 @!p0 $0x1180;
	[tilespmem:$0x1180] =	vst @!p0 v0  }
0x1ea: {  	[hbm4b:s1+s2] =	stream.linear.scatter @!p0 [tilespmem:s4], [sflag:$0x1], $0x80, $0x38;
	[tilespmem:$0x1230] =	vst v63  }
0x1eb: {  	_ =	swait.ge @!p0 [sflag:s3], $0x80  }
0x1ec: {  	[sflag:s3] =	ssyncset.done @!p0 $0x0  }
0x1ed: {  	[sflag:s3] =	ssyncadd.s32 @!p0 $0xFFFFFF80  }
.LBB2_2:
0x1ee: {  	_ =	sfence.sel $0x180000  }
0x1ef: {  	[bflag:$0x0] =	sbarrier.arrive $0xFFFF  }
0x1f0: {  	_ =	strace $0x90000047  }
0x1f1: {  	s0 =	sadd.s32 @!p0 $0x100000, s0;
	[bflag:$0x2] =	sbarrier.arrive $0xFFFF  }
0x1f2: {  	[sflag:s0] =	ssyncadd.tile.s32 @!p0 $0x1;
	_ =	shalt  }
.Lfunc_end2:
_tile_overlayer_lowered:
.L_overlay_start_2:
0x1f3: {  	(tag) =	ssettag $0x2  }
0x1f4: {  	s0 =	rddreg [dreg:$0x0];
	s2 =	stileid.u32  }
0x1f5: {  	s1 =	rddreg [dreg:$0x1];
	p0 =	sne.s32 s2, $0x0  }
0x1f6: {  	s3 =	rddreg [dreg:$0x2];
	[bflag:$0x3] =	sbarrier.arrive $0xFFFF;
	s2 =	simm.s32 @!p0 $0x1C01  }
0x1f7: {  	[timem:s3], [sflag:s2] =	dma.local @!p0 [hbm:s0], s1  }
0x1f8: {  	s0 =	simm.s32 @!p0 $0x1  }
0x1f9: {  	_ =	swait.ge @!p0 [sflag:s0], s1  }
0x1fa: {  	s1 =	ssub.s32 @!p0 $0x0, s1;
	[sflag:s0] =	ssyncset.done @!p0 $0x0  }
0x1fb: {  	[sflag:s0] =	ssyncadd.s32 @!p0 s1  }
0x1fc: {  	[bflag:$0x3] =	sbarrier.arrive $0xFFFF  }
0x1fd: {  	_ =	shalt  }

</sc_bundles>
